<compile_context>
chip_gen: v7x
topology: tpu7x:2x2x1
jax: 0.10.2.dev20260603
libtpu: 0.0.44.dev20260713+nightly
codegen_flags: <defaults>
</compile_context>

<pallas_src>
import functools

import jax
import jax.numpy as jnp
from jax import lax
from jax.experimental import pallas as pl
from jax.experimental.pallas import tpu as pltpu
from jax.experimental.pallas import tpu_sc as plsc

N = 10000
E = 320000
D = 128
C = 40

NC = 2
NS = 16
NW = NC * NS
CHUNK = 128
CP = 48
NBUF = 5
K = ((-(-E // (NW * CHUNK)) + NBUF - 1) // NBUF) * NBUF
E_PAD = NW * CHUNK * K
N_ACC = ((N + CHUNK + NW * 8 - 1) // (NW * 8)) * (NW * 8)
RPS = N_ACC // NS
BLK = 128
NBLK = RPS // BLK

_mesh = plsc.VectorSubcoreMesh(
    core_axis_name="c", subcore_axis_name="s", num_cores=NC, num_subcores=NS
)
_sc_params = pltpu.CompilerParams(
    use_tc_tiling_on_sc=False, needs_layout_passes=False
)


def _rsqrt16(x):
    i = plsc.bitcast(x, jnp.int32)
    y = plsc.bitcast(jnp.int32(0x5F3759DF) - (i >> 1), jnp.float32)
    for _ in range(2):
        y = y * (1.5 - 0.5 * x * y * y)
    return y


@functools.partial(
    pl.kernel,
    out_type=jax.ShapeDtypeStruct((NC, N_ACC, 16), jnp.float32),
    mesh=_mesh,
    scratch_types=[
        pltpu.VMEM((K, CHUNK), jnp.int32),
        pltpu.VMEM((CHUNK, 16), jnp.float32),
        pltpu.VMEM_SHARED((N_ACC, 16), jnp.float32),
    ],
    compiler_params=_sc_params,
)
def _deg_kernel(rows_hbm, zeros16_hbm, ones16_hbm, out_hbm, rowv, onesv, acc):
    c = lax.axis_index("c")
    s = lax.axis_index("s")
    wid = c * NS + s
    pltpu.sync_copy(rows_hbm.at[wid], rowv)
    pltpu.sync_copy(ones16_hbm, onesv)
    pltpu.sync_copy(zeros16_hbm.at[pl.ds(s * RPS, RPS)], acc.at[pl.ds(s * RPS, RPS)])
    plsc.subcore_barrier()

    @pl.loop(0, K)
    def _(k):
        pltpu.sync_copy(onesv, acc.at[rowv.at[k]], add=True)

    plsc.subcore_barrier()
    pltpu.sync_copy(acc.at[pl.ds(s * RPS, RPS)], out_hbm.at[c, pl.ds(s * RPS, RPS)])


def _make_prop(first_step):
    cshape = (RPS, 16) if first_step else (8, 16)
    c1shape = (RPS // 2, 16) if first_step else (8, 16)
    bshape = (8, CP) if first_step else (RPS // 2, CP)

    @functools.partial(
        pl.kernel,
        out_type=(
            jax.ShapeDtypeStruct((NC, N_ACC, CP), jnp.float32),
            jax.ShapeDtypeStruct((NC, N_ACC, CP), jnp.float32),
        ),
        mesh=_mesh,
        scratch_types=[
            pltpu.VMEM((K, CHUNK), jnp.int32),
            pltpu.VMEM((K, CHUNK), jnp.int32),
            pltpu.VMEM((NBUF, CHUNK, CP), jnp.float32),
            pltpu.VMEM(cshape, jnp.float32),
            pltpu.VMEM(c1shape, jnp.float32),
            pltpu.VMEM((RPS, CP), jnp.float32),
            pltpu.VMEM(bshape, jnp.float32),
            pltpu.VMEM_SHARED((N_ACC, CP), jnp.float32),
            pltpu.SemaphoreType.DMA((NBUF,)),
        ],
        compiler_params=_sc_params,
    )
    def _prop(y_hbm, cnt_hbm, zeros48_hbm, rows_hbm, cols_hbm, out_hbm,
              z_hbm, rowv, colv, gbuf, c0v, c1v, av, bv, acc, gsem):
        c = lax.axis_index("c")
        s = lax.axis_index("s")
        wid = c * NS + s
        pltpu.sync_copy(rows_hbm.at[wid], rowv)
        pltpu.sync_copy(cols_hbm.at[wid], colv)

        r0 = s * RPS
        if first_step:
            pltpu.async_copy(cnt_hbm.at[0, pl.ds(r0, RPS)], c0v, gsem.at[0])
            pltpu.async_copy(cnt_hbm.at[1, pl.ds(r0, RPS // 2)], c1v,
                             gsem.at[1])
            pltpu.async_copy(y_hbm.at[pl.ds(r0, RPS)], av, gsem.at[2])
            pltpu.make_async_copy(cnt_hbm.at[0, pl.ds(r0, RPS)], c0v,
                                  gsem.at[0]).wait()
            pltpu.make_async_copy(cnt_hbm.at[1, pl.ds(r0, RPS // 2)], c1v,
                                  gsem.at[1]).wait()
            pltpu.make_async_copy(y_hbm.at[pl.ds(r0, RPS)], av,
                                  gsem.at[2]).wait()
        else:
            pltpu.async_copy(y_hbm.at[0, pl.ds(r0, RPS)], av, gsem.at[0])
            pltpu.async_copy(y_hbm.at[1, pl.ds(r0, RPS // 2)], bv, gsem.at[1])
            pltpu.make_async_copy(y_hbm.at[0, pl.ds(r0, RPS)], av,
                                  gsem.at[0]).wait()
            pltpu.make_async_copy(y_hbm.at[1, pl.ds(r0, RPS // 2)], bv,
                                  gsem.at[1]).wait()

        if first_step:
            for half in range(2):
                h0 = half * (RPS // 2)
                if half == 1:
                    pltpu.sync_copy(
                        cnt_hbm.at[1, pl.ds(r0 + h0, RPS // 2)], c1v)

                @pl.loop(0, RPS // 2)
                def _(i):
                    deg = 1.0 + c0v[h0 + i, :] + c1v[i, :]
                    scale = _rsqrt16(deg)
                    c0v[h0 + i, :] = 1.0 / deg
                    for g in range(CP // 16):
                        sl = (h0 + i, pl.ds(g * 16, 16))
                        av[sl] = av[sl] * scale

        else:
            for half in range(2):
                h0 = half * (RPS // 2)
                if half == 1:
                    pltpu.sync_copy(
                        y_hbm.at[1, pl.ds(r0 + h0, RPS // 2)], bv)

                @pl.loop(0, RPS // 2)
                def _(i):
                    for g in range(CP // 16):
                        av[(h0 + i, pl.ds(g * 16, 16))] = (
                            av[(h0 + i, pl.ds(g * 16, 16))]
                            + bv[(i, pl.ds(g * 16, 16))])

        pltpu.sync_copy(av, z_hbm.at[c, pl.ds(r0, RPS)])

        @pl.when(c == 0)
        def _():
            pltpu.sync_copy(av, acc.at[pl.ds(r0, RPS)])

        @pl.when(c == 1)
        def _():
            pltpu.sync_copy(zeros48_hbm.at[pl.ds(r0, RPS)],
                            acc.at[pl.ds(r0, RPS)])

        plsc.subcore_barrier()
        zc = z_hbm.at[c]

        for b in range(NBUF):
            pltpu.async_copy(zc.at[colv.at[b]], gbuf.at[b], gsem.at[b])

        @pl.loop(0, K // NBUF - 1)
        def _(g):
            for b in range(NBUF):
                k = g * NBUF + b
                pltpu.make_async_copy(zc.at[colv.at[k]], gbuf.at[b],
                                      gsem.at[b]).wait()
                pltpu.sync_copy(gbuf.at[b], acc.at[rowv.at[k]], add=True)
                pltpu.async_copy(zc.at[colv.at[k + NBUF]], gbuf.at[b],
                                 gsem.at[b])

        for b in range(NBUF):
            k = K - NBUF + b
            pltpu.make_async_copy(zc.at[colv.at[k]], gbuf.at[b], gsem.at[b]).wait()
            pltpu.sync_copy(gbuf.at[b], acc.at[rowv.at[k]], add=True)

        plsc.subcore_barrier()
        if first_step:
            pltpu.sync_copy(acc.at[pl.ds(r0, RPS)], av)

            @pl.loop(0, RPS)
            def _(i):
                for g in range(CP // 16):
                    sl = (i, pl.ds(g * 16, 16))
                    av[sl] = av[sl] * c0v[i, :]

            pltpu.sync_copy(av, out_hbm.at[c, pl.ds(r0, RPS)])
        else:
            pltpu.sync_copy(acc.at[pl.ds(r0, RPS)],
                            out_hbm.at[c, pl.ds(r0, RPS)])

    return _prop


_prop1 = _make_prop(True)
_prop2 = _make_prop(False)


@functools.partial(
    pl.kernel,
    out_type=jax.ShapeDtypeStruct((N, C), jnp.float32),
    mesh=_mesh,
    scratch_types=[
        pltpu.VMEM((N_ACC // NW, 16), jnp.float32),
        pltpu.VMEM((N_ACC // NW, 16), jnp.float32),
        pltpu.VMEM((N_ACC // NW, CP), jnp.float32),
        pltpu.VMEM((N_ACC // NW, CP), jnp.float32),
        pltpu.VMEM((N_ACC // NW, CP), jnp.float32),
        pltpu.VMEM((1, CP), jnp.float32),
    ],
    compiler_params=_sc_params,
)
def _fin_kernel(t_hbm, cnt_hbm, b_hbm, out_hbm, c0v, c1v, av, bv, zv, biasv):
    c = lax.axis_index("c")
    s = lax.axis_index("s")
    wid = c * NS + s
    pltpu.sync_copy(b_hbm, biasv)
    rps = N_ACC // NW
    r0 = wid * rps
    pltpu.sync_copy(cnt_hbm.at[0, pl.ds(r0, rps)], c0v)
    pltpu.sync_copy(cnt_hbm.at[1, pl.ds(r0, rps)], c1v)
    pltpu.sync_copy(t_hbm.at[0, pl.ds(r0, rps)], av)
    pltpu.sync_copy(t_hbm.at[1, pl.ds(r0, rps)], bv)

    @pl.loop(0, rps)
    def _(i):
        deg = 1.0 + c0v[i, :] + c1v[i, :]
        r = _rsqrt16(deg)
        for g in range(CP // 16):
            sl = (i, pl.ds(g * 16, 16))
            zv[sl] = (av[sl] + bv[sl]) * r + biasv[0, pl.ds(g * 16, 16)]

    nrem = N - (NW - 1) * rps

    @pl.when(wid < NW - 1)
    def _():
        pltpu.sync_copy(zv.at[:, pl.ds(0, C)], out_hbm.at[pl.ds(r0, rps)])

    @pl.when(wid == NW - 1)
    def _():
        pltpu.sync_copy(zv.at[pl.ds(0, nrem), pl.ds(0, C)],
                        out_hbm.at[pl.ds(r0, nrem)])


def _mm_body(x_ref, w_ref, z_ref):
    z_ref[pl.ds(0, N), :] = jnp.dot(
        x_ref[...], w_ref[...], preferred_element_type=jnp.float32
    )


def _tc_matmul(x, wp):
    return pl.pallas_call(
        _mm_body,
        out_shape=jax.ShapeDtypeStruct((N_ACC, CP), jnp.float32),
    )(x, wp)


@jax.jit
def kernel(X, edge_index, W, b):
    ei = edge_index.astype(jnp.int32).T
    pad = E_PAD - E
    padv = jax.lax.iota(jnp.int32, pad) % CHUNK
    rows = jnp.concatenate([ei[0], N + padv]).reshape(NW, K, CHUNK)
    cols = jnp.concatenate([ei[1], padv]).reshape(NW, K, CHUNK)

    wp = jnp.zeros((D, CP), jnp.float32).at[:, :C].set(W.T)
    bp = jnp.zeros((1, CP), jnp.float32).at[0, :C].set(b)

    zeros16 = jnp.zeros((N_ACC, 16), jnp.float32)
    zeros48 = jnp.zeros((N_ACC, CP), jnp.float32)
    ones16 = jnp.ones((CHUNK, 16), jnp.float32)

    cnt = _deg_kernel(rows, zeros16, ones16)
    y0 = _tc_matmul(X, wp)
    t1, _ = _prop1(y0, cnt, zeros48, rows, cols)
    t2, _ = _prop2(t1, cnt, zeros48, rows, cols)
    return _fin_kernel(t2, cnt, bp)

# --- scband reference (transcript-rebuilt; emitter-appended) ---
"""Pipeline reference for scband-sgc-25847113187632 (READ-ONLY COPY).

The authoritative reference and input builder live on the scoring server;
editing this copy changes nothing except your own understanding.
"""

import jax, jax.numpy as jnp
import numpy as np

N = 10000
E = 320000
D = 128
C = 40
L = 2


def setup_inputs(seed: int = 0) -> dict:
    key = jax.random.key(seed)
    k1, k2, k3 = jax.random.split(key, 3)
    X = jax.random.normal(k1, (N, D), dtype=jnp.float32)
    edge_index = jax.random.randint(k2, (E, 2), 0, N)
    W = jax.random.normal(k3, (C, D), dtype=jnp.float32) / jnp.sqrt(D)
    b = jnp.zeros((C,), dtype=jnp.float32)
    return {"X": X, "edge_index": edge_index, "W": W, "b": b}


def reference(X, edge_index, W, b):
    n = X.shape[0]
    # normalized_adjacency: A' = D^{-1/2} (I + A) D^{-1/2}
    diag = jnp.arange(n)
    rows = jnp.concatenate([diag, edge_index[:, 0]])
    cols = jnp.concatenate([diag, edge_index[:, 1]])
    vals = jnp.ones(rows.shape[0], dtype=X.dtype)
    deg = jax.ops.segment_sum(vals, rows, num_segments=n)
    vals = vals * (1.0 / jnp.sqrt(deg[rows]))
    vals = vals * (1.0 / jnp.sqrt(deg[cols]))

    def step(xin, _):
        msgs = vals[:, None] * jnp.take(xin, cols, axis=0)
        xout = jax.ops.segment_sum(msgs, rows, num_segments=n)
        return xout, None

    X_prop, _ = jax.lax.scan(step, X, xs=None, length=L)
    X_weight = X_prop @ W.T + b
    # non_linearity is identity (default)
    return X_weight

if __name__ == "__main__":
    import jax
    _d = setup_inputs()
    print(jax.jit(kernel)(*tuple(_d.values())))

</pallas_src>

<mosaic_0001>
#map = affine_map<(d0, d1) -> (0, 0, 0)>
#map1 = affine_map<(d0, d1) -> (0, 0)>
module attributes {stable_mosaic.version = 14 : i64} {
  func.func @_fin_kernel(%arg0: i32, %arg1: i32, %arg2: memref<2x10240x48xf32, #tpu.memory_space<hbm>>, %arg3: memref<2x10240x16xf32, #tpu.memory_space<hbm>>, %arg4: memref<1x48xf32, #tpu.memory_space<hbm>>, %arg5: memref<10000x40xf32, #tpu.memory_space<hbm>>, %arg6: memref<320x16xf32, #tpu.memory_space<vmem>>, %arg7: memref<320x16xf32, #tpu.memory_space<vmem>>, %arg8: memref<320x48xf32, #tpu.memory_space<vmem>>, %arg9: memref<320x48xf32, #tpu.memory_space<vmem>>, %arg10: memref<320x48xf32, #tpu.memory_space<vmem>>, %arg11: memref<1x48xf32, #tpu.memory_space<vmem>>) attributes {dimension_semantics = [#tpu.dimension_semantics<core_parallel>, #tpu.dimension_semantics<subcore_parallel>], iteration_bounds = array<i64: 2, 16>, scalar_prefetch = 0 : i64, scratch_operands = 6 : i64, tpu.core_type = #tpu.core_type<sc_vector_subcore>, window_params = [{transform_indices = #map}, {transform_indices = #map}, {transform_indices = #map1}, {transform_indices = #map1}]} {
    %mul3A = arith.constant 16 : i32
    %mul3A_0 = arith.muli %arg0, %mul3A : i32
    %add3A = arith.addi %mul3A_0, %arg1 : i32
    "tpu.region"() ({
      %run_scoped3A_16 = tpu.sem_alloc : memref<!tpu.dma_semaphore, #tpu.memory_space<semaphore_mem>>
      tpu.enqueue_dma source(%arg4 : memref<1x48xf32, #tpu.memory_space<hbm>>) target(%arg11 : memref<1x48xf32, #tpu.memory_space<vmem>>) target_semaphore(%run_scoped3A_16 : memref<!tpu.dma_semaphore, #tpu.memory_space<semaphore_mem>>)
      tpu.wait_dma2 semaphore(%run_scoped3A_16 : memref<!tpu.dma_semaphore, #tpu.memory_space<semaphore_mem>>) src(%arg4 : memref<1x48xf32, #tpu.memory_space<hbm>>) dst(%arg11 : memref<1x48xf32, #tpu.memory_space<vmem>>)
      tpu.yield
    }) : () -> ()
    %mul3A_1 = arith.constant 320 : i32
    %mul3A_2 = arith.muli %add3A, %mul3A_1 : i32
    %run_scoped3A = arith.constant 0 : i32
    "tpu.region"() ({
      %run_scoped3A_16 = tpu.sem_alloc : memref<!tpu.dma_semaphore, #tpu.memory_space<semaphore_mem>>
      %dma_start3A = arith.constant 0 : i32
      %dma_start3A_17 = tpu.memref_slice %arg3[%run_scoped3A, %mul3A_2, %dma_start3A] : memref<2x10240x16xf32, #tpu.memory_space<hbm>> -> memref<1x320x16xf32, #tpu.memory_space<hbm>>
      %dma_start3A_18 = tpu.memref_squeeze %dma_start3A_17 : memref<1x320x16xf32, #tpu.memory_space<hbm>> -> memref<320x16xf32, #tpu.memory_space<hbm>>
      %dma_start3A_19 = arith.constant 0 : i32
      %dma_start3A_20 = tpu.memref_slice %arg3[%run_scoped3A, %mul3A_2, %dma_start3A_19] : memref<2x10240x16xf32, #tpu.memory_space<hbm>> -> memref<1x320x16xf32, #tpu.memory_space<hbm>>
      %dma_start3A_21 = tpu.memref_squeeze %dma_start3A_20 : memref<1x320x16xf32, #tpu.memory_space<hbm>> -> memref<320x16xf32, #tpu.memory_space<hbm>>
      tpu.enqueue_dma source(%dma_start3A_21 : memref<320x16xf32, #tpu.memory_space<hbm>>) target(%arg6 : memref<320x16xf32, #tpu.memory_space<vmem>>) target_semaphore(%run_scoped3A_16 : memref<!tpu.dma_semaphore, #tpu.memory_space<semaphore_mem>>)
      %dma_wait3A = arith.constant 0 : i32
      %dma_wait3A_22 = tpu.memref_slice %arg3[%run_scoped3A, %mul3A_2, %dma_wait3A] : memref<2x10240x16xf32, #tpu.memory_space<hbm>> -> memref<1x320x16xf32, #tpu.memory_space<hbm>>
      %dma_wait3A_23 = tpu.memref_squeeze %dma_wait3A_22 : memref<1x320x16xf32, #tpu.memory_space<hbm>> -> memref<320x16xf32, #tpu.memory_space<hbm>>
      %dma_wait3A_24 = arith.constant 0 : i32
      %dma_wait3A_25 = tpu.memref_slice %arg3[%run_scoped3A, %mul3A_2, %dma_wait3A_24] : memref<2x10240x16xf32, #tpu.memory_space<hbm>> -> memref<1x320x16xf32, #tpu.memory_space<hbm>>
      %dma_wait3A_26 = tpu.memref_squeeze %dma_wait3A_25 : memref<1x320x16xf32, #tpu.memory_space<hbm>> -> memref<320x16xf32, #tpu.memory_space<hbm>>
      tpu.wait_dma2 semaphore(%run_scoped3A_16 : memref<!tpu.dma_semaphore, #tpu.memory_space<semaphore_mem>>) src(%dma_wait3A_26 : memref<320x16xf32, #tpu.memory_space<hbm>>) dst(%arg6 : memref<320x16xf32, #tpu.memory_space<vmem>>)
      tpu.yield
    }) : () -> ()
    %run_scoped3A_3 = arith.constant 1 : i32
    "tpu.region"() ({
      %run_scoped3A_16 = tpu.sem_alloc : memref<!tpu.dma_semaphore, #tpu.memory_space<semaphore_mem>>
      %dma_start3A = arith.constant 0 : i32
      %dma_start3A_17 = tpu.memref_slice %arg3[%run_scoped3A_3, %mul3A_2, %dma_start3A] : memref<2x10240x16xf32, #tpu.memory_space<hbm>> -> memref<1x320x16xf32, #tpu.memory_space<hbm>>
      %dma_start3A_18 = tpu.memref_squeeze %dma_start3A_17 : memref<1x320x16xf32, #tpu.memory_space<hbm>> -> memref<320x16xf32, #tpu.memory_space<hbm>>
      %dma_start3A_19 = arith.constant 0 : i32
      %dma_start3A_20 = tpu.memref_slice %arg3[%run_scoped3A_3, %mul3A_2, %dma_start3A_19] : memref<2x10240x16xf32, #tpu.memory_space<hbm>> -> memref<1x320x16xf32, #tpu.memory_space<hbm>>
      %dma_start3A_21 = tpu.memref_squeeze %dma_start3A_20 : memref<1x320x16xf32, #tpu.memory_space<hbm>> -> memref<320x16xf32, #tpu.memory_space<hbm>>
      tpu.enqueue_dma source(%dma_start3A_21 : memref<320x16xf32, #tpu.memory_space<hbm>>) target(%arg7 : memref<320x16xf32, #tpu.memory_space<vmem>>) target_semaphore(%run_scoped3A_16 : memref<!tpu.dma_semaphore, #tpu.memory_space<semaphore_mem>>)
      %dma_wait3A = arith.constant 0 : i32
      %dma_wait3A_22 = tpu.memref_slice %arg3[%run_scoped3A_3, %mul3A_2, %dma_wait3A] : memref<2x10240x16xf32, #tpu.memory_space<hbm>> -> memref<1x320x16xf32, #tpu.memory_space<hbm>>
      %dma_wait3A_23 = tpu.memref_squeeze %dma_wait3A_22 : memref<1x320x16xf32, #tpu.memory_space<hbm>> -> memref<320x16xf32, #tpu.memory_space<hbm>>
      %dma_wait3A_24 = arith.constant 0 : i32
      %dma_wait3A_25 = tpu.memref_slice %arg3[%run_scoped3A_3, %mul3A_2, %dma_wait3A_24] : memref<2x10240x16xf32, #tpu.memory_space<hbm>> -> memref<1x320x16xf32, #tpu.memory_space<hbm>>
      %dma_wait3A_26 = tpu.memref_squeeze %dma_wait3A_25 : memref<1x320x16xf32, #tpu.memory_space<hbm>> -> memref<320x16xf32, #tpu.memory_space<hbm>>
      tpu.wait_dma2 semaphore(%run_scoped3A_16 : memref<!tpu.dma_semaphore, #tpu.memory_space<semaphore_mem>>) src(%dma_wait3A_26 : memref<320x16xf32, #tpu.memory_space<hbm>>) dst(%arg7 : memref<320x16xf32, #tpu.memory_space<vmem>>)
      tpu.yield
    }) : () -> ()
    %run_scoped3A_4 = arith.constant 0 : i32
    "tpu.region"() ({
      %run_scoped3A_16 = tpu.sem_alloc : memref<!tpu.dma_semaphore, #tpu.memory_space<semaphore_mem>>
      %dma_start3A = arith.constant 0 : i32
      %dma_start3A_17 = tpu.memref_slice %arg2[%run_scoped3A_4, %mul3A_2, %dma_start3A] : memref<2x10240x48xf32, #tpu.memory_space<hbm>> -> memref<1x320x48xf32, #tpu.memory_space<hbm>>
      %dma_start3A_18 = tpu.memref_squeeze %dma_start3A_17 : memref<1x320x48xf32, #tpu.memory_space<hbm>> -> memref<320x48xf32, #tpu.memory_space<hbm>>
      %dma_start3A_19 = arith.constant 0 : i32
      %dma_start3A_20 = tpu.memref_slice %arg2[%run_scoped3A_4, %mul3A_2, %dma_start3A_19] : memref<2x10240x48xf32, #tpu.memory_space<hbm>> -> memref<1x320x48xf32, #tpu.memory_space<hbm>>
      %dma_start3A_21 = tpu.memref_squeeze %dma_start3A_20 : memref<1x320x48xf32, #tpu.memory_space<hbm>> -> memref<320x48xf32, #tpu.memory_space<hbm>>
      tpu.enqueue_dma source(%dma_start3A_21 : memref<320x48xf32, #tpu.memory_space<hbm>>) target(%arg8 : memref<320x48xf32, #tpu.memory_space<vmem>>) target_semaphore(%run_scoped3A_16 : memref<!tpu.dma_semaphore, #tpu.memory_space<semaphore_mem>>)
      %dma_wait3A = arith.constant 0 : i32
      %dma_wait3A_22 = tpu.memref_slice %arg2[%run_scoped3A_4, %mul3A_2, %dma_wait3A] : memref<2x10240x48xf32, #tpu.memory_space<hbm>> -> memref<1x320x48xf32, #tpu.memory_space<hbm>>
      %dma_wait3A_23 = tpu.memref_squeeze %dma_wait3A_22 : memref<1x320x48xf32, #tpu.memory_space<hbm>> -> memref<320x48xf32, #tpu.memory_space<hbm>>
      %dma_wait3A_24 = arith.constant 0 : i32
      %dma_wait3A_25 = tpu.memref_slice %arg2[%run_scoped3A_4, %mul3A_2, %dma_wait3A_24] : memref<2x10240x48xf32, #tpu.memory_space<hbm>> -> memref<1x320x48xf32, #tpu.memory_space<hbm>>
      %dma_wait3A_26 = tpu.memref_squeeze %dma_wait3A_25 : memref<1x320x48xf32, #tpu.memory_space<hbm>> -> memref<320x48xf32, #tpu.memory_space<hbm>>
      tpu.wait_dma2 semaphore(%run_scoped3A_16 : memref<!tpu.dma_semaphore, #tpu.memory_space<semaphore_mem>>) src(%dma_wait3A_26 : memref<320x48xf32, #tpu.memory_space<hbm>>) dst(%arg8 : memref<320x48xf32, #tpu.memory_space<vmem>>)
      tpu.yield
    }) : () -> ()
    %run_scoped3A_5 = arith.constant 1 : i32
    "tpu.region"() ({
      %run_scoped3A_16 = tpu.sem_alloc : memref<!tpu.dma_semaphore, #tpu.memory_space<semaphore_mem>>
      %dma_start3A = arith.constant 0 : i32
      %dma_start3A_17 = tpu.memref_slice %arg2[%run_scoped3A_5, %mul3A_2, %dma_start3A] : memref<2x10240x48xf32, #tpu.memory_space<hbm>> -> memref<1x320x48xf32, #tpu.memory_space<hbm>>
      %dma_start3A_18 = tpu.memref_squeeze %dma_start3A_17 : memref<1x320x48xf32, #tpu.memory_space<hbm>> -> memref<320x48xf32, #tpu.memory_space<hbm>>
      %dma_start3A_19 = arith.constant 0 : i32
      %dma_start3A_20 = tpu.memref_slice %arg2[%run_scoped3A_5, %mul3A_2, %dma_start3A_19] : memref<2x10240x48xf32, #tpu.memory_space<hbm>> -> memref<1x320x48xf32, #tpu.memory_space<hbm>>
      %dma_start3A_21 = tpu.memref_squeeze %dma_start3A_20 : memref<1x320x48xf32, #tpu.memory_space<hbm>> -> memref<320x48xf32, #tpu.memory_space<hbm>>
      tpu.enqueue_dma source(%dma_start3A_21 : memref<320x48xf32, #tpu.memory_space<hbm>>) target(%arg9 : memref<320x48xf32, #tpu.memory_space<vmem>>) target_semaphore(%run_scoped3A_16 : memref<!tpu.dma_semaphore, #tpu.memory_space<semaphore_mem>>)
      %dma_wait3A = arith.constant 0 : i32
      %dma_wait3A_22 = tpu.memref_slice %arg2[%run_scoped3A_5, %mul3A_2, %dma_wait3A] : memref<2x10240x48xf32, #tpu.memory_space<hbm>> -> memref<1x320x48xf32, #tpu.memory_space<hbm>>
      %dma_wait3A_23 = tpu.memref_squeeze %dma_wait3A_22 : memref<1x320x48xf32, #tpu.memory_space<hbm>> -> memref<320x48xf32, #tpu.memory_space<hbm>>
      %dma_wait3A_24 = arith.constant 0 : i32
      %dma_wait3A_25 = tpu.memref_slice %arg2[%run_scoped3A_5, %mul3A_2, %dma_wait3A_24] : memref<2x10240x48xf32, #tpu.memory_space<hbm>> -> memref<1x320x48xf32, #tpu.memory_space<hbm>>
      %dma_wait3A_26 = tpu.memref_squeeze %dma_wait3A_25 : memref<1x320x48xf32, #tpu.memory_space<hbm>> -> memref<320x48xf32, #tpu.memory_space<hbm>>
      tpu.wait_dma2 semaphore(%run_scoped3A_16 : memref<!tpu.dma_semaphore, #tpu.memory_space<semaphore_mem>>) src(%dma_wait3A_26 : memref<320x48xf32, #tpu.memory_space<hbm>>) dst(%arg9 : memref<320x48xf32, #tpu.memory_space<vmem>>)
      tpu.yield
    }) : () -> ()
    %scan3A = arith.constant 0 : i32
    %scan3A_6 = arith.constant 320 : i32
    %scan3A_7 = arith.addi %scan3A, %scan3A_6 : i32
    %scan3A_8 = arith.constant 1 : i32
    scf.for %scan3A_16 = %scan3A to %scan3A_7 step %scan3A_8  : i32 {
      %mul3A_17 = arith.constant 1 : i32
      %mul3A_18 = arith.muli %scan3A_16, %mul3A_17 : i32
      %add3A_19 = arith.constant 0 : i32
      %add3A_20 = arith.addi %add3A_19, %mul3A_18 : i32
      %get3A = arith.index_cast %add3A_20 : i32 to index
      %get3A_21 = arith.constant 0 : index
      %get3A_22 = tpu.vector_load %arg6[%get3A, %get3A_21] {strides = array<i32>} : memref<320x16xf32, #tpu.memory_space<vmem>>, vector<16xf32>,
      %add3A_23 = arith.constant 1.000000e+00 : f32
      %add3A_24 = vector.broadcast %add3A_23 : f32 to vector<16xf32>
      %add3A_25 = arith.addf %add3A_24, %get3A_22 : vector<16xf32>
      %get3A_26 = arith.index_cast %add3A_20 : i32 to index
      %get3A_27 = arith.constant 0 : index
      %get3A_28 = tpu.vector_load %arg7[%get3A_26, %get3A_27] {strides = array<i32>} : memref<320x16xf32, #tpu.memory_space<vmem>>, vector<16xf32>,
      %add3A_29 = arith.addf %add3A_25, %get3A_28 : vector<16xf32>
      %bitcast3A = vector.bitcast %add3A_29 : vector<16xf32> to vector<16xi32>
      %shift_right_arithmetic3A = arith.constant 1 : i32
      %shift_right_arithmetic3A_30 = vector.broadcast %shift_right_arithmetic3A : i32 to vector<16xi32>
      %shift_right_arithmetic3A_31 = arith.shrsi %bitcast3A, %shift_right_arithmetic3A_30 : vector<16xi32>
      %sub3A = arith.constant 1597463007 : i32
      %sub3A_32 = vector.broadcast %sub3A : i32 to vector<16xi32>
      %sub3A_33 = arith.subi %sub3A_32, %shift_right_arithmetic3A_31 : vector<16xi32>
      %bitcast3A_34 = vector.bitcast %sub3A_33 : vector<16xi32> to vector<16xf32>
      %mul3A_35 = arith.constant 5.000000e-01 : f32
      %mul3A_36 = vector.broadcast %mul3A_35 : f32 to vector<16xf32>
      %mul3A_37 = arith.mulf %mul3A_36, %add3A_29 : vector<16xf32>
      %mul3A_38 = arith.mulf %mul3A_37, %bitcast3A_34 : vector<16xf32>
      %mul3A_39 = arith.mulf %mul3A_38, %bitcast3A_34 : vector<16xf32>
      %sub3A_40 = arith.constant 1.500000e+00 : f32
      %sub3A_41 = vector.broadcast %sub3A_40 : f32 to vector<16xf32>
      %sub3A_42 = arith.subf %sub3A_41, %mul3A_39 : vector<16xf32>
      %mul3A_43 = arith.mulf %bitcast3A_34, %sub3A_42 : vector<16xf32>
      %mul3A_44 = arith.constant 5.000000e-01 : f32
      %mul3A_45 = vector.broadcast %mul3A_44 : f32 to vector<16xf32>
      %mul3A_46 = arith.mulf %mul3A_45, %add3A_29 : vector<16xf32>
      %mul3A_47 = arith.mulf %mul3A_46, %mul3A_43 : vector<16xf32>
      %mul3A_48 = arith.mulf %mul3A_47, %mul3A_43 : vector<16xf32>
      %sub3A_49 = arith.constant 1.500000e+00 : f32
      %sub3A_50 = vector.broadcast %sub3A_49 : f32 to vector<16xf32>
      %sub3A_51 = arith.subf %sub3A_50, %mul3A_48 : vector<16xf32>
      %mul3A_52 = arith.mulf %mul3A_43, %sub3A_51 : vector<16xf32>
      %get3A_53 = arith.index_cast %add3A_20 : i32 to index
      %get3A_54 = arith.constant 0 : index
      %get3A_55 = tpu.vector_load %arg8[%get3A_53, %get3A_54] {strides = array<i32>} : memref<320x48xf32, #tpu.memory_space<vmem>>, vector<16xf32>,
      %get3A_56 = arith.index_cast %add3A_20 : i32 to index
      %get3A_57 = arith.constant 0 : index
      %get3A_58 = tpu.vector_load %arg9[%get3A_56, %get3A_57] {strides = array<i32>} : memref<320x48xf32, #tpu.memory_space<vmem>>, vector<16xf32>,
      %add3A_59 = arith.addf %get3A_55, %get3A_58 : vector<16xf32>
      %mul3A_60 = arith.mulf %add3A_59, %mul3A_52 : vector<16xf32>
      %get3A_61 = arith.constant 0 : i32
      %get3A_62 = arith.index_cast %get3A_61 : i32 to index
      %get3A_63 = arith.constant 0 : index
      %get3A_64 = tpu.vector_load %arg11[%get3A_62, %get3A_63] {strides = array<i32>} : memref<1x48xf32, #tpu.memory_space<vmem>>, vector<16xf32>,
      %add3A_65 = arith.addf %mul3A_60, %get3A_64 : vector<16xf32>
      %swap3A = arith.index_cast %add3A_20 : i32 to index
      %swap3A_66 = arith.constant 0 : index
      %swap3A_67 = tpu.vector_load %arg10[%swap3A, %swap3A_66] {strides = array<i32>} : memref<320x48xf32, #tpu.memory_space<vmem>>, vector<16xf32>,
      tpu.vector_store %arg10[%swap3A, %swap3A_66], %add3A_65 {strides = array<i32>} : memref<320x48xf32, #tpu.memory_space<vmem>>, vector<16xf32>,
      %get3A_68 = arith.index_cast %add3A_20 : i32 to index
      %get3A_69 = arith.constant 16 : index
      %get3A_70 = tpu.vector_load %arg8[%get3A_68, %get3A_69] {strides = array<i32>} : memref<320x48xf32, #tpu.memory_space<vmem>>, vector<16xf32>,
      %get3A_71 = arith.index_cast %add3A_20 : i32 to index
      %get3A_72 = arith.constant 16 : index
      %get3A_73 = tpu.vector_load %arg9[%get3A_71, %get3A_72] {strides = array<i32>} : memref<320x48xf32, #tpu.memory_space<vmem>>, vector<16xf32>,
      %add3A_74 = arith.addf %get3A_70, %get3A_73 : vector<16xf32>
      %mul3A_75 = arith.mulf %add3A_74, %mul3A_52 : vector<16xf32>
      %get3A_76 = arith.constant 0 : i32
      %get3A_77 = arith.index_cast %get3A_76 : i32 to index
      %get3A_78 = arith.constant 16 : index
      %get3A_79 = tpu.vector_load %arg11[%get3A_77, %get3A_78] {strides = array<i32>} : memref<1x48xf32, #tpu.memory_space<vmem>>, vector<16xf32>,
      %add3A_80 = arith.addf %mul3A_75, %get3A_79 : vector<16xf32>
      %swap3A_81 = arith.index_cast %add3A_20 : i32 to index
      %swap3A_82 = arith.constant 16 : index
      %swap3A_83 = tpu.vector_load %arg10[%swap3A_81, %swap3A_82] {strides = array<i32>} : memref<320x48xf32, #tpu.memory_space<vmem>>, vector<16xf32>,
      tpu.vector_store %arg10[%swap3A_81, %swap3A_82], %add3A_80 {strides = array<i32>} : memref<320x48xf32, #tpu.memory_space<vmem>>, vector<16xf32>,
      %get3A_84 = arith.index_cast %add3A_20 : i32 to index
      %get3A_85 = arith.constant 32 : index
      %get3A_86 = tpu.vector_load %arg8[%get3A_84, %get3A_85] {strides = array<i32>} : memref<320x48xf32, #tpu.memory_space<vmem>>, vector<16xf32>,
      %get3A_87 = arith.index_cast %add3A_20 : i32 to index
      %get3A_88 = arith.constant 32 : index
      %get3A_89 = tpu.vector_load %arg9[%get3A_87, %get3A_88] {strides = array<i32>} : memref<320x48xf32, #tpu.memory_space<vmem>>, vector<16xf32>,
      %add3A_90 = arith.addf %get3A_86, %get3A_89 : vector<16xf32>
      %mul3A_91 = arith.mulf %add3A_90, %mul3A_52 : vector<16xf32>
      %get3A_92 = arith.constant 0 : i32
      %get3A_93 = arith.index_cast %get3A_92 : i32 to index
      %get3A_94 = arith.constant 32 : index
      %get3A_95 = tpu.vector_load %arg11[%get3A_93, %get3A_94] {strides = array<i32>} : memref<1x48xf32, #tpu.memory_space<vmem>>, vector<16xf32>,
      %add3A_96 = arith.addf %mul3A_91, %get3A_95 : vector<16xf32>
      %swap3A_97 = arith.index_cast %add3A_20 : i32 to index
      %swap3A_98 = arith.constant 32 : index
      %swap3A_99 = tpu.vector_load %arg10[%swap3A_97, %swap3A_98] {strides = array<i32>} : memref<320x48xf32, #tpu.memory_space<vmem>>, vector<16xf32>,
      tpu.vector_store %arg10[%swap3A_97, %swap3A_98], %add3A_96 {strides = array<i32>} : memref<320x48xf32, #tpu.memory_space<vmem>>, vector<16xf32>,
    }
    %scan3A_9 = arith.constant 320 : i32
    %lt3A = arith.constant 31 : i32
    %lt3A_10 = arith.cmpi slt, %add3A, %lt3A : i32
    %convert_element_type3A = arith.extui %lt3A_10 : i1 to i32
    %cond3A = arith.constant 0 : i32
    %cond3A_11 = arith.cmpi ne, %convert_element_type3A, %cond3A : i32
    scf.if %cond3A_11 {
      "tpu.region"() ({
        %run_scoped3A_16 = tpu.sem_alloc : memref<!tpu.dma_semaphore, #tpu.memory_space<semaphore_mem>>
        %dma_start3A = arith.constant 0 : i32
        %dma_start3A_17 = arith.constant 0 : i32
        %dma_start3A_18 = tpu.memref_slice %arg10[%dma_start3A, %dma_start3A_17] : memref<320x48xf32, #tpu.memory_space<vmem>> -> memref<320x40xf32, #tpu.memory_space<vmem>>
        %dma_start3A_19 = arith.constant 0 : i32
        %dma_start3A_20 = tpu.memref_slice %arg5[%mul3A_2, %dma_start3A_19] : memref<10000x40xf32, #tpu.memory_space<hbm>> -> memref<320x40xf32, #tpu.memory_space<hbm>>
        %dma_start3A_21 = arith.constant 0 : i32
        %dma_start3A_22 = tpu.memref_slice %arg5[%mul3A_2, %dma_start3A_21] : memref<10000x40xf32, #tpu.memory_space<hbm>> -> memref<320x40xf32, #tpu.memory_space<hbm>>
        %dma_start3A_23 = arith.constant 0 : i32
        %dma_start3A_24 = arith.constant 0 : i32
        %dma_start3A_25 = tpu.memref_slice %arg10[%dma_start3A_23, %dma_start3A_24] : memref<320x48xf32, #tpu.memory_space<vmem>> -> memref<320x40xf32, #tpu.memory_space<vmem>>
        tpu.enqueue_dma source(%dma_start3A_25 : memref<320x40xf32, #tpu.memory_space<vmem>>) target(%dma_start3A_22 : memref<320x40xf32, #tpu.memory_space<hbm>>) target_semaphore(%run_scoped3A_16 : memref<!tpu.dma_semaphore, #tpu.memory_space<semaphore_mem>>)
        %dma_wait3A = arith.constant 0 : i32
        %dma_wait3A_26 = arith.constant 0 : i32
        %dma_wait3A_27 = tpu.memref_slice %arg10[%dma_wait3A, %dma_wait3A_26] : memref<320x48xf32, #tpu.memory_space<vmem>> -> memref<320x40xf32, #tpu.memory_space<vmem>>
        %dma_wait3A_28 = arith.constant 0 : i32
        %dma_wait3A_29 = tpu.memref_slice %arg5[%mul3A_2, %dma_wait3A_28] : memref<10000x40xf32, #tpu.memory_space<hbm>> -> memref<320x40xf32, #tpu.memory_space<hbm>>
        %dma_wait3A_30 = arith.constant 0 : i32
        %dma_wait3A_31 = tpu.memref_slice %arg5[%mul3A_2, %dma_wait3A_30] : memref<10000x40xf32, #tpu.memory_space<hbm>> -> memref<320x40xf32, #tpu.memory_space<hbm>>
        %dma_wait3A_32 = arith.constant 0 : i32
        %dma_wait3A_33 = arith.constant 0 : i32
        %dma_wait3A_34 = tpu.memref_slice %arg10[%dma_wait3A_32, %dma_wait3A_33] : memref<320x48xf32, #tpu.memory_space<vmem>> -> memref<320x40xf32, #tpu.memory_space<vmem>>
        tpu.wait_dma2 semaphore(%run_scoped3A_16 : memref<!tpu.dma_semaphore, #tpu.memory_space<semaphore_mem>>) src(%dma_wait3A_34 : memref<320x40xf32, #tpu.memory_space<vmem>>) dst(%dma_wait3A_31 : memref<320x40xf32, #tpu.memory_space<hbm>>)
        tpu.yield
      }) : () -> ()
    } else {
    }
    %eq3A = arith.constant 31 : i32
    %eq3A_12 = arith.cmpi eq, %add3A, %eq3A : i32
    %convert_element_type3A_13 = arith.extui %eq3A_12 : i1 to i32
    %cond3A_14 = arith.constant 0 : i32
    %cond3A_15 = arith.cmpi ne, %convert_element_type3A_13, %cond3A_14 : i32
    scf.if %cond3A_15 {
      "tpu.region"() ({
        %run_scoped3A_16 = tpu.sem_alloc : memref<!tpu.dma_semaphore, #tpu.memory_space<semaphore_mem>>
        %dma_start3A = arith.constant 0 : i32
        %dma_start3A_17 = arith.constant 0 : i32
        %dma_start3A_18 = tpu.memref_slice %arg10[%dma_start3A, %dma_start3A_17] : memref<320x48xf32, #tpu.memory_space<vmem>> -> memref<80x40xf32, #tpu.memory_space<vmem>>
        %dma_start3A_19 = arith.constant 0 : i32
        %dma_start3A_20 = tpu.memref_slice %arg5[%mul3A_2, %dma_start3A_19] : memref<10000x40xf32, #tpu.memory_space<hbm>> -> memref<80x40xf32, #tpu.memory_space<hbm>>
        %dma_start3A_21 = arith.constant 0 : i32
        %dma_start3A_22 = tpu.memref_slice %arg5[%mul3A_2, %dma_start3A_21] : memref<10000x40xf32, #tpu.memory_space<hbm>> -> memref<80x40xf32, #tpu.memory_space<hbm>>
        %dma_start3A_23 = arith.constant 0 : i32
        %dma_start3A_24 = arith.constant 0 : i32
        %dma_start3A_25 = tpu.memref_slice %arg10[%dma_start3A_23, %dma_start3A_24] : memref<320x48xf32, #tpu.memory_space<vmem>> -> memref<80x40xf32, #tpu.memory_space<vmem>>
        tpu.enqueue_dma source(%dma_start3A_25 : memref<80x40xf32, #tpu.memory_space<vmem>>) target(%dma_start3A_22 : memref<80x40xf32, #tpu.memory_space<hbm>>) target_semaphore(%run_scoped3A_16 : memref<!tpu.dma_semaphore, #tpu.memory_space<semaphore_mem>>)
        %dma_wait3A = arith.constant 0 : i32
        %dma_wait3A_26 = arith.constant 0 : i32
        %dma_wait3A_27 = tpu.memref_slice %arg10[%dma_wait3A, %dma_wait3A_26] : memref<320x48xf32, #tpu.memory_space<vmem>> -> memref<80x40xf32, #tpu.memory_space<vmem>>
        %dma_wait3A_28 = arith.constant 0 : i32
        %dma_wait3A_29 = tpu.memref_slice %arg5[%mul3A_2, %dma_wait3A_28] : memref<10000x40xf32, #tpu.memory_space<hbm>> -> memref<80x40xf32, #tpu.memory_space<hbm>>
        %dma_wait3A_30 = arith.constant 0 : i32
        %dma_wait3A_31 = tpu.memref_slice %arg5[%mul3A_2, %dma_wait3A_30] : memref<10000x40xf32, #tpu.memory_space<hbm>> -> memref<80x40xf32, #tpu.memory_space<hbm>>
        %dma_wait3A_32 = arith.constant 0 : i32
        %dma_wait3A_33 = arith.constant 0 : i32
        %dma_wait3A_34 = tpu.memref_slice %arg10[%dma_wait3A_32, %dma_wait3A_33] : memref<320x48xf32, #tpu.memory_space<vmem>> -> memref<80x40xf32, #tpu.memory_space<vmem>>
        tpu.wait_dma2 semaphore(%run_scoped3A_16 : memref<!tpu.dma_semaphore, #tpu.memory_space<semaphore_mem>>) src(%dma_wait3A_34 : memref<80x40xf32, #tpu.memory_space<vmem>>) dst(%dma_wait3A_31 : memref<80x40xf32, #tpu.memory_space<hbm>>)
        tpu.yield
      }) : () -> ()
    } else {
    }
    return
  }
}

#map = affine_map<(d0, d1) -> (0, 0, 0)>
#map1 = affine_map<(d0, d1) -> (0, 0)>
module attributes {stable_mosaic.version = 14 : i64} {
  func.func @_deg_kernel(%arg0: i32, %arg1: i32, %arg2: memref<32x80x128xi32, #tpu.memory_space<hbm>>, %arg3: memref<10240x16xf32, #tpu.memory_space<hbm>>, %arg4: memref<128x16xf32, #tpu.memory_space<hbm>>, %arg5: memref<2x10240x16xf32, #tpu.memory_space<hbm>>, %arg6: memref<80x128xi32, #tpu.memory_space<vmem>>, %arg7: memref<128x16xf32, #tpu.memory_space<vmem>>, %arg8: memref<10240x16xf32, #tpu.memory_space<vmem_shared>>) attributes {dimension_semantics = [#tpu.dimension_semantics<core_parallel>, #tpu.dimension_semantics<subcore_parallel>], iteration_bounds = array<i64: 2, 16>, scalar_prefetch = 0 : i64, scratch_operands = 3 : i64, tpu.core_type = #tpu.core_type<sc_vector_subcore>, window_params = [{transform_indices = #map}, {transform_indices = #map1}, {transform_indices = #map1}, {transform_indices = #map}]} {
    %mul3A = arith.constant 16 : i32
    %mul3A_0 = arith.muli %arg0, %mul3A : i32
    %add3A = arith.addi %mul3A_0, %arg1 : i32
    "tpu.region"() ({
      %run_scoped3A = tpu.sem_alloc : memref<!tpu.dma_semaphore, #tpu.memory_space<semaphore_mem>>
      %dma_start3A = arith.constant 0 : i32
      %dma_start3A_14 = arith.constant 0 : i32
      %dma_start3A_15 = tpu.memref_slice %arg2[%add3A, %dma_start3A, %dma_start3A_14] : memref<32x80x128xi32, #tpu.memory_space<hbm>> -> memref<1x80x128xi32, #tpu.memory_space<hbm>>
      %dma_start3A_16 = tpu.memref_squeeze %dma_start3A_15 : memref<1x80x128xi32, #tpu.memory_space<hbm>> -> memref<80x128xi32, #tpu.memory_space<hbm>>
      %dma_start3A_17 = arith.constant 0 : i32
      %dma_start3A_18 = arith.constant 0 : i32
      %dma_start3A_19 = tpu.memref_slice %arg2[%add3A, %dma_start3A_17, %dma_start3A_18] : memref<32x80x128xi32, #tpu.memory_space<hbm>> -> memref<1x80x128xi32, #tpu.memory_space<hbm>>
      %dma_start3A_20 = tpu.memref_squeeze %dma_start3A_19 : memref<1x80x128xi32, #tpu.memory_space<hbm>> -> memref<80x128xi32, #tpu.memory_space<hbm>>
      tpu.enqueue_dma source(%dma_start3A_20 : memref<80x128xi32, #tpu.memory_space<hbm>>) target(%arg6 : memref<80x128xi32, #tpu.memory_space<vmem>>) target_semaphore(%run_scoped3A : memref<!tpu.dma_semaphore, #tpu.memory_space<semaphore_mem>>)
      %dma_wait3A = arith.constant 0 : i32
      %dma_wait3A_21 = arith.constant 0 : i32
      %dma_wait3A_22 = tpu.memref_slice %arg2[%add3A, %dma_wait3A, %dma_wait3A_21] : memref<32x80x128xi32, #tpu.memory_space<hbm>> -> memref<1x80x128xi32, #tpu.memory_space<hbm>>
      %dma_wait3A_23 = tpu.memref_squeeze %dma_wait3A_22 : memref<1x80x128xi32, #tpu.memory_space<hbm>> -> memref<80x128xi32, #tpu.memory_space<hbm>>
      %dma_wait3A_24 = arith.constant 0 : i32
      %dma_wait3A_25 = arith.constant 0 : i32
      %dma_wait3A_26 = tpu.memref_slice %arg2[%add3A, %dma_wait3A_24, %dma_wait3A_25] : memref<32x80x128xi32, #tpu.memory_space<hbm>> -> memref<1x80x128xi32, #tpu.memory_space<hbm>>
      %dma_wait3A_27 = tpu.memref_squeeze %dma_wait3A_26 : memref<1x80x128xi32, #tpu.memory_space<hbm>> -> memref<80x128xi32, #tpu.memory_space<hbm>>
      tpu.wait_dma2 semaphore(%run_scoped3A : memref<!tpu.dma_semaphore, #tpu.memory_space<semaphore_mem>>) src(%dma_wait3A_27 : memref<80x128xi32, #tpu.memory_space<hbm>>) dst(%arg6 : memref<80x128xi32, #tpu.memory_space<vmem>>)
      tpu.yield
    }) : () -> ()
    "tpu.region"() ({
      %run_scoped3A = tpu.sem_alloc : memref<!tpu.dma_semaphore, #tpu.memory_space<semaphore_mem>>
      tpu.enqueue_dma source(%arg4 : memref<128x16xf32, #tpu.memory_space<hbm>>) target(%arg7 : memref<128x16xf32, #tpu.memory_space<vmem>>) target_semaphore(%run_scoped3A : memref<!tpu.dma_semaphore, #tpu.memory_space<semaphore_mem>>)
      tpu.wait_dma2 semaphore(%run_scoped3A : memref<!tpu.dma_semaphore, #tpu.memory_space<semaphore_mem>>) src(%arg4 : memref<128x16xf32, #tpu.memory_space<hbm>>) dst(%arg7 : memref<128x16xf32, #tpu.memory_space<vmem>>)
      tpu.yield
    }) : () -> ()
    %mul3A_1 = arith.constant 640 : i32
    %mul3A_2 = arith.muli %arg1, %mul3A_1 : i32
    %mul3A_3 = arith.constant 640 : i32
    %mul3A_4 = arith.muli %arg1, %mul3A_3 : i32
    "tpu.region"() ({
      %run_scoped3A = tpu.sem_alloc : memref<!tpu.dma_semaphore, #tpu.memory_space<semaphore_mem>>
      %dma_start3A = arith.constant 0 : i32
      %dma_start3A_14 = tpu.memref_slice %arg8[%mul3A_4, %dma_start3A] : memref<10240x16xf32, #tpu.memory_space<vmem_shared>> -> memref<640x16xf32, #tpu.memory_space<vmem_shared>>
      %dma_start3A_15 = arith.constant 0 : i32
      %dma_start3A_16 = tpu.memref_slice %arg3[%mul3A_2, %dma_start3A_15] : memref<10240x16xf32, #tpu.memory_space<hbm>> -> memref<640x16xf32, #tpu.memory_space<hbm>>
      tpu.enqueue_dma source(%dma_start3A_16 : memref<640x16xf32, #tpu.memory_space<hbm>>) target(%dma_start3A_14 : memref<640x16xf32, #tpu.memory_space<vmem_shared>>) target_semaphore(%run_scoped3A : memref<!tpu.dma_semaphore, #tpu.memory_space<semaphore_mem>>)
      %dma_wait3A = arith.constant 0 : i32
      %dma_wait3A_17 = tpu.memref_slice %arg8[%mul3A_4, %dma_wait3A] : memref<10240x16xf32, #tpu.memory_space<vmem_shared>> -> memref<640x16xf32, #tpu.memory_space<vmem_shared>>
      %dma_wait3A_18 = arith.constant 0 : i32
      %dma_wait3A_19 = tpu.memref_slice %arg3[%mul3A_2, %dma_wait3A_18] : memref<10240x16xf32, #tpu.memory_space<hbm>> -> memref<640x16xf32, #tpu.memory_space<hbm>>
      tpu.wait_dma2 semaphore(%run_scoped3A : memref<!tpu.dma_semaphore, #tpu.memory_space<semaphore_mem>>) src(%dma_wait3A_19 : memref<640x16xf32, #tpu.memory_space<hbm>>) dst(%dma_wait3A_17 : memref<640x16xf32, #tpu.memory_space<vmem_shared>>)
      tpu.yield
    }) : () -> ()
    %barrier3A = arith.constant 0 : index
    tpu.barrier barrier_id(%barrier3A)
    %scan3A = arith.constant 0 : i32
    %scan3A_5 = arith.constant 80 : i32
    %scan3A_6 = arith.addi %scan3A, %scan3A_5 : i32
    %scan3A_7 = arith.constant 1 : i32
    scf.for %scan3A_14 = %scan3A to %scan3A_6 step %scan3A_7  : i32 {
      %mul3A_15 = arith.constant 1 : i32
      %mul3A_16 = arith.muli %scan3A_14, %mul3A_15 : i32
      %add3A_17 = arith.constant 0 : i32
      %add3A_18 = arith.addi %add3A_17, %mul3A_16 : i32
      "tpu.region"() ({
        %run_scoped3A = tpu.sem_alloc : memref<!tpu.dma_semaphore, #tpu.memory_space<semaphore_mem>>
        %dma_start3A = arith.constant 0 : i32
        %dma_start3A_19 = tpu.memref_slice %arg6[%add3A_18, %dma_start3A] : memref<80x128xi32, #tpu.memory_space<vmem>> -> memref<1x128xi32, #tpu.memory_space<vmem>>
        %dma_start3A_20 = tpu.memref_squeeze %dma_start3A_19 : memref<1x128xi32, #tpu.memory_space<vmem>> -> memref<128xi32, #tpu.memory_space<vmem>>
        %dma_start3A_21 = arith.constant 0 : i32
        %dma_start3A_22 = arith.constant 0 : i32
        %dma_start3A_23 = tpu.memref_slice %arg8[%dma_start3A_21, %dma_start3A_22] : memref<10240x16xf32, #tpu.memory_space<vmem_shared>> -> memref<10240x16xf32, #tpu.memory_space<vmem_shared>>
        tpu.enqueue_indirect_dma source(%arg7 : memref<128x16xf32, #tpu.memory_space<vmem>>) target(%dma_start3A_23 : memref<10240x16xf32, #tpu.memory_space<vmem_shared>>) offsets(%dma_start3A_20 : memref<128xi32, #tpu.memory_space<vmem>>) semaphore(%run_scoped3A : memref<!tpu.dma_semaphore, #tpu.memory_space<semaphore_mem>>) {add = true}
        %dma_wait3A = arith.constant 0 : i32
        %dma_wait3A_24 = tpu.memref_slice %arg6[%add3A_18, %dma_wait3A] : memref<80x128xi32, #tpu.memory_space<vmem>> -> memref<1x128xi32, #tpu.memory_space<vmem>>
        %dma_wait3A_25 = tpu.memref_squeeze %dma_wait3A_24 : memref<1x128xi32, #tpu.memory_space<vmem>> -> memref<128xi32, #tpu.memory_space<vmem>>
        %dma_wait3A_26 = arith.constant 0 : i32
        %dma_wait3A_27 = arith.constant 0 : i32
        %dma_wait3A_28 = tpu.memref_slice %arg8[%dma_wait3A_26, %dma_wait3A_27] : memref<10240x16xf32, #tpu.memory_space<vmem_shared>> -> memref<10240x16xf32, #tpu.memory_space<vmem_shared>>
        tpu.wait_indirect_dma semaphore(%run_scoped3A : memref<!tpu.dma_semaphore, #tpu.memory_space<semaphore_mem>>) src(%arg7 : memref<128x16xf32, #tpu.memory_space<vmem>>) dst(%dma_wait3A_28 : memref<10240x16xf32, #tpu.memory_space<vmem_shared>>)
        tpu.yield
      }) : () -> ()
    }
    %scan3A_8 = arith.constant 80 : i32
    %barrier3A_9 = arith.constant 0 : index
    tpu.barrier barrier_id(%barrier3A_9)
    %mul3A_10 = arith.constant 640 : i32
    %mul3A_11 = arith.muli %arg1, %mul3A_10 : i32
    %mul3A_12 = arith.constant 640 : i32
    %mul3A_13 = arith.muli %arg1, %mul3A_12 : i32
    "tpu.region"() ({
      %run_scoped3A = tpu.sem_alloc : memref<!tpu.dma_semaphore, #tpu.memory_space<semaphore_mem>>
      %dma_start3A = arith.constant 0 : i32
      %dma_start3A_14 = tpu.memref_slice %arg5[%arg0, %mul3A_13, %dma_start3A] : memref<2x10240x16xf32, #tpu.memory_space<hbm>> -> memref<1x640x16xf32, #tpu.memory_space<hbm>>
      %dma_start3A_15 = tpu.memref_squeeze %dma_start3A_14 : memref<1x640x16xf32, #tpu.memory_space<hbm>> -> memref<640x16xf32, #tpu.memory_space<hbm>>
      %dma_start3A_16 = arith.constant 0 : i32
      %dma_start3A_17 = tpu.memref_slice %arg8[%mul3A_11, %dma_start3A_16] : memref<10240x16xf32, #tpu.memory_space<vmem_shared>> -> memref<640x16xf32, #tpu.memory_space<vmem_shared>>
      tpu.enqueue_dma source(%dma_start3A_17 : memref<640x16xf32, #tpu.memory_space<vmem_shared>>) target(%dma_start3A_15 : memref<640x16xf32, #tpu.memory_space<hbm>>) target_semaphore(%run_scoped3A : memref<!tpu.dma_semaphore, #tpu.memory_space<semaphore_mem>>)
      %dma_wait3A = arith.constant 0 : i32
      %dma_wait3A_18 = tpu.memref_slice %arg5[%arg0, %mul3A_13, %dma_wait3A] : memref<2x10240x16xf32, #tpu.memory_space<hbm>> -> memref<1x640x16xf32, #tpu.memory_space<hbm>>
      %dma_wait3A_19 = tpu.memref_squeeze %dma_wait3A_18 : memref<1x640x16xf32, #tpu.memory_space<hbm>> -> memref<640x16xf32, #tpu.memory_space<hbm>>
      %dma_wait3A_20 = arith.constant 0 : i32
      %dma_wait3A_21 = tpu.memref_slice %arg8[%mul3A_11, %dma_wait3A_20] : memref<10240x16xf32, #tpu.memory_space<vmem_shared>> -> memref<640x16xf32, #tpu.memory_space<vmem_shared>>
      tpu.wait_dma2 semaphore(%run_scoped3A : memref<!tpu.dma_semaphore, #tpu.memory_space<semaphore_mem>>) src(%dma_wait3A_21 : memref<640x16xf32, #tpu.memory_space<vmem_shared>>) dst(%dma_wait3A_19 : memref<640x16xf32, #tpu.memory_space<hbm>>)
      tpu.yield
    }) : () -> ()
    return
  }
}

#map = affine_map<(d0, d1) -> (0, 0)>
#map1 = affine_map<(d0, d1) -> (0, 0, 0)>
module attributes {stable_mosaic.version = 14 : i64} {
  func.func @_prop(%arg0: i32, %arg1: i32, %arg2: memref<10240x48xf32, #tpu.memory_space<hbm>>, %arg3: memref<2x10240x16xf32, #tpu.memory_space<hbm>>, %arg4: memref<10240x48xf32, #tpu.memory_space<hbm>>, %arg5: memref<32x80x128xi32, #tpu.memory_space<hbm>>, %arg6: memref<32x80x128xi32, #tpu.memory_space<hbm>>, %arg7: memref<2x10240x48xf32, #tpu.memory_space<hbm>>, %arg8: memref<2x10240x48xf32, #tpu.memory_space<hbm>>, %arg9: memref<80x128xi32, #tpu.memory_space<vmem>>, %arg10: memref<80x128xi32, #tpu.memory_space<vmem>>, %arg11: memref<5x128x48xf32, #tpu.memory_space<vmem>>, %arg12: memref<640x16xf32, #tpu.memory_space<vmem>>, %arg13: memref<320x16xf32, #tpu.memory_space<vmem>>, %arg14: memref<640x48xf32, #tpu.memory_space<vmem>>, %arg15: memref<8x48xf32, #tpu.memory_space<vmem>>, %arg16: memref<10240x48xf32, #tpu.memory_space<vmem_shared>>, %arg17: memref<5x!tpu.dma_semaphore, #tpu.memory_space<semaphore_mem>>) attributes {dimension_semantics = [#tpu.dimension_semantics<core_parallel>, #tpu.dimension_semantics<subcore_parallel>], iteration_bounds = array<i64: 2, 16>, scalar_prefetch = 0 : i64, scratch_operands = 9 : i64, tpu.core_type = #tpu.core_type<sc_vector_subcore>, window_params = [{transform_indices = #map}, {transform_indices = #map1}, {transform_indices = #map}, {transform_indices = #map1}, {transform_indices = #map1}, {transform_indices = #map1}, {transform_indices = #map1}]} {
    %mul3A = arith.constant 16 : i32
    %mul3A_0 = arith.muli %arg0, %mul3A : i32
    %add3A = arith.addi %mul3A_0, %arg1 : i32
    "tpu.region"() ({
      %run_scoped3A_284 = tpu.sem_alloc : memref<!tpu.dma_semaphore, #tpu.memory_space<semaphore_mem>>
      %dma_start3A_285 = arith.constant 0 : i32
      %dma_start3A_286 = arith.constant 0 : i32
      %dma_start3A_287 = tpu.memref_slice %arg5[%add3A, %dma_start3A_285, %dma_start3A_286] : memref<32x80x128xi32, #tpu.memory_space<hbm>> -> memref<1x80x128xi32, #tpu.memory_space<hbm>>
      %dma_start3A_288 = tpu.memref_squeeze %dma_start3A_287 : memref<1x80x128xi32, #tpu.memory_space<hbm>> -> memref<80x128xi32, #tpu.memory_space<hbm>>
      %dma_start3A_289 = arith.constant 0 : i32
      %dma_start3A_290 = arith.constant 0 : i32
      %dma_start3A_291 = tpu.memref_slice %arg5[%add3A, %dma_start3A_289, %dma_start3A_290] : memref<32x80x128xi32, #tpu.memory_space<hbm>> -> memref<1x80x128xi32, #tpu.memory_space<hbm>>
      %dma_start3A_292 = tpu.memref_squeeze %dma_start3A_291 : memref<1x80x128xi32, #tpu.memory_space<hbm>> -> memref<80x128xi32, #tpu.memory_space<hbm>>
      tpu.enqueue_dma source(%dma_start3A_292 : memref<80x128xi32, #tpu.memory_space<hbm>>) target(%arg9 : memref<80x128xi32, #tpu.memory_space<vmem>>) target_semaphore(%run_scoped3A_284 : memref<!tpu.dma_semaphore, #tpu.memory_space<semaphore_mem>>)
      %dma_wait3A_293 = arith.constant 0 : i32
      %dma_wait3A_294 = arith.constant 0 : i32
      %dma_wait3A_295 = tpu.memref_slice %arg5[%add3A, %dma_wait3A_293, %dma_wait3A_294] : memref<32x80x128xi32, #tpu.memory_space<hbm>> -> memref<1x80x128xi32, #tpu.memory_space<hbm>>
      %dma_wait3A_296 = tpu.memref_squeeze %dma_wait3A_295 : memref<1x80x128xi32, #tpu.memory_space<hbm>> -> memref<80x128xi32, #tpu.memory_space<hbm>>
      %dma_wait3A_297 = arith.constant 0 : i32
      %dma_wait3A_298 = arith.constant 0 : i32
      %dma_wait3A_299 = tpu.memref_slice %arg5[%add3A, %dma_wait3A_297, %dma_wait3A_298] : memref<32x80x128xi32, #tpu.memory_space<hbm>> -> memref<1x80x128xi32, #tpu.memory_space<hbm>>
      %dma_wait3A_300 = tpu.memref_squeeze %dma_wait3A_299 : memref<1x80x128xi32, #tpu.memory_space<hbm>> -> memref<80x128xi32, #tpu.memory_space<hbm>>
      tpu.wait_dma2 semaphore(%run_scoped3A_284 : memref<!tpu.dma_semaphore, #tpu.memory_space<semaphore_mem>>) src(%dma_wait3A_300 : memref<80x128xi32, #tpu.memory_space<hbm>>) dst(%arg9 : memref<80x128xi32, #tpu.memory_space<vmem>>)
      tpu.yield
    }) : () -> ()
    "tpu.region"() ({
      %run_scoped3A_284 = tpu.sem_alloc : memref<!tpu.dma_semaphore, #tpu.memory_space<semaphore_mem>>
      %dma_start3A_285 = arith.constant 0 : i32
      %dma_start3A_286 = arith.constant 0 : i32
      %dma_start3A_287 = tpu.memref_slice %arg6[%add3A, %dma_start3A_285, %dma_start3A_286] : memref<32x80x128xi32, #tpu.memory_space<hbm>> -> memref<1x80x128xi32, #tpu.memory_space<hbm>>
      %dma_start3A_288 = tpu.memref_squeeze %dma_start3A_287 : memref<1x80x128xi32, #tpu.memory_space<hbm>> -> memref<80x128xi32, #tpu.memory_space<hbm>>
      %dma_start3A_289 = arith.constant 0 : i32
      %dma_start3A_290 = arith.constant 0 : i32
      %dma_start3A_291 = tpu.memref_slice %arg6[%add3A, %dma_start3A_289, %dma_start3A_290] : memref<32x80x128xi32, #tpu.memory_space<hbm>> -> memref<1x80x128xi32, #tpu.memory_space<hbm>>
      %dma_start3A_292 = tpu.memref_squeeze %dma_start3A_291 : memref<1x80x128xi32, #tpu.memory_space<hbm>> -> memref<80x128xi32, #tpu.memory_space<hbm>>
      tpu.enqueue_dma source(%dma_start3A_292 : memref<80x128xi32, #tpu.memory_space<hbm>>) target(%arg10 : memref<80x128xi32, #tpu.memory_space<vmem>>) target_semaphore(%run_scoped3A_284 : memref<!tpu.dma_semaphore, #tpu.memory_space<semaphore_mem>>)
      %dma_wait3A_293 = arith.constant 0 : i32
      %dma_wait3A_294 = arith.constant 0 : i32
      %dma_wait3A_295 = tpu.memref_slice %arg6[%add3A, %dma_wait3A_293, %dma_wait3A_294] : memref<32x80x128xi32, #tpu.memory_space<hbm>> -> memref<1x80x128xi32, #tpu.memory_space<hbm>>
      %dma_wait3A_296 = tpu.memref_squeeze %dma_wait3A_295 : memref<1x80x128xi32, #tpu.memory_space<hbm>> -> memref<80x128xi32, #tpu.memory_space<hbm>>
      %dma_wait3A_297 = arith.constant 0 : i32
      %dma_wait3A_298 = arith.constant 0 : i32
      %dma_wait3A_299 = tpu.memref_slice %arg6[%add3A, %dma_wait3A_297, %dma_wait3A_298] : memref<32x80x128xi32, #tpu.memory_space<hbm>> -> memref<1x80x128xi32, #tpu.memory_space<hbm>>
      %dma_wait3A_300 = tpu.memref_squeeze %dma_wait3A_299 : memref<1x80x128xi32, #tpu.memory_space<hbm>> -> memref<80x128xi32, #tpu.memory_space<hbm>>
      tpu.wait_dma2 semaphore(%run_scoped3A_284 : memref<!tpu.dma_semaphore, #tpu.memory_space<semaphore_mem>>) src(%dma_wait3A_300 : memref<80x128xi32, #tpu.memory_space<hbm>>) dst(%arg10 : memref<80x128xi32, #tpu.memory_space<vmem>>)
      tpu.yield
    }) : () -> ()
    %mul3A_1 = arith.constant 640 : i32
    %mul3A_2 = arith.muli %arg1, %mul3A_1 : i32
    %dma_start3A = arith.constant 0 : i32
    %dma_start3A_3 = arith.constant 0 : i32
    %dma_start3A_4 = arith.constant 0 : i32
    %dma_start3A_5 = tpu.memref_slice %arg3[%dma_start3A, %mul3A_2, %dma_start3A_4] : memref<2x10240x16xf32, #tpu.memory_space<hbm>> -> memref<1x640x16xf32, #tpu.memory_space<hbm>>
    %dma_start3A_6 = tpu.memref_squeeze %dma_start3A_5 : memref<1x640x16xf32, #tpu.memory_space<hbm>> -> memref<640x16xf32, #tpu.memory_space<hbm>>
    %dma_start3A_7 = tpu.memref_slice %arg17[%dma_start3A_3] : memref<5x!tpu.dma_semaphore, #tpu.memory_space<semaphore_mem>> -> memref<1x!tpu.dma_semaphore, #tpu.memory_space<semaphore_mem>>
    %dma_start3A_8 = tpu.memref_squeeze %dma_start3A_7 : memref<1x!tpu.dma_semaphore, #tpu.memory_space<semaphore_mem>> -> memref<!tpu.dma_semaphore, #tpu.memory_space<semaphore_mem>>
    %dma_start3A_9 = arith.constant 0 : i32
    %dma_start3A_10 = tpu.memref_slice %arg3[%dma_start3A, %mul3A_2, %dma_start3A_9] : memref<2x10240x16xf32, #tpu.memory_space<hbm>> -> memref<1x640x16xf32, #tpu.memory_space<hbm>>
    %dma_start3A_11 = tpu.memref_squeeze %dma_start3A_10 : memref<1x640x16xf32, #tpu.memory_space<hbm>> -> memref<640x16xf32, #tpu.memory_space<hbm>>
    tpu.enqueue_dma source(%dma_start3A_11 : memref<640x16xf32, #tpu.memory_space<hbm>>) target(%arg12 : memref<640x16xf32, #tpu.memory_space<vmem>>) target_semaphore(%dma_start3A_8 : memref<!tpu.dma_semaphore, #tpu.memory_space<semaphore_mem>>)
    %dma_start3A_12 = arith.constant 1 : i32
    %dma_start3A_13 = arith.constant 1 : i32
    %dma_start3A_14 = arith.constant 0 : i32
    %dma_start3A_15 = tpu.memref_slice %arg3[%dma_start3A_12, %mul3A_2, %dma_start3A_14] : memref<2x10240x16xf32, #tpu.memory_space<hbm>> -> memref<1x320x16xf32, #tpu.memory_space<hbm>>
    %dma_start3A_16 = tpu.memref_squeeze %dma_start3A_15 : memref<1x320x16xf32, #tpu.memory_space<hbm>> -> memref<320x16xf32, #tpu.memory_space<hbm>>
    %dma_start3A_17 = tpu.memref_slice %arg17[%dma_start3A_13] : memref<5x!tpu.dma_semaphore, #tpu.memory_space<semaphore_mem>> -> memref<1x!tpu.dma_semaphore, #tpu.memory_space<semaphore_mem>>
    %dma_start3A_18 = tpu.memref_squeeze %dma_start3A_17 : memref<1x!tpu.dma_semaphore, #tpu.memory_space<semaphore_mem>> -> memref<!tpu.dma_semaphore, #tpu.memory_space<semaphore_mem>>
    %dma_start3A_19 = arith.constant 0 : i32
    %dma_start3A_20 = tpu.memref_slice %arg3[%dma_start3A_12, %mul3A_2, %dma_start3A_19] : memref<2x10240x16xf32, #tpu.memory_space<hbm>> -> memref<1x320x16xf32, #tpu.memory_space<hbm>>
    %dma_start3A_21 = tpu.memref_squeeze %dma_start3A_20 : memref<1x320x16xf32, #tpu.memory_space<hbm>> -> memref<320x16xf32, #tpu.memory_space<hbm>>
    tpu.enqueue_dma source(%dma_start3A_21 : memref<320x16xf32, #tpu.memory_space<hbm>>) target(%arg13 : memref<320x16xf32, #tpu.memory_space<vmem>>) target_semaphore(%dma_start3A_18 : memref<!tpu.dma_semaphore, #tpu.memory_space<semaphore_mem>>)
    %dma_start3A_22 = arith.constant 2 : i32
    %dma_start3A_23 = arith.constant 0 : i32
    %dma_start3A_24 = tpu.memref_slice %arg2[%mul3A_2, %dma_start3A_23] : memref<10240x48xf32, #tpu.memory_space<hbm>> -> memref<640x48xf32, #tpu.memory_space<hbm>>
    %dma_start3A_25 = tpu.memref_slice %arg17[%dma_start3A_22] : memref<5x!tpu.dma_semaphore, #tpu.memory_space<semaphore_mem>> -> memref<1x!tpu.dma_semaphore, #tpu.memory_space<semaphore_mem>>
    %dma_start3A_26 = tpu.memref_squeeze %dma_start3A_25 : memref<1x!tpu.dma_semaphore, #tpu.memory_space<semaphore_mem>> -> memref<!tpu.dma_semaphore, #tpu.memory_space<semaphore_mem>>
    %dma_start3A_27 = arith.constant 0 : i32
    %dma_start3A_28 = tpu.memref_slice %arg2[%mul3A_2, %dma_start3A_27] : memref<10240x48xf32, #tpu.memory_space<hbm>> -> memref<640x48xf32, #tpu.memory_space<hbm>>
    tpu.enqueue_dma source(%dma_start3A_28 : memref<640x48xf32, #tpu.memory_space<hbm>>) target(%arg14 : memref<640x48xf32, #tpu.memory_space<vmem>>) target_semaphore(%dma_start3A_26 : memref<!tpu.dma_semaphore, #tpu.memory_space<semaphore_mem>>)
    %dma_wait3A = arith.constant 0 : i32
    %dma_wait3A_29 = arith.constant 0 : i32
    %dma_wait3A_30 = arith.constant 0 : i32
    %dma_wait3A_31 = tpu.memref_slice %arg3[%dma_wait3A, %mul3A_2, %dma_wait3A_30] : memref<2x10240x16xf32, #tpu.memory_space<hbm>> -> memref<1x640x16xf32, #tpu.memory_space<hbm>>
    %dma_wait3A_32 = tpu.memref_squeeze %dma_wait3A_31 : memref<1x640x16xf32, #tpu.memory_space<hbm>> -> memref<640x16xf32, #tpu.memory_space<hbm>>
    %dma_wait3A_33 = tpu.memref_slice %arg17[%dma_wait3A_29] : memref<5x!tpu.dma_semaphore, #tpu.memory_space<semaphore_mem>> -> memref<1x!tpu.dma_semaphore, #tpu.memory_space<semaphore_mem>>
    %dma_wait3A_34 = tpu.memref_squeeze %dma_wait3A_33 : memref<1x!tpu.dma_semaphore, #tpu.memory_space<semaphore_mem>> -> memref<!tpu.dma_semaphore, #tpu.memory_space<semaphore_mem>>
    %dma_wait3A_35 = arith.constant 0 : i32
    %dma_wait3A_36 = tpu.memref_slice %arg3[%dma_wait3A, %mul3A_2, %dma_wait3A_35] : memref<2x10240x16xf32, #tpu.memory_space<hbm>> -> memref<1x640x16xf32, #tpu.memory_space<hbm>>
    %dma_wait3A_37 = tpu.memref_squeeze %dma_wait3A_36 : memref<1x640x16xf32, #tpu.memory_space<hbm>> -> memref<640x16xf32, #tpu.memory_space<hbm>>
    tpu.wait_dma2 semaphore(%dma_wait3A_34 : memref<!tpu.dma_semaphore, #tpu.memory_space<semaphore_mem>>) src(%dma_wait3A_37 : memref<640x16xf32, #tpu.memory_space<hbm>>) dst(%arg12 : memref<640x16xf32, #tpu.memory_space<vmem>>)
    %dma_wait3A_38 = arith.constant 1 : i32
    %dma_wait3A_39 = arith.constant 1 : i32
    %dma_wait3A_40 = arith.constant 0 : i32
    %dma_wait3A_41 = tpu.memref_slice %arg3[%dma_wait3A_38, %mul3A_2, %dma_wait3A_40] : memref<2x10240x16xf32, #tpu.memory_space<hbm>> -> memref<1x320x16xf32, #tpu.memory_space<hbm>>
    %dma_wait3A_42 = tpu.memref_squeeze %dma_wait3A_41 : memref<1x320x16xf32, #tpu.memory_space<hbm>> -> memref<320x16xf32, #tpu.memory_space<hbm>>
    %dma_wait3A_43 = tpu.memref_slice %arg17[%dma_wait3A_39] : memref<5x!tpu.dma_semaphore, #tpu.memory_space<semaphore_mem>> -> memref<1x!tpu.dma_semaphore, #tpu.memory_space<semaphore_mem>>
    %dma_wait3A_44 = tpu.memref_squeeze %dma_wait3A_43 : memref<1x!tpu.dma_semaphore, #tpu.memory_space<semaphore_mem>> -> memref<!tpu.dma_semaphore, #tpu.memory_space<semaphore_mem>>
    %dma_wait3A_45 = arith.constant 0 : i32
    %dma_wait3A_46 = tpu.memref_slice %arg3[%dma_wait3A_38, %mul3A_2, %dma_wait3A_45] : memref<2x10240x16xf32, #tpu.memory_space<hbm>> -> memref<1x320x16xf32, #tpu.memory_space<hbm>>
    %dma_wait3A_47 = tpu.memref_squeeze %dma_wait3A_46 : memref<1x320x16xf32, #tpu.memory_space<hbm>> -> memref<320x16xf32, #tpu.memory_space<hbm>>
    tpu.wait_dma2 semaphore(%dma_wait3A_44 : memref<!tpu.dma_semaphore, #tpu.memory_space<semaphore_mem>>) src(%dma_wait3A_47 : memref<320x16xf32, #tpu.memory_space<hbm>>) dst(%arg13 : memref<320x16xf32, #tpu.memory_space<vmem>>)
    %dma_wait3A_48 = arith.constant 2 : i32
    %dma_wait3A_49 = arith.constant 0 : i32
    %dma_wait3A_50 = tpu.memref_slice %arg2[%mul3A_2, %dma_wait3A_49] : memref<10240x48xf32, #tpu.memory_space<hbm>> -> memref<640x48xf32, #tpu.memory_space<hbm>>
    %dma_wait3A_51 = tpu.memref_slice %arg17[%dma_wait3A_48] : memref<5x!tpu.dma_semaphore, #tpu.memory_space<semaphore_mem>> -> memref<1x!tpu.dma_semaphore, #tpu.memory_space<semaphore_mem>>
    %dma_wait3A_52 = tpu.memref_squeeze %dma_wait3A_51 : memref<1x!tpu.dma_semaphore, #tpu.memory_space<semaphore_mem>> -> memref<!tpu.dma_semaphore, #tpu.memory_space<semaphore_mem>>
    %dma_wait3A_53 = arith.constant 0 : i32
    %dma_wait3A_54 = tpu.memref_slice %arg2[%mul3A_2, %dma_wait3A_53] : memref<10240x48xf32, #tpu.memory_space<hbm>> -> memref<640x48xf32, #tpu.memory_space<hbm>>
    tpu.wait_dma2 semaphore(%dma_wait3A_52 : memref<!tpu.dma_semaphore, #tpu.memory_space<semaphore_mem>>) src(%dma_wait3A_54 : memref<640x48xf32, #tpu.memory_space<hbm>>) dst(%arg14 : memref<640x48xf32, #tpu.memory_space<vmem>>)
    %scan3A = arith.constant 0 : i32
    %scan3A_55 = arith.constant 320 : i32
    %scan3A_56 = arith.addi %scan3A, %scan3A_55 : i32
    %scan3A_57 = arith.constant 1 : i32
    scf.for %scan3A_284 = %scan3A to %scan3A_56 step %scan3A_57  : i32 {
      %mul3A_285 = arith.constant 1 : i32
      %mul3A_286 = arith.muli %scan3A_284, %mul3A_285 : i32
      %add3A_287 = arith.constant 0 : i32
      %add3A_288 = arith.addi %add3A_287, %mul3A_286 : i32
      %add3A_289 = arith.constant 0 : i32
      %add3A_290 = arith.addi %add3A_289, %add3A_288 : i32
      %get3A = arith.index_cast %add3A_290 : i32 to index
      %get3A_291 = arith.constant 0 : index
      %get3A_292 = tpu.vector_load %arg12[%get3A, %get3A_291] {strides = array<i32>} : memref<640x16xf32, #tpu.memory_space<vmem>>, vector<16xf32>,
      %add3A_293 = arith.constant 1.000000e+00 : f32
      %add3A_294 = vector.broadcast %add3A_293 : f32 to vector<16xf32>
      %add3A_295 = arith.addf %add3A_294, %get3A_292 : vector<16xf32>
      %get3A_296 = arith.index_cast %add3A_288 : i32 to index
      %get3A_297 = arith.constant 0 : index
      %get3A_298 = tpu.vector_load %arg13[%get3A_296, %get3A_297] {strides = array<i32>} : memref<320x16xf32, #tpu.memory_space<vmem>>, vector<16xf32>,
      %add3A_299 = arith.addf %add3A_295, %get3A_298 : vector<16xf32>
      %bitcast3A = vector.bitcast %add3A_299 : vector<16xf32> to vector<16xi32>
      %shift_right_arithmetic3A = arith.constant 1 : i32
      %shift_right_arithmetic3A_300 = vector.broadcast %shift_right_arithmetic3A : i32 to vector<16xi32>
      %shift_right_arithmetic3A_301 = arith.shrsi %bitcast3A, %shift_right_arithmetic3A_300 : vector<16xi32>
      %sub3A = arith.constant 1597463007 : i32
      %sub3A_302 = vector.broadcast %sub3A : i32 to vector<16xi32>
      %sub3A_303 = arith.subi %sub3A_302, %shift_right_arithmetic3A_301 : vector<16xi32>
      %bitcast3A_304 = vector.bitcast %sub3A_303 : vector<16xi32> to vector<16xf32>
      %mul3A_305 = arith.constant 5.000000e-01 : f32
      %mul3A_306 = vector.broadcast %mul3A_305 : f32 to vector<16xf32>
      %mul3A_307 = arith.mulf %mul3A_306, %add3A_299 : vector<16xf32>
      %mul3A_308 = arith.mulf %mul3A_307, %bitcast3A_304 : vector<16xf32>
      %mul3A_309 = arith.mulf %mul3A_308, %bitcast3A_304 : vector<16xf32>
      %sub3A_310 = arith.constant 1.500000e+00 : f32
      %sub3A_311 = vector.broadcast %sub3A_310 : f32 to vector<16xf32>
      %sub3A_312 = arith.subf %sub3A_311, %mul3A_309 : vector<16xf32>
      %mul3A_313 = arith.mulf %bitcast3A_304, %sub3A_312 : vector<16xf32>
      %mul3A_314 = arith.constant 5.000000e-01 : f32
      %mul3A_315 = vector.broadcast %mul3A_314 : f32 to vector<16xf32>
      %mul3A_316 = arith.mulf %mul3A_315, %add3A_299 : vector<16xf32>
      %mul3A_317 = arith.mulf %mul3A_316, %mul3A_313 : vector<16xf32>
      %mul3A_318 = arith.mulf %mul3A_317, %mul3A_313 : vector<16xf32>
      %sub3A_319 = arith.constant 1.500000e+00 : f32
      %sub3A_320 = vector.broadcast %sub3A_319 : f32 to vector<16xf32>
      %sub3A_321 = arith.subf %sub3A_320, %mul3A_318 : vector<16xf32>
      %mul3A_322 = arith.mulf %mul3A_313, %sub3A_321 : vector<16xf32>
      %div3A = arith.constant 1.000000e+00 : f32
      %div3A_323 = vector.broadcast %div3A : f32 to vector<16xf32>
      %div3A_324 = arith.divf %div3A_323, %add3A_299 : vector<16xf32>
      %add3A_325 = arith.constant 0 : i32
      %add3A_326 = arith.addi %add3A_325, %add3A_288 : i32
      %swap3A = arith.index_cast %add3A_326 : i32 to index
      %swap3A_327 = arith.constant 0 : index
      %swap3A_328 = tpu.vector_load %arg12[%swap3A, %swap3A_327] {strides = array<i32>} : memref<640x16xf32, #tpu.memory_space<vmem>>, vector<16xf32>,
      tpu.vector_store %arg12[%swap3A, %swap3A_327], %div3A_324 {strides = array<i32>} : memref<640x16xf32, #tpu.memory_space<vmem>>, vector<16xf32>,
      %add3A_329 = arith.constant 0 : i32
      %add3A_330 = arith.addi %add3A_329, %add3A_288 : i32
      %get3A_331 = arith.index_cast %add3A_330 : i32 to index
      %get3A_332 = arith.constant 0 : index
      %get3A_333 = tpu.vector_load %arg14[%get3A_331, %get3A_332] {strides = array<i32>} : memref<640x48xf32, #tpu.memory_space<vmem>>, vector<16xf32>,
      %mul3A_334 = arith.mulf %get3A_333, %mul3A_322 : vector<16xf32>
      %swap3A_335 = arith.index_cast %add3A_330 : i32 to index
      %swap3A_336 = arith.constant 0 : index
      %swap3A_337 = tpu.vector_load %arg14[%swap3A_335, %swap3A_336] {strides = array<i32>} : memref<640x48xf32, #tpu.memory_space<vmem>>, vector<16xf32>,
      tpu.vector_store %arg14[%swap3A_335, %swap3A_336], %mul3A_334 {strides = array<i32>} : memref<640x48xf32, #tpu.memory_space<vmem>>, vector<16xf32>,
      %add3A_338 = arith.constant 0 : i32
      %add3A_339 = arith.addi %add3A_338, %add3A_288 : i32
      %get3A_340 = arith.index_cast %add3A_339 : i32 to index
      %get3A_341 = arith.constant 16 : index
      %get3A_342 = tpu.vector_load %arg14[%get3A_340, %get3A_341] {strides = array<i32>} : memref<640x48xf32, #tpu.memory_space<vmem>>, vector<16xf32>,
      %mul3A_343 = arith.mulf %get3A_342, %mul3A_322 : vector<16xf32>
      %swap3A_344 = arith.index_cast %add3A_339 : i32 to index
      %swap3A_345 = arith.constant 16 : index
      %swap3A_346 = tpu.vector_load %arg14[%swap3A_344, %swap3A_345] {strides = array<i32>} : memref<640x48xf32, #tpu.memory_space<vmem>>, vector<16xf32>,
      tpu.vector_store %arg14[%swap3A_344, %swap3A_345], %mul3A_343 {strides = array<i32>} : memref<640x48xf32, #tpu.memory_space<vmem>>, vector<16xf32>,
      %add3A_347 = arith.constant 0 : i32
      %add3A_348 = arith.addi %add3A_347, %add3A_288 : i32
      %get3A_349 = arith.index_cast %add3A_348 : i32 to index
      %get3A_350 = arith.constant 32 : index
      %get3A_351 = tpu.vector_load %arg14[%get3A_349, %get3A_350] {strides = array<i32>} : memref<640x48xf32, #tpu.memory_space<vmem>>, vector<16xf32>,
      %mul3A_352 = arith.mulf %get3A_351, %mul3A_322 : vector<16xf32>
      %swap3A_353 = arith.index_cast %add3A_348 : i32 to index
      %swap3A_354 = arith.constant 32 : index
      %swap3A_355 = tpu.vector_load %arg14[%swap3A_353, %swap3A_354] {strides = array<i32>} : memref<640x48xf32, #tpu.memory_space<vmem>>, vector<16xf32>,
      tpu.vector_store %arg14[%swap3A_353, %swap3A_354], %mul3A_352 {strides = array<i32>} : memref<640x48xf32, #tpu.memory_space<vmem>>, vector<16xf32>,
    }
    %scan3A_58 = arith.constant 320 : i32
    %add3A_59 = arith.constant 320 : i32
    %add3A_60 = arith.addi %mul3A_2, %add3A_59 : i32
    %run_scoped3A = arith.constant 1 : i32
    "tpu.region"() ({
      %run_scoped3A_284 = tpu.sem_alloc : memref<!tpu.dma_semaphore, #tpu.memory_space<semaphore_mem>>
      %dma_start3A_285 = arith.constant 0 : i32
      %dma_start3A_286 = tpu.memref_slice %arg3[%run_scoped3A, %add3A_60, %dma_start3A_285] : memref<2x10240x16xf32, #tpu.memory_space<hbm>> -> memref<1x320x16xf32, #tpu.memory_space<hbm>>
      %dma_start3A_287 = tpu.memref_squeeze %dma_start3A_286 : memref<1x320x16xf32, #tpu.memory_space<hbm>> -> memref<320x16xf32, #tpu.memory_space<hbm>>
      %dma_start3A_288 = arith.constant 0 : i32
      %dma_start3A_289 = tpu.memref_slice %arg3[%run_scoped3A, %add3A_60, %dma_start3A_288] : memref<2x10240x16xf32, #tpu.memory_space<hbm>> -> memref<1x320x16xf32, #tpu.memory_space<hbm>>
      %dma_start3A_290 = tpu.memref_squeeze %dma_start3A_289 : memref<1x320x16xf32, #tpu.memory_space<hbm>> -> memref<320x16xf32, #tpu.memory_space<hbm>>
      tpu.enqueue_dma source(%dma_start3A_290 : memref<320x16xf32, #tpu.memory_space<hbm>>) target(%arg13 : memref<320x16xf32, #tpu.memory_space<vmem>>) target_semaphore(%run_scoped3A_284 : memref<!tpu.dma_semaphore, #tpu.memory_space<semaphore_mem>>)
      %dma_wait3A_291 = arith.constant 0 : i32
      %dma_wait3A_292 = tpu.memref_slice %arg3[%run_scoped3A, %add3A_60, %dma_wait3A_291] : memref<2x10240x16xf32, #tpu.memory_space<hbm>> -> memref<1x320x16xf32, #tpu.memory_space<hbm>>
      %dma_wait3A_293 = tpu.memref_squeeze %dma_wait3A_292 : memref<1x320x16xf32, #tpu.memory_space<hbm>> -> memref<320x16xf32, #tpu.memory_space<hbm>>
      %dma_wait3A_294 = arith.constant 0 : i32
      %dma_wait3A_295 = tpu.memref_slice %arg3[%run_scoped3A, %add3A_60, %dma_wait3A_294] : memref<2x10240x16xf32, #tpu.memory_space<hbm>> -> memref<1x320x16xf32, #tpu.memory_space<hbm>>
      %dma_wait3A_296 = tpu.memref_squeeze %dma_wait3A_295 : memref<1x320x16xf32, #tpu.memory_space<hbm>> -> memref<320x16xf32, #tpu.memory_space<hbm>>
      tpu.wait_dma2 semaphore(%run_scoped3A_284 : memref<!tpu.dma_semaphore, #tpu.memory_space<semaphore_mem>>) src(%dma_wait3A_296 : memref<320x16xf32, #tpu.memory_space<hbm>>) dst(%arg13 : memref<320x16xf32, #tpu.memory_space<vmem>>)
      tpu.yield
    }) : () -> ()
    %scan3A_61 = arith.constant 0 : i32
    %scan3A_62 = arith.constant 320 : i32
    %scan3A_63 = arith.addi %scan3A_61, %scan3A_62 : i32
    %scan3A_64 = arith.constant 1 : i32
    scf.for %scan3A_284 = %scan3A_61 to %scan3A_63 step %scan3A_64  : i32 {
      %mul3A_285 = arith.constant 1 : i32
      %mul3A_286 = arith.muli %scan3A_284, %mul3A_285 : i32
      %add3A_287 = arith.constant 0 : i32
      %add3A_288 = arith.addi %add3A_287, %mul3A_286 : i32
      %add3A_289 = arith.constant 320 : i32
      %add3A_290 = arith.addi %add3A_289, %add3A_288 : i32
      %get3A = arith.index_cast %add3A_290 : i32 to index
      %get3A_291 = arith.constant 0 : index
      %get3A_292 = tpu.vector_load %arg12[%get3A, %get3A_291] {strides = array<i32>} : memref<640x16xf32, #tpu.memory_space<vmem>>, vector<16xf32>,
      %add3A_293 = arith.constant 1.000000e+00 : f32
      %add3A_294 = vector.broadcast %add3A_293 : f32 to vector<16xf32>
      %add3A_295 = arith.addf %add3A_294, %get3A_292 : vector<16xf32>
      %get3A_296 = arith.index_cast %add3A_288 : i32 to index
      %get3A_297 = arith.constant 0 : index
      %get3A_298 = tpu.vector_load %arg13[%get3A_296, %get3A_297] {strides = array<i32>} : memref<320x16xf32, #tpu.memory_space<vmem>>, vector<16xf32>,
      %add3A_299 = arith.addf %add3A_295, %get3A_298 : vector<16xf32>
      %bitcast3A = vector.bitcast %add3A_299 : vector<16xf32> to vector<16xi32>
      %shift_right_arithmetic3A = arith.constant 1 : i32
      %shift_right_arithmetic3A_300 = vector.broadcast %shift_right_arithmetic3A : i32 to vector<16xi32>
      %shift_right_arithmetic3A_301 = arith.shrsi %bitcast3A, %shift_right_arithmetic3A_300 : vector<16xi32>
      %sub3A = arith.constant 1597463007 : i32
      %sub3A_302 = vector.broadcast %sub3A : i32 to vector<16xi32>
      %sub3A_303 = arith.subi %sub3A_302, %shift_right_arithmetic3A_301 : vector<16xi32>
      %bitcast3A_304 = vector.bitcast %sub3A_303 : vector<16xi32> to vector<16xf32>
      %mul3A_305 = arith.constant 5.000000e-01 : f32
      %mul3A_306 = vector.broadcast %mul3A_305 : f32 to vector<16xf32>
      %mul3A_307 = arith.mulf %mul3A_306, %add3A_299 : vector<16xf32>
      %mul3A_308 = arith.mulf %mul3A_307, %bitcast3A_304 : vector<16xf32>
      %mul3A_309 = arith.mulf %mul3A_308, %bitcast3A_304 : vector<16xf32>
      %sub3A_310 = arith.constant 1.500000e+00 : f32
      %sub3A_311 = vector.broadcast %sub3A_310 : f32 to vector<16xf32>
      %sub3A_312 = arith.subf %sub3A_311, %mul3A_309 : vector<16xf32>
      %mul3A_313 = arith.mulf %bitcast3A_304, %sub3A_312 : vector<16xf32>
      %mul3A_314 = arith.constant 5.000000e-01 : f32
      %mul3A_315 = vector.broadcast %mul3A_314 : f32 to vector<16xf32>
      %mul3A_316 = arith.mulf %mul3A_315, %add3A_299 : vector<16xf32>
      %mul3A_317 = arith.mulf %mul3A_316, %mul3A_313 : vector<16xf32>
      %mul3A_318 = arith.mulf %mul3A_317, %mul3A_313 : vector<16xf32>
      %sub3A_319 = arith.constant 1.500000e+00 : f32
      %sub3A_320 = vector.broadcast %sub3A_319 : f32 to vector<16xf32>
      %sub3A_321 = arith.subf %sub3A_320, %mul3A_318 : vector<16xf32>
      %mul3A_322 = arith.mulf %mul3A_313, %sub3A_321 : vector<16xf32>
      %div3A = arith.constant 1.000000e+00 : f32
      %div3A_323 = vector.broadcast %div3A : f32 to vector<16xf32>
      %div3A_324 = arith.divf %div3A_323, %add3A_299 : vector<16xf32>
      %add3A_325 = arith.constant 320 : i32
      %add3A_326 = arith.addi %add3A_325, %add3A_288 : i32
      %swap3A = arith.index_cast %add3A_326 : i32 to index
      %swap3A_327 = arith.constant 0 : index
      %swap3A_328 = tpu.vector_load %arg12[%swap3A, %swap3A_327] {strides = array<i32>} : memref<640x16xf32, #tpu.memory_space<vmem>>, vector<16xf32>,
      tpu.vector_store %arg12[%swap3A, %swap3A_327], %div3A_324 {strides = array<i32>} : memref<640x16xf32, #tpu.memory_space<vmem>>, vector<16xf32>,
      %add3A_329 = arith.constant 320 : i32
      %add3A_330 = arith.addi %add3A_329, %add3A_288 : i32
      %get3A_331 = arith.index_cast %add3A_330 : i32 to index
      %get3A_332 = arith.constant 0 : index
      %get3A_333 = tpu.vector_load %arg14[%get3A_331, %get3A_332] {strides = array<i32>} : memref<640x48xf32, #tpu.memory_space<vmem>>, vector<16xf32>,
      %mul3A_334 = arith.mulf %get3A_333, %mul3A_322 : vector<16xf32>
      %swap3A_335 = arith.index_cast %add3A_330 : i32 to index
      %swap3A_336 = arith.constant 0 : index
      %swap3A_337 = tpu.vector_load %arg14[%swap3A_335, %swap3A_336] {strides = array<i32>} : memref<640x48xf32, #tpu.memory_space<vmem>>, vector<16xf32>,
      tpu.vector_store %arg14[%swap3A_335, %swap3A_336], %mul3A_334 {strides = array<i32>} : memref<640x48xf32, #tpu.memory_space<vmem>>, vector<16xf32>,
      %add3A_338 = arith.constant 320 : i32
      %add3A_339 = arith.addi %add3A_338, %add3A_288 : i32
      %get3A_340 = arith.index_cast %add3A_339 : i32 to index
      %get3A_341 = arith.constant 16 : index
      %get3A_342 = tpu.vector_load %arg14[%get3A_340, %get3A_341] {strides = array<i32>} : memref<640x48xf32, #tpu.memory_space<vmem>>, vector<16xf32>,
      %mul3A_343 = arith.mulf %get3A_342, %mul3A_322 : vector<16xf32>
      %swap3A_344 = arith.index_cast %add3A_339 : i32 to index
      %swap3A_345 = arith.constant 16 : index
      %swap3A_346 = tpu.vector_load %arg14[%swap3A_344, %swap3A_345] {strides = array<i32>} : memref<640x48xf32, #tpu.memory_space<vmem>>, vector<16xf32>,
      tpu.vector_store %arg14[%swap3A_344, %swap3A_345], %mul3A_343 {strides = array<i32>} : memref<640x48xf32, #tpu.memory_space<vmem>>, vector<16xf32>,
      %add3A_347 = arith.constant 320 : i32
      %add3A_348 = arith.addi %add3A_347, %add3A_288 : i32
      %get3A_349 = arith.index_cast %add3A_348 : i32 to index
      %get3A_350 = arith.constant 32 : index
      %get3A_351 = tpu.vector_load %arg14[%get3A_349, %get3A_350] {strides = array<i32>} : memref<640x48xf32, #tpu.memory_space<vmem>>, vector<16xf32>,
      %mul3A_352 = arith.mulf %get3A_351, %mul3A_322 : vector<16xf32>
      %swap3A_353 = arith.index_cast %add3A_348 : i32 to index
      %swap3A_354 = arith.constant 32 : index
      %swap3A_355 = tpu.vector_load %arg14[%swap3A_353, %swap3A_354] {strides = array<i32>} : memref<640x48xf32, #tpu.memory_space<vmem>>, vector<16xf32>,
      tpu.vector_store %arg14[%swap3A_353, %swap3A_354], %mul3A_352 {strides = array<i32>} : memref<640x48xf32, #tpu.memory_space<vmem>>, vector<16xf32>,
    }
    %scan3A_65 = arith.constant 320 : i32
    "tpu.region"() ({
      %run_scoped3A_284 = tpu.sem_alloc : memref<!tpu.dma_semaphore, #tpu.memory_space<semaphore_mem>>
      %dma_start3A_285 = arith.constant 0 : i32
      %dma_start3A_286 = tpu.memref_slice %arg8[%arg0, %mul3A_2, %dma_start3A_285] : memref<2x10240x48xf32, #tpu.memory_space<hbm>> -> memref<1x640x48xf32, #tpu.memory_space<hbm>>
      %dma_start3A_287 = tpu.memref_squeeze %dma_start3A_286 : memref<1x640x48xf32, #tpu.memory_space<hbm>> -> memref<640x48xf32, #tpu.memory_space<hbm>>
      %dma_start3A_288 = arith.constant 0 : i32
      %dma_start3A_289 = tpu.memref_slice %arg8[%arg0, %mul3A_2, %dma_start3A_288] : memref<2x10240x48xf32, #tpu.memory_space<hbm>> -> memref<1x640x48xf32, #tpu.memory_space<hbm>>
      %dma_start3A_290 = tpu.memref_squeeze %dma_start3A_289 : memref<1x640x48xf32, #tpu.memory_space<hbm>> -> memref<640x48xf32, #tpu.memory_space<hbm>>
      tpu.enqueue_dma source(%arg14 : memref<640x48xf32, #tpu.memory_space<vmem>>) target(%dma_start3A_290 : memref<640x48xf32, #tpu.memory_space<hbm>>) target_semaphore(%run_scoped3A_284 : memref<!tpu.dma_semaphore, #tpu.memory_space<semaphore_mem>>)
      %dma_wait3A_291 = arith.constant 0 : i32
      %dma_wait3A_292 = tpu.memref_slice %arg8[%arg0, %mul3A_2, %dma_wait3A_291] : memref<2x10240x48xf32, #tpu.memory_space<hbm>> -> memref<1x640x48xf32, #tpu.memory_space<hbm>>
      %dma_wait3A_293 = tpu.memref_squeeze %dma_wait3A_292 : memref<1x640x48xf32, #tpu.memory_space<hbm>> -> memref<640x48xf32, #tpu.memory_space<hbm>>
      %dma_wait3A_294 = arith.constant 0 : i32
      %dma_wait3A_295 = tpu.memref_slice %arg8[%arg0, %mul3A_2, %dma_wait3A_294] : memref<2x10240x48xf32, #tpu.memory_space<hbm>> -> memref<1x640x48xf32, #tpu.memory_space<hbm>>
      %dma_wait3A_296 = tpu.memref_squeeze %dma_wait3A_295 : memref<1x640x48xf32, #tpu.memory_space<hbm>> -> memref<640x48xf32, #tpu.memory_space<hbm>>
      tpu.wait_dma2 semaphore(%run_scoped3A_284 : memref<!tpu.dma_semaphore, #tpu.memory_space<semaphore_mem>>) src(%arg14 : memref<640x48xf32, #tpu.memory_space<vmem>>) dst(%dma_wait3A_296 : memref<640x48xf32, #tpu.memory_space<hbm>>)
      tpu.yield
    }) : () -> ()
    %eq3A = arith.constant 0 : i32
    %eq3A_66 = arith.cmpi eq, %arg0, %eq3A : i32
    %convert_element_type3A = arith.extui %eq3A_66 : i1 to i32
    %cond3A = arith.constant 0 : i32
    %cond3A_67 = arith.cmpi ne, %convert_element_type3A, %cond3A : i32
    scf.if %cond3A_67 {
      "tpu.region"() ({
        %run_scoped3A_284 = tpu.sem_alloc : memref<!tpu.dma_semaphore, #tpu.memory_space<semaphore_mem>>
        %dma_start3A_285 = arith.constant 0 : i32
        %dma_start3A_286 = tpu.memref_slice %arg16[%mul3A_2, %dma_start3A_285] : memref<10240x48xf32, #tpu.memory_space<vmem_shared>> -> memref<640x48xf32, #tpu.memory_space<vmem_shared>>
        %dma_start3A_287 = arith.constant 0 : i32
        %dma_start3A_288 = tpu.memref_slice %arg16[%mul3A_2, %dma_start3A_287] : memref<10240x48xf32, #tpu.memory_space<vmem_shared>> -> memref<640x48xf32, #tpu.memory_space<vmem_shared>>
        tpu.enqueue_dma source(%arg14 : memref<640x48xf32, #tpu.memory_space<vmem>>) target(%dma_start3A_288 : memref<640x48xf32, #tpu.memory_space<vmem_shared>>) target_semaphore(%run_scoped3A_284 : memref<!tpu.dma_semaphore, #tpu.memory_space<semaphore_mem>>)
        %dma_wait3A_289 = arith.constant 0 : i32
        %dma_wait3A_290 = tpu.memref_slice %arg16[%mul3A_2, %dma_wait3A_289] : memref<10240x48xf32, #tpu.memory_space<vmem_shared>> -> memref<640x48xf32, #tpu.memory_space<vmem_shared>>
        %dma_wait3A_291 = arith.constant 0 : i32
        %dma_wait3A_292 = tpu.memref_slice %arg16[%mul3A_2, %dma_wait3A_291] : memref<10240x48xf32, #tpu.memory_space<vmem_shared>> -> memref<640x48xf32, #tpu.memory_space<vmem_shared>>
        tpu.wait_dma2 semaphore(%run_scoped3A_284 : memref<!tpu.dma_semaphore, #tpu.memory_space<semaphore_mem>>) src(%arg14 : memref<640x48xf32, #tpu.memory_space<vmem>>) dst(%dma_wait3A_292 : memref<640x48xf32, #tpu.memory_space<vmem_shared>>)
        tpu.yield
      }) : () -> ()
    } else {
    }
    %eq3A_68 = arith.constant 1 : i32
    %eq3A_69 = arith.cmpi eq, %arg0, %eq3A_68 : i32
    %convert_element_type3A_70 = arith.extui %eq3A_69 : i1 to i32
    %cond3A_71 = arith.constant 0 : i32
    %cond3A_72 = arith.cmpi ne, %convert_element_type3A_70, %cond3A_71 : i32
    scf.if %cond3A_72 {
      "tpu.region"() ({
        %run_scoped3A_284 = tpu.sem_alloc : memref<!tpu.dma_semaphore, #tpu.memory_space<semaphore_mem>>
        %dma_start3A_285 = arith.constant 0 : i32
        %dma_start3A_286 = tpu.memref_slice %arg16[%mul3A_2, %dma_start3A_285] : memref<10240x48xf32, #tpu.memory_space<vmem_shared>> -> memref<640x48xf32, #tpu.memory_space<vmem_shared>>
        %dma_start3A_287 = arith.constant 0 : i32
        %dma_start3A_288 = tpu.memref_slice %arg4[%mul3A_2, %dma_start3A_287] : memref<10240x48xf32, #tpu.memory_space<hbm>> -> memref<640x48xf32, #tpu.memory_space<hbm>>
        tpu.enqueue_dma source(%dma_start3A_288 : memref<640x48xf32, #tpu.memory_space<hbm>>) target(%dma_start3A_286 : memref<640x48xf32, #tpu.memory_space<vmem_shared>>) target_semaphore(%run_scoped3A_284 : memref<!tpu.dma_semaphore, #tpu.memory_space<semaphore_mem>>)
        %dma_wait3A_289 = arith.constant 0 : i32
        %dma_wait3A_290 = tpu.memref_slice %arg16[%mul3A_2, %dma_wait3A_289] : memref<10240x48xf32, #tpu.memory_space<vmem_shared>> -> memref<640x48xf32, #tpu.memory_space<vmem_shared>>
        %dma_wait3A_291 = arith.constant 0 : i32
        %dma_wait3A_292 = tpu.memref_slice %arg4[%mul3A_2, %dma_wait3A_291] : memref<10240x48xf32, #tpu.memory_space<hbm>> -> memref<640x48xf32, #tpu.memory_space<hbm>>
        tpu.wait_dma2 semaphore(%run_scoped3A_284 : memref<!tpu.dma_semaphore, #tpu.memory_space<semaphore_mem>>) src(%dma_wait3A_292 : memref<640x48xf32, #tpu.memory_space<hbm>>) dst(%dma_wait3A_290 : memref<640x48xf32, #tpu.memory_space<vmem_shared>>)
        tpu.yield
      }) : () -> ()
    } else {
    }
    %barrier3A = arith.constant 0 : index
    tpu.barrier barrier_id(%barrier3A)
    %dma_start3A_73 = arith.constant 0 : i32
    %dma_start3A_74 = arith.constant 0 : i32
    %dma_start3A_75 = arith.constant 0 : i32
    %dma_start3A_76 = arith.constant 0 : i32
    %dma_start3A_77 = arith.constant 0 : i32
    %dma_start3A_78 = tpu.memref_slice %arg11[%dma_start3A_74, %dma_start3A_76, %dma_start3A_77] : memref<5x128x48xf32, #tpu.memory_space<vmem>> -> memref<1x128x48xf32, #tpu.memory_space<vmem>>
    %dma_start3A_79 = tpu.memref_squeeze %dma_start3A_78 : memref<1x128x48xf32, #tpu.memory_space<vmem>> -> memref<128x48xf32, #tpu.memory_space<vmem>>
    %dma_start3A_80 = arith.constant 0 : i32
    %dma_start3A_81 = tpu.memref_slice %arg10[%dma_start3A_73, %dma_start3A_80] : memref<80x128xi32, #tpu.memory_space<vmem>> -> memref<1x128xi32, #tpu.memory_space<vmem>>
    %dma_start3A_82 = tpu.memref_squeeze %dma_start3A_81 : memref<1x128xi32, #tpu.memory_space<vmem>> -> memref<128xi32, #tpu.memory_space<vmem>>
    %dma_start3A_83 = arith.constant 0 : i32
    %dma_start3A_84 = arith.constant 0 : i32
    %dma_start3A_85 = tpu.memref_slice %arg8[%arg0, %dma_start3A_83, %dma_start3A_84] : memref<2x10240x48xf32, #tpu.memory_space<hbm>> -> memref<1x10240x48xf32, #tpu.memory_space<hbm>>
    %dma_start3A_86 = tpu.memref_squeeze %dma_start3A_85 : memref<1x10240x48xf32, #tpu.memory_space<hbm>> -> memref<10240x48xf32, #tpu.memory_space<hbm>>
    %dma_start3A_87 = arith.constant 0 : i32
    %dma_start3A_88 = arith.constant 0 : i32
    %dma_start3A_89 = tpu.memref_slice %dma_start3A_86[%dma_start3A_87, %dma_start3A_88] : memref<10240x48xf32, #tpu.memory_space<hbm>> -> memref<10240x48xf32, #tpu.memory_space<hbm>>
    %dma_start3A_90 = tpu.memref_slice %arg17[%dma_start3A_75] : memref<5x!tpu.dma_semaphore, #tpu.memory_space<semaphore_mem>> -> memref<1x!tpu.dma_semaphore, #tpu.memory_space<semaphore_mem>>
    %dma_start3A_91 = tpu.memref_squeeze %dma_start3A_90 : memref<1x!tpu.dma_semaphore, #tpu.memory_space<semaphore_mem>> -> memref<!tpu.dma_semaphore, #tpu.memory_space<semaphore_mem>>
    tpu.enqueue_indirect_dma source(%dma_start3A_89 : memref<10240x48xf32, #tpu.memory_space<hbm>>) target(%dma_start3A_79 : memref<128x48xf32, #tpu.memory_space<vmem>>) offsets(%dma_start3A_82 : memref<128xi32, #tpu.memory_space<vmem>>) semaphore(%dma_start3A_91 : memref<!tpu.dma_semaphore, #tpu.memory_space<semaphore_mem>>)
    %dma_start3A_92 = arith.constant 1 : i32
    %dma_start3A_93 = arith.constant 1 : i32
    %dma_start3A_94 = arith.constant 1 : i32
    %dma_start3A_95 = arith.constant 0 : i32
    %dma_start3A_96 = arith.constant 0 : i32
    %dma_start3A_97 = tpu.memref_slice %arg11[%dma_start3A_93, %dma_start3A_95, %dma_start3A_96] : memref<5x128x48xf32, #tpu.memory_space<vmem>> -> memref<1x128x48xf32, #tpu.memory_space<vmem>>
    %dma_start3A_98 = tpu.memref_squeeze %dma_start3A_97 : memref<1x128x48xf32, #tpu.memory_space<vmem>> -> memref<128x48xf32, #tpu.memory_space<vmem>>
    %dma_start3A_99 = arith.constant 0 : i32
    %dma_start3A_100 = tpu.memref_slice %arg10[%dma_start3A_92, %dma_start3A_99] : memref<80x128xi32, #tpu.memory_space<vmem>> -> memref<1x128xi32, #tpu.memory_space<vmem>>
    %dma_start3A_101 = tpu.memref_squeeze %dma_start3A_100 : memref<1x128xi32, #tpu.memory_space<vmem>> -> memref<128xi32, #tpu.memory_space<vmem>>
    %dma_start3A_102 = arith.constant 0 : i32
    %dma_start3A_103 = arith.constant 0 : i32
    %dma_start3A_104 = tpu.memref_slice %arg8[%arg0, %dma_start3A_102, %dma_start3A_103] : memref<2x10240x48xf32, #tpu.memory_space<hbm>> -> memref<1x10240x48xf32, #tpu.memory_space<hbm>>
    %dma_start3A_105 = tpu.memref_squeeze %dma_start3A_104 : memref<1x10240x48xf32, #tpu.memory_space<hbm>> -> memref<10240x48xf32, #tpu.memory_space<hbm>>
    %dma_start3A_106 = arith.constant 0 : i32
    %dma_start3A_107 = arith.constant 0 : i32
    %dma_start3A_108 = tpu.memref_slice %dma_start3A_105[%dma_start3A_106, %dma_start3A_107] : memref<10240x48xf32, #tpu.memory_space<hbm>> -> memref<10240x48xf32, #tpu.memory_space<hbm>>
    %dma_start3A_109 = tpu.memref_slice %arg17[%dma_start3A_94] : memref<5x!tpu.dma_semaphore, #tpu.memory_space<semaphore_mem>> -> memref<1x!tpu.dma_semaphore, #tpu.memory_space<semaphore_mem>>
    %dma_start3A_110 = tpu.memref_squeeze %dma_start3A_109 : memref<1x!tpu.dma_semaphore, #tpu.memory_space<semaphore_mem>> -> memref<!tpu.dma_semaphore, #tpu.memory_space<semaphore_mem>>
    tpu.enqueue_indirect_dma source(%dma_start3A_108 : memref<10240x48xf32, #tpu.memory_space<hbm>>) target(%dma_start3A_98 : memref<128x48xf32, #tpu.memory_space<vmem>>) offsets(%dma_start3A_101 : memref<128xi32, #tpu.memory_space<vmem>>) semaphore(%dma_start3A_110 : memref<!tpu.dma_semaphore, #tpu.memory_space<semaphore_mem>>)
    %dma_start3A_111 = arith.constant 2 : i32
    %dma_start3A_112 = arith.constant 2 : i32
    %dma_start3A_113 = arith.constant 2 : i32
    %dma_start3A_114 = arith.constant 0 : i32
    %dma_start3A_115 = arith.constant 0 : i32
    %dma_start3A_116 = tpu.memref_slice %arg11[%dma_start3A_112, %dma_start3A_114, %dma_start3A_115] : memref<5x128x48xf32, #tpu.memory_space<vmem>> -> memref<1x128x48xf32, #tpu.memory_space<vmem>>
    %dma_start3A_117 = tpu.memref_squeeze %dma_start3A_116 : memref<1x128x48xf32, #tpu.memory_space<vmem>> -> memref<128x48xf32, #tpu.memory_space<vmem>>
    %dma_start3A_118 = arith.constant 0 : i32
    %dma_start3A_119 = tpu.memref_slice %arg10[%dma_start3A_111, %dma_start3A_118] : memref<80x128xi32, #tpu.memory_space<vmem>> -> memref<1x128xi32, #tpu.memory_space<vmem>>
    %dma_start3A_120 = tpu.memref_squeeze %dma_start3A_119 : memref<1x128xi32, #tpu.memory_space<vmem>> -> memref<128xi32, #tpu.memory_space<vmem>>
    %dma_start3A_121 = arith.constant 0 : i32
    %dma_start3A_122 = arith.constant 0 : i32
    %dma_start3A_123 = tpu.memref_slice %arg8[%arg0, %dma_start3A_121, %dma_start3A_122] : memref<2x10240x48xf32, #tpu.memory_space<hbm>> -> memref<1x10240x48xf32, #tpu.memory_space<hbm>>
    %dma_start3A_124 = tpu.memref_squeeze %dma_start3A_123 : memref<1x10240x48xf32, #tpu.memory_space<hbm>> -> memref<10240x48xf32, #tpu.memory_space<hbm>>
    %dma_start3A_125 = arith.constant 0 : i32
    %dma_start3A_126 = arith.constant 0 : i32
    %dma_start3A_127 = tpu.memref_slice %dma_start3A_124[%dma_start3A_125, %dma_start3A_126] : memref<10240x48xf32, #tpu.memory_space<hbm>> -> memref<10240x48xf32, #tpu.memory_space<hbm>>
    %dma_start3A_128 = tpu.memref_slice %arg17[%dma_start3A_113] : memref<5x!tpu.dma_semaphore, #tpu.memory_space<semaphore_mem>> -> memref<1x!tpu.dma_semaphore, #tpu.memory_space<semaphore_mem>>
    %dma_start3A_129 = tpu.memref_squeeze %dma_start3A_128 : memref<1x!tpu.dma_semaphore, #tpu.memory_space<semaphore_mem>> -> memref<!tpu.dma_semaphore, #tpu.memory_space<semaphore_mem>>
    tpu.enqueue_indirect_dma source(%dma_start3A_127 : memref<10240x48xf32, #tpu.memory_space<hbm>>) target(%dma_start3A_117 : memref<128x48xf32, #tpu.memory_space<vmem>>) offsets(%dma_start3A_120 : memref<128xi32, #tpu.memory_space<vmem>>) semaphore(%dma_start3A_129 : memref<!tpu.dma_semaphore, #tpu.memory_space<semaphore_mem>>)
    %dma_start3A_130 = arith.constant 3 : i32
    %dma_start3A_131 = arith.constant 3 : i32
    %dma_start3A_132 = arith.constant 3 : i32
    %dma_start3A_133 = arith.constant 0 : i32
    %dma_start3A_134 = arith.constant 0 : i32
    %dma_start3A_135 = tpu.memref_slice %arg11[%dma_start3A_131, %dma_start3A_133, %dma_start3A_134] : memref<5x128x48xf32, #tpu.memory_space<vmem>> -> memref<1x128x48xf32, #tpu.memory_space<vmem>>
    %dma_start3A_136 = tpu.memref_squeeze %dma_start3A_135 : memref<1x128x48xf32, #tpu.memory_space<vmem>> -> memref<128x48xf32, #tpu.memory_space<vmem>>
    %dma_start3A_137 = arith.constant 0 : i32
    %dma_start3A_138 = tpu.memref_slice %arg10[%dma_start3A_130, %dma_start3A_137] : memref<80x128xi32, #tpu.memory_space<vmem>> -> memref<1x128xi32, #tpu.memory_space<vmem>>
    %dma_start3A_139 = tpu.memref_squeeze %dma_start3A_138 : memref<1x128xi32, #tpu.memory_space<vmem>> -> memref<128xi32, #tpu.memory_space<vmem>>
    %dma_start3A_140 = arith.constant 0 : i32
    %dma_start3A_141 = arith.constant 0 : i32
    %dma_start3A_142 = tpu.memref_slice %arg8[%arg0, %dma_start3A_140, %dma_start3A_141] : memref<2x10240x48xf32, #tpu.memory_space<hbm>> -> memref<1x10240x48xf32, #tpu.memory_space<hbm>>
    %dma_start3A_143 = tpu.memref_squeeze %dma_start3A_142 : memref<1x10240x48xf32, #tpu.memory_space<hbm>> -> memref<10240x48xf32, #tpu.memory_space<hbm>>
    %dma_start3A_144 = arith.constant 0 : i32
    %dma_start3A_145 = arith.constant 0 : i32
    %dma_start3A_146 = tpu.memref_slice %dma_start3A_143[%dma_start3A_144, %dma_start3A_145] : memref<10240x48xf32, #tpu.memory_space<hbm>> -> memref<10240x48xf32, #tpu.memory_space<hbm>>
    %dma_start3A_147 = tpu.memref_slice %arg17[%dma_start3A_132] : memref<5x!tpu.dma_semaphore, #tpu.memory_space<semaphore_mem>> -> memref<1x!tpu.dma_semaphore, #tpu.memory_space<semaphore_mem>>
    %dma_start3A_148 = tpu.memref_squeeze %dma_start3A_147 : memref<1x!tpu.dma_semaphore, #tpu.memory_space<semaphore_mem>> -> memref<!tpu.dma_semaphore, #tpu.memory_space<semaphore_mem>>
    tpu.enqueue_indirect_dma source(%dma_start3A_146 : memref<10240x48xf32, #tpu.memory_space<hbm>>) target(%dma_start3A_136 : memref<128x48xf32, #tpu.memory_space<vmem>>) offsets(%dma_start3A_139 : memref<128xi32, #tpu.memory_space<vmem>>) semaphore(%dma_start3A_148 : memref<!tpu.dma_semaphore, #tpu.memory_space<semaphore_mem>>)
    %dma_start3A_149 = arith.constant 4 : i32
    %dma_start3A_150 = arith.constant 4 : i32
    %dma_start3A_151 = arith.constant 4 : i32
    %dma_start3A_152 = arith.constant 0 : i32
    %dma_start3A_153 = arith.constant 0 : i32
    %dma_start3A_154 = tpu.memref_slice %arg11[%dma_start3A_150, %dma_start3A_152, %dma_start3A_153] : memref<5x128x48xf32, #tpu.memory_space<vmem>> -> memref<1x128x48xf32, #tpu.memory_space<vmem>>
    %dma_start3A_155 = tpu.memref_squeeze %dma_start3A_154 : memref<1x128x48xf32, #tpu.memory_space<vmem>> -> memref<128x48xf32, #tpu.memory_space<vmem>>
    %dma_start3A_156 = arith.constant 0 : i32
    %dma_start3A_157 = tpu.memref_slice %arg10[%dma_start3A_149, %dma_start3A_156] : memref<80x128xi32, #tpu.memory_space<vmem>> -> memref<1x128xi32, #tpu.memory_space<vmem>>
    %dma_start3A_158 = tpu.memref_squeeze %dma_start3A_157 : memref<1x128xi32, #tpu.memory_space<vmem>> -> memref<128xi32, #tpu.memory_space<vmem>>
    %dma_start3A_159 = arith.constant 0 : i32
    %dma_start3A_160 = arith.constant 0 : i32
    %dma_start3A_161 = tpu.memref_slice %arg8[%arg0, %dma_start3A_159, %dma_start3A_160] : memref<2x10240x48xf32, #tpu.memory_space<hbm>> -> memref<1x10240x48xf32, #tpu.memory_space<hbm>>
    %dma_start3A_162 = tpu.memref_squeeze %dma_start3A_161 : memref<1x10240x48xf32, #tpu.memory_space<hbm>> -> memref<10240x48xf32, #tpu.memory_space<hbm>>
    %dma_start3A_163 = arith.constant 0 : i32
    %dma_start3A_164 = arith.constant 0 : i32
    %dma_start3A_165 = tpu.memref_slice %dma_start3A_162[%dma_start3A_163, %dma_start3A_164] : memref<10240x48xf32, #tpu.memory_space<hbm>> -> memref<10240x48xf32, #tpu.memory_space<hbm>>
    %dma_start3A_166 = tpu.memref_slice %arg17[%dma_start3A_151] : memref<5x!tpu.dma_semaphore, #tpu.memory_space<semaphore_mem>> -> memref<1x!tpu.dma_semaphore, #tpu.memory_space<semaphore_mem>>
    %dma_start3A_167 = tpu.memref_squeeze %dma_start3A_166 : memref<1x!tpu.dma_semaphore, #tpu.memory_space<semaphore_mem>> -> memref<!tpu.dma_semaphore, #tpu.memory_space<semaphore_mem>>
    tpu.enqueue_indirect_dma source(%dma_start3A_165 : memref<10240x48xf32, #tpu.memory_space<hbm>>) target(%dma_start3A_155 : memref<128x48xf32, #tpu.memory_space<vmem>>) offsets(%dma_start3A_158 : memref<128xi32, #tpu.memory_space<vmem>>) semaphore(%dma_start3A_167 : memref<!tpu.dma_semaphore, #tpu.memory_space<semaphore_mem>>)
    %scan3A_168 = arith.constant 0 : i32
    %scan3A_169 = arith.constant 15 : i32
    %scan3A_170 = arith.addi %scan3A_168, %scan3A_169 : i32
    %scan3A_171 = arith.constant 1 : i32
    scf.for %scan3A_284 = %scan3A_168 to %scan3A_170 step %scan3A_171  : i32 {
      %mul3A_285 = arith.constant 1 : i32
      %mul3A_286 = arith.muli %scan3A_284, %mul3A_285 : i32
      %add3A_287 = arith.constant 0 : i32
      %add3A_288 = arith.addi %add3A_287, %mul3A_286 : i32
      %mul3A_289 = arith.constant 5 : i32
      %mul3A_290 = arith.muli %add3A_288, %mul3A_289 : i32
      %add3A_291 = arith.constant 0 : i32
      %add3A_292 = arith.addi %mul3A_290, %add3A_291 : i32
      %dma_wait3A_293 = arith.constant 0 : i32
      %dma_wait3A_294 = arith.constant 0 : i32
      %dma_wait3A_295 = arith.constant 0 : i32
      %dma_wait3A_296 = arith.constant 0 : i32
      %dma_wait3A_297 = tpu.memref_slice %arg11[%dma_wait3A_293, %dma_wait3A_295, %dma_wait3A_296] : memref<5x128x48xf32, #tpu.memory_space<vmem>> -> memref<1x128x48xf32, #tpu.memory_space<vmem>>
      %dma_wait3A_298 = tpu.memref_squeeze %dma_wait3A_297 : memref<1x128x48xf32, #tpu.memory_space<vmem>> -> memref<128x48xf32, #tpu.memory_space<vmem>>
      %dma_wait3A_299 = arith.constant 0 : i32
      %dma_wait3A_300 = tpu.memref_slice %arg10[%add3A_292, %dma_wait3A_299] : memref<80x128xi32, #tpu.memory_space<vmem>> -> memref<1x128xi32, #tpu.memory_space<vmem>>
      %dma_wait3A_301 = tpu.memref_squeeze %dma_wait3A_300 : memref<1x128xi32, #tpu.memory_space<vmem>> -> memref<128xi32, #tpu.memory_space<vmem>>
      %dma_wait3A_302 = arith.constant 0 : i32
      %dma_wait3A_303 = arith.constant 0 : i32
      %dma_wait3A_304 = tpu.memref_slice %arg8[%arg0, %dma_wait3A_302, %dma_wait3A_303] : memref<2x10240x48xf32, #tpu.memory_space<hbm>> -> memref<1x10240x48xf32, #tpu.memory_space<hbm>>
      %dma_wait3A_305 = tpu.memref_squeeze %dma_wait3A_304 : memref<1x10240x48xf32, #tpu.memory_space<hbm>> -> memref<10240x48xf32, #tpu.memory_space<hbm>>
      %dma_wait3A_306 = arith.constant 0 : i32
      %dma_wait3A_307 = arith.constant 0 : i32
      %dma_wait3A_308 = tpu.memref_slice %dma_wait3A_305[%dma_wait3A_306, %dma_wait3A_307] : memref<10240x48xf32, #tpu.memory_space<hbm>> -> memref<10240x48xf32, #tpu.memory_space<hbm>>
      %dma_wait3A_309 = tpu.memref_slice %arg17[%dma_wait3A_294] : memref<5x!tpu.dma_semaphore, #tpu.memory_space<semaphore_mem>> -> memref<1x!tpu.dma_semaphore, #tpu.memory_space<semaphore_mem>>
      %dma_wait3A_310 = tpu.memref_squeeze %dma_wait3A_309 : memref<1x!tpu.dma_semaphore, #tpu.memory_space<semaphore_mem>> -> memref<!tpu.dma_semaphore, #tpu.memory_space<semaphore_mem>>
      tpu.wait_indirect_dma semaphore(%dma_wait3A_310 : memref<!tpu.dma_semaphore, #tpu.memory_space<semaphore_mem>>) src(%dma_wait3A_308 : memref<10240x48xf32, #tpu.memory_space<hbm>>) dst(%dma_wait3A_298 : memref<128x48xf32, #tpu.memory_space<vmem>>)
      %run_scoped3A_311 = arith.constant 0 : i32
      "tpu.region"() ({
        %run_scoped3A_504 = tpu.sem_alloc : memref<!tpu.dma_semaphore, #tpu.memory_space<semaphore_mem>>
        %dma_start3A_505 = arith.constant 0 : i32
        %dma_start3A_506 = arith.constant 0 : i32
        %dma_start3A_507 = tpu.memref_slice %arg11[%run_scoped3A_311, %dma_start3A_505, %dma_start3A_506] : memref<5x128x48xf32, #tpu.memory_space<vmem>> -> memref<1x128x48xf32, #tpu.memory_space<vmem>>
        %dma_start3A_508 = tpu.memref_squeeze %dma_start3A_507 : memref<1x128x48xf32, #tpu.memory_space<vmem>> -> memref<128x48xf32, #tpu.memory_space<vmem>>
        %dma_start3A_509 = arith.constant 0 : i32
        %dma_start3A_510 = tpu.memref_slice %arg9[%add3A_292, %dma_start3A_509] : memref<80x128xi32, #tpu.memory_space<vmem>> -> memref<1x128xi32, #tpu.memory_space<vmem>>
        %dma_start3A_511 = tpu.memref_squeeze %dma_start3A_510 : memref<1x128xi32, #tpu.memory_space<vmem>> -> memref<128xi32, #tpu.memory_space<vmem>>
        %dma_start3A_512 = arith.constant 0 : i32
        %dma_start3A_513 = arith.constant 0 : i32
        %dma_start3A_514 = tpu.memref_slice %arg16[%dma_start3A_512, %dma_start3A_513] : memref<10240x48xf32, #tpu.memory_space<vmem_shared>> -> memref<10240x48xf32, #tpu.memory_space<vmem_shared>>
        tpu.enqueue_indirect_dma source(%dma_start3A_508 : memref<128x48xf32, #tpu.memory_space<vmem>>) target(%dma_start3A_514 : memref<10240x48xf32, #tpu.memory_space<vmem_shared>>) offsets(%dma_start3A_511 : memref<128xi32, #tpu.memory_space<vmem>>) semaphore(%run_scoped3A_504 : memref<!tpu.dma_semaphore, #tpu.memory_space<semaphore_mem>>) {add = true}
        %dma_wait3A_515 = arith.constant 0 : i32
        %dma_wait3A_516 = arith.constant 0 : i32
        %dma_wait3A_517 = tpu.memref_slice %arg11[%run_scoped3A_311, %dma_wait3A_515, %dma_wait3A_516] : memref<5x128x48xf32, #tpu.memory_space<vmem>> -> memref<1x128x48xf32, #tpu.memory_space<vmem>>
        %dma_wait3A_518 = tpu.memref_squeeze %dma_wait3A_517 : memref<1x128x48xf32, #tpu.memory_space<vmem>> -> memref<128x48xf32, #tpu.memory_space<vmem>>
        %dma_wait3A_519 = arith.constant 0 : i32
        %dma_wait3A_520 = tpu.memref_slice %arg9[%add3A_292, %dma_wait3A_519] : memref<80x128xi32, #tpu.memory_space<vmem>> -> memref<1x128xi32, #tpu.memory_space<vmem>>
        %dma_wait3A_521 = tpu.memref_squeeze %dma_wait3A_520 : memref<1x128xi32, #tpu.memory_space<vmem>> -> memref<128xi32, #tpu.memory_space<vmem>>
        %dma_wait3A_522 = arith.constant 0 : i32
        %dma_wait3A_523 = arith.constant 0 : i32
        %dma_wait3A_524 = tpu.memref_slice %arg16[%dma_wait3A_522, %dma_wait3A_523] : memref<10240x48xf32, #tpu.memory_space<vmem_shared>> -> memref<10240x48xf32, #tpu.memory_space<vmem_shared>>
        tpu.wait_indirect_dma semaphore(%run_scoped3A_504 : memref<!tpu.dma_semaphore, #tpu.memory_space<semaphore_mem>>) src(%dma_wait3A_518 : memref<128x48xf32, #tpu.memory_space<vmem>>) dst(%dma_wait3A_524 : memref<10240x48xf32, #tpu.memory_space<vmem_shared>>)
        tpu.yield
      }) : () -> ()
      %add3A_312 = arith.constant 5 : i32
      %add3A_313 = arith.addi %add3A_292, %add3A_312 : i32
      %dma_start3A_314 = arith.constant 0 : i32
      %dma_start3A_315 = arith.constant 0 : i32
      %dma_start3A_316 = arith.constant 0 : i32
      %dma_start3A_317 = arith.constant 0 : i32
      %dma_start3A_318 = tpu.memref_slice %arg11[%dma_start3A_314, %dma_start3A_316, %dma_start3A_317] : memref<5x128x48xf32, #tpu.memory_space<vmem>> -> memref<1x128x48xf32, #tpu.memory_space<vmem>>
      %dma_start3A_319 = tpu.memref_squeeze %dma_start3A_318 : memref<1x128x48xf32, #tpu.memory_space<vmem>> -> memref<128x48xf32, #tpu.memory_space<vmem>>
      %dma_start3A_320 = arith.constant 0 : i32
      %dma_start3A_321 = tpu.memref_slice %arg10[%add3A_313, %dma_start3A_320] : memref<80x128xi32, #tpu.memory_space<vmem>> -> memref<1x128xi32, #tpu.memory_space<vmem>>
      %dma_start3A_322 = tpu.memref_squeeze %dma_start3A_321 : memref<1x128xi32, #tpu.memory_space<vmem>> -> memref<128xi32, #tpu.memory_space<vmem>>
      %dma_start3A_323 = arith.constant 0 : i32
      %dma_start3A_324 = arith.constant 0 : i32
      %dma_start3A_325 = tpu.memref_slice %arg8[%arg0, %dma_start3A_323, %dma_start3A_324] : memref<2x10240x48xf32, #tpu.memory_space<hbm>> -> memref<1x10240x48xf32, #tpu.memory_space<hbm>>
      %dma_start3A_326 = tpu.memref_squeeze %dma_start3A_325 : memref<1x10240x48xf32, #tpu.memory_space<hbm>> -> memref<10240x48xf32, #tpu.memory_space<hbm>>
      %dma_start3A_327 = arith.constant 0 : i32
      %dma_start3A_328 = arith.constant 0 : i32
      %dma_start3A_329 = tpu.memref_slice %dma_start3A_326[%dma_start3A_327, %dma_start3A_328] : memref<10240x48xf32, #tpu.memory_space<hbm>> -> memref<10240x48xf32, #tpu.memory_space<hbm>>
      %dma_start3A_330 = tpu.memref_slice %arg17[%dma_start3A_315] : memref<5x!tpu.dma_semaphore, #tpu.memory_space<semaphore_mem>> -> memref<1x!tpu.dma_semaphore, #tpu.memory_space<semaphore_mem>>
      %dma_start3A_331 = tpu.memref_squeeze %dma_start3A_330 : memref<1x!tpu.dma_semaphore, #tpu.memory_space<semaphore_mem>> -> memref<!tpu.dma_semaphore, #tpu.memory_space<semaphore_mem>>
      tpu.enqueue_indirect_dma source(%dma_start3A_329 : memref<10240x48xf32, #tpu.memory_space<hbm>>) target(%dma_start3A_319 : memref<128x48xf32, #tpu.memory_space<vmem>>) offsets(%dma_start3A_322 : memref<128xi32, #tpu.memory_space<vmem>>) semaphore(%dma_start3A_331 : memref<!tpu.dma_semaphore, #tpu.memory_space<semaphore_mem>>)
      %mul3A_332 = arith.constant 5 : i32
      %mul3A_333 = arith.muli %add3A_288, %mul3A_332 : i32
      %add3A_334 = arith.constant 1 : i32
      %add3A_335 = arith.addi %mul3A_333, %add3A_334 : i32
      %dma_wait3A_336 = arith.constant 1 : i32
      %dma_wait3A_337 = arith.constant 1 : i32
      %dma_wait3A_338 = arith.constant 0 : i32
      %dma_wait3A_339 = arith.constant 0 : i32
      %dma_wait3A_340 = tpu.memref_slice %arg11[%dma_wait3A_336, %dma_wait3A_338, %dma_wait3A_339] : memref<5x128x48xf32, #tpu.memory_space<vmem>> -> memref<1x128x48xf32, #tpu.memory_space<vmem>>
      %dma_wait3A_341 = tpu.memref_squeeze %dma_wait3A_340 : memref<1x128x48xf32, #tpu.memory_space<vmem>> -> memref<128x48xf32, #tpu.memory_space<vmem>>
      %dma_wait3A_342 = arith.constant 0 : i32
      %dma_wait3A_343 = tpu.memref_slice %arg10[%add3A_335, %dma_wait3A_342] : memref<80x128xi32, #tpu.memory_space<vmem>> -> memref<1x128xi32, #tpu.memory_space<vmem>>
      %dma_wait3A_344 = tpu.memref_squeeze %dma_wait3A_343 : memref<1x128xi32, #tpu.memory_space<vmem>> -> memref<128xi32, #tpu.memory_space<vmem>>
      %dma_wait3A_345 = arith.constant 0 : i32
      %dma_wait3A_346 = arith.constant 0 : i32
      %dma_wait3A_347 = tpu.memref_slice %arg8[%arg0, %dma_wait3A_345, %dma_wait3A_346] : memref<2x10240x48xf32, #tpu.memory_space<hbm>> -> memref<1x10240x48xf32, #tpu.memory_space<hbm>>
      %dma_wait3A_348 = tpu.memref_squeeze %dma_wait3A_347 : memref<1x10240x48xf32, #tpu.memory_space<hbm>> -> memref<10240x48xf32, #tpu.memory_space<hbm>>
      %dma_wait3A_349 = arith.constant 0 : i32
      %dma_wait3A_350 = arith.constant 0 : i32
      %dma_wait3A_351 = tpu.memref_slice %dma_wait3A_348[%dma_wait3A_349, %dma_wait3A_350] : memref<10240x48xf32, #tpu.memory_space<hbm>> -> memref<10240x48xf32, #tpu.memory_space<hbm>>
      %dma_wait3A_352 = tpu.memref_slice %arg17[%dma_wait3A_337] : memref<5x!tpu.dma_semaphore, #tpu.memory_space<semaphore_mem>> -> memref<1x!tpu.dma_semaphore, #tpu.memory_space<semaphore_mem>>
      %dma_wait3A_353 = tpu.memref_squeeze %dma_wait3A_352 : memref<1x!tpu.dma_semaphore, #tpu.memory_space<semaphore_mem>> -> memref<!tpu.dma_semaphore, #tpu.memory_space<semaphore_mem>>
      tpu.wait_indirect_dma semaphore(%dma_wait3A_353 : memref<!tpu.dma_semaphore, #tpu.memory_space<semaphore_mem>>) src(%dma_wait3A_351 : memref<10240x48xf32, #tpu.memory_space<hbm>>) dst(%dma_wait3A_341 : memref<128x48xf32, #tpu.memory_space<vmem>>)
      %run_scoped3A_354 = arith.constant 1 : i32
      "tpu.region"() ({
        %run_scoped3A_504 = tpu.sem_alloc : memref<!tpu.dma_semaphore, #tpu.memory_space<semaphore_mem>>
        %dma_start3A_505 = arith.constant 0 : i32
        %dma_start3A_506 = arith.constant 0 : i32
        %dma_start3A_507 = tpu.memref_slice %arg11[%run_scoped3A_354, %dma_start3A_505, %dma_start3A_506] : memref<5x128x48xf32, #tpu.memory_space<vmem>> -> memref<1x128x48xf32, #tpu.memory_space<vmem>>
        %dma_start3A_508 = tpu.memref_squeeze %dma_start3A_507 : memref<1x128x48xf32, #tpu.memory_space<vmem>> -> memref<128x48xf32, #tpu.memory_space<vmem>>
        %dma_start3A_509 = arith.constant 0 : i32
        %dma_start3A_510 = tpu.memref_slice %arg9[%add3A_335, %dma_start3A_509] : memref<80x128xi32, #tpu.memory_space<vmem>> -> memref<1x128xi32, #tpu.memory_space<vmem>>
        %dma_start3A_511 = tpu.memref_squeeze %dma_start3A_510 : memref<1x128xi32, #tpu.memory_space<vmem>> -> memref<128xi32, #tpu.memory_space<vmem>>
        %dma_start3A_512 = arith.constant 0 : i32
        %dma_start3A_513 = arith.constant 0 : i32
        %dma_start3A_514 = tpu.memref_slice %arg16[%dma_start3A_512, %dma_start3A_513] : memref<10240x48xf32, #tpu.memory_space<vmem_shared>> -> memref<10240x48xf32, #tpu.memory_space<vmem_shared>>
        tpu.enqueue_indirect_dma source(%dma_start3A_508 : memref<128x48xf32, #tpu.memory_space<vmem>>) target(%dma_start3A_514 : memref<10240x48xf32, #tpu.memory_space<vmem_shared>>) offsets(%dma_start3A_511 : memref<128xi32, #tpu.memory_space<vmem>>) semaphore(%run_scoped3A_504 : memref<!tpu.dma_semaphore, #tpu.memory_space<semaphore_mem>>) {add = true}
        %dma_wait3A_515 = arith.constant 0 : i32
        %dma_wait3A_516 = arith.constant 0 : i32
        %dma_wait3A_517 = tpu.memref_slice %arg11[%run_scoped3A_354, %dma_wait3A_515, %dma_wait3A_516] : memref<5x128x48xf32, #tpu.memory_space<vmem>> -> memref<1x128x48xf32, #tpu.memory_space<vmem>>
        %dma_wait3A_518 = tpu.memref_squeeze %dma_wait3A_517 : memref<1x128x48xf32, #tpu.memory_space<vmem>> -> memref<128x48xf32, #tpu.memory_space<vmem>>
        %dma_wait3A_519 = arith.constant 0 : i32
        %dma_wait3A_520 = tpu.memref_slice %arg9[%add3A_335, %dma_wait3A_519] : memref<80x128xi32, #tpu.memory_space<vmem>> -> memref<1x128xi32, #tpu.memory_space<vmem>>
        %dma_wait3A_521 = tpu.memref_squeeze %dma_wait3A_520 : memref<1x128xi32, #tpu.memory_space<vmem>> -> memref<128xi32, #tpu.memory_space<vmem>>
        %dma_wait3A_522 = arith.constant 0 : i32
        %dma_wait3A_523 = arith.constant 0 : i32
        %dma_wait3A_524 = tpu.memref_slice %arg16[%dma_wait3A_522, %dma_wait3A_523] : memref<10240x48xf32, #tpu.memory_space<vmem_shared>> -> memref<10240x48xf32, #tpu.memory_space<vmem_shared>>
        tpu.wait_indirect_dma semaphore(%run_scoped3A_504 : memref<!tpu.dma_semaphore, #tpu.memory_space<semaphore_mem>>) src(%dma_wait3A_518 : memref<128x48xf32, #tpu.memory_space<vmem>>) dst(%dma_wait3A_524 : memref<10240x48xf32, #tpu.memory_space<vmem_shared>>)
        tpu.yield
      }) : () -> ()
      %add3A_355 = arith.constant 5 : i32
      %add3A_356 = arith.addi %add3A_335, %add3A_355 : i32
      %dma_start3A_357 = arith.constant 1 : i32
      %dma_start3A_358 = arith.constant 1 : i32
      %dma_start3A_359 = arith.constant 0 : i32
      %dma_start3A_360 = arith.constant 0 : i32
      %dma_start3A_361 = tpu.memref_slice %arg11[%dma_start3A_357, %dma_start3A_359, %dma_start3A_360] : memref<5x128x48xf32, #tpu.memory_space<vmem>> -> memref<1x128x48xf32, #tpu.memory_space<vmem>>
      %dma_start3A_362 = tpu.memref_squeeze %dma_start3A_361 : memref<1x128x48xf32, #tpu.memory_space<vmem>> -> memref<128x48xf32, #tpu.memory_space<vmem>>
      %dma_start3A_363 = arith.constant 0 : i32
      %dma_start3A_364 = tpu.memref_slice %arg10[%add3A_356, %dma_start3A_363] : memref<80x128xi32, #tpu.memory_space<vmem>> -> memref<1x128xi32, #tpu.memory_space<vmem>>
      %dma_start3A_365 = tpu.memref_squeeze %dma_start3A_364 : memref<1x128xi32, #tpu.memory_space<vmem>> -> memref<128xi32, #tpu.memory_space<vmem>>
      %dma_start3A_366 = arith.constant 0 : i32
      %dma_start3A_367 = arith.constant 0 : i32
      %dma_start3A_368 = tpu.memref_slice %arg8[%arg0, %dma_start3A_366, %dma_start3A_367] : memref<2x10240x48xf32, #tpu.memory_space<hbm>> -> memref<1x10240x48xf32, #tpu.memory_space<hbm>>
      %dma_start3A_369 = tpu.memref_squeeze %dma_start3A_368 : memref<1x10240x48xf32, #tpu.memory_space<hbm>> -> memref<10240x48xf32, #tpu.memory_space<hbm>>
      %dma_start3A_370 = arith.constant 0 : i32
      %dma_start3A_371 = arith.constant 0 : i32
      %dma_start3A_372 = tpu.memref_slice %dma_start3A_369[%dma_start3A_370, %dma_start3A_371] : memref<10240x48xf32, #tpu.memory_space<hbm>> -> memref<10240x48xf32, #tpu.memory_space<hbm>>
      %dma_start3A_373 = tpu.memref_slice %arg17[%dma_start3A_358] : memref<5x!tpu.dma_semaphore, #tpu.memory_space<semaphore_mem>> -> memref<1x!tpu.dma_semaphore, #tpu.memory_space<semaphore_mem>>
      %dma_start3A_374 = tpu.memref_squeeze %dma_start3A_373 : memref<1x!tpu.dma_semaphore, #tpu.memory_space<semaphore_mem>> -> memref<!tpu.dma_semaphore, #tpu.memory_space<semaphore_mem>>
      tpu.enqueue_indirect_dma source(%dma_start3A_372 : memref<10240x48xf32, #tpu.memory_space<hbm>>) target(%dma_start3A_362 : memref<128x48xf32, #tpu.memory_space<vmem>>) offsets(%dma_start3A_365 : memref<128xi32, #tpu.memory_space<vmem>>) semaphore(%dma_start3A_374 : memref<!tpu.dma_semaphore, #tpu.memory_space<semaphore_mem>>)
      %mul3A_375 = arith.constant 5 : i32
      %mul3A_376 = arith.muli %add3A_288, %mul3A_375 : i32
      %add3A_377 = arith.constant 2 : i32
      %add3A_378 = arith.addi %mul3A_376, %add3A_377 : i32
      %dma_wait3A_379 = arith.constant 2 : i32
      %dma_wait3A_380 = arith.constant 2 : i32
      %dma_wait3A_381 = arith.constant 0 : i32
      %dma_wait3A_382 = arith.constant 0 : i32
      %dma_wait3A_383 = tpu.memref_slice %arg11[%dma_wait3A_379, %dma_wait3A_381, %dma_wait3A_382] : memref<5x128x48xf32, #tpu.memory_space<vmem>> -> memref<1x128x48xf32, #tpu.memory_space<vmem>>
      %dma_wait3A_384 = tpu.memref_squeeze %dma_wait3A_383 : memref<1x128x48xf32, #tpu.memory_space<vmem>> -> memref<128x48xf32, #tpu.memory_space<vmem>>
      %dma_wait3A_385 = arith.constant 0 : i32
      %dma_wait3A_386 = tpu.memref_slice %arg10[%add3A_378, %dma_wait3A_385] : memref<80x128xi32, #tpu.memory_space<vmem>> -> memref<1x128xi32, #tpu.memory_space<vmem>>
      %dma_wait3A_387 = tpu.memref_squeeze %dma_wait3A_386 : memref<1x128xi32, #tpu.memory_space<vmem>> -> memref<128xi32, #tpu.memory_space<vmem>>
      %dma_wait3A_388 = arith.constant 0 : i32
      %dma_wait3A_389 = arith.constant 0 : i32
      %dma_wait3A_390 = tpu.memref_slice %arg8[%arg0, %dma_wait3A_388, %dma_wait3A_389] : memref<2x10240x48xf32, #tpu.memory_space<hbm>> -> memref<1x10240x48xf32, #tpu.memory_space<hbm>>
      %dma_wait3A_391 = tpu.memref_squeeze %dma_wait3A_390 : memref<1x10240x48xf32, #tpu.memory_space<hbm>> -> memref<10240x48xf32, #tpu.memory_space<hbm>>
      %dma_wait3A_392 = arith.constant 0 : i32
      %dma_wait3A_393 = arith.constant 0 : i32
      %dma_wait3A_394 = tpu.memref_slice %dma_wait3A_391[%dma_wait3A_392, %dma_wait3A_393] : memref<10240x48xf32, #tpu.memory_space<hbm>> -> memref<10240x48xf32, #tpu.memory_space<hbm>>
      %dma_wait3A_395 = tpu.memref_slice %arg17[%dma_wait3A_380] : memref<5x!tpu.dma_semaphore, #tpu.memory_space<semaphore_mem>> -> memref<1x!tpu.dma_semaphore, #tpu.memory_space<semaphore_mem>>
      %dma_wait3A_396 = tpu.memref_squeeze %dma_wait3A_395 : memref<1x!tpu.dma_semaphore, #tpu.memory_space<semaphore_mem>> -> memref<!tpu.dma_semaphore, #tpu.memory_space<semaphore_mem>>
      tpu.wait_indirect_dma semaphore(%dma_wait3A_396 : memref<!tpu.dma_semaphore, #tpu.memory_space<semaphore_mem>>) src(%dma_wait3A_394 : memref<10240x48xf32, #tpu.memory_space<hbm>>) dst(%dma_wait3A_384 : memref<128x48xf32, #tpu.memory_space<vmem>>)
      %run_scoped3A_397 = arith.constant 2 : i32
      "tpu.region"() ({
        %run_scoped3A_504 = tpu.sem_alloc : memref<!tpu.dma_semaphore, #tpu.memory_space<semaphore_mem>>
        %dma_start3A_505 = arith.constant 0 : i32
        %dma_start3A_506 = arith.constant 0 : i32
        %dma_start3A_507 = tpu.memref_slice %arg11[%run_scoped3A_397, %dma_start3A_505, %dma_start3A_506] : memref<5x128x48xf32, #tpu.memory_space<vmem>> -> memref<1x128x48xf32, #tpu.memory_space<vmem>>
        %dma_start3A_508 = tpu.memref_squeeze %dma_start3A_507 : memref<1x128x48xf32, #tpu.memory_space<vmem>> -> memref<128x48xf32, #tpu.memory_space<vmem>>
        %dma_start3A_509 = arith.constant 0 : i32
        %dma_start3A_510 = tpu.memref_slice %arg9[%add3A_378, %dma_start3A_509] : memref<80x128xi32, #tpu.memory_space<vmem>> -> memref<1x128xi32, #tpu.memory_space<vmem>>
        %dma_start3A_511 = tpu.memref_squeeze %dma_start3A_510 : memref<1x128xi32, #tpu.memory_space<vmem>> -> memref<128xi32, #tpu.memory_space<vmem>>
        %dma_start3A_512 = arith.constant 0 : i32
        %dma_start3A_513 = arith.constant 0 : i32
        %dma_start3A_514 = tpu.memref_slice %arg16[%dma_start3A_512, %dma_start3A_513] : memref<10240x48xf32, #tpu.memory_space<vmem_shared>> -> memref<10240x48xf32, #tpu.memory_space<vmem_shared>>
        tpu.enqueue_indirect_dma source(%dma_start3A_508 : memref<128x48xf32, #tpu.memory_space<vmem>>) target(%dma_start3A_514 : memref<10240x48xf32, #tpu.memory_space<vmem_shared>>) offsets(%dma_start3A_511 : memref<128xi32, #tpu.memory_space<vmem>>) semaphore(%run_scoped3A_504 : memref<!tpu.dma_semaphore, #tpu.memory_space<semaphore_mem>>) {add = true}
        %dma_wait3A_515 = arith.constant 0 : i32
        %dma_wait3A_516 = arith.constant 0 : i32
        %dma_wait3A_517 = tpu.memref_slice %arg11[%run_scoped3A_397, %dma_wait3A_515, %dma_wait3A_516] : memref<5x128x48xf32, #tpu.memory_space<vmem>> -> memref<1x128x48xf32, #tpu.memory_space<vmem>>
        %dma_wait3A_518 = tpu.memref_squeeze %dma_wait3A_517 : memref<1x128x48xf32, #tpu.memory_space<vmem>> -> memref<128x48xf32, #tpu.memory_space<vmem>>
        %dma_wait3A_519 = arith.constant 0 : i32
        %dma_wait3A_520 = tpu.memref_slice %arg9[%add3A_378, %dma_wait3A_519] : memref<80x128xi32, #tpu.memory_space<vmem>> -> memref<1x128xi32, #tpu.memory_space<vmem>>
        %dma_wait3A_521 = tpu.memref_squeeze %dma_wait3A_520 : memref<1x128xi32, #tpu.memory_space<vmem>> -> memref<128xi32, #tpu.memory_space<vmem>>
        %dma_wait3A_522 = arith.constant 0 : i32
        %dma_wait3A_523 = arith.constant 0 : i32
        %dma_wait3A_524 = tpu.memref_slice %arg16[%dma_wait3A_522, %dma_wait3A_523] : memref<10240x48xf32, #tpu.memory_space<vmem_shared>> -> memref<10240x48xf32, #tpu.memory_space<vmem_shared>>
        tpu.wait_indirect_dma semaphore(%run_scoped3A_504 : memref<!tpu.dma_semaphore, #tpu.memory_space<semaphore_mem>>) src(%dma_wait3A_518 : memref<128x48xf32, #tpu.memory_space<vmem>>) dst(%dma_wait3A_524 : memref<10240x48xf32, #tpu.memory_space<vmem_shared>>)
        tpu.yield
      }) : () -> ()
      %add3A_398 = arith.constant 5 : i32
      %add3A_399 = arith.addi %add3A_378, %add3A_398 : i32
      %dma_start3A_400 = arith.constant 2 : i32
      %dma_start3A_401 = arith.constant 2 : i32
      %dma_start3A_402 = arith.constant 0 : i32
      %dma_start3A_403 = arith.constant 0 : i32
      %dma_start3A_404 = tpu.memref_slice %arg11[%dma_start3A_400, %dma_start3A_402, %dma_start3A_403] : memref<5x128x48xf32, #tpu.memory_space<vmem>> -> memref<1x128x48xf32, #tpu.memory_space<vmem>>
      %dma_start3A_405 = tpu.memref_squeeze %dma_start3A_404 : memref<1x128x48xf32, #tpu.memory_space<vmem>> -> memref<128x48xf32, #tpu.memory_space<vmem>>
      %dma_start3A_406 = arith.constant 0 : i32
      %dma_start3A_407 = tpu.memref_slice %arg10[%add3A_399, %dma_start3A_406] : memref<80x128xi32, #tpu.memory_space<vmem>> -> memref<1x128xi32, #tpu.memory_space<vmem>>
      %dma_start3A_408 = tpu.memref_squeeze %dma_start3A_407 : memref<1x128xi32, #tpu.memory_space<vmem>> -> memref<128xi32, #tpu.memory_space<vmem>>
      %dma_start3A_409 = arith.constant 0 : i32
      %dma_start3A_410 = arith.constant 0 : i32
      %dma_start3A_411 = tpu.memref_slice %arg8[%arg0, %dma_start3A_409, %dma_start3A_410] : memref<2x10240x48xf32, #tpu.memory_space<hbm>> -> memref<1x10240x48xf32, #tpu.memory_space<hbm>>
      %dma_start3A_412 = tpu.memref_squeeze %dma_start3A_411 : memref<1x10240x48xf32, #tpu.memory_space<hbm>> -> memref<10240x48xf32, #tpu.memory_space<hbm>>
      %dma_start3A_413 = arith.constant 0 : i32
      %dma_start3A_414 = arith.constant 0 : i32
      %dma_start3A_415 = tpu.memref_slice %dma_start3A_412[%dma_start3A_413, %dma_start3A_414] : memref<10240x48xf32, #tpu.memory_space<hbm>> -> memref<10240x48xf32, #tpu.memory_space<hbm>>
      %dma_start3A_416 = tpu.memref_slice %arg17[%dma_start3A_401] : memref<5x!tpu.dma_semaphore, #tpu.memory_space<semaphore_mem>> -> memref<1x!tpu.dma_semaphore, #tpu.memory_space<semaphore_mem>>
      %dma_start3A_417 = tpu.memref_squeeze %dma_start3A_416 : memref<1x!tpu.dma_semaphore, #tpu.memory_space<semaphore_mem>> -> memref<!tpu.dma_semaphore, #tpu.memory_space<semaphore_mem>>
      tpu.enqueue_indirect_dma source(%dma_start3A_415 : memref<10240x48xf32, #tpu.memory_space<hbm>>) target(%dma_start3A_405 : memref<128x48xf32, #tpu.memory_space<vmem>>) offsets(%dma_start3A_408 : memref<128xi32, #tpu.memory_space<vmem>>) semaphore(%dma_start3A_417 : memref<!tpu.dma_semaphore, #tpu.memory_space<semaphore_mem>>)
      %mul3A_418 = arith.constant 5 : i32
      %mul3A_419 = arith.muli %add3A_288, %mul3A_418 : i32
      %add3A_420 = arith.constant 3 : i32
      %add3A_421 = arith.addi %mul3A_419, %add3A_420 : i32
      %dma_wait3A_422 = arith.constant 3 : i32
      %dma_wait3A_423 = arith.constant 3 : i32
      %dma_wait3A_424 = arith.constant 0 : i32
      %dma_wait3A_425 = arith.constant 0 : i32
      %dma_wait3A_426 = tpu.memref_slice %arg11[%dma_wait3A_422, %dma_wait3A_424, %dma_wait3A_425] : memref<5x128x48xf32, #tpu.memory_space<vmem>> -> memref<1x128x48xf32, #tpu.memory_space<vmem>>
      %dma_wait3A_427 = tpu.memref_squeeze %dma_wait3A_426 : memref<1x128x48xf32, #tpu.memory_space<vmem>> -> memref<128x48xf32, #tpu.memory_space<vmem>>
      %dma_wait3A_428 = arith.constant 0 : i32
      %dma_wait3A_429 = tpu.memref_slice %arg10[%add3A_421, %dma_wait3A_428] : memref<80x128xi32, #tpu.memory_space<vmem>> -> memref<1x128xi32, #tpu.memory_space<vmem>>
      %dma_wait3A_430 = tpu.memref_squeeze %dma_wait3A_429 : memref<1x128xi32, #tpu.memory_space<vmem>> -> memref<128xi32, #tpu.memory_space<vmem>>
      %dma_wait3A_431 = arith.constant 0 : i32
      %dma_wait3A_432 = arith.constant 0 : i32
      %dma_wait3A_433 = tpu.memref_slice %arg8[%arg0, %dma_wait3A_431, %dma_wait3A_432] : memref<2x10240x48xf32, #tpu.memory_space<hbm>> -> memref<1x10240x48xf32, #tpu.memory_space<hbm>>
      %dma_wait3A_434 = tpu.memref_squeeze %dma_wait3A_433 : memref<1x10240x48xf32, #tpu.memory_space<hbm>> -> memref<10240x48xf32, #tpu.memory_space<hbm>>
      %dma_wait3A_435 = arith.constant 0 : i32
      %dma_wait3A_436 = arith.constant 0 : i32
      %dma_wait3A_437 = tpu.memref_slice %dma_wait3A_434[%dma_wait3A_435, %dma_wait3A_436] : memref<10240x48xf32, #tpu.memory_space<hbm>> -> memref<10240x48xf32, #tpu.memory_space<hbm>>
      %dma_wait3A_438 = tpu.memref_slice %arg17[%dma_wait3A_423] : memref<5x!tpu.dma_semaphore, #tpu.memory_space<semaphore_mem>> -> memref<1x!tpu.dma_semaphore, #tpu.memory_space<semaphore_mem>>
      %dma_wait3A_439 = tpu.memref_squeeze %dma_wait3A_438 : memref<1x!tpu.dma_semaphore, #tpu.memory_space<semaphore_mem>> -> memref<!tpu.dma_semaphore, #tpu.memory_space<semaphore_mem>>
      tpu.wait_indirect_dma semaphore(%dma_wait3A_439 : memref<!tpu.dma_semaphore, #tpu.memory_space<semaphore_mem>>) src(%dma_wait3A_437 : memref<10240x48xf32, #tpu.memory_space<hbm>>) dst(%dma_wait3A_427 : memref<128x48xf32, #tpu.memory_space<vmem>>)
      %run_scoped3A_440 = arith.constant 3 : i32
      "tpu.region"() ({
        %run_scoped3A_504 = tpu.sem_alloc : memref<!tpu.dma_semaphore, #tpu.memory_space<semaphore_mem>>
        %dma_start3A_505 = arith.constant 0 : i32
        %dma_start3A_506 = arith.constant 0 : i32
        %dma_start3A_507 = tpu.memref_slice %arg11[%run_scoped3A_440, %dma_start3A_505, %dma_start3A_506] : memref<5x128x48xf32, #tpu.memory_space<vmem>> -> memref<1x128x48xf32, #tpu.memory_space<vmem>>
        %dma_start3A_508 = tpu.memref_squeeze %dma_start3A_507 : memref<1x128x48xf32, #tpu.memory_space<vmem>> -> memref<128x48xf32, #tpu.memory_space<vmem>>
        %dma_start3A_509 = arith.constant 0 : i32
        %dma_start3A_510 = tpu.memref_slice %arg9[%add3A_421, %dma_start3A_509] : memref<80x128xi32, #tpu.memory_space<vmem>> -> memref<1x128xi32, #tpu.memory_space<vmem>>
        %dma_start3A_511 = tpu.memref_squeeze %dma_start3A_510 : memref<1x128xi32, #tpu.memory_space<vmem>> -> memref<128xi32, #tpu.memory_space<vmem>>
        %dma_start3A_512 = arith.constant 0 : i32
        %dma_start3A_513 = arith.constant 0 : i32
        %dma_start3A_514 = tpu.memref_slice %arg16[%dma_start3A_512, %dma_start3A_513] : memref<10240x48xf32, #tpu.memory_space<vmem_shared>> -> memref<10240x48xf32, #tpu.memory_space<vmem_shared>>
        tpu.enqueue_indirect_dma source(%dma_start3A_508 : memref<128x48xf32, #tpu.memory_space<vmem>>) target(%dma_start3A_514 : memref<10240x48xf32, #tpu.memory_space<vmem_shared>>) offsets(%dma_start3A_511 : memref<128xi32, #tpu.memory_space<vmem>>) semaphore(%run_scoped3A_504 : memref<!tpu.dma_semaphore, #tpu.memory_space<semaphore_mem>>) {add = true}
        %dma_wait3A_515 = arith.constant 0 : i32
        %dma_wait3A_516 = arith.constant 0 : i32
        %dma_wait3A_517 = tpu.memref_slice %arg11[%run_scoped3A_440, %dma_wait3A_515, %dma_wait3A_516] : memref<5x128x48xf32, #tpu.memory_space<vmem>> -> memref<1x128x48xf32, #tpu.memory_space<vmem>>
        %dma_wait3A_518 = tpu.memref_squeeze %dma_wait3A_517 : memref<1x128x48xf32, #tpu.memory_space<vmem>> -> memref<128x48xf32, #tpu.memory_space<vmem>>
        %dma_wait3A_519 = arith.constant 0 : i32
        %dma_wait3A_520 = tpu.memref_slice %arg9[%add3A_421, %dma_wait3A_519] : memref<80x128xi32, #tpu.memory_space<vmem>> -> memref<1x128xi32, #tpu.memory_space<vmem>>
        %dma_wait3A_521 = tpu.memref_squeeze %dma_wait3A_520 : memref<1x128xi32, #tpu.memory_space<vmem>> -> memref<128xi32, #tpu.memory_space<vmem>>
        %dma_wait3A_522 = arith.constant 0 : i32
        %dma_wait3A_523 = arith.constant 0 : i32
        %dma_wait3A_524 = tpu.memref_slice %arg16[%dma_wait3A_522, %dma_wait3A_523] : memref<10240x48xf32, #tpu.memory_space<vmem_shared>> -> memref<10240x48xf32, #tpu.memory_space<vmem_shared>>
        tpu.wait_indirect_dma semaphore(%run_scoped3A_504 : memref<!tpu.dma_semaphore, #tpu.memory_space<semaphore_mem>>) src(%dma_wait3A_518 : memref<128x48xf32, #tpu.memory_space<vmem>>) dst(%dma_wait3A_524 : memref<10240x48xf32, #tpu.memory_space<vmem_shared>>)
        tpu.yield
      }) : () -> ()
      %add3A_441 = arith.constant 5 : i32
      %add3A_442 = arith.addi %add3A_421, %add3A_441 : i32
      %dma_start3A_443 = arith.constant 3 : i32
      %dma_start3A_444 = arith.constant 3 : i32
      %dma_start3A_445 = arith.constant 0 : i32
      %dma_start3A_446 = arith.constant 0 : i32
      %dma_start3A_447 = tpu.memref_slice %arg11[%dma_start3A_443, %dma_start3A_445, %dma_start3A_446] : memref<5x128x48xf32, #tpu.memory_space<vmem>> -> memref<1x128x48xf32, #tpu.memory_space<vmem>>
      %dma_start3A_448 = tpu.memref_squeeze %dma_start3A_447 : memref<1x128x48xf32, #tpu.memory_space<vmem>> -> memref<128x48xf32, #tpu.memory_space<vmem>>
      %dma_start3A_449 = arith.constant 0 : i32
      %dma_start3A_450 = tpu.memref_slice %arg10[%add3A_442, %dma_start3A_449] : memref<80x128xi32, #tpu.memory_space<vmem>> -> memref<1x128xi32, #tpu.memory_space<vmem>>
      %dma_start3A_451 = tpu.memref_squeeze %dma_start3A_450 : memref<1x128xi32, #tpu.memory_space<vmem>> -> memref<128xi32, #tpu.memory_space<vmem>>
      %dma_start3A_452 = arith.constant 0 : i32
      %dma_start3A_453 = arith.constant 0 : i32
      %dma_start3A_454 = tpu.memref_slice %arg8[%arg0, %dma_start3A_452, %dma_start3A_453] : memref<2x10240x48xf32, #tpu.memory_space<hbm>> -> memref<1x10240x48xf32, #tpu.memory_space<hbm>>
      %dma_start3A_455 = tpu.memref_squeeze %dma_start3A_454 : memref<1x10240x48xf32, #tpu.memory_space<hbm>> -> memref<10240x48xf32, #tpu.memory_space<hbm>>
      %dma_start3A_456 = arith.constant 0 : i32
      %dma_start3A_457 = arith.constant 0 : i32
      %dma_start3A_458 = tpu.memref_slice %dma_start3A_455[%dma_start3A_456, %dma_start3A_457] : memref<10240x48xf32, #tpu.memory_space<hbm>> -> memref<10240x48xf32, #tpu.memory_space<hbm>>
      %dma_start3A_459 = tpu.memref_slice %arg17[%dma_start3A_444] : memref<5x!tpu.dma_semaphore, #tpu.memory_space<semaphore_mem>> -> memref<1x!tpu.dma_semaphore, #tpu.memory_space<semaphore_mem>>
      %dma_start3A_460 = tpu.memref_squeeze %dma_start3A_459 : memref<1x!tpu.dma_semaphore, #tpu.memory_space<semaphore_mem>> -> memref<!tpu.dma_semaphore, #tpu.memory_space<semaphore_mem>>
      tpu.enqueue_indirect_dma source(%dma_start3A_458 : memref<10240x48xf32, #tpu.memory_space<hbm>>) target(%dma_start3A_448 : memref<128x48xf32, #tpu.memory_space<vmem>>) offsets(%dma_start3A_451 : memref<128xi32, #tpu.memory_space<vmem>>) semaphore(%dma_start3A_460 : memref<!tpu.dma_semaphore, #tpu.memory_space<semaphore_mem>>)
      %mul3A_461 = arith.constant 5 : i32
      %mul3A_462 = arith.muli %add3A_288, %mul3A_461 : i32
      %add3A_463 = arith.constant 4 : i32
      %add3A_464 = arith.addi %mul3A_462, %add3A_463 : i32
      %dma_wait3A_465 = arith.constant 4 : i32
      %dma_wait3A_466 = arith.constant 4 : i32
      %dma_wait3A_467 = arith.constant 0 : i32
      %dma_wait3A_468 = arith.constant 0 : i32
      %dma_wait3A_469 = tpu.memref_slice %arg11[%dma_wait3A_465, %dma_wait3A_467, %dma_wait3A_468] : memref<5x128x48xf32, #tpu.memory_space<vmem>> -> memref<1x128x48xf32, #tpu.memory_space<vmem>>
      %dma_wait3A_470 = tpu.memref_squeeze %dma_wait3A_469 : memref<1x128x48xf32, #tpu.memory_space<vmem>> -> memref<128x48xf32, #tpu.memory_space<vmem>>
      %dma_wait3A_471 = arith.constant 0 : i32
      %dma_wait3A_472 = tpu.memref_slice %arg10[%add3A_464, %dma_wait3A_471] : memref<80x128xi32, #tpu.memory_space<vmem>> -> memref<1x128xi32, #tpu.memory_space<vmem>>
      %dma_wait3A_473 = tpu.memref_squeeze %dma_wait3A_472 : memref<1x128xi32, #tpu.memory_space<vmem>> -> memref<128xi32, #tpu.memory_space<vmem>>
      %dma_wait3A_474 = arith.constant 0 : i32
      %dma_wait3A_475 = arith.constant 0 : i32
      %dma_wait3A_476 = tpu.memref_slice %arg8[%arg0, %dma_wait3A_474, %dma_wait3A_475] : memref<2x10240x48xf32, #tpu.memory_space<hbm>> -> memref<1x10240x48xf32, #tpu.memory_space<hbm>>
      %dma_wait3A_477 = tpu.memref_squeeze %dma_wait3A_476 : memref<1x10240x48xf32, #tpu.memory_space<hbm>> -> memref<10240x48xf32, #tpu.memory_space<hbm>>
      %dma_wait3A_478 = arith.constant 0 : i32
      %dma_wait3A_479 = arith.constant 0 : i32
      %dma_wait3A_480 = tpu.memref_slice %dma_wait3A_477[%dma_wait3A_478, %dma_wait3A_479] : memref<10240x48xf32, #tpu.memory_space<hbm>> -> memref<10240x48xf32, #tpu.memory_space<hbm>>
      %dma_wait3A_481 = tpu.memref_slice %arg17[%dma_wait3A_466] : memref<5x!tpu.dma_semaphore, #tpu.memory_space<semaphore_mem>> -> memref<1x!tpu.dma_semaphore, #tpu.memory_space<semaphore_mem>>
      %dma_wait3A_482 = tpu.memref_squeeze %dma_wait3A_481 : memref<1x!tpu.dma_semaphore, #tpu.memory_space<semaphore_mem>> -> memref<!tpu.dma_semaphore, #tpu.memory_space<semaphore_mem>>
      tpu.wait_indirect_dma semaphore(%dma_wait3A_482 : memref<!tpu.dma_semaphore, #tpu.memory_space<semaphore_mem>>) src(%dma_wait3A_480 : memref<10240x48xf32, #tpu.memory_space<hbm>>) dst(%dma_wait3A_470 : memref<128x48xf32, #tpu.memory_space<vmem>>)
      %run_scoped3A_483 = arith.constant 4 : i32
      "tpu.region"() ({
        %run_scoped3A_504 = tpu.sem_alloc : memref<!tpu.dma_semaphore, #tpu.memory_space<semaphore_mem>>
        %dma_start3A_505 = arith.constant 0 : i32
        %dma_start3A_506 = arith.constant 0 : i32
        %dma_start3A_507 = tpu.memref_slice %arg11[%run_scoped3A_483, %dma_start3A_505, %dma_start3A_506] : memref<5x128x48xf32, #tpu.memory_space<vmem>> -> memref<1x128x48xf32, #tpu.memory_space<vmem>>
        %dma_start3A_508 = tpu.memref_squeeze %dma_start3A_507 : memref<1x128x48xf32, #tpu.memory_space<vmem>> -> memref<128x48xf32, #tpu.memory_space<vmem>>
        %dma_start3A_509 = arith.constant 0 : i32
        %dma_start3A_510 = tpu.memref_slice %arg9[%add3A_464, %dma_start3A_509] : memref<80x128xi32, #tpu.memory_space<vmem>> -> memref<1x128xi32, #tpu.memory_space<vmem>>
        %dma_start3A_511 = tpu.memref_squeeze %dma_start3A_510 : memref<1x128xi32, #tpu.memory_space<vmem>> -> memref<128xi32, #tpu.memory_space<vmem>>
        %dma_start3A_512 = arith.constant 0 : i32
        %dma_start3A_513 = arith.constant 0 : i32
        %dma_start3A_514 = tpu.memref_slice %arg16[%dma_start3A_512, %dma_start3A_513] : memref<10240x48xf32, #tpu.memory_space<vmem_shared>> -> memref<10240x48xf32, #tpu.memory_space<vmem_shared>>
        tpu.enqueue_indirect_dma source(%dma_start3A_508 : memref<128x48xf32, #tpu.memory_space<vmem>>) target(%dma_start3A_514 : memref<10240x48xf32, #tpu.memory_space<vmem_shared>>) offsets(%dma_start3A_511 : memref<128xi32, #tpu.memory_space<vmem>>) semaphore(%run_scoped3A_504 : memref<!tpu.dma_semaphore, #tpu.memory_space<semaphore_mem>>) {add = true}
        %dma_wait3A_515 = arith.constant 0 : i32
        %dma_wait3A_516 = arith.constant 0 : i32
        %dma_wait3A_517 = tpu.memref_slice %arg11[%run_scoped3A_483, %dma_wait3A_515, %dma_wait3A_516] : memref<5x128x48xf32, #tpu.memory_space<vmem>> -> memref<1x128x48xf32, #tpu.memory_space<vmem>>
        %dma_wait3A_518 = tpu.memref_squeeze %dma_wait3A_517 : memref<1x128x48xf32, #tpu.memory_space<vmem>> -> memref<128x48xf32, #tpu.memory_space<vmem>>
        %dma_wait3A_519 = arith.constant 0 : i32
        %dma_wait3A_520 = tpu.memref_slice %arg9[%add3A_464, %dma_wait3A_519] : memref<80x128xi32, #tpu.memory_space<vmem>> -> memref<1x128xi32, #tpu.memory_space<vmem>>
        %dma_wait3A_521 = tpu.memref_squeeze %dma_wait3A_520 : memref<1x128xi32, #tpu.memory_space<vmem>> -> memref<128xi32, #tpu.memory_space<vmem>>
        %dma_wait3A_522 = arith.constant 0 : i32
        %dma_wait3A_523 = arith.constant 0 : i32
        %dma_wait3A_524 = tpu.memref_slice %arg16[%dma_wait3A_522, %dma_wait3A_523] : memref<10240x48xf32, #tpu.memory_space<vmem_shared>> -> memref<10240x48xf32, #tpu.memory_space<vmem_shared>>
        tpu.wait_indirect_dma semaphore(%run_scoped3A_504 : memref<!tpu.dma_semaphore, #tpu.memory_space<semaphore_mem>>) src(%dma_wait3A_518 : memref<128x48xf32, #tpu.memory_space<vmem>>) dst(%dma_wait3A_524 : memref<10240x48xf32, #tpu.memory_space<vmem_shared>>)
        tpu.yield
      }) : () -> ()
      %add3A_484 = arith.constant 5 : i32
      %add3A_485 = arith.addi %add3A_464, %add3A_484 : i32
      %dma_start3A_486 = arith.constant 4 : i32
      %dma_start3A_487 = arith.constant 4 : i32
      %dma_start3A_488 = arith.constant 0 : i32
      %dma_start3A_489 = arith.constant 0 : i32
      %dma_start3A_490 = tpu.memref_slice %arg11[%dma_start3A_486, %dma_start3A_488, %dma_start3A_489] : memref<5x128x48xf32, #tpu.memory_space<vmem>> -> memref<1x128x48xf32, #tpu.memory_space<vmem>>
      %dma_start3A_491 = tpu.memref_squeeze %dma_start3A_490 : memref<1x128x48xf32, #tpu.memory_space<vmem>> -> memref<128x48xf32, #tpu.memory_space<vmem>>
      %dma_start3A_492 = arith.constant 0 : i32
      %dma_start3A_493 = tpu.memref_slice %arg10[%add3A_485, %dma_start3A_492] : memref<80x128xi32, #tpu.memory_space<vmem>> -> memref<1x128xi32, #tpu.memory_space<vmem>>
      %dma_start3A_494 = tpu.memref_squeeze %dma_start3A_493 : memref<1x128xi32, #tpu.memory_space<vmem>> -> memref<128xi32, #tpu.memory_space<vmem>>
      %dma_start3A_495 = arith.constant 0 : i32
      %dma_start3A_496 = arith.constant 0 : i32
      %dma_start3A_497 = tpu.memref_slice %arg8[%arg0, %dma_start3A_495, %dma_start3A_496] : memref<2x10240x48xf32, #tpu.memory_space<hbm>> -> memref<1x10240x48xf32, #tpu.memory_space<hbm>>
      %dma_start3A_498 = tpu.memref_squeeze %dma_start3A_497 : memref<1x10240x48xf32, #tpu.memory_space<hbm>> -> memref<10240x48xf32, #tpu.memory_space<hbm>>
      %dma_start3A_499 = arith.constant 0 : i32
      %dma_start3A_500 = arith.constant 0 : i32
      %dma_start3A_501 = tpu.memref_slice %dma_start3A_498[%dma_start3A_499, %dma_start3A_500] : memref<10240x48xf32, #tpu.memory_space<hbm>> -> memref<10240x48xf32, #tpu.memory_space<hbm>>
      %dma_start3A_502 = tpu.memref_slice %arg17[%dma_start3A_487] : memref<5x!tpu.dma_semaphore, #tpu.memory_space<semaphore_mem>> -> memref<1x!tpu.dma_semaphore, #tpu.memory_space<semaphore_mem>>
      %dma_start3A_503 = tpu.memref_squeeze %dma_start3A_502 : memref<1x!tpu.dma_semaphore, #tpu.memory_space<semaphore_mem>> -> memref<!tpu.dma_semaphore, #tpu.memory_space<semaphore_mem>>
      tpu.enqueue_indirect_dma source(%dma_start3A_501 : memref<10240x48xf32, #tpu.memory_space<hbm>>) target(%dma_start3A_491 : memref<128x48xf32, #tpu.memory_space<vmem>>) offsets(%dma_start3A_494 : memref<128xi32, #tpu.memory_space<vmem>>) semaphore(%dma_start3A_503 : memref<!tpu.dma_semaphore, #tpu.memory_space<semaphore_mem>>)
    }
    %scan3A_172 = arith.constant 15 : i32
    %dma_wait3A_173 = arith.constant 75 : i32
    %dma_wait3A_174 = arith.constant 0 : i32
    %dma_wait3A_175 = arith.constant 0 : i32
    %dma_wait3A_176 = arith.constant 0 : i32
    %dma_wait3A_177 = arith.constant 0 : i32
    %dma_wait3A_178 = tpu.memref_slice %arg11[%dma_wait3A_174, %dma_wait3A_176, %dma_wait3A_177] : memref<5x128x48xf32, #tpu.memory_space<vmem>> -> memref<1x128x48xf32, #tpu.memory_space<vmem>>
    %dma_wait3A_179 = tpu.memref_squeeze %dma_wait3A_178 : memref<1x128x48xf32, #tpu.memory_space<vmem>> -> memref<128x48xf32, #tpu.memory_space<vmem>>
    %dma_wait3A_180 = arith.constant 0 : i32
    %dma_wait3A_181 = tpu.memref_slice %arg10[%dma_wait3A_173, %dma_wait3A_180] : memref<80x128xi32, #tpu.memory_space<vmem>> -> memref<1x128xi32, #tpu.memory_space<vmem>>
    %dma_wait3A_182 = tpu.memref_squeeze %dma_wait3A_181 : memref<1x128xi32, #tpu.memory_space<vmem>> -> memref<128xi32, #tpu.memory_space<vmem>>
    %dma_wait3A_183 = arith.constant 0 : i32
    %dma_wait3A_184 = arith.constant 0 : i32
    %dma_wait3A_185 = tpu.memref_slice %arg8[%arg0, %dma_wait3A_183, %dma_wait3A_184] : memref<2x10240x48xf32, #tpu.memory_space<hbm>> -> memref<1x10240x48xf32, #tpu.memory_space<hbm>>
    %dma_wait3A_186 = tpu.memref_squeeze %dma_wait3A_185 : memref<1x10240x48xf32, #tpu.memory_space<hbm>> -> memref<10240x48xf32, #tpu.memory_space<hbm>>
    %dma_wait3A_187 = arith.constant 0 : i32
    %dma_wait3A_188 = arith.constant 0 : i32
    %dma_wait3A_189 = tpu.memref_slice %dma_wait3A_186[%dma_wait3A_187, %dma_wait3A_188] : memref<10240x48xf32, #tpu.memory_space<hbm>> -> memref<10240x48xf32, #tpu.memory_space<hbm>>
    %dma_wait3A_190 = tpu.memref_slice %arg17[%dma_wait3A_175] : memref<5x!tpu.dma_semaphore, #tpu.memory_space<semaphore_mem>> -> memref<1x!tpu.dma_semaphore, #tpu.memory_space<semaphore_mem>>
    %dma_wait3A_191 = tpu.memref_squeeze %dma_wait3A_190 : memref<1x!tpu.dma_semaphore, #tpu.memory_space<semaphore_mem>> -> memref<!tpu.dma_semaphore, #tpu.memory_space<semaphore_mem>>
    tpu.wait_indirect_dma semaphore(%dma_wait3A_191 : memref<!tpu.dma_semaphore, #tpu.memory_space<semaphore_mem>>) src(%dma_wait3A_189 : memref<10240x48xf32, #tpu.memory_space<hbm>>) dst(%dma_wait3A_179 : memref<128x48xf32, #tpu.memory_space<vmem>>)
    %run_scoped3A_192 = arith.constant 0 : i32
    %run_scoped3A_193 = arith.constant 75 : i32
    "tpu.region"() ({
      %run_scoped3A_284 = tpu.sem_alloc : memref<!tpu.dma_semaphore, #tpu.memory_space<semaphore_mem>>
      %dma_start3A_285 = arith.constant 0 : i32
      %dma_start3A_286 = arith.constant 0 : i32
      %dma_start3A_287 = tpu.memref_slice %arg11[%run_scoped3A_192, %dma_start3A_285, %dma_start3A_286] : memref<5x128x48xf32, #tpu.memory_space<vmem>> -> memref<1x128x48xf32, #tpu.memory_space<vmem>>
      %dma_start3A_288 = tpu.memref_squeeze %dma_start3A_287 : memref<1x128x48xf32, #tpu.memory_space<vmem>> -> memref<128x48xf32, #tpu.memory_space<vmem>>
      %dma_start3A_289 = arith.constant 0 : i32
      %dma_start3A_290 = tpu.memref_slice %arg9[%run_scoped3A_193, %dma_start3A_289] : memref<80x128xi32, #tpu.memory_space<vmem>> -> memref<1x128xi32, #tpu.memory_space<vmem>>
      %dma_start3A_291 = tpu.memref_squeeze %dma_start3A_290 : memref<1x128xi32, #tpu.memory_space<vmem>> -> memref<128xi32, #tpu.memory_space<vmem>>
      %dma_start3A_292 = arith.constant 0 : i32
      %dma_start3A_293 = arith.constant 0 : i32
      %dma_start3A_294 = tpu.memref_slice %arg16[%dma_start3A_292, %dma_start3A_293] : memref<10240x48xf32, #tpu.memory_space<vmem_shared>> -> memref<10240x48xf32, #tpu.memory_space<vmem_shared>>
      tpu.enqueue_indirect_dma source(%dma_start3A_288 : memref<128x48xf32, #tpu.memory_space<vmem>>) target(%dma_start3A_294 : memref<10240x48xf32, #tpu.memory_space<vmem_shared>>) offsets(%dma_start3A_291 : memref<128xi32, #tpu.memory_space<vmem>>) semaphore(%run_scoped3A_284 : memref<!tpu.dma_semaphore, #tpu.memory_space<semaphore_mem>>) {add = true}
      %dma_wait3A_295 = arith.constant 0 : i32
      %dma_wait3A_296 = arith.constant 0 : i32
      %dma_wait3A_297 = tpu.memref_slice %arg11[%run_scoped3A_192, %dma_wait3A_295, %dma_wait3A_296] : memref<5x128x48xf32, #tpu.memory_space<vmem>> -> memref<1x128x48xf32, #tpu.memory_space<vmem>>
      %dma_wait3A_298 = tpu.memref_squeeze %dma_wait3A_297 : memref<1x128x48xf32, #tpu.memory_space<vmem>> -> memref<128x48xf32, #tpu.memory_space<vmem>>
      %dma_wait3A_299 = arith.constant 0 : i32
      %dma_wait3A_300 = tpu.memref_slice %arg9[%run_scoped3A_193, %dma_wait3A_299] : memref<80x128xi32, #tpu.memory_space<vmem>> -> memref<1x128xi32, #tpu.memory_space<vmem>>
      %dma_wait3A_301 = tpu.memref_squeeze %dma_wait3A_300 : memref<1x128xi32, #tpu.memory_space<vmem>> -> memref<128xi32, #tpu.memory_space<vmem>>
      %dma_wait3A_302 = arith.constant 0 : i32
      %dma_wait3A_303 = arith.constant 0 : i32
      %dma_wait3A_304 = tpu.memref_slice %arg16[%dma_wait3A_302, %dma_wait3A_303] : memref<10240x48xf32, #tpu.memory_space<vmem_shared>> -> memref<10240x48xf32, #tpu.memory_space<vmem_shared>>
      tpu.wait_indirect_dma semaphore(%run_scoped3A_284 : memref<!tpu.dma_semaphore, #tpu.memory_space<semaphore_mem>>) src(%dma_wait3A_298 : memref<128x48xf32, #tpu.memory_space<vmem>>) dst(%dma_wait3A_304 : memref<10240x48xf32, #tpu.memory_space<vmem_shared>>)
      tpu.yield
    }) : () -> ()
    %dma_wait3A_194 = arith.constant 76 : i32
    %dma_wait3A_195 = arith.constant 1 : i32
    %dma_wait3A_196 = arith.constant 1 : i32
    %dma_wait3A_197 = arith.constant 0 : i32
    %dma_wait3A_198 = arith.constant 0 : i32
    %dma_wait3A_199 = tpu.memref_slice %arg11[%dma_wait3A_195, %dma_wait3A_197, %dma_wait3A_198] : memref<5x128x48xf32, #tpu.memory_space<vmem>> -> memref<1x128x48xf32, #tpu.memory_space<vmem>>
    %dma_wait3A_200 = tpu.memref_squeeze %dma_wait3A_199 : memref<1x128x48xf32, #tpu.memory_space<vmem>> -> memref<128x48xf32, #tpu.memory_space<vmem>>
    %dma_wait3A_201 = arith.constant 0 : i32
    %dma_wait3A_202 = tpu.memref_slice %arg10[%dma_wait3A_194, %dma_wait3A_201] : memref<80x128xi32, #tpu.memory_space<vmem>> -> memref<1x128xi32, #tpu.memory_space<vmem>>
    %dma_wait3A_203 = tpu.memref_squeeze %dma_wait3A_202 : memref<1x128xi32, #tpu.memory_space<vmem>> -> memref<128xi32, #tpu.memory_space<vmem>>
    %dma_wait3A_204 = arith.constant 0 : i32
    %dma_wait3A_205 = arith.constant 0 : i32
    %dma_wait3A_206 = tpu.memref_slice %arg8[%arg0, %dma_wait3A_204, %dma_wait3A_205] : memref<2x10240x48xf32, #tpu.memory_space<hbm>> -> memref<1x10240x48xf32, #tpu.memory_space<hbm>>
    %dma_wait3A_207 = tpu.memref_squeeze %dma_wait3A_206 : memref<1x10240x48xf32, #tpu.memory_space<hbm>> -> memref<10240x48xf32, #tpu.memory_space<hbm>>
    %dma_wait3A_208 = arith.constant 0 : i32
    %dma_wait3A_209 = arith.constant 0 : i32
    %dma_wait3A_210 = tpu.memref_slice %dma_wait3A_207[%dma_wait3A_208, %dma_wait3A_209] : memref<10240x48xf32, #tpu.memory_space<hbm>> -> memref<10240x48xf32, #tpu.memory_space<hbm>>
    %dma_wait3A_211 = tpu.memref_slice %arg17[%dma_wait3A_196] : memref<5x!tpu.dma_semaphore, #tpu.memory_space<semaphore_mem>> -> memref<1x!tpu.dma_semaphore, #tpu.memory_space<semaphore_mem>>
    %dma_wait3A_212 = tpu.memref_squeeze %dma_wait3A_211 : memref<1x!tpu.dma_semaphore, #tpu.memory_space<semaphore_mem>> -> memref<!tpu.dma_semaphore, #tpu.memory_space<semaphore_mem>>
    tpu.wait_indirect_dma semaphore(%dma_wait3A_212 : memref<!tpu.dma_semaphore, #tpu.memory_space<semaphore_mem>>) src(%dma_wait3A_210 : memref<10240x48xf32, #tpu.memory_space<hbm>>) dst(%dma_wait3A_200 : memref<128x48xf32, #tpu.memory_space<vmem>>)
    %run_scoped3A_213 = arith.constant 1 : i32
    %run_scoped3A_214 = arith.constant 76 : i32
    "tpu.region"() ({
      %run_scoped3A_284 = tpu.sem_alloc : memref<!tpu.dma_semaphore, #tpu.memory_space<semaphore_mem>>
      %dma_start3A_285 = arith.constant 0 : i32
      %dma_start3A_286 = arith.constant 0 : i32
      %dma_start3A_287 = tpu.memref_slice %arg11[%run_scoped3A_213, %dma_start3A_285, %dma_start3A_286] : memref<5x128x48xf32, #tpu.memory_space<vmem>> -> memref<1x128x48xf32, #tpu.memory_space<vmem>>
      %dma_start3A_288 = tpu.memref_squeeze %dma_start3A_287 : memref<1x128x48xf32, #tpu.memory_space<vmem>> -> memref<128x48xf32, #tpu.memory_space<vmem>>
      %dma_start3A_289 = arith.constant 0 : i32
      %dma_start3A_290 = tpu.memref_slice %arg9[%run_scoped3A_214, %dma_start3A_289] : memref<80x128xi32, #tpu.memory_space<vmem>> -> memref<1x128xi32, #tpu.memory_space<vmem>>
      %dma_start3A_291 = tpu.memref_squeeze %dma_start3A_290 : memref<1x128xi32, #tpu.memory_space<vmem>> -> memref<128xi32, #tpu.memory_space<vmem>>
      %dma_start3A_292 = arith.constant 0 : i32
      %dma_start3A_293 = arith.constant 0 : i32
      %dma_start3A_294 = tpu.memref_slice %arg16[%dma_start3A_292, %dma_start3A_293] : memref<10240x48xf32, #tpu.memory_space<vmem_shared>> -> memref<10240x48xf32, #tpu.memory_space<vmem_shared>>
      tpu.enqueue_indirect_dma source(%dma_start3A_288 : memref<128x48xf32, #tpu.memory_space<vmem>>) target(%dma_start3A_294 : memref<10240x48xf32, #tpu.memory_space<vmem_shared>>) offsets(%dma_start3A_291 : memref<128xi32, #tpu.memory_space<vmem>>) semaphore(%run_scoped3A_284 : memref<!tpu.dma_semaphore, #tpu.memory_space<semaphore_mem>>) {add = true}
      %dma_wait3A_295 = arith.constant 0 : i32
      %dma_wait3A_296 = arith.constant 0 : i32
      %dma_wait3A_297 = tpu.memref_slice %arg11[%run_scoped3A_213, %dma_wait3A_295, %dma_wait3A_296] : memref<5x128x48xf32, #tpu.memory_space<vmem>> -> memref<1x128x48xf32, #tpu.memory_space<vmem>>
      %dma_wait3A_298 = tpu.memref_squeeze %dma_wait3A_297 : memref<1x128x48xf32, #tpu.memory_space<vmem>> -> memref<128x48xf32, #tpu.memory_space<vmem>>
      %dma_wait3A_299 = arith.constant 0 : i32
      %dma_wait3A_300 = tpu.memref_slice %arg9[%run_scoped3A_214, %dma_wait3A_299] : memref<80x128xi32, #tpu.memory_space<vmem>> -> memref<1x128xi32, #tpu.memory_space<vmem>>
      %dma_wait3A_301 = tpu.memref_squeeze %dma_wait3A_300 : memref<1x128xi32, #tpu.memory_space<vmem>> -> memref<128xi32, #tpu.memory_space<vmem>>
      %dma_wait3A_302 = arith.constant 0 : i32
      %dma_wait3A_303 = arith.constant 0 : i32
      %dma_wait3A_304 = tpu.memref_slice %arg16[%dma_wait3A_302, %dma_wait3A_303] : memref<10240x48xf32, #tpu.memory_space<vmem_shared>> -> memref<10240x48xf32, #tpu.memory_space<vmem_shared>>
      tpu.wait_indirect_dma semaphore(%run_scoped3A_284 : memref<!tpu.dma_semaphore, #tpu.memory_space<semaphore_mem>>) src(%dma_wait3A_298 : memref<128x48xf32, #tpu.memory_space<vmem>>) dst(%dma_wait3A_304 : memref<10240x48xf32, #tpu.memory_space<vmem_shared>>)
      tpu.yield
    }) : () -> ()
    %dma_wait3A_215 = arith.constant 77 : i32
    %dma_wait3A_216 = arith.constant 2 : i32
    %dma_wait3A_217 = arith.constant 2 : i32
    %dma_wait3A_218 = arith.constant 0 : i32
    %dma_wait3A_219 = arith.constant 0 : i32
    %dma_wait3A_220 = tpu.memref_slice %arg11[%dma_wait3A_216, %dma_wait3A_218, %dma_wait3A_219] : memref<5x128x48xf32, #tpu.memory_space<vmem>> -> memref<1x128x48xf32, #tpu.memory_space<vmem>>
    %dma_wait3A_221 = tpu.memref_squeeze %dma_wait3A_220 : memref<1x128x48xf32, #tpu.memory_space<vmem>> -> memref<128x48xf32, #tpu.memory_space<vmem>>
    %dma_wait3A_222 = arith.constant 0 : i32
    %dma_wait3A_223 = tpu.memref_slice %arg10[%dma_wait3A_215, %dma_wait3A_222] : memref<80x128xi32, #tpu.memory_space<vmem>> -> memref<1x128xi32, #tpu.memory_space<vmem>>
    %dma_wait3A_224 = tpu.memref_squeeze %dma_wait3A_223 : memref<1x128xi32, #tpu.memory_space<vmem>> -> memref<128xi32, #tpu.memory_space<vmem>>
    %dma_wait3A_225 = arith.constant 0 : i32
    %dma_wait3A_226 = arith.constant 0 : i32
    %dma_wait3A_227 = tpu.memref_slice %arg8[%arg0, %dma_wait3A_225, %dma_wait3A_226] : memref<2x10240x48xf32, #tpu.memory_space<hbm>> -> memref<1x10240x48xf32, #tpu.memory_space<hbm>>
    %dma_wait3A_228 = tpu.memref_squeeze %dma_wait3A_227 : memref<1x10240x48xf32, #tpu.memory_space<hbm>> -> memref<10240x48xf32, #tpu.memory_space<hbm>>
    %dma_wait3A_229 = arith.constant 0 : i32
    %dma_wait3A_230 = arith.constant 0 : i32
    %dma_wait3A_231 = tpu.memref_slice %dma_wait3A_228[%dma_wait3A_229, %dma_wait3A_230] : memref<10240x48xf32, #tpu.memory_space<hbm>> -> memref<10240x48xf32, #tpu.memory_space<hbm>>
    %dma_wait3A_232 = tpu.memref_slice %arg17[%dma_wait3A_217] : memref<5x!tpu.dma_semaphore, #tpu.memory_space<semaphore_mem>> -> memref<1x!tpu.dma_semaphore, #tpu.memory_space<semaphore_mem>>
    %dma_wait3A_233 = tpu.memref_squeeze %dma_wait3A_232 : memref<1x!tpu.dma_semaphore, #tpu.memory_space<semaphore_mem>> -> memref<!tpu.dma_semaphore, #tpu.memory_space<semaphore_mem>>
    tpu.wait_indirect_dma semaphore(%dma_wait3A_233 : memref<!tpu.dma_semaphore, #tpu.memory_space<semaphore_mem>>) src(%dma_wait3A_231 : memref<10240x48xf32, #tpu.memory_space<hbm>>) dst(%dma_wait3A_221 : memref<128x48xf32, #tpu.memory_space<vmem>>)
    %run_scoped3A_234 = arith.constant 2 : i32
    %run_scoped3A_235 = arith.constant 77 : i32
    "tpu.region"() ({
      %run_scoped3A_284 = tpu.sem_alloc : memref<!tpu.dma_semaphore, #tpu.memory_space<semaphore_mem>>
      %dma_start3A_285 = arith.constant 0 : i32
      %dma_start3A_286 = arith.constant 0 : i32
      %dma_start3A_287 = tpu.memref_slice %arg11[%run_scoped3A_234, %dma_start3A_285, %dma_start3A_286] : memref<5x128x48xf32, #tpu.memory_space<vmem>> -> memref<1x128x48xf32, #tpu.memory_space<vmem>>
      %dma_start3A_288 = tpu.memref_squeeze %dma_start3A_287 : memref<1x128x48xf32, #tpu.memory_space<vmem>> -> memref<128x48xf32, #tpu.memory_space<vmem>>
      %dma_start3A_289 = arith.constant 0 : i32
      %dma_start3A_290 = tpu.memref_slice %arg9[%run_scoped3A_235, %dma_start3A_289] : memref<80x128xi32, #tpu.memory_space<vmem>> -> memref<1x128xi32, #tpu.memory_space<vmem>>
      %dma_start3A_291 = tpu.memref_squeeze %dma_start3A_290 : memref<1x128xi32, #tpu.memory_space<vmem>> -> memref<128xi32, #tpu.memory_space<vmem>>
      %dma_start3A_292 = arith.constant 0 : i32
      %dma_start3A_293 = arith.constant 0 : i32
      %dma_start3A_294 = tpu.memref_slice %arg16[%dma_start3A_292, %dma_start3A_293] : memref<10240x48xf32, #tpu.memory_space<vmem_shared>> -> memref<10240x48xf32, #tpu.memory_space<vmem_shared>>
      tpu.enqueue_indirect_dma source(%dma_start3A_288 : memref<128x48xf32, #tpu.memory_space<vmem>>) target(%dma_start3A_294 : memref<10240x48xf32, #tpu.memory_space<vmem_shared>>) offsets(%dma_start3A_291 : memref<128xi32, #tpu.memory_space<vmem>>) semaphore(%run_scoped3A_284 : memref<!tpu.dma_semaphore, #tpu.memory_space<semaphore_mem>>) {add = true}
      %dma_wait3A_295 = arith.constant 0 : i32
      %dma_wait3A_296 = arith.constant 0 : i32
      %dma_wait3A_297 = tpu.memref_slice %arg11[%run_scoped3A_234, %dma_wait3A_295, %dma_wait3A_296] : memref<5x128x48xf32, #tpu.memory_space<vmem>> -> memref<1x128x48xf32, #tpu.memory_space<vmem>>
      %dma_wait3A_298 = tpu.memref_squeeze %dma_wait3A_297 : memref<1x128x48xf32, #tpu.memory_space<vmem>> -> memref<128x48xf32, #tpu.memory_space<vmem>>
      %dma_wait3A_299 = arith.constant 0 : i32
      %dma_wait3A_300 = tpu.memref_slice %arg9[%run_scoped3A_235, %dma_wait3A_299] : memref<80x128xi32, #tpu.memory_space<vmem>> -> memref<1x128xi32, #tpu.memory_space<vmem>>
      %dma_wait3A_301 = tpu.memref_squeeze %dma_wait3A_300 : memref<1x128xi32, #tpu.memory_space<vmem>> -> memref<128xi32, #tpu.memory_space<vmem>>
      %dma_wait3A_302 = arith.constant 0 : i32
      %dma_wait3A_303 = arith.constant 0 : i32
      %dma_wait3A_304 = tpu.memref_slice %arg16[%dma_wait3A_302, %dma_wait3A_303] : memref<10240x48xf32, #tpu.memory_space<vmem_shared>> -> memref<10240x48xf32, #tpu.memory_space<vmem_shared>>
      tpu.wait_indirect_dma semaphore(%run_scoped3A_284 : memref<!tpu.dma_semaphore, #tpu.memory_space<semaphore_mem>>) src(%dma_wait3A_298 : memref<128x48xf32, #tpu.memory_space<vmem>>) dst(%dma_wait3A_304 : memref<10240x48xf32, #tpu.memory_space<vmem_shared>>)
      tpu.yield
    }) : () -> ()
    %dma_wait3A_236 = arith.constant 78 : i32
    %dma_wait3A_237 = arith.constant 3 : i32
    %dma_wait3A_238 = arith.constant 3 : i32
    %dma_wait3A_239 = arith.constant 0 : i32
    %dma_wait3A_240 = arith.constant 0 : i32
    %dma_wait3A_241 = tpu.memref_slice %arg11[%dma_wait3A_237, %dma_wait3A_239, %dma_wait3A_240] : memref<5x128x48xf32, #tpu.memory_space<vmem>> -> memref<1x128x48xf32, #tpu.memory_space<vmem>>
    %dma_wait3A_242 = tpu.memref_squeeze %dma_wait3A_241 : memref<1x128x48xf32, #tpu.memory_space<vmem>> -> memref<128x48xf32, #tpu.memory_space<vmem>>
    %dma_wait3A_243 = arith.constant 0 : i32
    %dma_wait3A_244 = tpu.memref_slice %arg10[%dma_wait3A_236, %dma_wait3A_243] : memref<80x128xi32, #tpu.memory_space<vmem>> -> memref<1x128xi32, #tpu.memory_space<vmem>>
    %dma_wait3A_245 = tpu.memref_squeeze %dma_wait3A_244 : memref<1x128xi32, #tpu.memory_space<vmem>> -> memref<128xi32, #tpu.memory_space<vmem>>
    %dma_wait3A_246 = arith.constant 0 : i32
    %dma_wait3A_247 = arith.constant 0 : i32
    %dma_wait3A_248 = tpu.memref_slice %arg8[%arg0, %dma_wait3A_246, %dma_wait3A_247] : memref<2x10240x48xf32, #tpu.memory_space<hbm>> -> memref<1x10240x48xf32, #tpu.memory_space<hbm>>
    %dma_wait3A_249 = tpu.memref_squeeze %dma_wait3A_248 : memref<1x10240x48xf32, #tpu.memory_space<hbm>> -> memref<10240x48xf32, #tpu.memory_space<hbm>>
    %dma_wait3A_250 = arith.constant 0 : i32
    %dma_wait3A_251 = arith.constant 0 : i32
    %dma_wait3A_252 = tpu.memref_slice %dma_wait3A_249[%dma_wait3A_250, %dma_wait3A_251] : memref<10240x48xf32, #tpu.memory_space<hbm>> -> memref<10240x48xf32, #tpu.memory_space<hbm>>
    %dma_wait3A_253 = tpu.memref_slice %arg17[%dma_wait3A_238] : memref<5x!tpu.dma_semaphore, #tpu.memory_space<semaphore_mem>> -> memref<1x!tpu.dma_semaphore, #tpu.memory_space<semaphore_mem>>
    %dma_wait3A_254 = tpu.memref_squeeze %dma_wait3A_253 : memref<1x!tpu.dma_semaphore, #tpu.memory_space<semaphore_mem>> -> memref<!tpu.dma_semaphore, #tpu.memory_space<semaphore_mem>>
    tpu.wait_indirect_dma semaphore(%dma_wait3A_254 : memref<!tpu.dma_semaphore, #tpu.memory_space<semaphore_mem>>) src(%dma_wait3A_252 : memref<10240x48xf32, #tpu.memory_space<hbm>>) dst(%dma_wait3A_242 : memref<128x48xf32, #tpu.memory_space<vmem>>)
    %run_scoped3A_255 = arith.constant 3 : i32
    %run_scoped3A_256 = arith.constant 78 : i32
    "tpu.region"() ({
      %run_scoped3A_284 = tpu.sem_alloc : memref<!tpu.dma_semaphore, #tpu.memory_space<semaphore_mem>>
      %dma_start3A_285 = arith.constant 0 : i32
      %dma_start3A_286 = arith.constant 0 : i32
      %dma_start3A_287 = tpu.memref_slice %arg11[%run_scoped3A_255, %dma_start3A_285, %dma_start3A_286] : memref<5x128x48xf32, #tpu.memory_space<vmem>> -> memref<1x128x48xf32, #tpu.memory_space<vmem>>
      %dma_start3A_288 = tpu.memref_squeeze %dma_start3A_287 : memref<1x128x48xf32, #tpu.memory_space<vmem>> -> memref<128x48xf32, #tpu.memory_space<vmem>>
      %dma_start3A_289 = arith.constant 0 : i32
      %dma_start3A_290 = tpu.memref_slice %arg9[%run_scoped3A_256, %dma_start3A_289] : memref<80x128xi32, #tpu.memory_space<vmem>> -> memref<1x128xi32, #tpu.memory_space<vmem>>
      %dma_start3A_291 = tpu.memref_squeeze %dma_start3A_290 : memref<1x128xi32, #tpu.memory_space<vmem>> -> memref<128xi32, #tpu.memory_space<vmem>>
      %dma_start3A_292 = arith.constant 0 : i32
      %dma_start3A_293 = arith.constant 0 : i32
      %dma_start3A_294 = tpu.memref_slice %arg16[%dma_start3A_292, %dma_start3A_293] : memref<10240x48xf32, #tpu.memory_space<vmem_shared>> -> memref<10240x48xf32, #tpu.memory_space<vmem_shared>>
      tpu.enqueue_indirect_dma source(%dma_start3A_288 : memref<128x48xf32, #tpu.memory_space<vmem>>) target(%dma_start3A_294 : memref<10240x48xf32, #tpu.memory_space<vmem_shared>>) offsets(%dma_start3A_291 : memref<128xi32, #tpu.memory_space<vmem>>) semaphore(%run_scoped3A_284 : memref<!tpu.dma_semaphore, #tpu.memory_space<semaphore_mem>>) {add = true}
      %dma_wait3A_295 = arith.constant 0 : i32
      %dma_wait3A_296 = arith.constant 0 : i32
      %dma_wait3A_297 = tpu.memref_slice %arg11[%run_scoped3A_255, %dma_wait3A_295, %dma_wait3A_296] : memref<5x128x48xf32, #tpu.memory_space<vmem>> -> memref<1x128x48xf32, #tpu.memory_space<vmem>>
      %dma_wait3A_298 = tpu.memref_squeeze %dma_wait3A_297 : memref<1x128x48xf32, #tpu.memory_space<vmem>> -> memref<128x48xf32, #tpu.memory_space<vmem>>
      %dma_wait3A_299 = arith.constant 0 : i32
      %dma_wait3A_300 = tpu.memref_slice %arg9[%run_scoped3A_256, %dma_wait3A_299] : memref<80x128xi32, #tpu.memory_space<vmem>> -> memref<1x128xi32, #tpu.memory_space<vmem>>
      %dma_wait3A_301 = tpu.memref_squeeze %dma_wait3A_300 : memref<1x128xi32, #tpu.memory_space<vmem>> -> memref<128xi32, #tpu.memory_space<vmem>>
      %dma_wait3A_302 = arith.constant 0 : i32
      %dma_wait3A_303 = arith.constant 0 : i32
      %dma_wait3A_304 = tpu.memref_slice %arg16[%dma_wait3A_302, %dma_wait3A_303] : memref<10240x48xf32, #tpu.memory_space<vmem_shared>> -> memref<10240x48xf32, #tpu.memory_space<vmem_shared>>
      tpu.wait_indirect_dma semaphore(%run_scoped3A_284 : memref<!tpu.dma_semaphore, #tpu.memory_space<semaphore_mem>>) src(%dma_wait3A_298 : memref<128x48xf32, #tpu.memory_space<vmem>>) dst(%dma_wait3A_304 : memref<10240x48xf32, #tpu.memory_space<vmem_shared>>)
      tpu.yield
    }) : () -> ()
    %dma_wait3A_257 = arith.constant 79 : i32
    %dma_wait3A_258 = arith.constant 4 : i32
    %dma_wait3A_259 = arith.constant 4 : i32
    %dma_wait3A_260 = arith.constant 0 : i32
    %dma_wait3A_261 = arith.constant 0 : i32
    %dma_wait3A_262 = tpu.memref_slice %arg11[%dma_wait3A_258, %dma_wait3A_260, %dma_wait3A_261] : memref<5x128x48xf32, #tpu.memory_space<vmem>> -> memref<1x128x48xf32, #tpu.memory_space<vmem>>
    %dma_wait3A_263 = tpu.memref_squeeze %dma_wait3A_262 : memref<1x128x48xf32, #tpu.memory_space<vmem>> -> memref<128x48xf32, #tpu.memory_space<vmem>>
    %dma_wait3A_264 = arith.constant 0 : i32
    %dma_wait3A_265 = tpu.memref_slice %arg10[%dma_wait3A_257, %dma_wait3A_264] : memref<80x128xi32, #tpu.memory_space<vmem>> -> memref<1x128xi32, #tpu.memory_space<vmem>>
    %dma_wait3A_266 = tpu.memref_squeeze %dma_wait3A_265 : memref<1x128xi32, #tpu.memory_space<vmem>> -> memref<128xi32, #tpu.memory_space<vmem>>
    %dma_wait3A_267 = arith.constant 0 : i32
    %dma_wait3A_268 = arith.constant 0 : i32
    %dma_wait3A_269 = tpu.memref_slice %arg8[%arg0, %dma_wait3A_267, %dma_wait3A_268] : memref<2x10240x48xf32, #tpu.memory_space<hbm>> -> memref<1x10240x48xf32, #tpu.memory_space<hbm>>
    %dma_wait3A_270 = tpu.memref_squeeze %dma_wait3A_269 : memref<1x10240x48xf32, #tpu.memory_space<hbm>> -> memref<10240x48xf32, #tpu.memory_space<hbm>>
    %dma_wait3A_271 = arith.constant 0 : i32
    %dma_wait3A_272 = arith.constant 0 : i32
    %dma_wait3A_273 = tpu.memref_slice %dma_wait3A_270[%dma_wait3A_271, %dma_wait3A_272] : memref<10240x48xf32, #tpu.memory_space<hbm>> -> memref<10240x48xf32, #tpu.memory_space<hbm>>
    %dma_wait3A_274 = tpu.memref_slice %arg17[%dma_wait3A_259] : memref<5x!tpu.dma_semaphore, #tpu.memory_space<semaphore_mem>> -> memref<1x!tpu.dma_semaphore, #tpu.memory_space<semaphore_mem>>
    %dma_wait3A_275 = tpu.memref_squeeze %dma_wait3A_274 : memref<1x!tpu.dma_semaphore, #tpu.memory_space<semaphore_mem>> -> memref<!tpu.dma_semaphore, #tpu.memory_space<semaphore_mem>>
    tpu.wait_indirect_dma semaphore(%dma_wait3A_275 : memref<!tpu.dma_semaphore, #tpu.memory_space<semaphore_mem>>) src(%dma_wait3A_273 : memref<10240x48xf32, #tpu.memory_space<hbm>>) dst(%dma_wait3A_263 : memref<128x48xf32, #tpu.memory_space<vmem>>)
    %run_scoped3A_276 = arith.constant 4 : i32
    %run_scoped3A_277 = arith.constant 79 : i32
    "tpu.region"() ({
      %run_scoped3A_284 = tpu.sem_alloc : memref<!tpu.dma_semaphore, #tpu.memory_space<semaphore_mem>>
      %dma_start3A_285 = arith.constant 0 : i32
      %dma_start3A_286 = arith.constant 0 : i32
      %dma_start3A_287 = tpu.memref_slice %arg11[%run_scoped3A_276, %dma_start3A_285, %dma_start3A_286] : memref<5x128x48xf32, #tpu.memory_space<vmem>> -> memref<1x128x48xf32, #tpu.memory_space<vmem>>
      %dma_start3A_288 = tpu.memref_squeeze %dma_start3A_287 : memref<1x128x48xf32, #tpu.memory_space<vmem>> -> memref<128x48xf32, #tpu.memory_space<vmem>>
      %dma_start3A_289 = arith.constant 0 : i32
      %dma_start3A_290 = tpu.memref_slice %arg9[%run_scoped3A_277, %dma_start3A_289] : memref<80x128xi32, #tpu.memory_space<vmem>> -> memref<1x128xi32, #tpu.memory_space<vmem>>
      %dma_start3A_291 = tpu.memref_squeeze %dma_start3A_290 : memref<1x128xi32, #tpu.memory_space<vmem>> -> memref<128xi32, #tpu.memory_space<vmem>>
      %dma_start3A_292 = arith.constant 0 : i32
      %dma_start3A_293 = arith.constant 0 : i32
      %dma_start3A_294 = tpu.memref_slice %arg16[%dma_start3A_292, %dma_start3A_293] : memref<10240x48xf32, #tpu.memory_space<vmem_shared>> -> memref<10240x48xf32, #tpu.memory_space<vmem_shared>>
      tpu.enqueue_indirect_dma source(%dma_start3A_288 : memref<128x48xf32, #tpu.memory_space<vmem>>) target(%dma_start3A_294 : memref<10240x48xf32, #tpu.memory_space<vmem_shared>>) offsets(%dma_start3A_291 : memref<128xi32, #tpu.memory_space<vmem>>) semaphore(%run_scoped3A_284 : memref<!tpu.dma_semaphore, #tpu.memory_space<semaphore_mem>>) {add = true}
      %dma_wait3A_295 = arith.constant 0 : i32
      %dma_wait3A_296 = arith.constant 0 : i32
      %dma_wait3A_297 = tpu.memref_slice %arg11[%run_scoped3A_276, %dma_wait3A_295, %dma_wait3A_296] : memref<5x128x48xf32, #tpu.memory_space<vmem>> -> memref<1x128x48xf32, #tpu.memory_space<vmem>>
      %dma_wait3A_298 = tpu.memref_squeeze %dma_wait3A_297 : memref<1x128x48xf32, #tpu.memory_space<vmem>> -> memref<128x48xf32, #tpu.memory_space<vmem>>
      %dma_wait3A_299 = arith.constant 0 : i32
      %dma_wait3A_300 = tpu.memref_slice %arg9[%run_scoped3A_277, %dma_wait3A_299] : memref<80x128xi32, #tpu.memory_space<vmem>> -> memref<1x128xi32, #tpu.memory_space<vmem>>
      %dma_wait3A_301 = tpu.memref_squeeze %dma_wait3A_300 : memref<1x128xi32, #tpu.memory_space<vmem>> -> memref<128xi32, #tpu.memory_space<vmem>>
      %dma_wait3A_302 = arith.constant 0 : i32
      %dma_wait3A_303 = arith.constant 0 : i32
      %dma_wait3A_304 = tpu.memref_slice %arg16[%dma_wait3A_302, %dma_wait3A_303] : memref<10240x48xf32, #tpu.memory_space<vmem_shared>> -> memref<10240x48xf32, #tpu.memory_space<vmem_shared>>
      tpu.wait_indirect_dma semaphore(%run_scoped3A_284 : memref<!tpu.dma_semaphore, #tpu.memory_space<semaphore_mem>>) src(%dma_wait3A_298 : memref<128x48xf32, #tpu.memory_space<vmem>>) dst(%dma_wait3A_304 : memref<10240x48xf32, #tpu.memory_space<vmem_shared>>)
      tpu.yield
    }) : () -> ()
    %barrier3A_278 = arith.constant 0 : index
    tpu.barrier barrier_id(%barrier3A_278)
    "tpu.region"() ({
      %run_scoped3A_284 = tpu.sem_alloc : memref<!tpu.dma_semaphore, #tpu.memory_space<semaphore_mem>>
      %dma_start3A_285 = arith.constant 0 : i32
      %dma_start3A_286 = tpu.memref_slice %arg16[%mul3A_2, %dma_start3A_285] : memref<10240x48xf32, #tpu.memory_space<vmem_shared>> -> memref<640x48xf32, #tpu.memory_space<vmem_shared>>
      %dma_start3A_287 = arith.constant 0 : i32
      %dma_start3A_288 = tpu.memref_slice %arg16[%mul3A_2, %dma_start3A_287] : memref<10240x48xf32, #tpu.memory_space<vmem_shared>> -> memref<640x48xf32, #tpu.memory_space<vmem_shared>>
      tpu.enqueue_dma source(%dma_start3A_288 : memref<640x48xf32, #tpu.memory_space<vmem_shared>>) target(%arg14 : memref<640x48xf32, #tpu.memory_space<vmem>>) target_semaphore(%run_scoped3A_284 : memref<!tpu.dma_semaphore, #tpu.memory_space<semaphore_mem>>)
      %dma_wait3A_289 = arith.constant 0 : i32
      %dma_wait3A_290 = tpu.memref_slice %arg16[%mul3A_2, %dma_wait3A_289] : memref<10240x48xf32, #tpu.memory_space<vmem_shared>> -> memref<640x48xf32, #tpu.memory_space<vmem_shared>>
      %dma_wait3A_291 = arith.constant 0 : i32
      %dma_wait3A_292 = tpu.memref_slice %arg16[%mul3A_2, %dma_wait3A_291] : memref<10240x48xf32, #tpu.memory_space<vmem_shared>> -> memref<640x48xf32, #tpu.memory_space<vmem_shared>>
      tpu.wait_dma2 semaphore(%run_scoped3A_284 : memref<!tpu.dma_semaphore, #tpu.memory_space<semaphore_mem>>) src(%dma_wait3A_292 : memref<640x48xf32, #tpu.memory_space<vmem_shared>>) dst(%arg14 : memref<640x48xf32, #tpu.memory_space<vmem>>)
      tpu.yield
    }) : () -> ()
    %scan3A_279 = arith.constant 0 : i32
    %scan3A_280 = arith.constant 640 : i32
    %scan3A_281 = arith.addi %scan3A_279, %scan3A_280 : i32
    %scan3A_282 = arith.constant 1 : i32
    scf.for %scan3A_284 = %scan3A_279 to %scan3A_281 step %scan3A_282  : i32 {
      %mul3A_285 = arith.constant 1 : i32
      %mul3A_286 = arith.muli %scan3A_284, %mul3A_285 : i32
      %add3A_287 = arith.constant 0 : i32
      %add3A_288 = arith.addi %add3A_287, %mul3A_286 : i32
      %get3A = arith.index_cast %add3A_288 : i32 to index
      %get3A_289 = arith.constant 0 : index
      %get3A_290 = tpu.vector_load %arg14[%get3A, %get3A_289] {strides = array<i32>} : memref<640x48xf32, #tpu.memory_space<vmem>>, vector<16xf32>,
      %get3A_291 = arith.index_cast %add3A_288 : i32 to index
      %get3A_292 = arith.constant 0 : index
      %get3A_293 = tpu.vector_load %arg12[%get3A_291, %get3A_292] {strides = array<i32>} : memref<640x16xf32, #tpu.memory_space<vmem>>, vector<16xf32>,
      %mul3A_294 = arith.mulf %get3A_290, %get3A_293 : vector<16xf32>
      %swap3A = arith.index_cast %add3A_288 : i32 to index
      %swap3A_295 = arith.constant 0 : index
      %swap3A_296 = tpu.vector_load %arg14[%swap3A, %swap3A_295] {strides = array<i32>} : memref<640x48xf32, #tpu.memory_space<vmem>>, vector<16xf32>,
      tpu.vector_store %arg14[%swap3A, %swap3A_295], %mul3A_294 {strides = array<i32>} : memref<640x48xf32, #tpu.memory_space<vmem>>, vector<16xf32>,
      %get3A_297 = arith.index_cast %add3A_288 : i32 to index
      %get3A_298 = arith.constant 16 : index
      %get3A_299 = tpu.vector_load %arg14[%get3A_297, %get3A_298] {strides = array<i32>} : memref<640x48xf32, #tpu.memory_space<vmem>>, vector<16xf32>,
      %get3A_300 = arith.index_cast %add3A_288 : i32 to index
      %get3A_301 = arith.constant 0 : index
      %get3A_302 = tpu.vector_load %arg12[%get3A_300, %get3A_301] {strides = array<i32>} : memref<640x16xf32, #tpu.memory_space<vmem>>, vector<16xf32>,
      %mul3A_303 = arith.mulf %get3A_299, %get3A_302 : vector<16xf32>
      %swap3A_304 = arith.index_cast %add3A_288 : i32 to index
      %swap3A_305 = arith.constant 16 : index
      %swap3A_306 = tpu.vector_load %arg14[%swap3A_304, %swap3A_305] {strides = array<i32>} : memref<640x48xf32, #tpu.memory_space<vmem>>, vector<16xf32>,
      tpu.vector_store %arg14[%swap3A_304, %swap3A_305], %mul3A_303 {strides = array<i32>} : memref<640x48xf32, #tpu.memory_space<vmem>>, vector<16xf32>,
      %get3A_307 = arith.index_cast %add3A_288 : i32 to index
      %get3A_308 = arith.constant 32 : index
      %get3A_309 = tpu.vector_load %arg14[%get3A_307, %get3A_308] {strides = array<i32>} : memref<640x48xf32, #tpu.memory_space<vmem>>, vector<16xf32>,
      %get3A_310 = arith.index_cast %add3A_288 : i32 to index
      %get3A_311 = arith.constant 0 : index
      %get3A_312 = tpu.vector_load %arg12[%get3A_310, %get3A_311] {strides = array<i32>} : memref<640x16xf32, #tpu.memory_space<vmem>>, vector<16xf32>,
      %mul3A_313 = arith.mulf %get3A_309, %get3A_312 : vector<16xf32>
      %swap3A_314 = arith.index_cast %add3A_288 : i32 to index
      %swap3A_315 = arith.constant 32 : index
      %swap3A_316 = tpu.vector_load %arg14[%swap3A_314, %swap3A_315] {strides = array<i32>} : memref<640x48xf32, #tpu.memory_space<vmem>>, vector<16xf32>,
      tpu.vector_store %arg14[%swap3A_314, %swap3A_315], %mul3A_313 {strides = array<i32>} : memref<640x48xf32, #tpu.memory_space<vmem>>, vector<16xf32>,
    }
    %scan3A_283 = arith.constant 640 : i32
    "tpu.region"() ({
      %run_scoped3A_284 = tpu.sem_alloc : memref<!tpu.dma_semaphore, #tpu.memory_space<semaphore_mem>>
      %dma_start3A_285 = arith.constant 0 : i32
      %dma_start3A_286 = tpu.memref_slice %arg7[%arg0, %mul3A_2, %dma_start3A_285] : memref<2x10240x48xf32, #tpu.memory_space<hbm>> -> memref<1x640x48xf32, #tpu.memory_space<hbm>>
      %dma_start3A_287 = tpu.memref_squeeze %dma_start3A_286 : memref<1x640x48xf32, #tpu.memory_space<hbm>> -> memref<640x48xf32, #tpu.memory_space<hbm>>
      %dma_start3A_288 = arith.constant 0 : i32
      %dma_start3A_289 = tpu.memref_slice %arg7[%arg0, %mul3A_2, %dma_start3A_288] : memref<2x10240x48xf32, #tpu.memory_space<hbm>> -> memref<1x640x48xf32, #tpu.memory_space<hbm>>
      %dma_start3A_290 = tpu.memref_squeeze %dma_start3A_289 : memref<1x640x48xf32, #tpu.memory_space<hbm>> -> memref<640x48xf32, #tpu.memory_space<hbm>>
      tpu.enqueue_dma source(%arg14 : memref<640x48xf32, #tpu.memory_space<vmem>>) target(%dma_start3A_290 : memref<640x48xf32, #tpu.memory_space<hbm>>) target_semaphore(%run_scoped3A_284 : memref<!tpu.dma_semaphore, #tpu.memory_space<semaphore_mem>>)
      %dma_wait3A_291 = arith.constant 0 : i32
      %dma_wait3A_292 = tpu.memref_slice %arg7[%arg0, %mul3A_2, %dma_wait3A_291] : memref<2x10240x48xf32, #tpu.memory_space<hbm>> -> memref<1x640x48xf32, #tpu.memory_space<hbm>>
      %dma_wait3A_293 = tpu.memref_squeeze %dma_wait3A_292 : memref<1x640x48xf32, #tpu.memory_space<hbm>> -> memref<640x48xf32, #tpu.memory_space<hbm>>
      %dma_wait3A_294 = arith.constant 0 : i32
      %dma_wait3A_295 = tpu.memref_slice %arg7[%arg0, %mul3A_2, %dma_wait3A_294] : memref<2x10240x48xf32, #tpu.memory_space<hbm>> -> memref<1x640x48xf32, #tpu.memory_space<hbm>>
      %dma_wait3A_296 = tpu.memref_squeeze %dma_wait3A_295 : memref<1x640x48xf32, #tpu.memory_space<hbm>> -> memref<640x48xf32, #tpu.memory_space<hbm>>
      tpu.wait_dma2 semaphore(%run_scoped3A_284 : memref<!tpu.dma_semaphore, #tpu.memory_space<semaphore_mem>>) src(%arg14 : memref<640x48xf32, #tpu.memory_space<vmem>>) dst(%dma_wait3A_296 : memref<640x48xf32, #tpu.memory_space<hbm>>)
      tpu.yield
    }) : () -> ()
    return
  }
}

#map = affine_map<(d0, d1) -> (0, 0, 0)>
#map1 = affine_map<(d0, d1) -> (0, 0)>
module attributes {stable_mosaic.version = 14 : i64} {
  func.func @_prop(%arg0: i32, %arg1: i32, %arg2: memref<2x10240x48xf32, #tpu.memory_space<hbm>>, %arg3: memref<2x10240x16xf32, #tpu.memory_space<hbm>>, %arg4: memref<10240x48xf32, #tpu.memory_space<hbm>>, %arg5: memref<32x80x128xi32, #tpu.memory_space<hbm>>, %arg6: memref<32x80x128xi32, #tpu.memory_space<hbm>>, %arg7: memref<2x10240x48xf32, #tpu.memory_space<hbm>>, %arg8: memref<2x10240x48xf32, #tpu.memory_space<hbm>>, %arg9: memref<80x128xi32, #tpu.memory_space<vmem>>, %arg10: memref<80x128xi32, #tpu.memory_space<vmem>>, %arg11: memref<5x128x48xf32, #tpu.memory_space<vmem>>, %arg12: memref<8x16xf32, #tpu.memory_space<vmem>>, %arg13: memref<8x16xf32, #tpu.memory_space<vmem>>, %arg14: memref<640x48xf32, #tpu.memory_space<vmem>>, %arg15: memref<320x48xf32, #tpu.memory_space<vmem>>, %arg16: memref<10240x48xf32, #tpu.memory_space<vmem_shared>>, %arg17: memref<5x!tpu.dma_semaphore, #tpu.memory_space<semaphore_mem>>) attributes {dimension_semantics = [#tpu.dimension_semantics<core_parallel>, #tpu.dimension_semantics<subcore_parallel>], iteration_bounds = array<i64: 2, 16>, scalar_prefetch = 0 : i64, scratch_operands = 9 : i64, tpu.core_type = #tpu.core_type<sc_vector_subcore>, window_params = [{transform_indices = #map}, {transform_indices = #map}, {transform_indices = #map1}, {transform_indices = #map}, {transform_indices = #map}, {transform_indices = #map}, {transform_indices = #map}]} {
    %mul3A = arith.constant 16 : i32
    %mul3A_0 = arith.muli %arg0, %mul3A : i32
    %add3A = arith.addi %mul3A_0, %arg1 : i32
    "tpu.region"() ({
      %run_scoped3A_265 = tpu.sem_alloc : memref<!tpu.dma_semaphore, #tpu.memory_space<semaphore_mem>>
      %dma_start3A_266 = arith.constant 0 : i32
      %dma_start3A_267 = arith.constant 0 : i32
      %dma_start3A_268 = tpu.memref_slice %arg5[%add3A, %dma_start3A_266, %dma_start3A_267] : memref<32x80x128xi32, #tpu.memory_space<hbm>> -> memref<1x80x128xi32, #tpu.memory_space<hbm>>
      %dma_start3A_269 = tpu.memref_squeeze %dma_start3A_268 : memref<1x80x128xi32, #tpu.memory_space<hbm>> -> memref<80x128xi32, #tpu.memory_space<hbm>>
      %dma_start3A_270 = arith.constant 0 : i32
      %dma_start3A_271 = arith.constant 0 : i32
      %dma_start3A_272 = tpu.memref_slice %arg5[%add3A, %dma_start3A_270, %dma_start3A_271] : memref<32x80x128xi32, #tpu.memory_space<hbm>> -> memref<1x80x128xi32, #tpu.memory_space<hbm>>
      %dma_start3A_273 = tpu.memref_squeeze %dma_start3A_272 : memref<1x80x128xi32, #tpu.memory_space<hbm>> -> memref<80x128xi32, #tpu.memory_space<hbm>>
      tpu.enqueue_dma source(%dma_start3A_273 : memref<80x128xi32, #tpu.memory_space<hbm>>) target(%arg9 : memref<80x128xi32, #tpu.memory_space<vmem>>) target_semaphore(%run_scoped3A_265 : memref<!tpu.dma_semaphore, #tpu.memory_space<semaphore_mem>>)
      %dma_wait3A_274 = arith.constant 0 : i32
      %dma_wait3A_275 = arith.constant 0 : i32
      %dma_wait3A_276 = tpu.memref_slice %arg5[%add3A, %dma_wait3A_274, %dma_wait3A_275] : memref<32x80x128xi32, #tpu.memory_space<hbm>> -> memref<1x80x128xi32, #tpu.memory_space<hbm>>
      %dma_wait3A_277 = tpu.memref_squeeze %dma_wait3A_276 : memref<1x80x128xi32, #tpu.memory_space<hbm>> -> memref<80x128xi32, #tpu.memory_space<hbm>>
      %dma_wait3A_278 = arith.constant 0 : i32
      %dma_wait3A_279 = arith.constant 0 : i32
      %dma_wait3A_280 = tpu.memref_slice %arg5[%add3A, %dma_wait3A_278, %dma_wait3A_279] : memref<32x80x128xi32, #tpu.memory_space<hbm>> -> memref<1x80x128xi32, #tpu.memory_space<hbm>>
      %dma_wait3A_281 = tpu.memref_squeeze %dma_wait3A_280 : memref<1x80x128xi32, #tpu.memory_space<hbm>> -> memref<80x128xi32, #tpu.memory_space<hbm>>
      tpu.wait_dma2 semaphore(%run_scoped3A_265 : memref<!tpu.dma_semaphore, #tpu.memory_space<semaphore_mem>>) src(%dma_wait3A_281 : memref<80x128xi32, #tpu.memory_space<hbm>>) dst(%arg9 : memref<80x128xi32, #tpu.memory_space<vmem>>)
      tpu.yield
    }) : () -> ()
    "tpu.region"() ({
      %run_scoped3A_265 = tpu.sem_alloc : memref<!tpu.dma_semaphore, #tpu.memory_space<semaphore_mem>>
      %dma_start3A_266 = arith.constant 0 : i32
      %dma_start3A_267 = arith.constant 0 : i32
      %dma_start3A_268 = tpu.memref_slice %arg6[%add3A, %dma_start3A_266, %dma_start3A_267] : memref<32x80x128xi32, #tpu.memory_space<hbm>> -> memref<1x80x128xi32, #tpu.memory_space<hbm>>
      %dma_start3A_269 = tpu.memref_squeeze %dma_start3A_268 : memref<1x80x128xi32, #tpu.memory_space<hbm>> -> memref<80x128xi32, #tpu.memory_space<hbm>>
      %dma_start3A_270 = arith.constant 0 : i32
      %dma_start3A_271 = arith.constant 0 : i32
      %dma_start3A_272 = tpu.memref_slice %arg6[%add3A, %dma_start3A_270, %dma_start3A_271] : memref<32x80x128xi32, #tpu.memory_space<hbm>> -> memref<1x80x128xi32, #tpu.memory_space<hbm>>
      %dma_start3A_273 = tpu.memref_squeeze %dma_start3A_272 : memref<1x80x128xi32, #tpu.memory_space<hbm>> -> memref<80x128xi32, #tpu.memory_space<hbm>>
      tpu.enqueue_dma source(%dma_start3A_273 : memref<80x128xi32, #tpu.memory_space<hbm>>) target(%arg10 : memref<80x128xi32, #tpu.memory_space<vmem>>) target_semaphore(%run_scoped3A_265 : memref<!tpu.dma_semaphore, #tpu.memory_space<semaphore_mem>>)
      %dma_wait3A_274 = arith.constant 0 : i32
      %dma_wait3A_275 = arith.constant 0 : i32
      %dma_wait3A_276 = tpu.memref_slice %arg6[%add3A, %dma_wait3A_274, %dma_wait3A_275] : memref<32x80x128xi32, #tpu.memory_space<hbm>> -> memref<1x80x128xi32, #tpu.memory_space<hbm>>
      %dma_wait3A_277 = tpu.memref_squeeze %dma_wait3A_276 : memref<1x80x128xi32, #tpu.memory_space<hbm>> -> memref<80x128xi32, #tpu.memory_space<hbm>>
      %dma_wait3A_278 = arith.constant 0 : i32
      %dma_wait3A_279 = arith.constant 0 : i32
      %dma_wait3A_280 = tpu.memref_slice %arg6[%add3A, %dma_wait3A_278, %dma_wait3A_279] : memref<32x80x128xi32, #tpu.memory_space<hbm>> -> memref<1x80x128xi32, #tpu.memory_space<hbm>>
      %dma_wait3A_281 = tpu.memref_squeeze %dma_wait3A_280 : memref<1x80x128xi32, #tpu.memory_space<hbm>> -> memref<80x128xi32, #tpu.memory_space<hbm>>
      tpu.wait_dma2 semaphore(%run_scoped3A_265 : memref<!tpu.dma_semaphore, #tpu.memory_space<semaphore_mem>>) src(%dma_wait3A_281 : memref<80x128xi32, #tpu.memory_space<hbm>>) dst(%arg10 : memref<80x128xi32, #tpu.memory_space<vmem>>)
      tpu.yield
    }) : () -> ()
    %mul3A_1 = arith.constant 640 : i32
    %mul3A_2 = arith.muli %arg1, %mul3A_1 : i32
    %dma_start3A = arith.constant 0 : i32
    %dma_start3A_3 = arith.constant 0 : i32
    %dma_start3A_4 = arith.constant 0 : i32
    %dma_start3A_5 = tpu.memref_slice %arg2[%dma_start3A, %mul3A_2, %dma_start3A_4] : memref<2x10240x48xf32, #tpu.memory_space<hbm>> -> memref<1x640x48xf32, #tpu.memory_space<hbm>>
    %dma_start3A_6 = tpu.memref_squeeze %dma_start3A_5 : memref<1x640x48xf32, #tpu.memory_space<hbm>> -> memref<640x48xf32, #tpu.memory_space<hbm>>
    %dma_start3A_7 = tpu.memref_slice %arg17[%dma_start3A_3] : memref<5x!tpu.dma_semaphore, #tpu.memory_space<semaphore_mem>> -> memref<1x!tpu.dma_semaphore, #tpu.memory_space<semaphore_mem>>
    %dma_start3A_8 = tpu.memref_squeeze %dma_start3A_7 : memref<1x!tpu.dma_semaphore, #tpu.memory_space<semaphore_mem>> -> memref<!tpu.dma_semaphore, #tpu.memory_space<semaphore_mem>>
    %dma_start3A_9 = arith.constant 0 : i32
    %dma_start3A_10 = tpu.memref_slice %arg2[%dma_start3A, %mul3A_2, %dma_start3A_9] : memref<2x10240x48xf32, #tpu.memory_space<hbm>> -> memref<1x640x48xf32, #tpu.memory_space<hbm>>
    %dma_start3A_11 = tpu.memref_squeeze %dma_start3A_10 : memref<1x640x48xf32, #tpu.memory_space<hbm>> -> memref<640x48xf32, #tpu.memory_space<hbm>>
    tpu.enqueue_dma source(%dma_start3A_11 : memref<640x48xf32, #tpu.memory_space<hbm>>) target(%arg14 : memref<640x48xf32, #tpu.memory_space<vmem>>) target_semaphore(%dma_start3A_8 : memref<!tpu.dma_semaphore, #tpu.memory_space<semaphore_mem>>)
    %dma_start3A_12 = arith.constant 1 : i32
    %dma_start3A_13 = arith.constant 1 : i32
    %dma_start3A_14 = arith.constant 0 : i32
    %dma_start3A_15 = tpu.memref_slice %arg2[%dma_start3A_12, %mul3A_2, %dma_start3A_14] : memref<2x10240x48xf32, #tpu.memory_space<hbm>> -> memref<1x320x48xf32, #tpu.memory_space<hbm>>
    %dma_start3A_16 = tpu.memref_squeeze %dma_start3A_15 : memref<1x320x48xf32, #tpu.memory_space<hbm>> -> memref<320x48xf32, #tpu.memory_space<hbm>>
    %dma_start3A_17 = tpu.memref_slice %arg17[%dma_start3A_13] : memref<5x!tpu.dma_semaphore, #tpu.memory_space<semaphore_mem>> -> memref<1x!tpu.dma_semaphore, #tpu.memory_space<semaphore_mem>>
    %dma_start3A_18 = tpu.memref_squeeze %dma_start3A_17 : memref<1x!tpu.dma_semaphore, #tpu.memory_space<semaphore_mem>> -> memref<!tpu.dma_semaphore, #tpu.memory_space<semaphore_mem>>
    %dma_start3A_19 = arith.constant 0 : i32
    %dma_start3A_20 = tpu.memref_slice %arg2[%dma_start3A_12, %mul3A_2, %dma_start3A_19] : memref<2x10240x48xf32, #tpu.memory_space<hbm>> -> memref<1x320x48xf32, #tpu.memory_space<hbm>>
    %dma_start3A_21 = tpu.memref_squeeze %dma_start3A_20 : memref<1x320x48xf32, #tpu.memory_space<hbm>> -> memref<320x48xf32, #tpu.memory_space<hbm>>
    tpu.enqueue_dma source(%dma_start3A_21 : memref<320x48xf32, #tpu.memory_space<hbm>>) target(%arg15 : memref<320x48xf32, #tpu.memory_space<vmem>>) target_semaphore(%dma_start3A_18 : memref<!tpu.dma_semaphore, #tpu.memory_space<semaphore_mem>>)
    %dma_wait3A = arith.constant 0 : i32
    %dma_wait3A_22 = arith.constant 0 : i32
    %dma_wait3A_23 = arith.constant 0 : i32
    %dma_wait3A_24 = tpu.memref_slice %arg2[%dma_wait3A, %mul3A_2, %dma_wait3A_23] : memref<2x10240x48xf32, #tpu.memory_space<hbm>> -> memref<1x640x48xf32, #tpu.memory_space<hbm>>
    %dma_wait3A_25 = tpu.memref_squeeze %dma_wait3A_24 : memref<1x640x48xf32, #tpu.memory_space<hbm>> -> memref<640x48xf32, #tpu.memory_space<hbm>>
    %dma_wait3A_26 = tpu.memref_slice %arg17[%dma_wait3A_22] : memref<5x!tpu.dma_semaphore, #tpu.memory_space<semaphore_mem>> -> memref<1x!tpu.dma_semaphore, #tpu.memory_space<semaphore_mem>>
    %dma_wait3A_27 = tpu.memref_squeeze %dma_wait3A_26 : memref<1x!tpu.dma_semaphore, #tpu.memory_space<semaphore_mem>> -> memref<!tpu.dma_semaphore, #tpu.memory_space<semaphore_mem>>
    %dma_wait3A_28 = arith.constant 0 : i32
    %dma_wait3A_29 = tpu.memref_slice %arg2[%dma_wait3A, %mul3A_2, %dma_wait3A_28] : memref<2x10240x48xf32, #tpu.memory_space<hbm>> -> memref<1x640x48xf32, #tpu.memory_space<hbm>>
    %dma_wait3A_30 = tpu.memref_squeeze %dma_wait3A_29 : memref<1x640x48xf32, #tpu.memory_space<hbm>> -> memref<640x48xf32, #tpu.memory_space<hbm>>
    tpu.wait_dma2 semaphore(%dma_wait3A_27 : memref<!tpu.dma_semaphore, #tpu.memory_space<semaphore_mem>>) src(%dma_wait3A_30 : memref<640x48xf32, #tpu.memory_space<hbm>>) dst(%arg14 : memref<640x48xf32, #tpu.memory_space<vmem>>)
    %dma_wait3A_31 = arith.constant 1 : i32
    %dma_wait3A_32 = arith.constant 1 : i32
    %dma_wait3A_33 = arith.constant 0 : i32
    %dma_wait3A_34 = tpu.memref_slice %arg2[%dma_wait3A_31, %mul3A_2, %dma_wait3A_33] : memref<2x10240x48xf32, #tpu.memory_space<hbm>> -> memref<1x320x48xf32, #tpu.memory_space<hbm>>
    %dma_wait3A_35 = tpu.memref_squeeze %dma_wait3A_34 : memref<1x320x48xf32, #tpu.memory_space<hbm>> -> memref<320x48xf32, #tpu.memory_space<hbm>>
    %dma_wait3A_36 = tpu.memref_slice %arg17[%dma_wait3A_32] : memref<5x!tpu.dma_semaphore, #tpu.memory_space<semaphore_mem>> -> memref<1x!tpu.dma_semaphore, #tpu.memory_space<semaphore_mem>>
    %dma_wait3A_37 = tpu.memref_squeeze %dma_wait3A_36 : memref<1x!tpu.dma_semaphore, #tpu.memory_space<semaphore_mem>> -> memref<!tpu.dma_semaphore, #tpu.memory_space<semaphore_mem>>
    %dma_wait3A_38 = arith.constant 0 : i32
    %dma_wait3A_39 = tpu.memref_slice %arg2[%dma_wait3A_31, %mul3A_2, %dma_wait3A_38] : memref<2x10240x48xf32, #tpu.memory_space<hbm>> -> memref<1x320x48xf32, #tpu.memory_space<hbm>>
    %dma_wait3A_40 = tpu.memref_squeeze %dma_wait3A_39 : memref<1x320x48xf32, #tpu.memory_space<hbm>> -> memref<320x48xf32, #tpu.memory_space<hbm>>
    tpu.wait_dma2 semaphore(%dma_wait3A_37 : memref<!tpu.dma_semaphore, #tpu.memory_space<semaphore_mem>>) src(%dma_wait3A_40 : memref<320x48xf32, #tpu.memory_space<hbm>>) dst(%arg15 : memref<320x48xf32, #tpu.memory_space<vmem>>)
    %scan3A = arith.constant 0 : i32
    %scan3A_41 = arith.constant 320 : i32
    %scan3A_42 = arith.addi %scan3A, %scan3A_41 : i32
    %scan3A_43 = arith.constant 1 : i32
    scf.for %scan3A_265 = %scan3A to %scan3A_42 step %scan3A_43  : i32 {
      %mul3A_266 = arith.constant 1 : i32
      %mul3A_267 = arith.muli %scan3A_265, %mul3A_266 : i32
      %add3A_268 = arith.constant 0 : i32
      %add3A_269 = arith.addi %add3A_268, %mul3A_267 : i32
      %add3A_270 = arith.constant 0 : i32
      %add3A_271 = arith.addi %add3A_270, %add3A_269 : i32
      %get3A = arith.index_cast %add3A_271 : i32 to index
      %get3A_272 = arith.constant 0 : index
      %get3A_273 = tpu.vector_load %arg14[%get3A, %get3A_272] {strides = array<i32>} : memref<640x48xf32, #tpu.memory_space<vmem>>, vector<16xf32>,
      %get3A_274 = arith.index_cast %add3A_269 : i32 to index
      %get3A_275 = arith.constant 0 : index
      %get3A_276 = tpu.vector_load %arg15[%get3A_274, %get3A_275] {strides = array<i32>} : memref<320x48xf32, #tpu.memory_space<vmem>>, vector<16xf32>,
      %add3A_277 = arith.addf %get3A_273, %get3A_276 : vector<16xf32>
      %add3A_278 = arith.constant 0 : i32
      %add3A_279 = arith.addi %add3A_278, %add3A_269 : i32
      %swap3A = arith.index_cast %add3A_279 : i32 to index
      %swap3A_280 = arith.constant 0 : index
      %swap3A_281 = tpu.vector_load %arg14[%swap3A, %swap3A_280] {strides = array<i32>} : memref<640x48xf32, #tpu.memory_space<vmem>>, vector<16xf32>,
      tpu.vector_store %arg14[%swap3A, %swap3A_280], %add3A_277 {strides = array<i32>} : memref<640x48xf32, #tpu.memory_space<vmem>>, vector<16xf32>,
      %add3A_282 = arith.constant 0 : i32
      %add3A_283 = arith.addi %add3A_282, %add3A_269 : i32
      %get3A_284 = arith.index_cast %add3A_283 : i32 to index
      %get3A_285 = arith.constant 16 : index
      %get3A_286 = tpu.vector_load %arg14[%get3A_284, %get3A_285] {strides = array<i32>} : memref<640x48xf32, #tpu.memory_space<vmem>>, vector<16xf32>,
      %get3A_287 = arith.index_cast %add3A_269 : i32 to index
      %get3A_288 = arith.constant 16 : index
      %get3A_289 = tpu.vector_load %arg15[%get3A_287, %get3A_288] {strides = array<i32>} : memref<320x48xf32, #tpu.memory_space<vmem>>, vector<16xf32>,
      %add3A_290 = arith.addf %get3A_286, %get3A_289 : vector<16xf32>
      %add3A_291 = arith.constant 0 : i32
      %add3A_292 = arith.addi %add3A_291, %add3A_269 : i32
      %swap3A_293 = arith.index_cast %add3A_292 : i32 to index
      %swap3A_294 = arith.constant 16 : index
      %swap3A_295 = tpu.vector_load %arg14[%swap3A_293, %swap3A_294] {strides = array<i32>} : memref<640x48xf32, #tpu.memory_space<vmem>>, vector<16xf32>,
      tpu.vector_store %arg14[%swap3A_293, %swap3A_294], %add3A_290 {strides = array<i32>} : memref<640x48xf32, #tpu.memory_space<vmem>>, vector<16xf32>,
      %add3A_296 = arith.constant 0 : i32
      %add3A_297 = arith.addi %add3A_296, %add3A_269 : i32
      %get3A_298 = arith.index_cast %add3A_297 : i32 to index
      %get3A_299 = arith.constant 32 : index
      %get3A_300 = tpu.vector_load %arg14[%get3A_298, %get3A_299] {strides = array<i32>} : memref<640x48xf32, #tpu.memory_space<vmem>>, vector<16xf32>,
      %get3A_301 = arith.index_cast %add3A_269 : i32 to index
      %get3A_302 = arith.constant 32 : index
      %get3A_303 = tpu.vector_load %arg15[%get3A_301, %get3A_302] {strides = array<i32>} : memref<320x48xf32, #tpu.memory_space<vmem>>, vector<16xf32>,
      %add3A_304 = arith.addf %get3A_300, %get3A_303 : vector<16xf32>
      %add3A_305 = arith.constant 0 : i32
      %add3A_306 = arith.addi %add3A_305, %add3A_269 : i32
      %swap3A_307 = arith.index_cast %add3A_306 : i32 to index
      %swap3A_308 = arith.constant 32 : index
      %swap3A_309 = tpu.vector_load %arg14[%swap3A_307, %swap3A_308] {strides = array<i32>} : memref<640x48xf32, #tpu.memory_space<vmem>>, vector<16xf32>,
      tpu.vector_store %arg14[%swap3A_307, %swap3A_308], %add3A_304 {strides = array<i32>} : memref<640x48xf32, #tpu.memory_space<vmem>>, vector<16xf32>,
    }
    %scan3A_44 = arith.constant 320 : i32
    %add3A_45 = arith.constant 320 : i32
    %add3A_46 = arith.addi %mul3A_2, %add3A_45 : i32
    %run_scoped3A = arith.constant 1 : i32
    "tpu.region"() ({
      %run_scoped3A_265 = tpu.sem_alloc : memref<!tpu.dma_semaphore, #tpu.memory_space<semaphore_mem>>
      %dma_start3A_266 = arith.constant 0 : i32
      %dma_start3A_267 = tpu.memref_slice %arg2[%run_scoped3A, %add3A_46, %dma_start3A_266] : memref<2x10240x48xf32, #tpu.memory_space<hbm>> -> memref<1x320x48xf32, #tpu.memory_space<hbm>>
      %dma_start3A_268 = tpu.memref_squeeze %dma_start3A_267 : memref<1x320x48xf32, #tpu.memory_space<hbm>> -> memref<320x48xf32, #tpu.memory_space<hbm>>
      %dma_start3A_269 = arith.constant 0 : i32
      %dma_start3A_270 = tpu.memref_slice %arg2[%run_scoped3A, %add3A_46, %dma_start3A_269] : memref<2x10240x48xf32, #tpu.memory_space<hbm>> -> memref<1x320x48xf32, #tpu.memory_space<hbm>>
      %dma_start3A_271 = tpu.memref_squeeze %dma_start3A_270 : memref<1x320x48xf32, #tpu.memory_space<hbm>> -> memref<320x48xf32, #tpu.memory_space<hbm>>
      tpu.enqueue_dma source(%dma_start3A_271 : memref<320x48xf32, #tpu.memory_space<hbm>>) target(%arg15 : memref<320x48xf32, #tpu.memory_space<vmem>>) target_semaphore(%run_scoped3A_265 : memref<!tpu.dma_semaphore, #tpu.memory_space<semaphore_mem>>)
      %dma_wait3A_272 = arith.constant 0 : i32
      %dma_wait3A_273 = tpu.memref_slice %arg2[%run_scoped3A, %add3A_46, %dma_wait3A_272] : memref<2x10240x48xf32, #tpu.memory_space<hbm>> -> memref<1x320x48xf32, #tpu.memory_space<hbm>>
      %dma_wait3A_274 = tpu.memref_squeeze %dma_wait3A_273 : memref<1x320x48xf32, #tpu.memory_space<hbm>> -> memref<320x48xf32, #tpu.memory_space<hbm>>
      %dma_wait3A_275 = arith.constant 0 : i32
      %dma_wait3A_276 = tpu.memref_slice %arg2[%run_scoped3A, %add3A_46, %dma_wait3A_275] : memref<2x10240x48xf32, #tpu.memory_space<hbm>> -> memref<1x320x48xf32, #tpu.memory_space<hbm>>
      %dma_wait3A_277 = tpu.memref_squeeze %dma_wait3A_276 : memref<1x320x48xf32, #tpu.memory_space<hbm>> -> memref<320x48xf32, #tpu.memory_space<hbm>>
      tpu.wait_dma2 semaphore(%run_scoped3A_265 : memref<!tpu.dma_semaphore, #tpu.memory_space<semaphore_mem>>) src(%dma_wait3A_277 : memref<320x48xf32, #tpu.memory_space<hbm>>) dst(%arg15 : memref<320x48xf32, #tpu.memory_space<vmem>>)
      tpu.yield
    }) : () -> ()
    %scan3A_47 = arith.constant 0 : i32
    %scan3A_48 = arith.constant 320 : i32
    %scan3A_49 = arith.addi %scan3A_47, %scan3A_48 : i32
    %scan3A_50 = arith.constant 1 : i32
    scf.for %scan3A_265 = %scan3A_47 to %scan3A_49 step %scan3A_50  : i32 {
      %mul3A_266 = arith.constant 1 : i32
      %mul3A_267 = arith.muli %scan3A_265, %mul3A_266 : i32
      %add3A_268 = arith.constant 0 : i32
      %add3A_269 = arith.addi %add3A_268, %mul3A_267 : i32
      %add3A_270 = arith.constant 320 : i32
      %add3A_271 = arith.addi %add3A_270, %add3A_269 : i32
      %get3A = arith.index_cast %add3A_271 : i32 to index
      %get3A_272 = arith.constant 0 : index
      %get3A_273 = tpu.vector_load %arg14[%get3A, %get3A_272] {strides = array<i32>} : memref<640x48xf32, #tpu.memory_space<vmem>>, vector<16xf32>,
      %get3A_274 = arith.index_cast %add3A_269 : i32 to index
      %get3A_275 = arith.constant 0 : index
      %get3A_276 = tpu.vector_load %arg15[%get3A_274, %get3A_275] {strides = array<i32>} : memref<320x48xf32, #tpu.memory_space<vmem>>, vector<16xf32>,
      %add3A_277 = arith.addf %get3A_273, %get3A_276 : vector<16xf32>
      %add3A_278 = arith.constant 320 : i32
      %add3A_279 = arith.addi %add3A_278, %add3A_269 : i32
      %swap3A = arith.index_cast %add3A_279 : i32 to index
      %swap3A_280 = arith.constant 0 : index
      %swap3A_281 = tpu.vector_load %arg14[%swap3A, %swap3A_280] {strides = array<i32>} : memref<640x48xf32, #tpu.memory_space<vmem>>, vector<16xf32>,
      tpu.vector_store %arg14[%swap3A, %swap3A_280], %add3A_277 {strides = array<i32>} : memref<640x48xf32, #tpu.memory_space<vmem>>, vector<16xf32>,
      %add3A_282 = arith.constant 320 : i32
      %add3A_283 = arith.addi %add3A_282, %add3A_269 : i32
      %get3A_284 = arith.index_cast %add3A_283 : i32 to index
      %get3A_285 = arith.constant 16 : index
      %get3A_286 = tpu.vector_load %arg14[%get3A_284, %get3A_285] {strides = array<i32>} : memref<640x48xf32, #tpu.memory_space<vmem>>, vector<16xf32>,
      %get3A_287 = arith.index_cast %add3A_269 : i32 to index
      %get3A_288 = arith.constant 16 : index
      %get3A_289 = tpu.vector_load %arg15[%get3A_287, %get3A_288] {strides = array<i32>} : memref<320x48xf32, #tpu.memory_space<vmem>>, vector<16xf32>,
      %add3A_290 = arith.addf %get3A_286, %get3A_289 : vector<16xf32>
      %add3A_291 = arith.constant 320 : i32
      %add3A_292 = arith.addi %add3A_291, %add3A_269 : i32
      %swap3A_293 = arith.index_cast %add3A_292 : i32 to index
      %swap3A_294 = arith.constant 16 : index
      %swap3A_295 = tpu.vector_load %arg14[%swap3A_293, %swap3A_294] {strides = array<i32>} : memref<640x48xf32, #tpu.memory_space<vmem>>, vector<16xf32>,
      tpu.vector_store %arg14[%swap3A_293, %swap3A_294], %add3A_290 {strides = array<i32>} : memref<640x48xf32, #tpu.memory_space<vmem>>, vector<16xf32>,
      %add3A_296 = arith.constant 320 : i32
      %add3A_297 = arith.addi %add3A_296, %add3A_269 : i32
      %get3A_298 = arith.index_cast %add3A_297 : i32 to index
      %get3A_299 = arith.constant 32 : index
      %get3A_300 = tpu.vector_load %arg14[%get3A_298, %get3A_299] {strides = array<i32>} : memref<640x48xf32, #tpu.memory_space<vmem>>, vector<16xf32>,
      %get3A_301 = arith.index_cast %add3A_269 : i32 to index
      %get3A_302 = arith.constant 32 : index
      %get3A_303 = tpu.vector_load %arg15[%get3A_301, %get3A_302] {strides = array<i32>} : memref<320x48xf32, #tpu.memory_space<vmem>>, vector<16xf32>,
      %add3A_304 = arith.addf %get3A_300, %get3A_303 : vector<16xf32>
      %add3A_305 = arith.constant 320 : i32
      %add3A_306 = arith.addi %add3A_305, %add3A_269 : i32
      %swap3A_307 = arith.index_cast %add3A_306 : i32 to index
      %swap3A_308 = arith.constant 32 : index
      %swap3A_309 = tpu.vector_load %arg14[%swap3A_307, %swap3A_308] {strides = array<i32>} : memref<640x48xf32, #tpu.memory_space<vmem>>, vector<16xf32>,
      tpu.vector_store %arg14[%swap3A_307, %swap3A_308], %add3A_304 {strides = array<i32>} : memref<640x48xf32, #tpu.memory_space<vmem>>, vector<16xf32>,
    }
    %scan3A_51 = arith.constant 320 : i32
    "tpu.region"() ({
      %run_scoped3A_265 = tpu.sem_alloc : memref<!tpu.dma_semaphore, #tpu.memory_space<semaphore_mem>>
      %dma_start3A_266 = arith.constant 0 : i32
      %dma_start3A_267 = tpu.memref_slice %arg8[%arg0, %mul3A_2, %dma_start3A_266] : memref<2x10240x48xf32, #tpu.memory_space<hbm>> -> memref<1x640x48xf32, #tpu.memory_space<hbm>>
      %dma_start3A_268 = tpu.memref_squeeze %dma_start3A_267 : memref<1x640x48xf32, #tpu.memory_space<hbm>> -> memref<640x48xf32, #tpu.memory_space<hbm>>
      %dma_start3A_269 = arith.constant 0 : i32
      %dma_start3A_270 = tpu.memref_slice %arg8[%arg0, %mul3A_2, %dma_start3A_269] : memref<2x10240x48xf32, #tpu.memory_space<hbm>> -> memref<1x640x48xf32, #tpu.memory_space<hbm>>
      %dma_start3A_271 = tpu.memref_squeeze %dma_start3A_270 : memref<1x640x48xf32, #tpu.memory_space<hbm>> -> memref<640x48xf32, #tpu.memory_space<hbm>>
      tpu.enqueue_dma source(%arg14 : memref<640x48xf32, #tpu.memory_space<vmem>>) target(%dma_start3A_271 : memref<640x48xf32, #tpu.memory_space<hbm>>) target_semaphore(%run_scoped3A_265 : memref<!tpu.dma_semaphore, #tpu.memory_space<semaphore_mem>>)
      %dma_wait3A_272 = arith.constant 0 : i32
      %dma_wait3A_273 = tpu.memref_slice %arg8[%arg0, %mul3A_2, %dma_wait3A_272] : memref<2x10240x48xf32, #tpu.memory_space<hbm>> -> memref<1x640x48xf32, #tpu.memory_space<hbm>>
      %dma_wait3A_274 = tpu.memref_squeeze %dma_wait3A_273 : memref<1x640x48xf32, #tpu.memory_space<hbm>> -> memref<640x48xf32, #tpu.memory_space<hbm>>
      %dma_wait3A_275 = arith.constant 0 : i32
      %dma_wait3A_276 = tpu.memref_slice %arg8[%arg0, %mul3A_2, %dma_wait3A_275] : memref<2x10240x48xf32, #tpu.memory_space<hbm>> -> memref<1x640x48xf32, #tpu.memory_space<hbm>>
      %dma_wait3A_277 = tpu.memref_squeeze %dma_wait3A_276 : memref<1x640x48xf32, #tpu.memory_space<hbm>> -> memref<640x48xf32, #tpu.memory_space<hbm>>
      tpu.wait_dma2 semaphore(%run_scoped3A_265 : memref<!tpu.dma_semaphore, #tpu.memory_space<semaphore_mem>>) src(%arg14 : memref<640x48xf32, #tpu.memory_space<vmem>>) dst(%dma_wait3A_277 : memref<640x48xf32, #tpu.memory_space<hbm>>)
      tpu.yield
    }) : () -> ()
    %eq3A = arith.constant 0 : i32
    %eq3A_52 = arith.cmpi eq, %arg0, %eq3A : i32
    %convert_element_type3A = arith.extui %eq3A_52 : i1 to i32
    %cond3A = arith.constant 0 : i32
    %cond3A_53 = arith.cmpi ne, %convert_element_type3A, %cond3A : i32
    scf.if %cond3A_53 {
      "tpu.region"() ({
        %run_scoped3A_265 = tpu.sem_alloc : memref<!tpu.dma_semaphore, #tpu.memory_space<semaphore_mem>>
        %dma_start3A_266 = arith.constant 0 : i32
        %dma_start3A_267 = tpu.memref_slice %arg16[%mul3A_2, %dma_start3A_266] : memref<10240x48xf32, #tpu.memory_space<vmem_shared>> -> memref<640x48xf32, #tpu.memory_space<vmem_shared>>
        %dma_start3A_268 = arith.constant 0 : i32
        %dma_start3A_269 = tpu.memref_slice %arg16[%mul3A_2, %dma_start3A_268] : memref<10240x48xf32, #tpu.memory_space<vmem_shared>> -> memref<640x48xf32, #tpu.memory_space<vmem_shared>>
        tpu.enqueue_dma source(%arg14 : memref<640x48xf32, #tpu.memory_space<vmem>>) target(%dma_start3A_269 : memref<640x48xf32, #tpu.memory_space<vmem_shared>>) target_semaphore(%run_scoped3A_265 : memref<!tpu.dma_semaphore, #tpu.memory_space<semaphore_mem>>)
        %dma_wait3A_270 = arith.constant 0 : i32
        %dma_wait3A_271 = tpu.memref_slice %arg16[%mul3A_2, %dma_wait3A_270] : memref<10240x48xf32, #tpu.memory_space<vmem_shared>> -> memref<640x48xf32, #tpu.memory_space<vmem_shared>>
        %dma_wait3A_272 = arith.constant 0 : i32
        %dma_wait3A_273 = tpu.memref_slice %arg16[%mul3A_2, %dma_wait3A_272] : memref<10240x48xf32, #tpu.memory_space<vmem_shared>> -> memref<640x48xf32, #tpu.memory_space<vmem_shared>>
        tpu.wait_dma2 semaphore(%run_scoped3A_265 : memref<!tpu.dma_semaphore, #tpu.memory_space<semaphore_mem>>) src(%arg14 : memref<640x48xf32, #tpu.memory_space<vmem>>) dst(%dma_wait3A_273 : memref<640x48xf32, #tpu.memory_space<vmem_shared>>)
        tpu.yield
      }) : () -> ()
    } else {
    }
    %eq3A_54 = arith.constant 1 : i32
    %eq3A_55 = arith.cmpi eq, %arg0, %eq3A_54 : i32
    %convert_element_type3A_56 = arith.extui %eq3A_55 : i1 to i32
    %cond3A_57 = arith.constant 0 : i32
    %cond3A_58 = arith.cmpi ne, %convert_element_type3A_56, %cond3A_57 : i32
    scf.if %cond3A_58 {
      "tpu.region"() ({
        %run_scoped3A_265 = tpu.sem_alloc : memref<!tpu.dma_semaphore, #tpu.memory_space<semaphore_mem>>
        %dma_start3A_266 = arith.constant 0 : i32
        %dma_start3A_267 = tpu.memref_slice %arg16[%mul3A_2, %dma_start3A_266] : memref<10240x48xf32, #tpu.memory_space<vmem_shared>> -> memref<640x48xf32, #tpu.memory_space<vmem_shared>>
        %dma_start3A_268 = arith.constant 0 : i32
        %dma_start3A_269 = tpu.memref_slice %arg4[%mul3A_2, %dma_start3A_268] : memref<10240x48xf32, #tpu.memory_space<hbm>> -> memref<640x48xf32, #tpu.memory_space<hbm>>
        tpu.enqueue_dma source(%dma_start3A_269 : memref<640x48xf32, #tpu.memory_space<hbm>>) target(%dma_start3A_267 : memref<640x48xf32, #tpu.memory_space<vmem_shared>>) target_semaphore(%run_scoped3A_265 : memref<!tpu.dma_semaphore, #tpu.memory_space<semaphore_mem>>)
        %dma_wait3A_270 = arith.constant 0 : i32
        %dma_wait3A_271 = tpu.memref_slice %arg16[%mul3A_2, %dma_wait3A_270] : memref<10240x48xf32, #tpu.memory_space<vmem_shared>> -> memref<640x48xf32, #tpu.memory_space<vmem_shared>>
        %dma_wait3A_272 = arith.constant 0 : i32
        %dma_wait3A_273 = tpu.memref_slice %arg4[%mul3A_2, %dma_wait3A_272] : memref<10240x48xf32, #tpu.memory_space<hbm>> -> memref<640x48xf32, #tpu.memory_space<hbm>>
        tpu.wait_dma2 semaphore(%run_scoped3A_265 : memref<!tpu.dma_semaphore, #tpu.memory_space<semaphore_mem>>) src(%dma_wait3A_273 : memref<640x48xf32, #tpu.memory_space<hbm>>) dst(%dma_wait3A_271 : memref<640x48xf32, #tpu.memory_space<vmem_shared>>)
        tpu.yield
      }) : () -> ()
    } else {
    }
    %barrier3A = arith.constant 0 : index
    tpu.barrier barrier_id(%barrier3A)
    %dma_start3A_59 = arith.constant 0 : i32
    %dma_start3A_60 = arith.constant 0 : i32
    %dma_start3A_61 = arith.constant 0 : i32
    %dma_start3A_62 = arith.constant 0 : i32
    %dma_start3A_63 = arith.constant 0 : i32
    %dma_start3A_64 = tpu.memref_slice %arg11[%dma_start3A_60, %dma_start3A_62, %dma_start3A_63] : memref<5x128x48xf32, #tpu.memory_space<vmem>> -> memref<1x128x48xf32, #tpu.memory_space<vmem>>
    %dma_start3A_65 = tpu.memref_squeeze %dma_start3A_64 : memref<1x128x48xf32, #tpu.memory_space<vmem>> -> memref<128x48xf32, #tpu.memory_space<vmem>>
    %dma_start3A_66 = arith.constant 0 : i32
    %dma_start3A_67 = tpu.memref_slice %arg10[%dma_start3A_59, %dma_start3A_66] : memref<80x128xi32, #tpu.memory_space<vmem>> -> memref<1x128xi32, #tpu.memory_space<vmem>>
    %dma_start3A_68 = tpu.memref_squeeze %dma_start3A_67 : memref<1x128xi32, #tpu.memory_space<vmem>> -> memref<128xi32, #tpu.memory_space<vmem>>
    %dma_start3A_69 = arith.constant 0 : i32
    %dma_start3A_70 = arith.constant 0 : i32
    %dma_start3A_71 = tpu.memref_slice %arg8[%arg0, %dma_start3A_69, %dma_start3A_70] : memref<2x10240x48xf32, #tpu.memory_space<hbm>> -> memref<1x10240x48xf32, #tpu.memory_space<hbm>>
    %dma_start3A_72 = tpu.memref_squeeze %dma_start3A_71 : memref<1x10240x48xf32, #tpu.memory_space<hbm>> -> memref<10240x48xf32, #tpu.memory_space<hbm>>
    %dma_start3A_73 = arith.constant 0 : i32
    %dma_start3A_74 = arith.constant 0 : i32
    %dma_start3A_75 = tpu.memref_slice %dma_start3A_72[%dma_start3A_73, %dma_start3A_74] : memref<10240x48xf32, #tpu.memory_space<hbm>> -> memref<10240x48xf32, #tpu.memory_space<hbm>>
    %dma_start3A_76 = tpu.memref_slice %arg17[%dma_start3A_61] : memref<5x!tpu.dma_semaphore, #tpu.memory_space<semaphore_mem>> -> memref<1x!tpu.dma_semaphore, #tpu.memory_space<semaphore_mem>>
    %dma_start3A_77 = tpu.memref_squeeze %dma_start3A_76 : memref<1x!tpu.dma_semaphore, #tpu.memory_space<semaphore_mem>> -> memref<!tpu.dma_semaphore, #tpu.memory_space<semaphore_mem>>
    tpu.enqueue_indirect_dma source(%dma_start3A_75 : memref<10240x48xf32, #tpu.memory_space<hbm>>) target(%dma_start3A_65 : memref<128x48xf32, #tpu.memory_space<vmem>>) offsets(%dma_start3A_68 : memref<128xi32, #tpu.memory_space<vmem>>) semaphore(%dma_start3A_77 : memref<!tpu.dma_semaphore, #tpu.memory_space<semaphore_mem>>)
    %dma_start3A_78 = arith.constant 1 : i32
    %dma_start3A_79 = arith.constant 1 : i32
    %dma_start3A_80 = arith.constant 1 : i32
    %dma_start3A_81 = arith.constant 0 : i32
    %dma_start3A_82 = arith.constant 0 : i32
    %dma_start3A_83 = tpu.memref_slice %arg11[%dma_start3A_79, %dma_start3A_81, %dma_start3A_82] : memref<5x128x48xf32, #tpu.memory_space<vmem>> -> memref<1x128x48xf32, #tpu.memory_space<vmem>>
    %dma_start3A_84 = tpu.memref_squeeze %dma_start3A_83 : memref<1x128x48xf32, #tpu.memory_space<vmem>> -> memref<128x48xf32, #tpu.memory_space<vmem>>
    %dma_start3A_85 = arith.constant 0 : i32
    %dma_start3A_86 = tpu.memref_slice %arg10[%dma_start3A_78, %dma_start3A_85] : memref<80x128xi32, #tpu.memory_space<vmem>> -> memref<1x128xi32, #tpu.memory_space<vmem>>
    %dma_start3A_87 = tpu.memref_squeeze %dma_start3A_86 : memref<1x128xi32, #tpu.memory_space<vmem>> -> memref<128xi32, #tpu.memory_space<vmem>>
    %dma_start3A_88 = arith.constant 0 : i32
    %dma_start3A_89 = arith.constant 0 : i32
    %dma_start3A_90 = tpu.memref_slice %arg8[%arg0, %dma_start3A_88, %dma_start3A_89] : memref<2x10240x48xf32, #tpu.memory_space<hbm>> -> memref<1x10240x48xf32, #tpu.memory_space<hbm>>
    %dma_start3A_91 = tpu.memref_squeeze %dma_start3A_90 : memref<1x10240x48xf32, #tpu.memory_space<hbm>> -> memref<10240x48xf32, #tpu.memory_space<hbm>>
    %dma_start3A_92 = arith.constant 0 : i32
    %dma_start3A_93 = arith.constant 0 : i32
    %dma_start3A_94 = tpu.memref_slice %dma_start3A_91[%dma_start3A_92, %dma_start3A_93] : memref<10240x48xf32, #tpu.memory_space<hbm>> -> memref<10240x48xf32, #tpu.memory_space<hbm>>
    %dma_start3A_95 = tpu.memref_slice %arg17[%dma_start3A_80] : memref<5x!tpu.dma_semaphore, #tpu.memory_space<semaphore_mem>> -> memref<1x!tpu.dma_semaphore, #tpu.memory_space<semaphore_mem>>
    %dma_start3A_96 = tpu.memref_squeeze %dma_start3A_95 : memref<1x!tpu.dma_semaphore, #tpu.memory_space<semaphore_mem>> -> memref<!tpu.dma_semaphore, #tpu.memory_space<semaphore_mem>>
    tpu.enqueue_indirect_dma source(%dma_start3A_94 : memref<10240x48xf32, #tpu.memory_space<hbm>>) target(%dma_start3A_84 : memref<128x48xf32, #tpu.memory_space<vmem>>) offsets(%dma_start3A_87 : memref<128xi32, #tpu.memory_space<vmem>>) semaphore(%dma_start3A_96 : memref<!tpu.dma_semaphore, #tpu.memory_space<semaphore_mem>>)
    %dma_start3A_97 = arith.constant 2 : i32
    %dma_start3A_98 = arith.constant 2 : i32
    %dma_start3A_99 = arith.constant 2 : i32
    %dma_start3A_100 = arith.constant 0 : i32
    %dma_start3A_101 = arith.constant 0 : i32
    %dma_start3A_102 = tpu.memref_slice %arg11[%dma_start3A_98, %dma_start3A_100, %dma_start3A_101] : memref<5x128x48xf32, #tpu.memory_space<vmem>> -> memref<1x128x48xf32, #tpu.memory_space<vmem>>
    %dma_start3A_103 = tpu.memref_squeeze %dma_start3A_102 : memref<1x128x48xf32, #tpu.memory_space<vmem>> -> memref<128x48xf32, #tpu.memory_space<vmem>>
    %dma_start3A_104 = arith.constant 0 : i32
    %dma_start3A_105 = tpu.memref_slice %arg10[%dma_start3A_97, %dma_start3A_104] : memref<80x128xi32, #tpu.memory_space<vmem>> -> memref<1x128xi32, #tpu.memory_space<vmem>>
    %dma_start3A_106 = tpu.memref_squeeze %dma_start3A_105 : memref<1x128xi32, #tpu.memory_space<vmem>> -> memref<128xi32, #tpu.memory_space<vmem>>
    %dma_start3A_107 = arith.constant 0 : i32
    %dma_start3A_108 = arith.constant 0 : i32
    %dma_start3A_109 = tpu.memref_slice %arg8[%arg0, %dma_start3A_107, %dma_start3A_108] : memref<2x10240x48xf32, #tpu.memory_space<hbm>> -> memref<1x10240x48xf32, #tpu.memory_space<hbm>>
    %dma_start3A_110 = tpu.memref_squeeze %dma_start3A_109 : memref<1x10240x48xf32, #tpu.memory_space<hbm>> -> memref<10240x48xf32, #tpu.memory_space<hbm>>
    %dma_start3A_111 = arith.constant 0 : i32
    %dma_start3A_112 = arith.constant 0 : i32
    %dma_start3A_113 = tpu.memref_slice %dma_start3A_110[%dma_start3A_111, %dma_start3A_112] : memref<10240x48xf32, #tpu.memory_space<hbm>> -> memref<10240x48xf32, #tpu.memory_space<hbm>>
    %dma_start3A_114 = tpu.memref_slice %arg17[%dma_start3A_99] : memref<5x!tpu.dma_semaphore, #tpu.memory_space<semaphore_mem>> -> memref<1x!tpu.dma_semaphore, #tpu.memory_space<semaphore_mem>>
    %dma_start3A_115 = tpu.memref_squeeze %dma_start3A_114 : memref<1x!tpu.dma_semaphore, #tpu.memory_space<semaphore_mem>> -> memref<!tpu.dma_semaphore, #tpu.memory_space<semaphore_mem>>
    tpu.enqueue_indirect_dma source(%dma_start3A_113 : memref<10240x48xf32, #tpu.memory_space<hbm>>) target(%dma_start3A_103 : memref<128x48xf32, #tpu.memory_space<vmem>>) offsets(%dma_start3A_106 : memref<128xi32, #tpu.memory_space<vmem>>) semaphore(%dma_start3A_115 : memref<!tpu.dma_semaphore, #tpu.memory_space<semaphore_mem>>)
    %dma_start3A_116 = arith.constant 3 : i32
    %dma_start3A_117 = arith.constant 3 : i32
    %dma_start3A_118 = arith.constant 3 : i32
    %dma_start3A_119 = arith.constant 0 : i32
    %dma_start3A_120 = arith.constant 0 : i32
    %dma_start3A_121 = tpu.memref_slice %arg11[%dma_start3A_117, %dma_start3A_119, %dma_start3A_120] : memref<5x128x48xf32, #tpu.memory_space<vmem>> -> memref<1x128x48xf32, #tpu.memory_space<vmem>>
    %dma_start3A_122 = tpu.memref_squeeze %dma_start3A_121 : memref<1x128x48xf32, #tpu.memory_space<vmem>> -> memref<128x48xf32, #tpu.memory_space<vmem>>
    %dma_start3A_123 = arith.constant 0 : i32
    %dma_start3A_124 = tpu.memref_slice %arg10[%dma_start3A_116, %dma_start3A_123] : memref<80x128xi32, #tpu.memory_space<vmem>> -> memref<1x128xi32, #tpu.memory_space<vmem>>
    %dma_start3A_125 = tpu.memref_squeeze %dma_start3A_124 : memref<1x128xi32, #tpu.memory_space<vmem>> -> memref<128xi32, #tpu.memory_space<vmem>>
    %dma_start3A_126 = arith.constant 0 : i32
    %dma_start3A_127 = arith.constant 0 : i32
    %dma_start3A_128 = tpu.memref_slice %arg8[%arg0, %dma_start3A_126, %dma_start3A_127] : memref<2x10240x48xf32, #tpu.memory_space<hbm>> -> memref<1x10240x48xf32, #tpu.memory_space<hbm>>
    %dma_start3A_129 = tpu.memref_squeeze %dma_start3A_128 : memref<1x10240x48xf32, #tpu.memory_space<hbm>> -> memref<10240x48xf32, #tpu.memory_space<hbm>>
    %dma_start3A_130 = arith.constant 0 : i32
    %dma_start3A_131 = arith.constant 0 : i32
    %dma_start3A_132 = tpu.memref_slice %dma_start3A_129[%dma_start3A_130, %dma_start3A_131] : memref<10240x48xf32, #tpu.memory_space<hbm>> -> memref<10240x48xf32, #tpu.memory_space<hbm>>
    %dma_start3A_133 = tpu.memref_slice %arg17[%dma_start3A_118] : memref<5x!tpu.dma_semaphore, #tpu.memory_space<semaphore_mem>> -> memref<1x!tpu.dma_semaphore, #tpu.memory_space<semaphore_mem>>
    %dma_start3A_134 = tpu.memref_squeeze %dma_start3A_133 : memref<1x!tpu.dma_semaphore, #tpu.memory_space<semaphore_mem>> -> memref<!tpu.dma_semaphore, #tpu.memory_space<semaphore_mem>>
    tpu.enqueue_indirect_dma source(%dma_start3A_132 : memref<10240x48xf32, #tpu.memory_space<hbm>>) target(%dma_start3A_122 : memref<128x48xf32, #tpu.memory_space<vmem>>) offsets(%dma_start3A_125 : memref<128xi32, #tpu.memory_space<vmem>>) semaphore(%dma_start3A_134 : memref<!tpu.dma_semaphore, #tpu.memory_space<semaphore_mem>>)
    %dma_start3A_135 = arith.constant 4 : i32
    %dma_start3A_136 = arith.constant 4 : i32
    %dma_start3A_137 = arith.constant 4 : i32
    %dma_start3A_138 = arith.constant 0 : i32
    %dma_start3A_139 = arith.constant 0 : i32
    %dma_start3A_140 = tpu.memref_slice %arg11[%dma_start3A_136, %dma_start3A_138, %dma_start3A_139] : memref<5x128x48xf32, #tpu.memory_space<vmem>> -> memref<1x128x48xf32, #tpu.memory_space<vmem>>
    %dma_start3A_141 = tpu.memref_squeeze %dma_start3A_140 : memref<1x128x48xf32, #tpu.memory_space<vmem>> -> memref<128x48xf32, #tpu.memory_space<vmem>>
    %dma_start3A_142 = arith.constant 0 : i32
    %dma_start3A_143 = tpu.memref_slice %arg10[%dma_start3A_135, %dma_start3A_142] : memref<80x128xi32, #tpu.memory_space<vmem>> -> memref<1x128xi32, #tpu.memory_space<vmem>>
    %dma_start3A_144 = tpu.memref_squeeze %dma_start3A_143 : memref<1x128xi32, #tpu.memory_space<vmem>> -> memref<128xi32, #tpu.memory_space<vmem>>
    %dma_start3A_145 = arith.constant 0 : i32
    %dma_start3A_146 = arith.constant 0 : i32
    %dma_start3A_147 = tpu.memref_slice %arg8[%arg0, %dma_start3A_145, %dma_start3A_146] : memref<2x10240x48xf32, #tpu.memory_space<hbm>> -> memref<1x10240x48xf32, #tpu.memory_space<hbm>>
    %dma_start3A_148 = tpu.memref_squeeze %dma_start3A_147 : memref<1x10240x48xf32, #tpu.memory_space<hbm>> -> memref<10240x48xf32, #tpu.memory_space<hbm>>
    %dma_start3A_149 = arith.constant 0 : i32
    %dma_start3A_150 = arith.constant 0 : i32
    %dma_start3A_151 = tpu.memref_slice %dma_start3A_148[%dma_start3A_149, %dma_start3A_150] : memref<10240x48xf32, #tpu.memory_space<hbm>> -> memref<10240x48xf32, #tpu.memory_space<hbm>>
    %dma_start3A_152 = tpu.memref_slice %arg17[%dma_start3A_137] : memref<5x!tpu.dma_semaphore, #tpu.memory_space<semaphore_mem>> -> memref<1x!tpu.dma_semaphore, #tpu.memory_space<semaphore_mem>>
    %dma_start3A_153 = tpu.memref_squeeze %dma_start3A_152 : memref<1x!tpu.dma_semaphore, #tpu.memory_space<semaphore_mem>> -> memref<!tpu.dma_semaphore, #tpu.memory_space<semaphore_mem>>
    tpu.enqueue_indirect_dma source(%dma_start3A_151 : memref<10240x48xf32, #tpu.memory_space<hbm>>) target(%dma_start3A_141 : memref<128x48xf32, #tpu.memory_space<vmem>>) offsets(%dma_start3A_144 : memref<128xi32, #tpu.memory_space<vmem>>) semaphore(%dma_start3A_153 : memref<!tpu.dma_semaphore, #tpu.memory_space<semaphore_mem>>)
    %scan3A_154 = arith.constant 0 : i32
    %scan3A_155 = arith.constant 15 : i32
    %scan3A_156 = arith.addi %scan3A_154, %scan3A_155 : i32
    %scan3A_157 = arith.constant 1 : i32
    scf.for %scan3A_265 = %scan3A_154 to %scan3A_156 step %scan3A_157  : i32 {
      %mul3A_266 = arith.constant 1 : i32
      %mul3A_267 = arith.muli %scan3A_265, %mul3A_266 : i32
      %add3A_268 = arith.constant 0 : i32
      %add3A_269 = arith.addi %add3A_268, %mul3A_267 : i32
      %mul3A_270 = arith.constant 5 : i32
      %mul3A_271 = arith.muli %add3A_269, %mul3A_270 : i32
      %add3A_272 = arith.constant 0 : i32
      %add3A_273 = arith.addi %mul3A_271, %add3A_272 : i32
      %dma_wait3A_274 = arith.constant 0 : i32
      %dma_wait3A_275 = arith.constant 0 : i32
      %dma_wait3A_276 = arith.constant 0 : i32
      %dma_wait3A_277 = arith.constant 0 : i32
      %dma_wait3A_278 = tpu.memref_slice %arg11[%dma_wait3A_274, %dma_wait3A_276, %dma_wait3A_277] : memref<5x128x48xf32, #tpu.memory_space<vmem>> -> memref<1x128x48xf32, #tpu.memory_space<vmem>>
      %dma_wait3A_279 = tpu.memref_squeeze %dma_wait3A_278 : memref<1x128x48xf32, #tpu.memory_space<vmem>> -> memref<128x48xf32, #tpu.memory_space<vmem>>
      %dma_wait3A_280 = arith.constant 0 : i32
      %dma_wait3A_281 = tpu.memref_slice %arg10[%add3A_273, %dma_wait3A_280] : memref<80x128xi32, #tpu.memory_space<vmem>> -> memref<1x128xi32, #tpu.memory_space<vmem>>
      %dma_wait3A_282 = tpu.memref_squeeze %dma_wait3A_281 : memref<1x128xi32, #tpu.memory_space<vmem>> -> memref<128xi32, #tpu.memory_space<vmem>>
      %dma_wait3A_283 = arith.constant 0 : i32
      %dma_wait3A_284 = arith.constant 0 : i32
      %dma_wait3A_285 = tpu.memref_slice %arg8[%arg0, %dma_wait3A_283, %dma_wait3A_284] : memref<2x10240x48xf32, #tpu.memory_space<hbm>> -> memref<1x10240x48xf32, #tpu.memory_space<hbm>>
      %dma_wait3A_286 = tpu.memref_squeeze %dma_wait3A_285 : memref<1x10240x48xf32, #tpu.memory_space<hbm>> -> memref<10240x48xf32, #tpu.memory_space<hbm>>
      %dma_wait3A_287 = arith.constant 0 : i32
      %dma_wait3A_288 = arith.constant 0 : i32
      %dma_wait3A_289 = tpu.memref_slice %dma_wait3A_286[%dma_wait3A_287, %dma_wait3A_288] : memref<10240x48xf32, #tpu.memory_space<hbm>> -> memref<10240x48xf32, #tpu.memory_space<hbm>>
      %dma_wait3A_290 = tpu.memref_slice %arg17[%dma_wait3A_275] : memref<5x!tpu.dma_semaphore, #tpu.memory_space<semaphore_mem>> -> memref<1x!tpu.dma_semaphore, #tpu.memory_space<semaphore_mem>>
      %dma_wait3A_291 = tpu.memref_squeeze %dma_wait3A_290 : memref<1x!tpu.dma_semaphore, #tpu.memory_space<semaphore_mem>> -> memref<!tpu.dma_semaphore, #tpu.memory_space<semaphore_mem>>
      tpu.wait_indirect_dma semaphore(%dma_wait3A_291 : memref<!tpu.dma_semaphore, #tpu.memory_space<semaphore_mem>>) src(%dma_wait3A_289 : memref<10240x48xf32, #tpu.memory_space<hbm>>) dst(%dma_wait3A_279 : memref<128x48xf32, #tpu.memory_space<vmem>>)
      %run_scoped3A_292 = arith.constant 0 : i32
      "tpu.region"() ({
        %run_scoped3A_485 = tpu.sem_alloc : memref<!tpu.dma_semaphore, #tpu.memory_space<semaphore_mem>>
        %dma_start3A_486 = arith.constant 0 : i32
        %dma_start3A_487 = arith.constant 0 : i32
        %dma_start3A_488 = tpu.memref_slice %arg11[%run_scoped3A_292, %dma_start3A_486, %dma_start3A_487] : memref<5x128x48xf32, #tpu.memory_space<vmem>> -> memref<1x128x48xf32, #tpu.memory_space<vmem>>
        %dma_start3A_489 = tpu.memref_squeeze %dma_start3A_488 : memref<1x128x48xf32, #tpu.memory_space<vmem>> -> memref<128x48xf32, #tpu.memory_space<vmem>>
        %dma_start3A_490 = arith.constant 0 : i32
        %dma_start3A_491 = tpu.memref_slice %arg9[%add3A_273, %dma_start3A_490] : memref<80x128xi32, #tpu.memory_space<vmem>> -> memref<1x128xi32, #tpu.memory_space<vmem>>
        %dma_start3A_492 = tpu.memref_squeeze %dma_start3A_491 : memref<1x128xi32, #tpu.memory_space<vmem>> -> memref<128xi32, #tpu.memory_space<vmem>>
        %dma_start3A_493 = arith.constant 0 : i32
        %dma_start3A_494 = arith.constant 0 : i32
        %dma_start3A_495 = tpu.memref_slice %arg16[%dma_start3A_493, %dma_start3A_494] : memref<10240x48xf32, #tpu.memory_space<vmem_shared>> -> memref<10240x48xf32, #tpu.memory_space<vmem_shared>>
        tpu.enqueue_indirect_dma source(%dma_start3A_489 : memref<128x48xf32, #tpu.memory_space<vmem>>) target(%dma_start3A_495 : memref<10240x48xf32, #tpu.memory_space<vmem_shared>>) offsets(%dma_start3A_492 : memref<128xi32, #tpu.memory_space<vmem>>) semaphore(%run_scoped3A_485 : memref<!tpu.dma_semaphore, #tpu.memory_space<semaphore_mem>>) {add = true}
        %dma_wait3A_496 = arith.constant 0 : i32
        %dma_wait3A_497 = arith.constant 0 : i32
        %dma_wait3A_498 = tpu.memref_slice %arg11[%run_scoped3A_292, %dma_wait3A_496, %dma_wait3A_497] : memref<5x128x48xf32, #tpu.memory_space<vmem>> -> memref<1x128x48xf32, #tpu.memory_space<vmem>>
        %dma_wait3A_499 = tpu.memref_squeeze %dma_wait3A_498 : memref<1x128x48xf32, #tpu.memory_space<vmem>> -> memref<128x48xf32, #tpu.memory_space<vmem>>
        %dma_wait3A_500 = arith.constant 0 : i32
        %dma_wait3A_501 = tpu.memref_slice %arg9[%add3A_273, %dma_wait3A_500] : memref<80x128xi32, #tpu.memory_space<vmem>> -> memref<1x128xi32, #tpu.memory_space<vmem>>
        %dma_wait3A_502 = tpu.memref_squeeze %dma_wait3A_501 : memref<1x128xi32, #tpu.memory_space<vmem>> -> memref<128xi32, #tpu.memory_space<vmem>>
        %dma_wait3A_503 = arith.constant 0 : i32
        %dma_wait3A_504 = arith.constant 0 : i32
        %dma_wait3A_505 = tpu.memref_slice %arg16[%dma_wait3A_503, %dma_wait3A_504] : memref<10240x48xf32, #tpu.memory_space<vmem_shared>> -> memref<10240x48xf32, #tpu.memory_space<vmem_shared>>
        tpu.wait_indirect_dma semaphore(%run_scoped3A_485 : memref<!tpu.dma_semaphore, #tpu.memory_space<semaphore_mem>>) src(%dma_wait3A_499 : memref<128x48xf32, #tpu.memory_space<vmem>>) dst(%dma_wait3A_505 : memref<10240x48xf32, #tpu.memory_space<vmem_shared>>)
        tpu.yield
      }) : () -> ()
      %add3A_293 = arith.constant 5 : i32
      %add3A_294 = arith.addi %add3A_273, %add3A_293 : i32
      %dma_start3A_295 = arith.constant 0 : i32
      %dma_start3A_296 = arith.constant 0 : i32
      %dma_start3A_297 = arith.constant 0 : i32
      %dma_start3A_298 = arith.constant 0 : i32
      %dma_start3A_299 = tpu.memref_slice %arg11[%dma_start3A_295, %dma_start3A_297, %dma_start3A_298] : memref<5x128x48xf32, #tpu.memory_space<vmem>> -> memref<1x128x48xf32, #tpu.memory_space<vmem>>
      %dma_start3A_300 = tpu.memref_squeeze %dma_start3A_299 : memref<1x128x48xf32, #tpu.memory_space<vmem>> -> memref<128x48xf32, #tpu.memory_space<vmem>>
      %dma_start3A_301 = arith.constant 0 : i32
      %dma_start3A_302 = tpu.memref_slice %arg10[%add3A_294, %dma_start3A_301] : memref<80x128xi32, #tpu.memory_space<vmem>> -> memref<1x128xi32, #tpu.memory_space<vmem>>
      %dma_start3A_303 = tpu.memref_squeeze %dma_start3A_302 : memref<1x128xi32, #tpu.memory_space<vmem>> -> memref<128xi32, #tpu.memory_space<vmem>>
      %dma_start3A_304 = arith.constant 0 : i32
      %dma_start3A_305 = arith.constant 0 : i32
      %dma_start3A_306 = tpu.memref_slice %arg8[%arg0, %dma_start3A_304, %dma_start3A_305] : memref<2x10240x48xf32, #tpu.memory_space<hbm>> -> memref<1x10240x48xf32, #tpu.memory_space<hbm>>
      %dma_start3A_307 = tpu.memref_squeeze %dma_start3A_306 : memref<1x10240x48xf32, #tpu.memory_space<hbm>> -> memref<10240x48xf32, #tpu.memory_space<hbm>>
      %dma_start3A_308 = arith.constant 0 : i32
      %dma_start3A_309 = arith.constant 0 : i32
      %dma_start3A_310 = tpu.memref_slice %dma_start3A_307[%dma_start3A_308, %dma_start3A_309] : memref<10240x48xf32, #tpu.memory_space<hbm>> -> memref<10240x48xf32, #tpu.memory_space<hbm>>
      %dma_start3A_311 = tpu.memref_slice %arg17[%dma_start3A_296] : memref<5x!tpu.dma_semaphore, #tpu.memory_space<semaphore_mem>> -> memref<1x!tpu.dma_semaphore, #tpu.memory_space<semaphore_mem>>
      %dma_start3A_312 = tpu.memref_squeeze %dma_start3A_311 : memref<1x!tpu.dma_semaphore, #tpu.memory_space<semaphore_mem>> -> memref<!tpu.dma_semaphore, #tpu.memory_space<semaphore_mem>>
      tpu.enqueue_indirect_dma source(%dma_start3A_310 : memref<10240x48xf32, #tpu.memory_space<hbm>>) target(%dma_start3A_300 : memref<128x48xf32, #tpu.memory_space<vmem>>) offsets(%dma_start3A_303 : memref<128xi32, #tpu.memory_space<vmem>>) semaphore(%dma_start3A_312 : memref<!tpu.dma_semaphore, #tpu.memory_space<semaphore_mem>>)
      %mul3A_313 = arith.constant 5 : i32
      %mul3A_314 = arith.muli %add3A_269, %mul3A_313 : i32
      %add3A_315 = arith.constant 1 : i32
      %add3A_316 = arith.addi %mul3A_314, %add3A_315 : i32
      %dma_wait3A_317 = arith.constant 1 : i32
      %dma_wait3A_318 = arith.constant 1 : i32
      %dma_wait3A_319 = arith.constant 0 : i32
      %dma_wait3A_320 = arith.constant 0 : i32
      %dma_wait3A_321 = tpu.memref_slice %arg11[%dma_wait3A_317, %dma_wait3A_319, %dma_wait3A_320] : memref<5x128x48xf32, #tpu.memory_space<vmem>> -> memref<1x128x48xf32, #tpu.memory_space<vmem>>
      %dma_wait3A_322 = tpu.memref_squeeze %dma_wait3A_321 : memref<1x128x48xf32, #tpu.memory_space<vmem>> -> memref<128x48xf32, #tpu.memory_space<vmem>>
      %dma_wait3A_323 = arith.constant 0 : i32
      %dma_wait3A_324 = tpu.memref_slice %arg10[%add3A_316, %dma_wait3A_323] : memref<80x128xi32, #tpu.memory_space<vmem>> -> memref<1x128xi32, #tpu.memory_space<vmem>>
      %dma_wait3A_325 = tpu.memref_squeeze %dma_wait3A_324 : memref<1x128xi32, #tpu.memory_space<vmem>> -> memref<128xi32, #tpu.memory_space<vmem>>
      %dma_wait3A_326 = arith.constant 0 : i32
      %dma_wait3A_327 = arith.constant 0 : i32
      %dma_wait3A_328 = tpu.memref_slice %arg8[%arg0, %dma_wait3A_326, %dma_wait3A_327] : memref<2x10240x48xf32, #tpu.memory_space<hbm>> -> memref<1x10240x48xf32, #tpu.memory_space<hbm>>
      %dma_wait3A_329 = tpu.memref_squeeze %dma_wait3A_328 : memref<1x10240x48xf32, #tpu.memory_space<hbm>> -> memref<10240x48xf32, #tpu.memory_space<hbm>>
      %dma_wait3A_330 = arith.constant 0 : i32
      %dma_wait3A_331 = arith.constant 0 : i32
      %dma_wait3A_332 = tpu.memref_slice %dma_wait3A_329[%dma_wait3A_330, %dma_wait3A_331] : memref<10240x48xf32, #tpu.memory_space<hbm>> -> memref<10240x48xf32, #tpu.memory_space<hbm>>
      %dma_wait3A_333 = tpu.memref_slice %arg17[%dma_wait3A_318] : memref<5x!tpu.dma_semaphore, #tpu.memory_space<semaphore_mem>> -> memref<1x!tpu.dma_semaphore, #tpu.memory_space<semaphore_mem>>
      %dma_wait3A_334 = tpu.memref_squeeze %dma_wait3A_333 : memref<1x!tpu.dma_semaphore, #tpu.memory_space<semaphore_mem>> -> memref<!tpu.dma_semaphore, #tpu.memory_space<semaphore_mem>>
      tpu.wait_indirect_dma semaphore(%dma_wait3A_334 : memref<!tpu.dma_semaphore, #tpu.memory_space<semaphore_mem>>) src(%dma_wait3A_332 : memref<10240x48xf32, #tpu.memory_space<hbm>>) dst(%dma_wait3A_322 : memref<128x48xf32, #tpu.memory_space<vmem>>)
      %run_scoped3A_335 = arith.constant 1 : i32
      "tpu.region"() ({
        %run_scoped3A_485 = tpu.sem_alloc : memref<!tpu.dma_semaphore, #tpu.memory_space<semaphore_mem>>
        %dma_start3A_486 = arith.constant 0 : i32
        %dma_start3A_487 = arith.constant 0 : i32
        %dma_start3A_488 = tpu.memref_slice %arg11[%run_scoped3A_335, %dma_start3A_486, %dma_start3A_487] : memref<5x128x48xf32, #tpu.memory_space<vmem>> -> memref<1x128x48xf32, #tpu.memory_space<vmem>>
        %dma_start3A_489 = tpu.memref_squeeze %dma_start3A_488 : memref<1x128x48xf32, #tpu.memory_space<vmem>> -> memref<128x48xf32, #tpu.memory_space<vmem>>
        %dma_start3A_490 = arith.constant 0 : i32
        %dma_start3A_491 = tpu.memref_slice %arg9[%add3A_316, %dma_start3A_490] : memref<80x128xi32, #tpu.memory_space<vmem>> -> memref<1x128xi32, #tpu.memory_space<vmem>>
        %dma_start3A_492 = tpu.memref_squeeze %dma_start3A_491 : memref<1x128xi32, #tpu.memory_space<vmem>> -> memref<128xi32, #tpu.memory_space<vmem>>
        %dma_start3A_493 = arith.constant 0 : i32
        %dma_start3A_494 = arith.constant 0 : i32
        %dma_start3A_495 = tpu.memref_slice %arg16[%dma_start3A_493, %dma_start3A_494] : memref<10240x48xf32, #tpu.memory_space<vmem_shared>> -> memref<10240x48xf32, #tpu.memory_space<vmem_shared>>
        tpu.enqueue_indirect_dma source(%dma_start3A_489 : memref<128x48xf32, #tpu.memory_space<vmem>>) target(%dma_start3A_495 : memref<10240x48xf32, #tpu.memory_space<vmem_shared>>) offsets(%dma_start3A_492 : memref<128xi32, #tpu.memory_space<vmem>>) semaphore(%run_scoped3A_485 : memref<!tpu.dma_semaphore, #tpu.memory_space<semaphore_mem>>) {add = true}
        %dma_wait3A_496 = arith.constant 0 : i32
        %dma_wait3A_497 = arith.constant 0 : i32
        %dma_wait3A_498 = tpu.memref_slice %arg11[%run_scoped3A_335, %dma_wait3A_496, %dma_wait3A_497] : memref<5x128x48xf32, #tpu.memory_space<vmem>> -> memref<1x128x48xf32, #tpu.memory_space<vmem>>
        %dma_wait3A_499 = tpu.memref_squeeze %dma_wait3A_498 : memref<1x128x48xf32, #tpu.memory_space<vmem>> -> memref<128x48xf32, #tpu.memory_space<vmem>>
        %dma_wait3A_500 = arith.constant 0 : i32
        %dma_wait3A_501 = tpu.memref_slice %arg9[%add3A_316, %dma_wait3A_500] : memref<80x128xi32, #tpu.memory_space<vmem>> -> memref<1x128xi32, #tpu.memory_space<vmem>>
        %dma_wait3A_502 = tpu.memref_squeeze %dma_wait3A_501 : memref<1x128xi32, #tpu.memory_space<vmem>> -> memref<128xi32, #tpu.memory_space<vmem>>
        %dma_wait3A_503 = arith.constant 0 : i32
        %dma_wait3A_504 = arith.constant 0 : i32
        %dma_wait3A_505 = tpu.memref_slice %arg16[%dma_wait3A_503, %dma_wait3A_504] : memref<10240x48xf32, #tpu.memory_space<vmem_shared>> -> memref<10240x48xf32, #tpu.memory_space<vmem_shared>>
        tpu.wait_indirect_dma semaphore(%run_scoped3A_485 : memref<!tpu.dma_semaphore, #tpu.memory_space<semaphore_mem>>) src(%dma_wait3A_499 : memref<128x48xf32, #tpu.memory_space<vmem>>) dst(%dma_wait3A_505 : memref<10240x48xf32, #tpu.memory_space<vmem_shared>>)
        tpu.yield
      }) : () -> ()
      %add3A_336 = arith.constant 5 : i32
      %add3A_337 = arith.addi %add3A_316, %add3A_336 : i32
      %dma_start3A_338 = arith.constant 1 : i32
      %dma_start3A_339 = arith.constant 1 : i32
      %dma_start3A_340 = arith.constant 0 : i32
      %dma_start3A_341 = arith.constant 0 : i32
      %dma_start3A_342 = tpu.memref_slice %arg11[%dma_start3A_338, %dma_start3A_340, %dma_start3A_341] : memref<5x128x48xf32, #tpu.memory_space<vmem>> -> memref<1x128x48xf32, #tpu.memory_space<vmem>>
      %dma_start3A_343 = tpu.memref_squeeze %dma_start3A_342 : memref<1x128x48xf32, #tpu.memory_space<vmem>> -> memref<128x48xf32, #tpu.memory_space<vmem>>
      %dma_start3A_344 = arith.constant 0 : i32
      %dma_start3A_345 = tpu.memref_slice %arg10[%add3A_337, %dma_start3A_344] : memref<80x128xi32, #tpu.memory_space<vmem>> -> memref<1x128xi32, #tpu.memory_space<vmem>>
      %dma_start3A_346 = tpu.memref_squeeze %dma_start3A_345 : memref<1x128xi32, #tpu.memory_space<vmem>> -> memref<128xi32, #tpu.memory_space<vmem>>
      %dma_start3A_347 = arith.constant 0 : i32
      %dma_start3A_348 = arith.constant 0 : i32
      %dma_start3A_349 = tpu.memref_slice %arg8[%arg0, %dma_start3A_347, %dma_start3A_348] : memref<2x10240x48xf32, #tpu.memory_space<hbm>> -> memref<1x10240x48xf32, #tpu.memory_space<hbm>>
      %dma_start3A_350 = tpu.memref_squeeze %dma_start3A_349 : memref<1x10240x48xf32, #tpu.memory_space<hbm>> -> memref<10240x48xf32, #tpu.memory_space<hbm>>
      %dma_start3A_351 = arith.constant 0 : i32
      %dma_start3A_352 = arith.constant 0 : i32
      %dma_start3A_353 = tpu.memref_slice %dma_start3A_350[%dma_start3A_351, %dma_start3A_352] : memref<10240x48xf32, #tpu.memory_space<hbm>> -> memref<10240x48xf32, #tpu.memory_space<hbm>>
      %dma_start3A_354 = tpu.memref_slice %arg17[%dma_start3A_339] : memref<5x!tpu.dma_semaphore, #tpu.memory_space<semaphore_mem>> -> memref<1x!tpu.dma_semaphore, #tpu.memory_space<semaphore_mem>>
      %dma_start3A_355 = tpu.memref_squeeze %dma_start3A_354 : memref<1x!tpu.dma_semaphore, #tpu.memory_space<semaphore_mem>> -> memref<!tpu.dma_semaphore, #tpu.memory_space<semaphore_mem>>
      tpu.enqueue_indirect_dma source(%dma_start3A_353 : memref<10240x48xf32, #tpu.memory_space<hbm>>) target(%dma_start3A_343 : memref<128x48xf32, #tpu.memory_space<vmem>>) offsets(%dma_start3A_346 : memref<128xi32, #tpu.memory_space<vmem>>) semaphore(%dma_start3A_355 : memref<!tpu.dma_semaphore, #tpu.memory_space<semaphore_mem>>)
      %mul3A_356 = arith.constant 5 : i32
      %mul3A_357 = arith.muli %add3A_269, %mul3A_356 : i32
      %add3A_358 = arith.constant 2 : i32
      %add3A_359 = arith.addi %mul3A_357, %add3A_358 : i32
      %dma_wait3A_360 = arith.constant 2 : i32
      %dma_wait3A_361 = arith.constant 2 : i32
      %dma_wait3A_362 = arith.constant 0 : i32
      %dma_wait3A_363 = arith.constant 0 : i32
      %dma_wait3A_364 = tpu.memref_slice %arg11[%dma_wait3A_360, %dma_wait3A_362, %dma_wait3A_363] : memref<5x128x48xf32, #tpu.memory_space<vmem>> -> memref<1x128x48xf32, #tpu.memory_space<vmem>>
      %dma_wait3A_365 = tpu.memref_squeeze %dma_wait3A_364 : memref<1x128x48xf32, #tpu.memory_space<vmem>> -> memref<128x48xf32, #tpu.memory_space<vmem>>
      %dma_wait3A_366 = arith.constant 0 : i32
      %dma_wait3A_367 = tpu.memref_slice %arg10[%add3A_359, %dma_wait3A_366] : memref<80x128xi32, #tpu.memory_space<vmem>> -> memref<1x128xi32, #tpu.memory_space<vmem>>
      %dma_wait3A_368 = tpu.memref_squeeze %dma_wait3A_367 : memref<1x128xi32, #tpu.memory_space<vmem>> -> memref<128xi32, #tpu.memory_space<vmem>>
      %dma_wait3A_369 = arith.constant 0 : i32
      %dma_wait3A_370 = arith.constant 0 : i32
      %dma_wait3A_371 = tpu.memref_slice %arg8[%arg0, %dma_wait3A_369, %dma_wait3A_370] : memref<2x10240x48xf32, #tpu.memory_space<hbm>> -> memref<1x10240x48xf32, #tpu.memory_space<hbm>>
      %dma_wait3A_372 = tpu.memref_squeeze %dma_wait3A_371 : memref<1x10240x48xf32, #tpu.memory_space<hbm>> -> memref<10240x48xf32, #tpu.memory_space<hbm>>
      %dma_wait3A_373 = arith.constant 0 : i32
      %dma_wait3A_374 = arith.constant 0 : i32
      %dma_wait3A_375 = tpu.memref_slice %dma_wait3A_372[%dma_wait3A_373, %dma_wait3A_374] : memref<10240x48xf32, #tpu.memory_space<hbm>> -> memref<10240x48xf32, #tpu.memory_space<hbm>>
      %dma_wait3A_376 = tpu.memref_slice %arg17[%dma_wait3A_361] : memref<5x!tpu.dma_semaphore, #tpu.memory_space<semaphore_mem>> -> memref<1x!tpu.dma_semaphore, #tpu.memory_space<semaphore_mem>>
      %dma_wait3A_377 = tpu.memref_squeeze %dma_wait3A_376 : memref<1x!tpu.dma_semaphore, #tpu.memory_space<semaphore_mem>> -> memref<!tpu.dma_semaphore, #tpu.memory_space<semaphore_mem>>
      tpu.wait_indirect_dma semaphore(%dma_wait3A_377 : memref<!tpu.dma_semaphore, #tpu.memory_space<semaphore_mem>>) src(%dma_wait3A_375 : memref<10240x48xf32, #tpu.memory_space<hbm>>) dst(%dma_wait3A_365 : memref<128x48xf32, #tpu.memory_space<vmem>>)
      %run_scoped3A_378 = arith.constant 2 : i32
      "tpu.region"() ({
        %run_scoped3A_485 = tpu.sem_alloc : memref<!tpu.dma_semaphore, #tpu.memory_space<semaphore_mem>>
        %dma_start3A_486 = arith.constant 0 : i32
        %dma_start3A_487 = arith.constant 0 : i32
        %dma_start3A_488 = tpu.memref_slice %arg11[%run_scoped3A_378, %dma_start3A_486, %dma_start3A_487] : memref<5x128x48xf32, #tpu.memory_space<vmem>> -> memref<1x128x48xf32, #tpu.memory_space<vmem>>
        %dma_start3A_489 = tpu.memref_squeeze %dma_start3A_488 : memref<1x128x48xf32, #tpu.memory_space<vmem>> -> memref<128x48xf32, #tpu.memory_space<vmem>>
        %dma_start3A_490 = arith.constant 0 : i32
        %dma_start3A_491 = tpu.memref_slice %arg9[%add3A_359, %dma_start3A_490] : memref<80x128xi32, #tpu.memory_space<vmem>> -> memref<1x128xi32, #tpu.memory_space<vmem>>
        %dma_start3A_492 = tpu.memref_squeeze %dma_start3A_491 : memref<1x128xi32, #tpu.memory_space<vmem>> -> memref<128xi32, #tpu.memory_space<vmem>>
        %dma_start3A_493 = arith.constant 0 : i32
        %dma_start3A_494 = arith.constant 0 : i32
        %dma_start3A_495 = tpu.memref_slice %arg16[%dma_start3A_493, %dma_start3A_494] : memref<10240x48xf32, #tpu.memory_space<vmem_shared>> -> memref<10240x48xf32, #tpu.memory_space<vmem_shared>>
        tpu.enqueue_indirect_dma source(%dma_start3A_489 : memref<128x48xf32, #tpu.memory_space<vmem>>) target(%dma_start3A_495 : memref<10240x48xf32, #tpu.memory_space<vmem_shared>>) offsets(%dma_start3A_492 : memref<128xi32, #tpu.memory_space<vmem>>) semaphore(%run_scoped3A_485 : memref<!tpu.dma_semaphore, #tpu.memory_space<semaphore_mem>>) {add = true}
        %dma_wait3A_496 = arith.constant 0 : i32
        %dma_wait3A_497 = arith.constant 0 : i32
        %dma_wait3A_498 = tpu.memref_slice %arg11[%run_scoped3A_378, %dma_wait3A_496, %dma_wait3A_497] : memref<5x128x48xf32, #tpu.memory_space<vmem>> -> memref<1x128x48xf32, #tpu.memory_space<vmem>>
        %dma_wait3A_499 = tpu.memref_squeeze %dma_wait3A_498 : memref<1x128x48xf32, #tpu.memory_space<vmem>> -> memref<128x48xf32, #tpu.memory_space<vmem>>
        %dma_wait3A_500 = arith.constant 0 : i32
        %dma_wait3A_501 = tpu.memref_slice %arg9[%add3A_359, %dma_wait3A_500] : memref<80x128xi32, #tpu.memory_space<vmem>> -> memref<1x128xi32, #tpu.memory_space<vmem>>
        %dma_wait3A_502 = tpu.memref_squeeze %dma_wait3A_501 : memref<1x128xi32, #tpu.memory_space<vmem>> -> memref<128xi32, #tpu.memory_space<vmem>>
        %dma_wait3A_503 = arith.constant 0 : i32
        %dma_wait3A_504 = arith.constant 0 : i32
        %dma_wait3A_505 = tpu.memref_slice %arg16[%dma_wait3A_503, %dma_wait3A_504] : memref<10240x48xf32, #tpu.memory_space<vmem_shared>> -> memref<10240x48xf32, #tpu.memory_space<vmem_shared>>
        tpu.wait_indirect_dma semaphore(%run_scoped3A_485 : memref<!tpu.dma_semaphore, #tpu.memory_space<semaphore_mem>>) src(%dma_wait3A_499 : memref<128x48xf32, #tpu.memory_space<vmem>>) dst(%dma_wait3A_505 : memref<10240x48xf32, #tpu.memory_space<vmem_shared>>)
        tpu.yield
      }) : () -> ()
      %add3A_379 = arith.constant 5 : i32
      %add3A_380 = arith.addi %add3A_359, %add3A_379 : i32
      %dma_start3A_381 = arith.constant 2 : i32
      %dma_start3A_382 = arith.constant 2 : i32
      %dma_start3A_383 = arith.constant 0 : i32
      %dma_start3A_384 = arith.constant 0 : i32
      %dma_start3A_385 = tpu.memref_slice %arg11[%dma_start3A_381, %dma_start3A_383, %dma_start3A_384] : memref<5x128x48xf32, #tpu.memory_space<vmem>> -> memref<1x128x48xf32, #tpu.memory_space<vmem>>
      %dma_start3A_386 = tpu.memref_squeeze %dma_start3A_385 : memref<1x128x48xf32, #tpu.memory_space<vmem>> -> memref<128x48xf32, #tpu.memory_space<vmem>>
      %dma_start3A_387 = arith.constant 0 : i32
      %dma_start3A_388 = tpu.memref_slice %arg10[%add3A_380, %dma_start3A_387] : memref<80x128xi32, #tpu.memory_space<vmem>> -> memref<1x128xi32, #tpu.memory_space<vmem>>
      %dma_start3A_389 = tpu.memref_squeeze %dma_start3A_388 : memref<1x128xi32, #tpu.memory_space<vmem>> -> memref<128xi32, #tpu.memory_space<vmem>>
      %dma_start3A_390 = arith.constant 0 : i32
      %dma_start3A_391 = arith.constant 0 : i32
      %dma_start3A_392 = tpu.memref_slice %arg8[%arg0, %dma_start3A_390, %dma_start3A_391] : memref<2x10240x48xf32, #tpu.memory_space<hbm>> -> memref<1x10240x48xf32, #tpu.memory_space<hbm>>
      %dma_start3A_393 = tpu.memref_squeeze %dma_start3A_392 : memref<1x10240x48xf32, #tpu.memory_space<hbm>> -> memref<10240x48xf32, #tpu.memory_space<hbm>>
      %dma_start3A_394 = arith.constant 0 : i32
      %dma_start3A_395 = arith.constant 0 : i32
      %dma_start3A_396 = tpu.memref_slice %dma_start3A_393[%dma_start3A_394, %dma_start3A_395] : memref<10240x48xf32, #tpu.memory_space<hbm>> -> memref<10240x48xf32, #tpu.memory_space<hbm>>
      %dma_start3A_397 = tpu.memref_slice %arg17[%dma_start3A_382] : memref<5x!tpu.dma_semaphore, #tpu.memory_space<semaphore_mem>> -> memref<1x!tpu.dma_semaphore, #tpu.memory_space<semaphore_mem>>
      %dma_start3A_398 = tpu.memref_squeeze %dma_start3A_397 : memref<1x!tpu.dma_semaphore, #tpu.memory_space<semaphore_mem>> -> memref<!tpu.dma_semaphore, #tpu.memory_space<semaphore_mem>>
      tpu.enqueue_indirect_dma source(%dma_start3A_396 : memref<10240x48xf32, #tpu.memory_space<hbm>>) target(%dma_start3A_386 : memref<128x48xf32, #tpu.memory_space<vmem>>) offsets(%dma_start3A_389 : memref<128xi32, #tpu.memory_space<vmem>>) semaphore(%dma_start3A_398 : memref<!tpu.dma_semaphore, #tpu.memory_space<semaphore_mem>>)
      %mul3A_399 = arith.constant 5 : i32
      %mul3A_400 = arith.muli %add3A_269, %mul3A_399 : i32
      %add3A_401 = arith.constant 3 : i32
      %add3A_402 = arith.addi %mul3A_400, %add3A_401 : i32
      %dma_wait3A_403 = arith.constant 3 : i32
      %dma_wait3A_404 = arith.constant 3 : i32
      %dma_wait3A_405 = arith.constant 0 : i32
      %dma_wait3A_406 = arith.constant 0 : i32
      %dma_wait3A_407 = tpu.memref_slice %arg11[%dma_wait3A_403, %dma_wait3A_405, %dma_wait3A_406] : memref<5x128x48xf32, #tpu.memory_space<vmem>> -> memref<1x128x48xf32, #tpu.memory_space<vmem>>
      %dma_wait3A_408 = tpu.memref_squeeze %dma_wait3A_407 : memref<1x128x48xf32, #tpu.memory_space<vmem>> -> memref<128x48xf32, #tpu.memory_space<vmem>>
      %dma_wait3A_409 = arith.constant 0 : i32
      %dma_wait3A_410 = tpu.memref_slice %arg10[%add3A_402, %dma_wait3A_409] : memref<80x128xi32, #tpu.memory_space<vmem>> -> memref<1x128xi32, #tpu.memory_space<vmem>>
      %dma_wait3A_411 = tpu.memref_squeeze %dma_wait3A_410 : memref<1x128xi32, #tpu.memory_space<vmem>> -> memref<128xi32, #tpu.memory_space<vmem>>
      %dma_wait3A_412 = arith.constant 0 : i32
      %dma_wait3A_413 = arith.constant 0 : i32
      %dma_wait3A_414 = tpu.memref_slice %arg8[%arg0, %dma_wait3A_412, %dma_wait3A_413] : memref<2x10240x48xf32, #tpu.memory_space<hbm>> -> memref<1x10240x48xf32, #tpu.memory_space<hbm>>
      %dma_wait3A_415 = tpu.memref_squeeze %dma_wait3A_414 : memref<1x10240x48xf32, #tpu.memory_space<hbm>> -> memref<10240x48xf32, #tpu.memory_space<hbm>>
      %dma_wait3A_416 = arith.constant 0 : i32
      %dma_wait3A_417 = arith.constant 0 : i32
      %dma_wait3A_418 = tpu.memref_slice %dma_wait3A_415[%dma_wait3A_416, %dma_wait3A_417] : memref<10240x48xf32, #tpu.memory_space<hbm>> -> memref<10240x48xf32, #tpu.memory_space<hbm>>
      %dma_wait3A_419 = tpu.memref_slice %arg17[%dma_wait3A_404] : memref<5x!tpu.dma_semaphore, #tpu.memory_space<semaphore_mem>> -> memref<1x!tpu.dma_semaphore, #tpu.memory_space<semaphore_mem>>
      %dma_wait3A_420 = tpu.memref_squeeze %dma_wait3A_419 : memref<1x!tpu.dma_semaphore, #tpu.memory_space<semaphore_mem>> -> memref<!tpu.dma_semaphore, #tpu.memory_space<semaphore_mem>>
      tpu.wait_indirect_dma semaphore(%dma_wait3A_420 : memref<!tpu.dma_semaphore, #tpu.memory_space<semaphore_mem>>) src(%dma_wait3A_418 : memref<10240x48xf32, #tpu.memory_space<hbm>>) dst(%dma_wait3A_408 : memref<128x48xf32, #tpu.memory_space<vmem>>)
      %run_scoped3A_421 = arith.constant 3 : i32
      "tpu.region"() ({
        %run_scoped3A_485 = tpu.sem_alloc : memref<!tpu.dma_semaphore, #tpu.memory_space<semaphore_mem>>
        %dma_start3A_486 = arith.constant 0 : i32
        %dma_start3A_487 = arith.constant 0 : i32
        %dma_start3A_488 = tpu.memref_slice %arg11[%run_scoped3A_421, %dma_start3A_486, %dma_start3A_487] : memref<5x128x48xf32, #tpu.memory_space<vmem>> -> memref<1x128x48xf32, #tpu.memory_space<vmem>>
        %dma_start3A_489 = tpu.memref_squeeze %dma_start3A_488 : memref<1x128x48xf32, #tpu.memory_space<vmem>> -> memref<128x48xf32, #tpu.memory_space<vmem>>
        %dma_start3A_490 = arith.constant 0 : i32
        %dma_start3A_491 = tpu.memref_slice %arg9[%add3A_402, %dma_start3A_490] : memref<80x128xi32, #tpu.memory_space<vmem>> -> memref<1x128xi32, #tpu.memory_space<vmem>>
        %dma_start3A_492 = tpu.memref_squeeze %dma_start3A_491 : memref<1x128xi32, #tpu.memory_space<vmem>> -> memref<128xi32, #tpu.memory_space<vmem>>
        %dma_start3A_493 = arith.constant 0 : i32
        %dma_start3A_494 = arith.constant 0 : i32
        %dma_start3A_495 = tpu.memref_slice %arg16[%dma_start3A_493, %dma_start3A_494] : memref<10240x48xf32, #tpu.memory_space<vmem_shared>> -> memref<10240x48xf32, #tpu.memory_space<vmem_shared>>
        tpu.enqueue_indirect_dma source(%dma_start3A_489 : memref<128x48xf32, #tpu.memory_space<vmem>>) target(%dma_start3A_495 : memref<10240x48xf32, #tpu.memory_space<vmem_shared>>) offsets(%dma_start3A_492 : memref<128xi32, #tpu.memory_space<vmem>>) semaphore(%run_scoped3A_485 : memref<!tpu.dma_semaphore, #tpu.memory_space<semaphore_mem>>) {add = true}
        %dma_wait3A_496 = arith.constant 0 : i32
        %dma_wait3A_497 = arith.constant 0 : i32
        %dma_wait3A_498 = tpu.memref_slice %arg11[%run_scoped3A_421, %dma_wait3A_496, %dma_wait3A_497] : memref<5x128x48xf32, #tpu.memory_space<vmem>> -> memref<1x128x48xf32, #tpu.memory_space<vmem>>
        %dma_wait3A_499 = tpu.memref_squeeze %dma_wait3A_498 : memref<1x128x48xf32, #tpu.memory_space<vmem>> -> memref<128x48xf32, #tpu.memory_space<vmem>>
        %dma_wait3A_500 = arith.constant 0 : i32
        %dma_wait3A_501 = tpu.memref_slice %arg9[%add3A_402, %dma_wait3A_500] : memref<80x128xi32, #tpu.memory_space<vmem>> -> memref<1x128xi32, #tpu.memory_space<vmem>>
        %dma_wait3A_502 = tpu.memref_squeeze %dma_wait3A_501 : memref<1x128xi32, #tpu.memory_space<vmem>> -> memref<128xi32, #tpu.memory_space<vmem>>
        %dma_wait3A_503 = arith.constant 0 : i32
        %dma_wait3A_504 = arith.constant 0 : i32
        %dma_wait3A_505 = tpu.memref_slice %arg16[%dma_wait3A_503, %dma_wait3A_504] : memref<10240x48xf32, #tpu.memory_space<vmem_shared>> -> memref<10240x48xf32, #tpu.memory_space<vmem_shared>>
        tpu.wait_indirect_dma semaphore(%run_scoped3A_485 : memref<!tpu.dma_semaphore, #tpu.memory_space<semaphore_mem>>) src(%dma_wait3A_499 : memref<128x48xf32, #tpu.memory_space<vmem>>) dst(%dma_wait3A_505 : memref<10240x48xf32, #tpu.memory_space<vmem_shared>>)
        tpu.yield
      }) : () -> ()
      %add3A_422 = arith.constant 5 : i32
      %add3A_423 = arith.addi %add3A_402, %add3A_422 : i32
      %dma_start3A_424 = arith.constant 3 : i32
      %dma_start3A_425 = arith.constant 3 : i32
      %dma_start3A_426 = arith.constant 0 : i32
      %dma_start3A_427 = arith.constant 0 : i32
      %dma_start3A_428 = tpu.memref_slice %arg11[%dma_start3A_424, %dma_start3A_426, %dma_start3A_427] : memref<5x128x48xf32, #tpu.memory_space<vmem>> -> memref<1x128x48xf32, #tpu.memory_space<vmem>>
      %dma_start3A_429 = tpu.memref_squeeze %dma_start3A_428 : memref<1x128x48xf32, #tpu.memory_space<vmem>> -> memref<128x48xf32, #tpu.memory_space<vmem>>
      %dma_start3A_430 = arith.constant 0 : i32
      %dma_start3A_431 = tpu.memref_slice %arg10[%add3A_423, %dma_start3A_430] : memref<80x128xi32, #tpu.memory_space<vmem>> -> memref<1x128xi32, #tpu.memory_space<vmem>>
      %dma_start3A_432 = tpu.memref_squeeze %dma_start3A_431 : memref<1x128xi32, #tpu.memory_space<vmem>> -> memref<128xi32, #tpu.memory_space<vmem>>
      %dma_start3A_433 = arith.constant 0 : i32
      %dma_start3A_434 = arith.constant 0 : i32
      %dma_start3A_435 = tpu.memref_slice %arg8[%arg0, %dma_start3A_433, %dma_start3A_434] : memref<2x10240x48xf32, #tpu.memory_space<hbm>> -> memref<1x10240x48xf32, #tpu.memory_space<hbm>>
      %dma_start3A_436 = tpu.memref_squeeze %dma_start3A_435 : memref<1x10240x48xf32, #tpu.memory_space<hbm>> -> memref<10240x48xf32, #tpu.memory_space<hbm>>
      %dma_start3A_437 = arith.constant 0 : i32
      %dma_start3A_438 = arith.constant 0 : i32
      %dma_start3A_439 = tpu.memref_slice %dma_start3A_436[%dma_start3A_437, %dma_start3A_438] : memref<10240x48xf32, #tpu.memory_space<hbm>> -> memref<10240x48xf32, #tpu.memory_space<hbm>>
      %dma_start3A_440 = tpu.memref_slice %arg17[%dma_start3A_425] : memref<5x!tpu.dma_semaphore, #tpu.memory_space<semaphore_mem>> -> memref<1x!tpu.dma_semaphore, #tpu.memory_space<semaphore_mem>>
      %dma_start3A_441 = tpu.memref_squeeze %dma_start3A_440 : memref<1x!tpu.dma_semaphore, #tpu.memory_space<semaphore_mem>> -> memref<!tpu.dma_semaphore, #tpu.memory_space<semaphore_mem>>
      tpu.enqueue_indirect_dma source(%dma_start3A_439 : memref<10240x48xf32, #tpu.memory_space<hbm>>) target(%dma_start3A_429 : memref<128x48xf32, #tpu.memory_space<vmem>>) offsets(%dma_start3A_432 : memref<128xi32, #tpu.memory_space<vmem>>) semaphore(%dma_start3A_441 : memref<!tpu.dma_semaphore, #tpu.memory_space<semaphore_mem>>)
      %mul3A_442 = arith.constant 5 : i32
      %mul3A_443 = arith.muli %add3A_269, %mul3A_442 : i32
      %add3A_444 = arith.constant 4 : i32
      %add3A_445 = arith.addi %mul3A_443, %add3A_444 : i32
      %dma_wait3A_446 = arith.constant 4 : i32
      %dma_wait3A_447 = arith.constant 4 : i32
      %dma_wait3A_448 = arith.constant 0 : i32
      %dma_wait3A_449 = arith.constant 0 : i32
      %dma_wait3A_450 = tpu.memref_slice %arg11[%dma_wait3A_446, %dma_wait3A_448, %dma_wait3A_449] : memref<5x128x48xf32, #tpu.memory_space<vmem>> -> memref<1x128x48xf32, #tpu.memory_space<vmem>>
      %dma_wait3A_451 = tpu.memref_squeeze %dma_wait3A_450 : memref<1x128x48xf32, #tpu.memory_space<vmem>> -> memref<128x48xf32, #tpu.memory_space<vmem>>
      %dma_wait3A_452 = arith.constant 0 : i32
      %dma_wait3A_453 = tpu.memref_slice %arg10[%add3A_445, %dma_wait3A_452] : memref<80x128xi32, #tpu.memory_space<vmem>> -> memref<1x128xi32, #tpu.memory_space<vmem>>
      %dma_wait3A_454 = tpu.memref_squeeze %dma_wait3A_453 : memref<1x128xi32, #tpu.memory_space<vmem>> -> memref<128xi32, #tpu.memory_space<vmem>>
      %dma_wait3A_455 = arith.constant 0 : i32
      %dma_wait3A_456 = arith.constant 0 : i32
      %dma_wait3A_457 = tpu.memref_slice %arg8[%arg0, %dma_wait3A_455, %dma_wait3A_456] : memref<2x10240x48xf32, #tpu.memory_space<hbm>> -> memref<1x10240x48xf32, #tpu.memory_space<hbm>>
      %dma_wait3A_458 = tpu.memref_squeeze %dma_wait3A_457 : memref<1x10240x48xf32, #tpu.memory_space<hbm>> -> memref<10240x48xf32, #tpu.memory_space<hbm>>
      %dma_wait3A_459 = arith.constant 0 : i32
      %dma_wait3A_460 = arith.constant 0 : i32
      %dma_wait3A_461 = tpu.memref_slice %dma_wait3A_458[%dma_wait3A_459, %dma_wait3A_460] : memref<10240x48xf32, #tpu.memory_space<hbm>> -> memref<10240x48xf32, #tpu.memory_space<hbm>>
      %dma_wait3A_462 = tpu.memref_slice %arg17[%dma_wait3A_447] : memref<5x!tpu.dma_semaphore, #tpu.memory_space<semaphore_mem>> -> memref<1x!tpu.dma_semaphore, #tpu.memory_space<semaphore_mem>>
      %dma_wait3A_463 = tpu.memref_squeeze %dma_wait3A_462 : memref<1x!tpu.dma_semaphore, #tpu.memory_space<semaphore_mem>> -> memref<!tpu.dma_semaphore, #tpu.memory_space<semaphore_mem>>
      tpu.wait_indirect_dma semaphore(%dma_wait3A_463 : memref<!tpu.dma_semaphore, #tpu.memory_space<semaphore_mem>>) src(%dma_wait3A_461 : memref<10240x48xf32, #tpu.memory_space<hbm>>) dst(%dma_wait3A_451 : memref<128x48xf32, #tpu.memory_space<vmem>>)
      %run_scoped3A_464 = arith.constant 4 : i32
      "tpu.region"() ({
        %run_scoped3A_485 = tpu.sem_alloc : memref<!tpu.dma_semaphore, #tpu.memory_space<semaphore_mem>>
        %dma_start3A_486 = arith.constant 0 : i32
        %dma_start3A_487 = arith.constant 0 : i32
        %dma_start3A_488 = tpu.memref_slice %arg11[%run_scoped3A_464, %dma_start3A_486, %dma_start3A_487] : memref<5x128x48xf32, #tpu.memory_space<vmem>> -> memref<1x128x48xf32, #tpu.memory_space<vmem>>
        %dma_start3A_489 = tpu.memref_squeeze %dma_start3A_488 : memref<1x128x48xf32, #tpu.memory_space<vmem>> -> memref<128x48xf32, #tpu.memory_space<vmem>>
        %dma_start3A_490 = arith.constant 0 : i32
        %dma_start3A_491 = tpu.memref_slice %arg9[%add3A_445, %dma_start3A_490] : memref<80x128xi32, #tpu.memory_space<vmem>> -> memref<1x128xi32, #tpu.memory_space<vmem>>
        %dma_start3A_492 = tpu.memref_squeeze %dma_start3A_491 : memref<1x128xi32, #tpu.memory_space<vmem>> -> memref<128xi32, #tpu.memory_space<vmem>>
        %dma_start3A_493 = arith.constant 0 : i32
        %dma_start3A_494 = arith.constant 0 : i32
        %dma_start3A_495 = tpu.memref_slice %arg16[%dma_start3A_493, %dma_start3A_494] : memref<10240x48xf32, #tpu.memory_space<vmem_shared>> -> memref<10240x48xf32, #tpu.memory_space<vmem_shared>>
        tpu.enqueue_indirect_dma source(%dma_start3A_489 : memref<128x48xf32, #tpu.memory_space<vmem>>) target(%dma_start3A_495 : memref<10240x48xf32, #tpu.memory_space<vmem_shared>>) offsets(%dma_start3A_492 : memref<128xi32, #tpu.memory_space<vmem>>) semaphore(%run_scoped3A_485 : memref<!tpu.dma_semaphore, #tpu.memory_space<semaphore_mem>>) {add = true}
        %dma_wait3A_496 = arith.constant 0 : i32
        %dma_wait3A_497 = arith.constant 0 : i32
        %dma_wait3A_498 = tpu.memref_slice %arg11[%run_scoped3A_464, %dma_wait3A_496, %dma_wait3A_497] : memref<5x128x48xf32, #tpu.memory_space<vmem>> -> memref<1x128x48xf32, #tpu.memory_space<vmem>>
        %dma_wait3A_499 = tpu.memref_squeeze %dma_wait3A_498 : memref<1x128x48xf32, #tpu.memory_space<vmem>> -> memref<128x48xf32, #tpu.memory_space<vmem>>
        %dma_wait3A_500 = arith.constant 0 : i32
        %dma_wait3A_501 = tpu.memref_slice %arg9[%add3A_445, %dma_wait3A_500] : memref<80x128xi32, #tpu.memory_space<vmem>> -> memref<1x128xi32, #tpu.memory_space<vmem>>
        %dma_wait3A_502 = tpu.memref_squeeze %dma_wait3A_501 : memref<1x128xi32, #tpu.memory_space<vmem>> -> memref<128xi32, #tpu.memory_space<vmem>>
        %dma_wait3A_503 = arith.constant 0 : i32
        %dma_wait3A_504 = arith.constant 0 : i32
        %dma_wait3A_505 = tpu.memref_slice %arg16[%dma_wait3A_503, %dma_wait3A_504] : memref<10240x48xf32, #tpu.memory_space<vmem_shared>> -> memref<10240x48xf32, #tpu.memory_space<vmem_shared>>
        tpu.wait_indirect_dma semaphore(%run_scoped3A_485 : memref<!tpu.dma_semaphore, #tpu.memory_space<semaphore_mem>>) src(%dma_wait3A_499 : memref<128x48xf32, #tpu.memory_space<vmem>>) dst(%dma_wait3A_505 : memref<10240x48xf32, #tpu.memory_space<vmem_shared>>)
        tpu.yield
      }) : () -> ()
      %add3A_465 = arith.constant 5 : i32
      %add3A_466 = arith.addi %add3A_445, %add3A_465 : i32
      %dma_start3A_467 = arith.constant 4 : i32
      %dma_start3A_468 = arith.constant 4 : i32
      %dma_start3A_469 = arith.constant 0 : i32
      %dma_start3A_470 = arith.constant 0 : i32
      %dma_start3A_471 = tpu.memref_slice %arg11[%dma_start3A_467, %dma_start3A_469, %dma_start3A_470] : memref<5x128x48xf32, #tpu.memory_space<vmem>> -> memref<1x128x48xf32, #tpu.memory_space<vmem>>
      %dma_start3A_472 = tpu.memref_squeeze %dma_start3A_471 : memref<1x128x48xf32, #tpu.memory_space<vmem>> -> memref<128x48xf32, #tpu.memory_space<vmem>>
      %dma_start3A_473 = arith.constant 0 : i32
      %dma_start3A_474 = tpu.memref_slice %arg10[%add3A_466, %dma_start3A_473] : memref<80x128xi32, #tpu.memory_space<vmem>> -> memref<1x128xi32, #tpu.memory_space<vmem>>
      %dma_start3A_475 = tpu.memref_squeeze %dma_start3A_474 : memref<1x128xi32, #tpu.memory_space<vmem>> -> memref<128xi32, #tpu.memory_space<vmem>>
      %dma_start3A_476 = arith.constant 0 : i32
      %dma_start3A_477 = arith.constant 0 : i32
      %dma_start3A_478 = tpu.memref_slice %arg8[%arg0, %dma_start3A_476, %dma_start3A_477] : memref<2x10240x48xf32, #tpu.memory_space<hbm>> -> memref<1x10240x48xf32, #tpu.memory_space<hbm>>
      %dma_start3A_479 = tpu.memref_squeeze %dma_start3A_478 : memref<1x10240x48xf32, #tpu.memory_space<hbm>> -> memref<10240x48xf32, #tpu.memory_space<hbm>>
      %dma_start3A_480 = arith.constant 0 : i32
      %dma_start3A_481 = arith.constant 0 : i32
      %dma_start3A_482 = tpu.memref_slice %dma_start3A_479[%dma_start3A_480, %dma_start3A_481] : memref<10240x48xf32, #tpu.memory_space<hbm>> -> memref<10240x48xf32, #tpu.memory_space<hbm>>
      %dma_start3A_483 = tpu.memref_slice %arg17[%dma_start3A_468] : memref<5x!tpu.dma_semaphore, #tpu.memory_space<semaphore_mem>> -> memref<1x!tpu.dma_semaphore, #tpu.memory_space<semaphore_mem>>
      %dma_start3A_484 = tpu.memref_squeeze %dma_start3A_483 : memref<1x!tpu.dma_semaphore, #tpu.memory_space<semaphore_mem>> -> memref<!tpu.dma_semaphore, #tpu.memory_space<semaphore_mem>>
      tpu.enqueue_indirect_dma source(%dma_start3A_482 : memref<10240x48xf32, #tpu.memory_space<hbm>>) target(%dma_start3A_472 : memref<128x48xf32, #tpu.memory_space<vmem>>) offsets(%dma_start3A_475 : memref<128xi32, #tpu.memory_space<vmem>>) semaphore(%dma_start3A_484 : memref<!tpu.dma_semaphore, #tpu.memory_space<semaphore_mem>>)
    }
    %scan3A_158 = arith.constant 15 : i32
    %dma_wait3A_159 = arith.constant 75 : i32
    %dma_wait3A_160 = arith.constant 0 : i32
    %dma_wait3A_161 = arith.constant 0 : i32
    %dma_wait3A_162 = arith.constant 0 : i32
    %dma_wait3A_163 = arith.constant 0 : i32
    %dma_wait3A_164 = tpu.memref_slice %arg11[%dma_wait3A_160, %dma_wait3A_162, %dma_wait3A_163] : memref<5x128x48xf32, #tpu.memory_space<vmem>> -> memref<1x128x48xf32, #tpu.memory_space<vmem>>
    %dma_wait3A_165 = tpu.memref_squeeze %dma_wait3A_164 : memref<1x128x48xf32, #tpu.memory_space<vmem>> -> memref<128x48xf32, #tpu.memory_space<vmem>>
    %dma_wait3A_166 = arith.constant 0 : i32
    %dma_wait3A_167 = tpu.memref_slice %arg10[%dma_wait3A_159, %dma_wait3A_166] : memref<80x128xi32, #tpu.memory_space<vmem>> -> memref<1x128xi32, #tpu.memory_space<vmem>>
    %dma_wait3A_168 = tpu.memref_squeeze %dma_wait3A_167 : memref<1x128xi32, #tpu.memory_space<vmem>> -> memref<128xi32, #tpu.memory_space<vmem>>
    %dma_wait3A_169 = arith.constant 0 : i32
    %dma_wait3A_170 = arith.constant 0 : i32
    %dma_wait3A_171 = tpu.memref_slice %arg8[%arg0, %dma_wait3A_169, %dma_wait3A_170] : memref<2x10240x48xf32, #tpu.memory_space<hbm>> -> memref<1x10240x48xf32, #tpu.memory_space<hbm>>
    %dma_wait3A_172 = tpu.memref_squeeze %dma_wait3A_171 : memref<1x10240x48xf32, #tpu.memory_space<hbm>> -> memref<10240x48xf32, #tpu.memory_space<hbm>>
    %dma_wait3A_173 = arith.constant 0 : i32
    %dma_wait3A_174 = arith.constant 0 : i32
    %dma_wait3A_175 = tpu.memref_slice %dma_wait3A_172[%dma_wait3A_173, %dma_wait3A_174] : memref<10240x48xf32, #tpu.memory_space<hbm>> -> memref<10240x48xf32, #tpu.memory_space<hbm>>
    %dma_wait3A_176 = tpu.memref_slice %arg17[%dma_wait3A_161] : memref<5x!tpu.dma_semaphore, #tpu.memory_space<semaphore_mem>> -> memref<1x!tpu.dma_semaphore, #tpu.memory_space<semaphore_mem>>
    %dma_wait3A_177 = tpu.memref_squeeze %dma_wait3A_176 : memref<1x!tpu.dma_semaphore, #tpu.memory_space<semaphore_mem>> -> memref<!tpu.dma_semaphore, #tpu.memory_space<semaphore_mem>>
    tpu.wait_indirect_dma semaphore(%dma_wait3A_177 : memref<!tpu.dma_semaphore, #tpu.memory_space<semaphore_mem>>) src(%dma_wait3A_175 : memref<10240x48xf32, #tpu.memory_space<hbm>>) dst(%dma_wait3A_165 : memref<128x48xf32, #tpu.memory_space<vmem>>)
    %run_scoped3A_178 = arith.constant 0 : i32
    %run_scoped3A_179 = arith.constant 75 : i32
    "tpu.region"() ({
      %run_scoped3A_265 = tpu.sem_alloc : memref<!tpu.dma_semaphore, #tpu.memory_space<semaphore_mem>>
      %dma_start3A_266 = arith.constant 0 : i32
      %dma_start3A_267 = arith.constant 0 : i32
      %dma_start3A_268 = tpu.memref_slice %arg11[%run_scoped3A_178, %dma_start3A_266, %dma_start3A_267] : memref<5x128x48xf32, #tpu.memory_space<vmem>> -> memref<1x128x48xf32, #tpu.memory_space<vmem>>
      %dma_start3A_269 = tpu.memref_squeeze %dma_start3A_268 : memref<1x128x48xf32, #tpu.memory_space<vmem>> -> memref<128x48xf32, #tpu.memory_space<vmem>>
      %dma_start3A_270 = arith.constant 0 : i32
      %dma_start3A_271 = tpu.memref_slice %arg9[%run_scoped3A_179, %dma_start3A_270] : memref<80x128xi32, #tpu.memory_space<vmem>> -> memref<1x128xi32, #tpu.memory_space<vmem>>
      %dma_start3A_272 = tpu.memref_squeeze %dma_start3A_271 : memref<1x128xi32, #tpu.memory_space<vmem>> -> memref<128xi32, #tpu.memory_space<vmem>>
      %dma_start3A_273 = arith.constant 0 : i32
      %dma_start3A_274 = arith.constant 0 : i32
      %dma_start3A_275 = tpu.memref_slice %arg16[%dma_start3A_273, %dma_start3A_274] : memref<10240x48xf32, #tpu.memory_space<vmem_shared>> -> memref<10240x48xf32, #tpu.memory_space<vmem_shared>>
      tpu.enqueue_indirect_dma source(%dma_start3A_269 : memref<128x48xf32, #tpu.memory_space<vmem>>) target(%dma_start3A_275 : memref<10240x48xf32, #tpu.memory_space<vmem_shared>>) offsets(%dma_start3A_272 : memref<128xi32, #tpu.memory_space<vmem>>) semaphore(%run_scoped3A_265 : memref<!tpu.dma_semaphore, #tpu.memory_space<semaphore_mem>>) {add = true}
      %dma_wait3A_276 = arith.constant 0 : i32
      %dma_wait3A_277 = arith.constant 0 : i32
      %dma_wait3A_278 = tpu.memref_slice %arg11[%run_scoped3A_178, %dma_wait3A_276, %dma_wait3A_277] : memref<5x128x48xf32, #tpu.memory_space<vmem>> -> memref<1x128x48xf32, #tpu.memory_space<vmem>>
      %dma_wait3A_279 = tpu.memref_squeeze %dma_wait3A_278 : memref<1x128x48xf32, #tpu.memory_space<vmem>> -> memref<128x48xf32, #tpu.memory_space<vmem>>
      %dma_wait3A_280 = arith.constant 0 : i32
      %dma_wait3A_281 = tpu.memref_slice %arg9[%run_scoped3A_179, %dma_wait3A_280] : memref<80x128xi32, #tpu.memory_space<vmem>> -> memref<1x128xi32, #tpu.memory_space<vmem>>
      %dma_wait3A_282 = tpu.memref_squeeze %dma_wait3A_281 : memref<1x128xi32, #tpu.memory_space<vmem>> -> memref<128xi32, #tpu.memory_space<vmem>>
      %dma_wait3A_283 = arith.constant 0 : i32
      %dma_wait3A_284 = arith.constant 0 : i32
      %dma_wait3A_285 = tpu.memref_slice %arg16[%dma_wait3A_283, %dma_wait3A_284] : memref<10240x48xf32, #tpu.memory_space<vmem_shared>> -> memref<10240x48xf32, #tpu.memory_space<vmem_shared>>
      tpu.wait_indirect_dma semaphore(%run_scoped3A_265 : memref<!tpu.dma_semaphore, #tpu.memory_space<semaphore_mem>>) src(%dma_wait3A_279 : memref<128x48xf32, #tpu.memory_space<vmem>>) dst(%dma_wait3A_285 : memref<10240x48xf32, #tpu.memory_space<vmem_shared>>)
      tpu.yield
    }) : () -> ()
    %dma_wait3A_180 = arith.constant 76 : i32
    %dma_wait3A_181 = arith.constant 1 : i32
    %dma_wait3A_182 = arith.constant 1 : i32
    %dma_wait3A_183 = arith.constant 0 : i32
    %dma_wait3A_184 = arith.constant 0 : i32
    %dma_wait3A_185 = tpu.memref_slice %arg11[%dma_wait3A_181, %dma_wait3A_183, %dma_wait3A_184] : memref<5x128x48xf32, #tpu.memory_space<vmem>> -> memref<1x128x48xf32, #tpu.memory_space<vmem>>
    %dma_wait3A_186 = tpu.memref_squeeze %dma_wait3A_185 : memref<1x128x48xf32, #tpu.memory_space<vmem>> -> memref<128x48xf32, #tpu.memory_space<vmem>>
    %dma_wait3A_187 = arith.constant 0 : i32
    %dma_wait3A_188 = tpu.memref_slice %arg10[%dma_wait3A_180, %dma_wait3A_187] : memref<80x128xi32, #tpu.memory_space<vmem>> -> memref<1x128xi32, #tpu.memory_space<vmem>>
    %dma_wait3A_189 = tpu.memref_squeeze %dma_wait3A_188 : memref<1x128xi32, #tpu.memory_space<vmem>> -> memref<128xi32, #tpu.memory_space<vmem>>
    %dma_wait3A_190 = arith.constant 0 : i32
    %dma_wait3A_191 = arith.constant 0 : i32
    %dma_wait3A_192 = tpu.memref_slice %arg8[%arg0, %dma_wait3A_190, %dma_wait3A_191] : memref<2x10240x48xf32, #tpu.memory_space<hbm>> -> memref<1x10240x48xf32, #tpu.memory_space<hbm>>
    %dma_wait3A_193 = tpu.memref_squeeze %dma_wait3A_192 : memref<1x10240x48xf32, #tpu.memory_space<hbm>> -> memref<10240x48xf32, #tpu.memory_space<hbm>>
    %dma_wait3A_194 = arith.constant 0 : i32
    %dma_wait3A_195 = arith.constant 0 : i32
    %dma_wait3A_196 = tpu.memref_slice %dma_wait3A_193[%dma_wait3A_194, %dma_wait3A_195] : memref<10240x48xf32, #tpu.memory_space<hbm>> -> memref<10240x48xf32, #tpu.memory_space<hbm>>
    %dma_wait3A_197 = tpu.memref_slice %arg17[%dma_wait3A_182] : memref<5x!tpu.dma_semaphore, #tpu.memory_space<semaphore_mem>> -> memref<1x!tpu.dma_semaphore, #tpu.memory_space<semaphore_mem>>
    %dma_wait3A_198 = tpu.memref_squeeze %dma_wait3A_197 : memref<1x!tpu.dma_semaphore, #tpu.memory_space<semaphore_mem>> -> memref<!tpu.dma_semaphore, #tpu.memory_space<semaphore_mem>>
    tpu.wait_indirect_dma semaphore(%dma_wait3A_198 : memref<!tpu.dma_semaphore, #tpu.memory_space<semaphore_mem>>) src(%dma_wait3A_196 : memref<10240x48xf32, #tpu.memory_space<hbm>>) dst(%dma_wait3A_186 : memref<128x48xf32, #tpu.memory_space<vmem>>)
    %run_scoped3A_199 = arith.constant 1 : i32
    %run_scoped3A_200 = arith.constant 76 : i32
    "tpu.region"() ({
      %run_scoped3A_265 = tpu.sem_alloc : memref<!tpu.dma_semaphore, #tpu.memory_space<semaphore_mem>>
      %dma_start3A_266 = arith.constant 0 : i32
      %dma_start3A_267 = arith.constant 0 : i32
      %dma_start3A_268 = tpu.memref_slice %arg11[%run_scoped3A_199, %dma_start3A_266, %dma_start3A_267] : memref<5x128x48xf32, #tpu.memory_space<vmem>> -> memref<1x128x48xf32, #tpu.memory_space<vmem>>
      %dma_start3A_269 = tpu.memref_squeeze %dma_start3A_268 : memref<1x128x48xf32, #tpu.memory_space<vmem>> -> memref<128x48xf32, #tpu.memory_space<vmem>>
      %dma_start3A_270 = arith.constant 0 : i32
      %dma_start3A_271 = tpu.memref_slice %arg9[%run_scoped3A_200, %dma_start3A_270] : memref<80x128xi32, #tpu.memory_space<vmem>> -> memref<1x128xi32, #tpu.memory_space<vmem>>
      %dma_start3A_272 = tpu.memref_squeeze %dma_start3A_271 : memref<1x128xi32, #tpu.memory_space<vmem>> -> memref<128xi32, #tpu.memory_space<vmem>>
      %dma_start3A_273 = arith.constant 0 : i32
      %dma_start3A_274 = arith.constant 0 : i32
      %dma_start3A_275 = tpu.memref_slice %arg16[%dma_start3A_273, %dma_start3A_274] : memref<10240x48xf32, #tpu.memory_space<vmem_shared>> -> memref<10240x48xf32, #tpu.memory_space<vmem_shared>>
      tpu.enqueue_indirect_dma source(%dma_start3A_269 : memref<128x48xf32, #tpu.memory_space<vmem>>) target(%dma_start3A_275 : memref<10240x48xf32, #tpu.memory_space<vmem_shared>>) offsets(%dma_start3A_272 : memref<128xi32, #tpu.memory_space<vmem>>) semaphore(%run_scoped3A_265 : memref<!tpu.dma_semaphore, #tpu.memory_space<semaphore_mem>>) {add = true}
      %dma_wait3A_276 = arith.constant 0 : i32
      %dma_wait3A_277 = arith.constant 0 : i32
      %dma_wait3A_278 = tpu.memref_slice %arg11[%run_scoped3A_199, %dma_wait3A_276, %dma_wait3A_277] : memref<5x128x48xf32, #tpu.memory_space<vmem>> -> memref<1x128x48xf32, #tpu.memory_space<vmem>>
      %dma_wait3A_279 = tpu.memref_squeeze %dma_wait3A_278 : memref<1x128x48xf32, #tpu.memory_space<vmem>> -> memref<128x48xf32, #tpu.memory_space<vmem>>
      %dma_wait3A_280 = arith.constant 0 : i32
      %dma_wait3A_281 = tpu.memref_slice %arg9[%run_scoped3A_200, %dma_wait3A_280] : memref<80x128xi32, #tpu.memory_space<vmem>> -> memref<1x128xi32, #tpu.memory_space<vmem>>
      %dma_wait3A_282 = tpu.memref_squeeze %dma_wait3A_281 : memref<1x128xi32, #tpu.memory_space<vmem>> -> memref<128xi32, #tpu.memory_space<vmem>>
      %dma_wait3A_283 = arith.constant 0 : i32
      %dma_wait3A_284 = arith.constant 0 : i32
      %dma_wait3A_285 = tpu.memref_slice %arg16[%dma_wait3A_283, %dma_wait3A_284] : memref<10240x48xf32, #tpu.memory_space<vmem_shared>> -> memref<10240x48xf32, #tpu.memory_space<vmem_shared>>
      tpu.wait_indirect_dma semaphore(%run_scoped3A_265 : memref<!tpu.dma_semaphore, #tpu.memory_space<semaphore_mem>>) src(%dma_wait3A_279 : memref<128x48xf32, #tpu.memory_space<vmem>>) dst(%dma_wait3A_285 : memref<10240x48xf32, #tpu.memory_space<vmem_shared>>)
      tpu.yield
    }) : () -> ()
    %dma_wait3A_201 = arith.constant 77 : i32
    %dma_wait3A_202 = arith.constant 2 : i32
    %dma_wait3A_203 = arith.constant 2 : i32
    %dma_wait3A_204 = arith.constant 0 : i32
    %dma_wait3A_205 = arith.constant 0 : i32
    %dma_wait3A_206 = tpu.memref_slice %arg11[%dma_wait3A_202, %dma_wait3A_204, %dma_wait3A_205] : memref<5x128x48xf32, #tpu.memory_space<vmem>> -> memref<1x128x48xf32, #tpu.memory_space<vmem>>
    %dma_wait3A_207 = tpu.memref_squeeze %dma_wait3A_206 : memref<1x128x48xf32, #tpu.memory_space<vmem>> -> memref<128x48xf32, #tpu.memory_space<vmem>>
    %dma_wait3A_208 = arith.constant 0 : i32
    %dma_wait3A_209 = tpu.memref_slice %arg10[%dma_wait3A_201, %dma_wait3A_208] : memref<80x128xi32, #tpu.memory_space<vmem>> -> memref<1x128xi32, #tpu.memory_space<vmem>>
    %dma_wait3A_210 = tpu.memref_squeeze %dma_wait3A_209 : memref<1x128xi32, #tpu.memory_space<vmem>> -> memref<128xi32, #tpu.memory_space<vmem>>
    %dma_wait3A_211 = arith.constant 0 : i32
    %dma_wait3A_212 = arith.constant 0 : i32
    %dma_wait3A_213 = tpu.memref_slice %arg8[%arg0, %dma_wait3A_211, %dma_wait3A_212] : memref<2x10240x48xf32, #tpu.memory_space<hbm>> -> memref<1x10240x48xf32, #tpu.memory_space<hbm>>
    %dma_wait3A_214 = tpu.memref_squeeze %dma_wait3A_213 : memref<1x10240x48xf32, #tpu.memory_space<hbm>> -> memref<10240x48xf32, #tpu.memory_space<hbm>>
    %dma_wait3A_215 = arith.constant 0 : i32
    %dma_wait3A_216 = arith.constant 0 : i32
    %dma_wait3A_217 = tpu.memref_slice %dma_wait3A_214[%dma_wait3A_215, %dma_wait3A_216] : memref<10240x48xf32, #tpu.memory_space<hbm>> -> memref<10240x48xf32, #tpu.memory_space<hbm>>
    %dma_wait3A_218 = tpu.memref_slice %arg17[%dma_wait3A_203] : memref<5x!tpu.dma_semaphore, #tpu.memory_space<semaphore_mem>> -> memref<1x!tpu.dma_semaphore, #tpu.memory_space<semaphore_mem>>
    %dma_wait3A_219 = tpu.memref_squeeze %dma_wait3A_218 : memref<1x!tpu.dma_semaphore, #tpu.memory_space<semaphore_mem>> -> memref<!tpu.dma_semaphore, #tpu.memory_space<semaphore_mem>>
    tpu.wait_indirect_dma semaphore(%dma_wait3A_219 : memref<!tpu.dma_semaphore, #tpu.memory_space<semaphore_mem>>) src(%dma_wait3A_217 : memref<10240x48xf32, #tpu.memory_space<hbm>>) dst(%dma_wait3A_207 : memref<128x48xf32, #tpu.memory_space<vmem>>)
    %run_scoped3A_220 = arith.constant 2 : i32
    %run_scoped3A_221 = arith.constant 77 : i32
    "tpu.region"() ({
      %run_scoped3A_265 = tpu.sem_alloc : memref<!tpu.dma_semaphore, #tpu.memory_space<semaphore_mem>>
      %dma_start3A_266 = arith.constant 0 : i32
      %dma_start3A_267 = arith.constant 0 : i32
      %dma_start3A_268 = tpu.memref_slice %arg11[%run_scoped3A_220, %dma_start3A_266, %dma_start3A_267] : memref<5x128x48xf32, #tpu.memory_space<vmem>> -> memref<1x128x48xf32, #tpu.memory_space<vmem>>
      %dma_start3A_269 = tpu.memref_squeeze %dma_start3A_268 : memref<1x128x48xf32, #tpu.memory_space<vmem>> -> memref<128x48xf32, #tpu.memory_space<vmem>>
      %dma_start3A_270 = arith.constant 0 : i32
      %dma_start3A_271 = tpu.memref_slice %arg9[%run_scoped3A_221, %dma_start3A_270] : memref<80x128xi32, #tpu.memory_space<vmem>> -> memref<1x128xi32, #tpu.memory_space<vmem>>
      %dma_start3A_272 = tpu.memref_squeeze %dma_start3A_271 : memref<1x128xi32, #tpu.memory_space<vmem>> -> memref<128xi32, #tpu.memory_space<vmem>>
      %dma_start3A_273 = arith.constant 0 : i32
      %dma_start3A_274 = arith.constant 0 : i32
      %dma_start3A_275 = tpu.memref_slice %arg16[%dma_start3A_273, %dma_start3A_274] : memref<10240x48xf32, #tpu.memory_space<vmem_shared>> -> memref<10240x48xf32, #tpu.memory_space<vmem_shared>>
      tpu.enqueue_indirect_dma source(%dma_start3A_269 : memref<128x48xf32, #tpu.memory_space<vmem>>) target(%dma_start3A_275 : memref<10240x48xf32, #tpu.memory_space<vmem_shared>>) offsets(%dma_start3A_272 : memref<128xi32, #tpu.memory_space<vmem>>) semaphore(%run_scoped3A_265 : memref<!tpu.dma_semaphore, #tpu.memory_space<semaphore_mem>>) {add = true}
      %dma_wait3A_276 = arith.constant 0 : i32
      %dma_wait3A_277 = arith.constant 0 : i32
      %dma_wait3A_278 = tpu.memref_slice %arg11[%run_scoped3A_220, %dma_wait3A_276, %dma_wait3A_277] : memref<5x128x48xf32, #tpu.memory_space<vmem>> -> memref<1x128x48xf32, #tpu.memory_space<vmem>>
      %dma_wait3A_279 = tpu.memref_squeeze %dma_wait3A_278 : memref<1x128x48xf32, #tpu.memory_space<vmem>> -> memref<128x48xf32, #tpu.memory_space<vmem>>
      %dma_wait3A_280 = arith.constant 0 : i32
      %dma_wait3A_281 = tpu.memref_slice %arg9[%run_scoped3A_221, %dma_wait3A_280] : memref<80x128xi32, #tpu.memory_space<vmem>> -> memref<1x128xi32, #tpu.memory_space<vmem>>
      %dma_wait3A_282 = tpu.memref_squeeze %dma_wait3A_281 : memref<1x128xi32, #tpu.memory_space<vmem>> -> memref<128xi32, #tpu.memory_space<vmem>>
      %dma_wait3A_283 = arith.constant 0 : i32
      %dma_wait3A_284 = arith.constant 0 : i32
      %dma_wait3A_285 = tpu.memref_slice %arg16[%dma_wait3A_283, %dma_wait3A_284] : memref<10240x48xf32, #tpu.memory_space<vmem_shared>> -> memref<10240x48xf32, #tpu.memory_space<vmem_shared>>
      tpu.wait_indirect_dma semaphore(%run_scoped3A_265 : memref<!tpu.dma_semaphore, #tpu.memory_space<semaphore_mem>>) src(%dma_wait3A_279 : memref<128x48xf32, #tpu.memory_space<vmem>>) dst(%dma_wait3A_285 : memref<10240x48xf32, #tpu.memory_space<vmem_shared>>)
      tpu.yield
    }) : () -> ()
    %dma_wait3A_222 = arith.constant 78 : i32
    %dma_wait3A_223 = arith.constant 3 : i32
    %dma_wait3A_224 = arith.constant 3 : i32
    %dma_wait3A_225 = arith.constant 0 : i32
    %dma_wait3A_226 = arith.constant 0 : i32
    %dma_wait3A_227 = tpu.memref_slice %arg11[%dma_wait3A_223, %dma_wait3A_225, %dma_wait3A_226] : memref<5x128x48xf32, #tpu.memory_space<vmem>> -> memref<1x128x48xf32, #tpu.memory_space<vmem>>
    %dma_wait3A_228 = tpu.memref_squeeze %dma_wait3A_227 : memref<1x128x48xf32, #tpu.memory_space<vmem>> -> memref<128x48xf32, #tpu.memory_space<vmem>>
    %dma_wait3A_229 = arith.constant 0 : i32
    %dma_wait3A_230 = tpu.memref_slice %arg10[%dma_wait3A_222, %dma_wait3A_229] : memref<80x128xi32, #tpu.memory_space<vmem>> -> memref<1x128xi32, #tpu.memory_space<vmem>>
    %dma_wait3A_231 = tpu.memref_squeeze %dma_wait3A_230 : memref<1x128xi32, #tpu.memory_space<vmem>> -> memref<128xi32, #tpu.memory_space<vmem>>
    %dma_wait3A_232 = arith.constant 0 : i32
    %dma_wait3A_233 = arith.constant 0 : i32
    %dma_wait3A_234 = tpu.memref_slice %arg8[%arg0, %dma_wait3A_232, %dma_wait3A_233] : memref<2x10240x48xf32, #tpu.memory_space<hbm>> -> memref<1x10240x48xf32, #tpu.memory_space<hbm>>
    %dma_wait3A_235 = tpu.memref_squeeze %dma_wait3A_234 : memref<1x10240x48xf32, #tpu.memory_space<hbm>> -> memref<10240x48xf32, #tpu.memory_space<hbm>>
    %dma_wait3A_236 = arith.constant 0 : i32
    %dma_wait3A_237 = arith.constant 0 : i32
    %dma_wait3A_238 = tpu.memref_slice %dma_wait3A_235[%dma_wait3A_236, %dma_wait3A_237] : memref<10240x48xf32, #tpu.memory_space<hbm>> -> memref<10240x48xf32, #tpu.memory_space<hbm>>
    %dma_wait3A_239 = tpu.memref_slice %arg17[%dma_wait3A_224] : memref<5x!tpu.dma_semaphore, #tpu.memory_space<semaphore_mem>> -> memref<1x!tpu.dma_semaphore, #tpu.memory_space<semaphore_mem>>
    %dma_wait3A_240 = tpu.memref_squeeze %dma_wait3A_239 : memref<1x!tpu.dma_semaphore, #tpu.memory_space<semaphore_mem>> -> memref<!tpu.dma_semaphore, #tpu.memory_space<semaphore_mem>>
    tpu.wait_indirect_dma semaphore(%dma_wait3A_240 : memref<!tpu.dma_semaphore, #tpu.memory_space<semaphore_mem>>) src(%dma_wait3A_238 : memref<10240x48xf32, #tpu.memory_space<hbm>>) dst(%dma_wait3A_228 : memref<128x48xf32, #tpu.memory_space<vmem>>)
    %run_scoped3A_241 = arith.constant 3 : i32
    %run_scoped3A_242 = arith.constant 78 : i32
    "tpu.region"() ({
      %run_scoped3A_265 = tpu.sem_alloc : memref<!tpu.dma_semaphore, #tpu.memory_space<semaphore_mem>>
      %dma_start3A_266 = arith.constant 0 : i32
      %dma_start3A_267 = arith.constant 0 : i32
      %dma_start3A_268 = tpu.memref_slice %arg11[%run_scoped3A_241, %dma_start3A_266, %dma_start3A_267] : memref<5x128x48xf32, #tpu.memory_space<vmem>> -> memref<1x128x48xf32, #tpu.memory_space<vmem>>
      %dma_start3A_269 = tpu.memref_squeeze %dma_start3A_268 : memref<1x128x48xf32, #tpu.memory_space<vmem>> -> memref<128x48xf32, #tpu.memory_space<vmem>>
      %dma_start3A_270 = arith.constant 0 : i32
      %dma_start3A_271 = tpu.memref_slice %arg9[%run_scoped3A_242, %dma_start3A_270] : memref<80x128xi32, #tpu.memory_space<vmem>> -> memref<1x128xi32, #tpu.memory_space<vmem>>
      %dma_start3A_272 = tpu.memref_squeeze %dma_start3A_271 : memref<1x128xi32, #tpu.memory_space<vmem>> -> memref<128xi32, #tpu.memory_space<vmem>>
      %dma_start3A_273 = arith.constant 0 : i32
      %dma_start3A_274 = arith.constant 0 : i32
      %dma_start3A_275 = tpu.memref_slice %arg16[%dma_start3A_273, %dma_start3A_274] : memref<10240x48xf32, #tpu.memory_space<vmem_shared>> -> memref<10240x48xf32, #tpu.memory_space<vmem_shared>>
      tpu.enqueue_indirect_dma source(%dma_start3A_269 : memref<128x48xf32, #tpu.memory_space<vmem>>) target(%dma_start3A_275 : memref<10240x48xf32, #tpu.memory_space<vmem_shared>>) offsets(%dma_start3A_272 : memref<128xi32, #tpu.memory_space<vmem>>) semaphore(%run_scoped3A_265 : memref<!tpu.dma_semaphore, #tpu.memory_space<semaphore_mem>>) {add = true}
      %dma_wait3A_276 = arith.constant 0 : i32
      %dma_wait3A_277 = arith.constant 0 : i32
      %dma_wait3A_278 = tpu.memref_slice %arg11[%run_scoped3A_241, %dma_wait3A_276, %dma_wait3A_277] : memref<5x128x48xf32, #tpu.memory_space<vmem>> -> memref<1x128x48xf32, #tpu.memory_space<vmem>>
      %dma_wait3A_279 = tpu.memref_squeeze %dma_wait3A_278 : memref<1x128x48xf32, #tpu.memory_space<vmem>> -> memref<128x48xf32, #tpu.memory_space<vmem>>
      %dma_wait3A_280 = arith.constant 0 : i32
      %dma_wait3A_281 = tpu.memref_slice %arg9[%run_scoped3A_242, %dma_wait3A_280] : memref<80x128xi32, #tpu.memory_space<vmem>> -> memref<1x128xi32, #tpu.memory_space<vmem>>
      %dma_wait3A_282 = tpu.memref_squeeze %dma_wait3A_281 : memref<1x128xi32, #tpu.memory_space<vmem>> -> memref<128xi32, #tpu.memory_space<vmem>>
      %dma_wait3A_283 = arith.constant 0 : i32
      %dma_wait3A_284 = arith.constant 0 : i32
      %dma_wait3A_285 = tpu.memref_slice %arg16[%dma_wait3A_283, %dma_wait3A_284] : memref<10240x48xf32, #tpu.memory_space<vmem_shared>> -> memref<10240x48xf32, #tpu.memory_space<vmem_shared>>
      tpu.wait_indirect_dma semaphore(%run_scoped3A_265 : memref<!tpu.dma_semaphore, #tpu.memory_space<semaphore_mem>>) src(%dma_wait3A_279 : memref<128x48xf32, #tpu.memory_space<vmem>>) dst(%dma_wait3A_285 : memref<10240x48xf32, #tpu.memory_space<vmem_shared>>)
      tpu.yield
    }) : () -> ()
    %dma_wait3A_243 = arith.constant 79 : i32
    %dma_wait3A_244 = arith.constant 4 : i32
    %dma_wait3A_245 = arith.constant 4 : i32
    %dma_wait3A_246 = arith.constant 0 : i32
    %dma_wait3A_247 = arith.constant 0 : i32
    %dma_wait3A_248 = tpu.memref_slice %arg11[%dma_wait3A_244, %dma_wait3A_246, %dma_wait3A_247] : memref<5x128x48xf32, #tpu.memory_space<vmem>> -> memref<1x128x48xf32, #tpu.memory_space<vmem>>
    %dma_wait3A_249 = tpu.memref_squeeze %dma_wait3A_248 : memref<1x128x48xf32, #tpu.memory_space<vmem>> -> memref<128x48xf32, #tpu.memory_space<vmem>>
    %dma_wait3A_250 = arith.constant 0 : i32
    %dma_wait3A_251 = tpu.memref_slice %arg10[%dma_wait3A_243, %dma_wait3A_250] : memref<80x128xi32, #tpu.memory_space<vmem>> -> memref<1x128xi32, #tpu.memory_space<vmem>>
    %dma_wait3A_252 = tpu.memref_squeeze %dma_wait3A_251 : memref<1x128xi32, #tpu.memory_space<vmem>> -> memref<128xi32, #tpu.memory_space<vmem>>
    %dma_wait3A_253 = arith.constant 0 : i32
    %dma_wait3A_254 = arith.constant 0 : i32
    %dma_wait3A_255 = tpu.memref_slice %arg8[%arg0, %dma_wait3A_253, %dma_wait3A_254] : memref<2x10240x48xf32, #tpu.memory_space<hbm>> -> memref<1x10240x48xf32, #tpu.memory_space<hbm>>
    %dma_wait3A_256 = tpu.memref_squeeze %dma_wait3A_255 : memref<1x10240x48xf32, #tpu.memory_space<hbm>> -> memref<10240x48xf32, #tpu.memory_space<hbm>>
    %dma_wait3A_257 = arith.constant 0 : i32
    %dma_wait3A_258 = arith.constant 0 : i32
    %dma_wait3A_259 = tpu.memref_slice %dma_wait3A_256[%dma_wait3A_257, %dma_wait3A_258] : memref<10240x48xf32, #tpu.memory_space<hbm>> -> memref<10240x48xf32, #tpu.memory_space<hbm>>
    %dma_wait3A_260 = tpu.memref_slice %arg17[%dma_wait3A_245] : memref<5x!tpu.dma_semaphore, #tpu.memory_space<semaphore_mem>> -> memref<1x!tpu.dma_semaphore, #tpu.memory_space<semaphore_mem>>
    %dma_wait3A_261 = tpu.memref_squeeze %dma_wait3A_260 : memref<1x!tpu.dma_semaphore, #tpu.memory_space<semaphore_mem>> -> memref<!tpu.dma_semaphore, #tpu.memory_space<semaphore_mem>>
    tpu.wait_indirect_dma semaphore(%dma_wait3A_261 : memref<!tpu.dma_semaphore, #tpu.memory_space<semaphore_mem>>) src(%dma_wait3A_259 : memref<10240x48xf32, #tpu.memory_space<hbm>>) dst(%dma_wait3A_249 : memref<128x48xf32, #tpu.memory_space<vmem>>)
    %run_scoped3A_262 = arith.constant 4 : i32
    %run_scoped3A_263 = arith.constant 79 : i32
    "tpu.region"() ({
      %run_scoped3A_265 = tpu.sem_alloc : memref<!tpu.dma_semaphore, #tpu.memory_space<semaphore_mem>>
      %dma_start3A_266 = arith.constant 0 : i32
      %dma_start3A_267 = arith.constant 0 : i32
      %dma_start3A_268 = tpu.memref_slice %arg11[%run_scoped3A_262, %dma_start3A_266, %dma_start3A_267] : memref<5x128x48xf32, #tpu.memory_space<vmem>> -> memref<1x128x48xf32, #tpu.memory_space<vmem>>
      %dma_start3A_269 = tpu.memref_squeeze %dma_start3A_268 : memref<1x128x48xf32, #tpu.memory_space<vmem>> -> memref<128x48xf32, #tpu.memory_space<vmem>>
      %dma_start3A_270 = arith.constant 0 : i32
      %dma_start3A_271 = tpu.memref_slice %arg9[%run_scoped3A_263, %dma_start3A_270] : memref<80x128xi32, #tpu.memory_space<vmem>> -> memref<1x128xi32, #tpu.memory_space<vmem>>
      %dma_start3A_272 = tpu.memref_squeeze %dma_start3A_271 : memref<1x128xi32, #tpu.memory_space<vmem>> -> memref<128xi32, #tpu.memory_space<vmem>>
      %dma_start3A_273 = arith.constant 0 : i32
      %dma_start3A_274 = arith.constant 0 : i32
      %dma_start3A_275 = tpu.memref_slice %arg16[%dma_start3A_273, %dma_start3A_274] : memref<10240x48xf32, #tpu.memory_space<vmem_shared>> -> memref<10240x48xf32, #tpu.memory_space<vmem_shared>>
      tpu.enqueue_indirect_dma source(%dma_start3A_269 : memref<128x48xf32, #tpu.memory_space<vmem>>) target(%dma_start3A_275 : memref<10240x48xf32, #tpu.memory_space<vmem_shared>>) offsets(%dma_start3A_272 : memref<128xi32, #tpu.memory_space<vmem>>) semaphore(%run_scoped3A_265 : memref<!tpu.dma_semaphore, #tpu.memory_space<semaphore_mem>>) {add = true}
      %dma_wait3A_276 = arith.constant 0 : i32
      %dma_wait3A_277 = arith.constant 0 : i32
      %dma_wait3A_278 = tpu.memref_slice %arg11[%run_scoped3A_262, %dma_wait3A_276, %dma_wait3A_277] : memref<5x128x48xf32, #tpu.memory_space<vmem>> -> memref<1x128x48xf32, #tpu.memory_space<vmem>>
      %dma_wait3A_279 = tpu.memref_squeeze %dma_wait3A_278 : memref<1x128x48xf32, #tpu.memory_space<vmem>> -> memref<128x48xf32, #tpu.memory_space<vmem>>
      %dma_wait3A_280 = arith.constant 0 : i32
      %dma_wait3A_281 = tpu.memref_slice %arg9[%run_scoped3A_263, %dma_wait3A_280] : memref<80x128xi32, #tpu.memory_space<vmem>> -> memref<1x128xi32, #tpu.memory_space<vmem>>
      %dma_wait3A_282 = tpu.memref_squeeze %dma_wait3A_281 : memref<1x128xi32, #tpu.memory_space<vmem>> -> memref<128xi32, #tpu.memory_space<vmem>>
      %dma_wait3A_283 = arith.constant 0 : i32
      %dma_wait3A_284 = arith.constant 0 : i32
      %dma_wait3A_285 = tpu.memref_slice %arg16[%dma_wait3A_283, %dma_wait3A_284] : memref<10240x48xf32, #tpu.memory_space<vmem_shared>> -> memref<10240x48xf32, #tpu.memory_space<vmem_shared>>
      tpu.wait_indirect_dma semaphore(%run_scoped3A_265 : memref<!tpu.dma_semaphore, #tpu.memory_space<semaphore_mem>>) src(%dma_wait3A_279 : memref<128x48xf32, #tpu.memory_space<vmem>>) dst(%dma_wait3A_285 : memref<10240x48xf32, #tpu.memory_space<vmem_shared>>)
      tpu.yield
    }) : () -> ()
    %barrier3A_264 = arith.constant 0 : index
    tpu.barrier barrier_id(%barrier3A_264)
    "tpu.region"() ({
      %run_scoped3A_265 = tpu.sem_alloc : memref<!tpu.dma_semaphore, #tpu.memory_space<semaphore_mem>>
      %dma_start3A_266 = arith.constant 0 : i32
      %dma_start3A_267 = tpu.memref_slice %arg7[%arg0, %mul3A_2, %dma_start3A_266] : memref<2x10240x48xf32, #tpu.memory_space<hbm>> -> memref<1x640x48xf32, #tpu.memory_space<hbm>>
      %dma_start3A_268 = tpu.memref_squeeze %dma_start3A_267 : memref<1x640x48xf32, #tpu.memory_space<hbm>> -> memref<640x48xf32, #tpu.memory_space<hbm>>
      %dma_start3A_269 = arith.constant 0 : i32
      %dma_start3A_270 = tpu.memref_slice %arg16[%mul3A_2, %dma_start3A_269] : memref<10240x48xf32, #tpu.memory_space<vmem_shared>> -> memref<640x48xf32, #tpu.memory_space<vmem_shared>>
      tpu.enqueue_dma source(%dma_start3A_270 : memref<640x48xf32, #tpu.memory_space<vmem_shared>>) target(%dma_start3A_268 : memref<640x48xf32, #tpu.memory_space<hbm>>) target_semaphore(%run_scoped3A_265 : memref<!tpu.dma_semaphore, #tpu.memory_space<semaphore_mem>>)
      %dma_wait3A_271 = arith.constant 0 : i32
      %dma_wait3A_272 = tpu.memref_slice %arg7[%arg0, %mul3A_2, %dma_wait3A_271] : memref<2x10240x48xf32, #tpu.memory_space<hbm>> -> memref<1x640x48xf32, #tpu.memory_space<hbm>>
      %dma_wait3A_273 = tpu.memref_squeeze %dma_wait3A_272 : memref<1x640x48xf32, #tpu.memory_space<hbm>> -> memref<640x48xf32, #tpu.memory_space<hbm>>
      %dma_wait3A_274 = arith.constant 0 : i32
      %dma_wait3A_275 = tpu.memref_slice %arg16[%mul3A_2, %dma_wait3A_274] : memref<10240x48xf32, #tpu.memory_space<vmem_shared>> -> memref<640x48xf32, #tpu.memory_space<vmem_shared>>
      tpu.wait_dma2 semaphore(%run_scoped3A_265 : memref<!tpu.dma_semaphore, #tpu.memory_space<semaphore_mem>>) src(%dma_wait3A_275 : memref<640x48xf32, #tpu.memory_space<vmem_shared>>) dst(%dma_wait3A_273 : memref<640x48xf32, #tpu.memory_space<hbm>>)
      tpu.yield
    }) : () -> ()
    return
  }
}

module attributes {stable_mosaic.version = 14 : i64} {
  func.func @_mm_body(%arg0: memref<10000x128xf32, #tpu.memory_space<vmem>>, %arg1: memref<128x48xf32, #tpu.memory_space<vmem>>, %arg2: memref<10240x48xf32, #tpu.memory_space<vmem>>) attributes {dimension_semantics = [], scalar_prefetch = 0 : i64, scratch_operands = 0 : i64, tpu.core_type = #tpu.core_type<tc>} {
    %get3A = arith.constant 0 : index
    %get3A_0 = arith.constant 0 : index
    %get3A_1 = vector.load %arg0[%get3A, %get3A_0] : memref<10000x128xf32, #tpu.memory_space<vmem>>, vector<10000x128xf32>
    %get3A_2 = arith.constant 0 : index
    %get3A_3 = arith.constant 0 : index
    %get3A_4 = vector.load %arg1[%get3A_2, %get3A_3] : memref<128x48xf32, #tpu.memory_space<vmem>>, vector<128x48xf32>
    %dot_general3A = arith.constant dense<0.000000e+00> : vector<10000x48xf32>
    %dot_general3A_5 = tpu.matmul %get3A_1, %get3A_4, %dot_general3A {dimension_numbers = #tpu.dot_dimension_numbers<[1], [0], [0], [1], [0, 0, 1, 1], [], []>, transpose_lhs_hint = false} : vector<10000x128xf32>, vector<128x48xf32>, vector<10000x48xf32> -> vector<10000x48xf32>
    %swap3A = arith.constant 0 : index
    %swap3A_6 = arith.constant 0 : index
    %swap3A_7 = vector.load %arg2[%swap3A, %swap3A_6] : memref<10240x48xf32, #tpu.memory_space<vmem>>, vector<10000x48xf32>
    tpu.vector_store %arg2[%swap3A, %swap3A_6], %dot_general3A_5 {strides = array<i32>} : memref<10240x48xf32, #tpu.memory_space<vmem>>, vector<10000x48xf32>,
    return
  }
}

</mosaic_0001>

<sc_bundles>
// kernel: kernel.10.cloned.1.call-start
scs
__scs_entry_jumppad:
0x0: {  	(pc) =	sbr.rel $0x88, $3  }
0x1: {  	(tag) =	ssettag $0x0;
	lr =	simm.s32 $0x1  }
0x2: {  	[smem:$0x3F9D] =	sst lr;
	_ =	strace $0xD0000000  }
0x3: {  	_ = 	snop  }
0x4: {  	_ = 	snop  }
0x5: {  	_ = 	snop  }
0x6: {  	_ = 	snop  }
0x7: {  	_ = 	snop  }
__scs_overlays_trampoline_lowered:
0x8: {  	[smem:$0x3FAC] =	sst s0  }
0x9: {  	[smem:$0x3FAD] =	sst s1  }
0xa: {  	[smem:$0x3FAE] =	sst s2  }
0xb: {  	[smem:$0x3FAF] =	sst s3  }
0xc: {  	[smem:$0x3FB0] =	sst s4  }
0xd: {  	[smem:$0x3FB1] =	sst s5  }
0xe: {  	[smem:$0x3FB2] =	sst s6  }
0xf: {  	[smem:$0x3FB3] =	sst s7  }
0x10: {  	[smem:$0x3FB4] =	sst s8  }
0x11: {  	[smem:$0x3FB5] =	sst s9;
	s0 =	simm.s32 @!p0 $0x0  }
0x12: {  	s1 =	sld [smem:$0x3F9B];
	s0 =	simm.s32 @p0 $0x1  }
0x13: {  	[smem:$0x3FB6] =	sst s0;
	s0 =	simm.s32 @!p1 $0x0  }
0x14: {  	s2 =	sld [smem:$0x3F9A];
	s0 =	simm.s32 @p1 $0x1  }
0x15: {  	[smem:$0x3FB7] =	sst s0;
	s0 =	simm.s32 @!p2 $0x0  }
0x16: {  	s3 =	sld [smem:$0x3FDB];
	s0 =	simm.s32 @p2 $0x1  }
0x17: {  	s4 =	simm.s32 $0x1BF5;
	[smem:$0x3FB9] =	sst s0  }
0x18: {  	s0 =	sld [smem:$0x3F9C];
	_ =	swait.ge [sflag:s4], $0x0  }
0x19: {  	s7 =	sld [smem:$0x3F9D]  }
0x1a: {  	s8 =	sadd.s32 $0xFFFFE003, lr  }
0x1b: {  	s9 =	sadd.s32 $0xFFFFFEF7, lr;
	s5 =	simm.s32 $0xFFFFFFFF;
	p2 =	slt.u32 s8, $0xFFFFF086  }
0x1c: {  	p1 =	slt.u32 s9, $0xF7A;
	s5 =	simm.s32 @!p2 $0x0  }
0x1d: {  	s5 =	simm.s32 @p1 $0x1;
	p0 =	seq.s32 s7, s2  }
0x1e: {  	s7 =	smul.u32 @!p0 $0xF7A, s2;
	p2 =	seq.s32 @!p0 s5, $0x0  }
0x1f: {  	s9 =	smul.u32 $0xF7A, s1;
	s8 =	simm.s32 @!p0 $0x1BF5;
	p2 =	por !p2, p0  }
0x20: {  	[sflag:s8] =	ssyncset.s32 @!p0 $0xFFFFF086;
	s6 =	sadd.s32 @!p0 s3, s7;
	s7 =	simm.s32 @!p0 $0x108  }
0x21: {  	s3 =	sadd.s32 s3, s9;
	s6 =	sadd.s32 @!p0 $0x88, s6;
	s7 =	simm.s32 @p2 $0x1082  }
0x22: {  	[simem:s7], [sflag:s8] =	dma.local @!p0 [hbm:s6], $0xF7A  }
0x23: {  	s9 =	sor.u32 $0xD0000000, s2;
	s6 =	simm.s32 $0x108;
	_ =	swait.ge @!p0 [sflag:s8], $0x0  }
0x24: {  	s3 =	sadd.s32 $0x88, s3;
	s6 =	simm.s32 @!p1 $0x1082;
	[sflag:s4] =	ssyncset.s32 $0xFFFFF086  }
0x25: {  	[simem:s6], [sflag:s4] =	dma.local [hbm:s3], $0xF7A  }
0x26: {  	[smem:$0x3F9D] =	sst s1;
	(tag) =	ssettag s2;
	_ =	strace s9  }
0x27: {  	s1 =	sld [smem:$0x3FAD]  }
0x28: {  	s2 =	sld [smem:$0x3FAE]  }
0x29: {  	s4 =	sld [smem:$0x3FB0]  }
0x2a: {  	p0 =	seq.s32 s5, $0x0;
	s5 =	sld [smem:$0x3FB1]  }
0x2b: {  	s6 =	sld [smem:$0x3FB2]  }
0x2c: {  	s7 =	sld [smem:$0x3FB3]  }
0x2d: {  	s3 =	simm.s32 $0x108;
	s8 =	sld [smem:$0x3FB4]  }
0x2e: {  	s3 =	simm.s32 @!p0 $0x1082;
	s9 =	sld [smem:$0x3FB5]  }
0x2f: {  	lr =	sadd.s32 s0, s3;
	s0 =	sld [smem:$0x3FAC]  }
0x30: {  	s3 =	sld [smem:$0x3FAF]  }
0x31: {  	[smem:$0x3FB8] =	sst s10  }
0x32: {  	s10 =	sld [smem:$0x3FB6];
	_ =	sdelay $0x3  }
0x33: {  	p0 =	seq.s32 s10, $0x1;
	s10 =	sld [smem:$0x3FB8];
	_ =	sdelay $0x3  }
0x34: {  	[smem:$0x3FB8] =	sst s10  }
0x35: {  	s10 =	sld [smem:$0x3FB7];
	_ =	sdelay $0x3  }
0x36: {  	p1 =	seq.s32 s10, $0x1;
	s10 =	sld [smem:$0x3FB8];
	_ =	sdelay $0x3  }
0x37: {  	[smem:$0x3FB8] =	sst s10  }
0x38: {  	s10 =	sld [smem:$0x3FB9]  }
0x39: {  	_ = 	snop;
	(pc) =	sbr.ind lr, $3  }
0x3a: {  	_ = 	snop  }
0x3b: {  	_ = 	snop  }
0x3c: {  	p2 =	seq.s32 s10, $0x1;
	s10 =	sld [smem:$0x3FB8]  }
0x3d: {  	_ =	shalt  }
0x3e: {  	_ =	shalt  }
0x3f: {  	_ =	shalt  }
0x40: {  	_ =	shalt  }
0x41: {  	_ =	shalt  }
0x42: {  	_ =	shalt  }
0x43: {  	_ =	shalt  }
0x44: {  	_ =	shalt  }
0x45: {  	_ =	shalt  }
0x46: {  	_ =	shalt  }
0x47: {  	_ =	shalt  }
0x48: {  	_ =	shalt  }
0x49: {  	_ =	shalt  }
0x4a: {  	_ =	shalt  }
0x4b: {  	_ =	shalt  }
0x4c: {  	_ =	shalt  }
0x4d: {  	_ =	shalt  }
0x4e: {  	_ =	shalt  }
0x4f: {  	_ =	shalt  }
0x50: {  	_ =	shalt  }
0x51: {  	_ =	shalt  }
0x52: {  	_ =	shalt  }
0x53: {  	_ =	shalt  }
0x54: {  	_ =	shalt  }
0x55: {  	_ =	shalt  }
0x56: {  	_ =	shalt  }
0x57: {  	_ =	shalt  }
0x58: {  	_ =	shalt  }
0x59: {  	_ =	shalt  }
0x5a: {  	_ =	shalt  }
0x5b: {  	_ =	shalt  }
0x5c: {  	_ =	shalt  }
0x5d: {  	_ =	shalt  }
0x5e: {  	_ =	shalt  }
0x5f: {  	_ =	shalt  }
0x60: {  	_ =	shalt  }
0x61: {  	_ =	shalt  }
0x62: {  	_ =	shalt  }
0x63: {  	_ =	shalt  }
0x64: {  	_ =	shalt  }
0x65: {  	_ =	shalt  }
0x66: {  	_ =	shalt  }
0x67: {  	_ =	shalt  }
0x68: {  	_ =	shalt  }
0x69: {  	_ =	shalt  }
0x6a: {  	_ =	shalt  }
0x6b: {  	_ =	shalt  }
0x6c: {  	_ =	shalt  }
0x6d: {  	_ =	shalt  }
0x6e: {  	_ =	shalt  }
0x6f: {  	_ =	shalt  }
0x70: {  	_ =	shalt  }
0x71: {  	_ =	shalt  }
0x72: {  	_ =	shalt  }
0x73: {  	_ =	shalt  }
0x74: {  	_ =	shalt  }
0x75: {  	_ =	shalt  }
0x76: {  	_ =	shalt  }
0x77: {  	_ =	shalt  }
0x78: {  	_ =	shalt  }
0x79: {  	_ =	shalt  }
0x7a: {  	_ =	shalt  }
0x7b: {  	_ =	shalt  }
0x7c: {  	_ =	shalt  }
0x7d: {  	_ =	shalt  }
0x7e: {  	_ =	shalt  }
0x7f: {  	_ =	shalt  }
0x80: {  	_ =	shalt  }
0x81: {  	_ =	shalt  }
0x82: {  	_ =	shalt  }
0x83: {  	_ =	shalt  }
0x84: {  	_ =	shalt  }
0x85: {  	_ =	shalt  }
0x86: {  	_ =	shalt  }
0x87: {  	_ =	shalt  }
.Lfunc_end0:
.L_simem_size_0:
called_computation.1_lowered:
.L_overlay_start_0:
0x88: {  	s2 =	sld [smem:$0x3FD9]  }
0x89: {  	s3 =	sld [smem:$0x3FFE];
	_ =	sdelay $0x1  }
0x8a: {  	s1 =	srdreg.scid  }
0x8b: {  	s0 =	sand.u32 $0x1, s1  }
0x8c: {  	s17 =	sshll.u32 s0, $0xA;
	s2 =	sadd.s32 s3, s2  }
0x8d: {  	s2 =	sadd.s32 s2, s17  }
0x8e: {  	[smem:$0x3FC4] =	sst s2  }
0x8f: {  	_ = 	snop  }
0x90: {  	s2 =	sld [smem:$0x3FD0];
	(tm) =	ssettm $0x1  }
0x91: {  	s18 =	sld [smem:$0x3FFB];
	_ =	sdelay $0x3  }
0x92: {  	_ =	strace s18  }
0x93: {  	s3 =	sld [smem:$0x3FFC];
	_ =	sdelay $0x3  }
0x94: {  	_ =	strace s3  }
0x95: {  	s3 =	sld [smem:$0x3FFD];
	_ =	sdelay $0x3  }
0x96: {  	_ =	strace s3  }
0x97: {  	_ =	strace $0x8FFFFFFF  }
0x98: {  	s19 =	sld [smem:$0x3FDB];
	_ =	sdelay $0x1  }
0x99: {  	s4 =	simm.s32 $_scs_section_size  }
0x9a: {  	s5 =	simm.s32 $_size__tile_overlayer_lowered;
	s6 =	simm.s32 $_tile_overlayer_lowered  }
0x9b: {  	s22 =	simm.s32 $0x1BFF;
	s21 =	sshll.u32 s6, $0x1;
	s3 =	sadd.s32 s4, s19  }
0x9c: {  	s7 =	simm.s32 $0x0;
	s20 =	sshll.u32 s5, $0x1;
	s5 =	sadd.s32 s21, s3  }
0x9d: {  	[timem:s7], [sflag:s22] =	dma.local [hbm:s5], s20  }
0x9e: {  	_ =	swait.ge [sflag:s22], s20  }
0x9f: {  	s4 =	ssub.s32 $0x0, s20;
	[sflag:s22] =	ssyncset.done $0x0  }
0xa0: {  	[sflag:s22] =	ssyncadd.s32 s4;
	_ =	sdelay $0x1  }
0xa1: {  	s23 =	simm.s32 $0x1B8B  }
0xa2: {  	_ =	swait.ge [sflag:s23], $0x1  }
0xa3: {  	[sflag:s23] =	ssyncset.done $0x0  }
0xa4: {  	s25 =	simm.s32 $0x1B8E;
	s24 =	sld [smem:$0x3FFE];
	[sflag:s23] =	ssyncadd.s32 $0xFFFFFFFF  }
0xa5: {  	s26 =	simm.s32 $execute0_lowered;
	[smem:$0x3FD2] =	sst s25  }
0xa6: {  	s5 =	sshll.u32 s26, $0x1;
	_ =	strace $0x80000049;
	[dreg:$0x1] =	wrdreg $0xFFFFFFFF  }
0xa7: {  	s28 =	simm.s32 $_size_execute0_lowered;
	s3 =	sadd.s32 s3, s5;
	[dreg:$0x0] =	wrdreg $0x0  }
0xa8: {  	s5 =	sshll.u32 s28, $0x1;
	[dreg:$0x2] =	wrdreg s3  }
0xa9: {  	[dreg:$0x3] =	wrdreg s5  }
0xaa: {  	[dreg:$0x4] =	wrdreg $0xC0  }
0xab: {  	_ =	task [dreg:s7], $0x5FFFF  }
0xac: {  	[dreg:$0x1] =	wrdreg $0xFFFFFFFF  }
0xad: {  	[dreg:$0x0] =	wrdreg $0x60  }
0xae: {  	[dreg:$0x2] =	wrdreg s24  }
0xaf: {  	[dreg:$0x3] =	wrdreg s2  }
0xb0: {  	[dreg:$0x4] =	wrdreg $0x17C000  }
0xb1: {  	[dreg:$0x5] =	wrdreg $0x9  }
0xb2: {  	_ =	task.clear_ibuf [dreg:s7], $0x6FFFF;
	_ =	strace $0x90000049  }
0xb3: {  	s29 =	simm.s32 $0x9;
	_ =	strace $0x8000004B  }
0xb4: {  	_ =	swait.ge [sflag:s29], $0x1  }
0xb5: {  	[sflag:s29] =	ssyncadd.s32 $0xFFFFFFFF  }
0xb6: {  	_ =	strace $0x9000004B  }
0xb7: {  	_ =	sfence  }
0xb8: {  	s30 =	sld [smem:$0x0];
	_ =	sdelay $0x2  }
0xb9: {  	s31 =	sshll.u32 s1, $0xD;
	s1 =	sshrl.u32 s1, $0x2  }
0xba: {  	s3 =	sand.u32 $0x4000, s31;
	s1 =	sadd.s32 s1, s30  }
0xbb: {  	s0 =	sor.u32 s3, s0;
	s1 =	sshll.u32 s1, $0x11  }
0xbc: {  	s0 =	sor.u32 s1, s0  }
0xbd: {  	s0 =	sadd.s32 $0x8F2B, s0  }
0xbe: {  	[sflag:s0] =	ssyncadd.remote.s32 $0x1  }
0xbf: {  	_ =	sfence.sel $0xFFFF  }
0xc0: {  	[dreg:$0x0] =	wrdreg $0xFFFFFFFF;
	(pc) =	sbr.abs _section_cstart, $3  }
0xc1: {  	[dreg:$0x1] =	wrdreg $0xFFFFFFFF  }
0xc2: {  	_ =	task.clear_ibuf [dreg:s7], $0x2FFFF;
	_ =	strace $0x9FFFFFFF  }
0xc3: {  	(tm) =	ssettm $0x7FFFFFFF  }
tec
execute0_lowered:
.L_overlay_start_1:
0x0: {  	(tag) =	ssettag $0x1  }
0x1: {  	s0 =	rddreg [dreg:$0x0]  }
0x2: {  	s1 =	rddreg [dreg:$0x1]  }
0x3: {  	s2 =	rddreg [dreg:$0x2]  }
0x4: {  	s8 =	stileid.u32;
	s3 =	simm.s32 $0x0;
	s5 =	srdreg.scid  }
0x5: {  	s16 =	simm.s32 $0x6;
	s17 =	simm.s32 $0x2800;
	s19 =	simm.s32 $0xF000  }
0x6: {  	s20 =	simm.s32 $0x10400;
	s28 =	simm.s32 $0x6800;
	s30 =	simm.s32 $0x8000  }
0x7: {  	s29 =	simm.s32 $0x4;
	s31 =	simm.s32 $0x5;
	s4 =	smul.u32 $0x2800, s8  }
0x8: {  	s18 =	simm.s32 $0x0;
	s6 =	smul.u32 $0x7800, s8;
	s5 =	sand.u32 $0x1, s5  }
0x9: {  	[smem:$0x7FF] =	sst s3;
	s7 =	sshll.u32 s5, $0x4;
	s12 =	smul.u32 $0x78000, s5  }
0xa: {  	_ =	strace $0x8000004A;
	s22 =	ssub.s32 $0x2, s5;
	p0 =	seq.s32 s5, $0x1  }
0xb: {  	s4 =	sshrl.u32 s4, $0x3;
	s7 =	sor.u32 s8, s7;
	s21 =	sshrl.u32 s6, $0x3  }
0xc: {  	s11 =	sshrl.u32 s22, $0x1;
	s4 =	sadd.s32 s4, s0;
	s7 =	smul.u32 $0x500, s7  }
0xd: {  	s9 =	sadd.s32 s6, s12;
	s13 =	sadd.s32 s21, s0;
	s15 =	ssub.s32 s22, s11  }
0xe: {  	s11 =	sadd.s32 s6, s2;
	s26 =	sshrl.u32 s12, $0x3;
	s21 =	simm.s32 $0x1  }
0xf: {  	s22 =	simm.s32 $0x2;
	s10 =	sshrl.u32 s9, $0x3;
	s25 =	sadd.s32 $0x10A00, s4  }
0x10: {  	s8 =	sadd.s32 $0x1AC00, s13;
	s9 =	sadd.s32 $0x15C80, s4;
	s12 =	sadd.s32 $0x29C00, s13  }
0x11: {  	s15 =	smax.u32 s15, $0x1;
	s23 =	sadd.s32 s7, s0;
	s14 =	sadd.s32 s10, s0  }
0x12: {  	s0 =	sadd.s32 $0x38C00, s0;
	s1 =	sadd.s32 s1, s7;
	[dreg:$0x6] =	wrdreg s25  }
0x13: {  	s7 =	sadd.s32 $0x15A00, s4;
	s25 =	simm.s32 $0x5000;
	[dreg:$0x4] =	wrdreg s1  }
0x14: {  	s24 =	sadd.s32 $0x1800, s23;
	s10 =	sadd.s32 s0, s10;
	s13 =	sadd.s32 s0, s26  }
0x15: {  	s14 =	sadd.s32 $0x56C00, s14;
	s23 =	simm.s32 $0x3;
	s0 =	simm.s32 $0x9800  }
0x16: {  	s26 =	simm.s32 $0xB000;
	[dreg:$0x5] =	wrdreg s24;
	s24 =	simm.s32 $0x80  }
.LBB2_1:
0x17: {  	s1 =	rddreg [dreg:$0x4]  }
0x18: {  	[tilespmem:s3], [sflag:$0x6] =	stream.linear.gather [hbm4b:s1+s3], $0x2800, $0x38;
	[tilespmem:$0x1F400] =	vst v63  }
0x19: {  	_ =	swait.ge [sflag:s16], $0x2800  }
0x1a: {  	[sflag:s16] =	ssyncset.done $0x0  }
0x1b: {  	s4 =	rddreg [dreg:$0x5];
	[sflag:s16] =	ssyncadd.s32 $0xFFFFD800  }
0x1c: {  	[tilespmem:s17], [sflag:$0x6] =	stream.linear.gather [hbm4b:s4+s3], $0x2800, $0x38;
	[tilespmem:$0x1F400] =	vst v63  }
0x1d: {  	_ =	swait.ge [sflag:s16], $0x2800  }
0x1e: {  	[sflag:s16] =	ssyncset.done $0x0  }
0x1f: {  	s4 =	simm.s32 $0xC800;
	s5 =	rddreg [dreg:$0x6];
	[sflag:s16] =	ssyncadd.s32 $0xFFFFD800  }
0x20: {  	[tilespmem:s4], [sflag:$0x1] =	stream.linear.gather [hbm4b:s5+s3], $0x2800, $0x38;
	[tilespmem:$0x1F400] =	vst v63  }
0x21: {  	_ = 	snop  }
0x22: {  	[tilespmem:s19], [sflag:$0x2] =	stream.linear.gather [hbm4b:s7+s3], $0x1400, $0x38;
	[tilespmem:$0x1F400] =	vst v63  }
0x23: {  	_ = 	snop  }
0x24: {  	[tilespmem:s20], [sflag:$0x3] =	stream.linear.gather [hbm4b:s8+s3], $0x7800, $0x38;
	[tilespmem:$0x1F400] =	vst v63  }
0x25: {  	_ =	swait.ge [sflag:s21], $0x2800  }
0x26: {  	[sflag:s21] =	ssyncset.done $0x0  }
0x27: {  	[sflag:s21] =	ssyncadd.s32 $0xFFFFD800  }
0x28: {  	_ =	swait.ge [sflag:s22], $0x1400  }
0x29: {  	[sflag:s22] =	ssyncset.done $0x0  }
0x2a: {  	[sflag:s22] =	ssyncadd.s32 $0xFFFFEC00  }
0x2b: {  	_ =	swait.ge [sflag:s23], $0x7800  }
0x2c: {  	[sflag:s23] =	ssyncset.done $0x0  }
0x2d: {  	s6 =	simm.s32 $0x0;
	[sflag:s23] =	ssyncadd.s32 $0xFFFF8800  }
0x2e: {  	v0 =	vld [tilespmem:s6+$0xC800];
	_ =	sdelay $0x1  }
0x2f: {  	v1 =	vld [tilespmem:s6+$0xF000];
	_ =	sdelay $0x2  }
0x30: {  	v0 =	vadd.f32 $1.000000000e+00, v0;
	_ =	sdelay $0x1  }
0x31: {  	v0 =	vadd.f32 v1, v0;
	_ =	sdelay $0x1  }
0x32: {  	v1 =	vshra.s32 v0, $0x1;
	v2 =	vmul.f32 $5.000000000e-01, v0  }
0x33: {  	(erf) = vrcp.f32 v0;
	v0 =	vsub.s32 $0x5F3759DF, v1  }
0x34: {  	v1 =	vmul.f32 v0, v2;
	_ =	sdelay $0x1  }
0x35: {  	v1 =	vmul.f32 v0, v1;
	_ =	sdelay $0x1  }
0x36: {  	v1 =	vsub.f32 $1.500000000e+00, v1;
	_ =	sdelay $0x1  }
0x37: {  	v0 =	vmul.f32 v0, v1;
	_ =	sdelay $0x1  }
0x38: {  	v2 =	vmul.f32 v0, v2  }
0x39: {  	v1 =	vpop (erf)  }
0x3a: {  	s1 =	simm.s32 $0x10420;
	[tilespmem:s6+$0xC800] =	vst v1;
	v1 =	vmul.f32 v2, v0  }
0x3b: {  	v2 =	vld [tilespmem:s1+$0xFFFFFFE0]  }
0x3c: {  	v4 =	vld [tilespmem:s1+$0xFFFFFFF0];
	v1 =	vsub.f32 $1.500000000e+00, v1;
	_ =	sdelay $0x1  }
0x3d: {  	v1 =	vmul.f32 v1, v0;
	v0 =	vld [tilespmem:s1+$0x0];
	_ =	sdelay $0x2  }
0x3e: {  	s4 =	simm.s32 $0x40;
	s5 =	simm.s32 $0x10420;
	v3 =	vmul.f32 v1, v2;
	v2 =	vmul.f32 v1, v4  }
.LBB2_2:
0x3f: {  	p1 =	sne.s32 s4, $0x4FC0  }
0x40: {  	[tilespmem:s1+$0xFFFFFFE0] =	vst v3;
	v0 =	vmul.f32 v1, v0;
	s5 =	sadd.s32 $0x30, s5;
	s6 =	smov.u32 s4;
	s4 =	sadd.s32 $0x40, s4  }
0x41: {  	[tilespmem:s1+$0xFFFFFFF0] =	vst v2  }
0x42: {  	s6 =	sshra.s32 s6, $0x2;
	[tilespmem:s1+$0x0] =	vst v0;
	s1 =	smov.u32 s5  }
0x43: {  	v0 =	vld [tilespmem:s6+$0xC800];
	_ =	sdelay $0x1  }
0x44: {  	v1 =	vld [tilespmem:s6+$0xF000];
	_ =	sdelay $0x2  }
0x45: {  	v0 =	vadd.f32 $1.000000000e+00, v0;
	_ =	sdelay $0x1  }
0x46: {  	v0 =	vadd.f32 v1, v0;
	_ =	sdelay $0x1  }
0x47: {  	v1 =	vshra.s32 v0, $0x1;
	v2 =	vmul.f32 $5.000000000e-01, v0;
	(erf) = vrcp.f32 v0  }
0x48: {  	v0 =	vsub.s32 $0x5F3759DF, v1  }
0x49: {  	v1 =	vmul.f32 v0, v2;
	_ =	sdelay $0x1  }
0x4a: {  	v1 =	vmul.f32 v0, v1;
	_ =	sdelay $0x1  }
0x4b: {  	v1 =	vsub.f32 $1.500000000e+00, v1;
	_ =	sdelay $0x1  }
0x4c: {  	v1 =	vmul.f32 v0, v1  }
0x4d: {  	v0 =	vpop (erf)  }
0x4e: {  	v2 =	vmul.f32 v1, v2;
	_ =	sdelay $0x1  }
0x4f: {  	v2 =	vmul.f32 v2, v1;
	[tilespmem:s6+$0xC800] =	vst v0  }
0x50: {  	v3 =	vld [tilespmem:s5+$0xFFFFFFE0]  }
0x51: {  	v2 =	vsub.f32 $1.500000000e+00, v2;
	v4 =	vld [tilespmem:s5+$0xFFFFFFF0]  }
.Ltmp0:
0x52: {  	v0 =	vld [tilespmem:s5+$0x0];
	(pc) =	sbr.rel @p1 .LBB2_2-.Ltmp0, $3  }
0x53: {  	v1 =	vmul.f32 v2, v1;
	_ =	sdelay $0x1  }
0x54: {  	v3 =	vmul.f32 v1, v3  }
0x55: {  	v2 =	vmul.f32 v1, v4  }
0x56: {  	[tilespmem:s1+$0xFFFFFFE0] =	vst v3;
	v0 =	vmul.f32 v1, v0  }
0x57: {  	[tilespmem:s1+$0xFFFFFFF0] =	vst v2  }
0x58: {  	s6 =	simm.s32 $0x0;
	[tilespmem:s1+$0x0] =	vst v0  }
0x59: {  	[tilespmem:s19], [sflag:$0x6] =	stream.linear.gather [hbm4b:s9+s6], $0x1400, $0x38;
	[tilespmem:$0x1F400] =	vst v63  }
0x5a: {  	_ =	swait.ge [sflag:s16], $0x1400  }
0x5b: {  	[sflag:s16] =	ssyncset.done $0x0  }
0x5c: {  	s4 =	simm.s32 $0x0;
	[sflag:s16] =	ssyncadd.s32 $0xFFFFEC00  }
0x5d: {  	v0 =	vld [tilespmem:s4+$0xDC00];
	_ =	sdelay $0x1  }
0x5e: {  	v1 =	vld [tilespmem:s4+$0xF000];
	_ =	sdelay $0x2  }
0x5f: {  	v0 =	vadd.f32 $1.000000000e+00, v0;
	_ =	sdelay $0x1  }
0x60: {  	v0 =	vadd.f32 v1, v0;
	_ =	sdelay $0x1  }
0x61: {  	v1 =	vshra.s32 v0, $0x1;
	v2 =	vmul.f32 $5.000000000e-01, v0  }
0x62: {  	(erf) = vrcp.f32 v0;
	v0 =	vsub.s32 $0x5F3759DF, v1  }
0x63: {  	v1 =	vmul.f32 v0, v2;
	_ =	sdelay $0x1  }
0x64: {  	v1 =	vmul.f32 v0, v1;
	_ =	sdelay $0x1  }
0x65: {  	v1 =	vsub.f32 $1.500000000e+00, v1;
	_ =	sdelay $0x1  }
0x66: {  	v0 =	vmul.f32 v0, v1;
	_ =	sdelay $0x1  }
0x67: {  	v2 =	vmul.f32 v0, v2  }
0x68: {  	v1 =	vpop (erf)  }
0x69: {  	s1 =	simm.s32 $0x14020;
	[tilespmem:s4+$0xDC00] =	vst v1;
	v1 =	vmul.f32 v2, v0  }
0x6a: {  	v2 =	vld [tilespmem:s1+$0xFFFFFFE0]  }
0x6b: {  	v4 =	vld [tilespmem:s1+$0xFFFFFFF0];
	v1 =	vsub.f32 $1.500000000e+00, v1;
	_ =	sdelay $0x1  }
0x6c: {  	v1 =	vmul.f32 v1, v0;
	v0 =	vld [tilespmem:s1+$0x0];
	_ =	sdelay $0x2  }
0x6d: {  	s5 =	simm.s32 $0x14020;
	s4 =	simm.s32 $0x40;
	v3 =	vmul.f32 v1, v2;
	v2 =	vmul.f32 v1, v4  }
.LBB2_4:
0x6e: {  	p1 =	sne.s32 s4, $0x4FC0  }
0x6f: {  	[tilespmem:s1+$0xFFFFFFE0] =	vst v3;
	v0 =	vmul.f32 v1, v0;
	s5 =	sadd.s32 $0x30, s5;
	s6 =	smov.u32 s4;
	s4 =	sadd.s32 $0x40, s4  }
0x70: {  	[tilespmem:s1+$0xFFFFFFF0] =	vst v2  }
0x71: {  	s6 =	sshra.s32 s6, $0x2;
	[tilespmem:s1+$0x0] =	vst v0;
	s1 =	smov.u32 s5  }
0x72: {  	v0 =	vld [tilespmem:s6+$0xDC00];
	_ =	sdelay $0x1  }
0x73: {  	v1 =	vld [tilespmem:s6+$0xF000];
	_ =	sdelay $0x2  }
0x74: {  	v0 =	vadd.f32 $1.000000000e+00, v0;
	_ =	sdelay $0x1  }
0x75: {  	v0 =	vadd.f32 v1, v0;
	_ =	sdelay $0x1  }
0x76: {  	v1 =	vshra.s32 v0, $0x1;
	v2 =	vmul.f32 $5.000000000e-01, v0;
	(erf) = vrcp.f32 v0  }
0x77: {  	v0 =	vsub.s32 $0x5F3759DF, v1  }
0x78: {  	v1 =	vmul.f32 v0, v2;
	_ =	sdelay $0x1  }
0x79: {  	v1 =	vmul.f32 v0, v1;
	_ =	sdelay $0x1  }
0x7a: {  	v1 =	vsub.f32 $1.500000000e+00, v1;
	_ =	sdelay $0x1  }
0x7b: {  	v1 =	vmul.f32 v0, v1  }
0x7c: {  	v0 =	vpop (erf)  }
0x7d: {  	v2 =	vmul.f32 v1, v2;
	_ =	sdelay $0x1  }
0x7e: {  	v2 =	vmul.f32 v2, v1;
	[tilespmem:s6+$0xDC00] =	vst v0  }
0x7f: {  	v3 =	vld [tilespmem:s5+$0xFFFFFFE0]  }
0x80: {  	v2 =	vsub.f32 $1.500000000e+00, v2;
	v4 =	vld [tilespmem:s5+$0xFFFFFFF0]  }
.Ltmp1:
0x81: {  	v0 =	vld [tilespmem:s5+$0x0];
	(pc) =	sbr.rel @p1 .LBB2_4-.Ltmp1, $3  }
0x82: {  	v1 =	vmul.f32 v2, v1;
	_ =	sdelay $0x1  }
0x83: {  	v3 =	vmul.f32 v1, v3  }
0x84: {  	v2 =	vmul.f32 v1, v4  }
0x85: {  	[tilespmem:s1+$0xFFFFFFE0] =	vst v3;
	v0 =	vmul.f32 v1, v0  }
0x86: {  	[tilespmem:s1+$0xFFFFFFF0] =	vst v2  }
0x87: {  	[tilespmem:s1+$0x0] =	vst v0  }
0x88: {  	[hbm4b:s10+s3] =	stream.linear.scatter [tilespmem:s20], [sflag:$0x6], $0x7800, $0x38;
	[tilespmem:$0x1F400] =	vst v63  }
0x89: {  	s1 =	stileid.u32;
	_ =	swait.ge [sflag:s16], $0x7800  }
0x8a: {  	s1 =	sshll.u32 @p0 s1, $0x6;
	[sflag:s16] =	ssyncset.done $0x0  }
0x8b: {  	s4 =	sshrl.u32 @p0 s11, $0x3;
	s1 =	sor.u32 @p0 $0x1C06, s1;
	[sflag:s16] =	ssyncadd.s32 $0xFFFF8800  }
0x8c: {  	[spmem:s4], [sflag:s1] =	dma.local @p0 [hbm:s12], $0xF00  }
0x8d: {  	s1 =	simm.s32 @p0 $0x6  }
0x8e: {  	_ =	swait.ge @p0 [sflag:s1], $0xF00  }
0x8f: {  	[sflag:s1] =	ssyncset.done @p0 $0x0  }
0x90: {  	[sflag:s1] =	ssyncadd.s32 @p0 $0xFFFFF100;
	s1 =	simm.s32 @!p0 $0x10400  }
0x91: {  	[spmem:s11] =	stream.linear.scatter @!p0 [tilespmem:s1], [sflag:$0x6], $0x7800, $0x38;
	[tilespmem:$0x1F400] =	vst v63  }
0x92: {  	s1 =	simm.s32 @!p0 $0x6  }
0x93: {  	_ =	swait.ge @!p0 [sflag:s1], $0x7800  }
0x94: {  	[sflag:s1] =	ssyncset.done @!p0 $0x0  }
0x95: {  	[sflag:s1] =	ssyncadd.s32 @!p0 $0xFFFF8800  }
0x96: {  	[bflag:$0x0] =	sbarrier.arrive $0xFFFF  }
0x97: {  	[tilespmem:s25], [sflag:$0x1] =	stream.indirect.gather [hbm4b:s13+s24], $0x30, s17, s24, $0xb8;
	[tilespmem:$0x1F400] =	vst v63  }
0x98: {  	s6 =	simm.s32 $0x2880  }
0x99: {  	[tilespmem:s28], [sflag:$0x2] =	stream.indirect.gather [hbm4b:s13+s24], $0x30, s6, s24, $0xb8;
	[tilespmem:$0x1F400] =	vst v63  }
0x9a: {  	s4 =	simm.s32 $0x2900  }
0x9b: {  	[tilespmem:s30], [sflag:$0x3] =	stream.indirect.gather [hbm4b:s13+s24], $0x30, s4, s24, $0xb8;
	[tilespmem:$0x1F400] =	vst v63  }
0x9c: {  	s5 =	simm.s32 $0x2980  }
0x9d: {  	[tilespmem:s0], [sflag:$0x4] =	stream.indirect.gather [hbm4b:s13+s24], $0x30, s5, s24, $0xb8;
	[tilespmem:$0x1F400] =	vst v63  }
0x9e: {  	s6 =	simm.s32 $0x2A00  }
0x9f: {  	[tilespmem:s26], [sflag:$0x5] =	stream.indirect.gather [hbm4b:s13+s24], $0x30, s6, s24, $0xb8;
	[tilespmem:$0x1F400] =	vst v63  }
0xa0: {  	_ =	swait.ge [sflag:s21], $0x1800  }
0xa1: {  	[sflag:s21] =	ssyncset.done $0x0  }
0xa2: {  	s4 =	simm.s32 $0x0;
	[sflag:s21] =	ssyncadd.s32 $0xFFFFE800  }
0xa3: {  	[spmem:s2] =	stream.indirect.scatter.add.f32 [tilespmem:s25], [sflag:$0x6], $0x30, s4, s24, $0xb8;
	[tilespmem:$0x1F400] =	vst v63  }
0xa4: {  	_ =	swait.ge [sflag:s16], $0x1800  }
0xa5: {  	[sflag:s16] =	ssyncset.done $0x0  }
0xa6: {  	s5 =	simm.s32 $0x2A80;
	[sflag:s16] =	ssyncadd.s32 $0xFFFFE800  }
0xa7: {  	[tilespmem:s25], [sflag:$0x1] =	stream.indirect.gather [hbm4b:s13+s24], $0x30, s5, s24, $0xb8;
	[tilespmem:$0x1F400] =	vst v63  }
0xa8: {  	_ =	swait.ge [sflag:s22], $0x1800  }
0xa9: {  	[sflag:s22] =	ssyncset.done $0x0  }
0xaa: {  	s6 =	simm.s32 $0x80;
	[sflag:s22] =	ssyncadd.s32 $0xFFFFE800  }
0xab: {  	[spmem:s2] =	stream.indirect.scatter.add.f32 [tilespmem:s28], [sflag:$0x6], $0x30, s6, s24, $0xb8;
	[tilespmem:$0x1F400] =	vst v63  }
0xac: {  	_ =	swait.ge [sflag:s16], $0x1800  }
0xad: {  	[sflag:s16] =	ssyncset.done $0x0  }
0xae: {  	s4 =	simm.s32 $0x2B00;
	[sflag:s16] =	ssyncadd.s32 $0xFFFFE800  }
0xaf: {  	[tilespmem:s28], [sflag:$0x2] =	stream.indirect.gather [hbm4b:s13+s24], $0x30, s4, s24, $0xb8;
	[tilespmem:$0x1F400] =	vst v63  }
0xb0: {  	_ =	swait.ge [sflag:s23], $0x1800  }
0xb1: {  	[sflag:s23] =	ssyncset.done $0x0  }
0xb2: {  	s5 =	simm.s32 $0x100;
	[sflag:s23] =	ssyncadd.s32 $0xFFFFE800  }
0xb3: {  	[spmem:s2] =	stream.indirect.scatter.add.f32 [tilespmem:s30], [sflag:$0x6], $0x30, s5, s24, $0xb8;
	[tilespmem:$0x1F400] =	vst v63  }
0xb4: {  	_ =	swait.ge [sflag:s16], $0x1800  }
0xb5: {  	[sflag:s16] =	ssyncset.done $0x0  }
0xb6: {  	s6 =	simm.s32 $0x2B80;
	[sflag:s16] =	ssyncadd.s32 $0xFFFFE800  }
0xb7: {  	[tilespmem:s30], [sflag:$0x3] =	stream.indirect.gather [hbm4b:s13+s24], $0x30, s6, s24, $0xb8;
	[tilespmem:$0x1F400] =	vst v63  }
0xb8: {  	_ =	swait.ge [sflag:s29], $0x1800  }
0xb9: {  	[sflag:s29] =	ssyncset.done $0x0  }
0xba: {  	s4 =	simm.s32 $0x180;
	[sflag:s29] =	ssyncadd.s32 $0xFFFFE800  }
0xbb: {  	[spmem:s2] =	stream.indirect.scatter.add.f32 [tilespmem:s0], [sflag:$0x6], $0x30, s4, s24, $0xb8;
	[tilespmem:$0x1F400] =	vst v63  }
0xbc: {  	_ =	swait.ge [sflag:s16], $0x1800  }
0xbd: {  	[sflag:s16] =	ssyncset.done $0x0  }
0xbe: {  	s5 =	simm.s32 $0x2C00;
	[sflag:s16] =	ssyncadd.s32 $0xFFFFE800  }
0xbf: {  	[tilespmem:s0], [sflag:$0x4] =	stream.indirect.gather [hbm4b:s13+s24], $0x30, s5, s24, $0xb8;
	[tilespmem:$0x1F400] =	vst v63  }
0xc0: {  	_ =	swait.ge [sflag:s31], $0x1800  }
0xc1: {  	[sflag:s31] =	ssyncset.done $0x0  }
0xc2: {  	s6 =	simm.s32 $0x200;
	[sflag:s31] =	ssyncadd.s32 $0xFFFFE800  }
0xc3: {  	[spmem:s2] =	stream.indirect.scatter.add.f32 [tilespmem:s26], [sflag:$0x6], $0x30, s6, s24, $0xb8;
	[tilespmem:$0x1F400] =	vst v63  }
0xc4: {  	_ =	swait.ge [sflag:s16], $0x1800  }
0xc5: {  	[sflag:s16] =	ssyncset.done $0x0  }
0xc6: {  	s1 =	simm.s32 $0xA00;
	s4 =	simm.s32 $0x2C80;
	[sflag:s16] =	ssyncadd.s32 $0xFFFFE800  }
.LBB2_6:
0xc7: {  	[tilespmem:s26], [sflag:$0x5] =	stream.indirect.gather [hbm4b:s13+s24], $0x30, s4, s24, $0xb8;
	[tilespmem:$0x1F400] =	vst v63  }
0xc8: {  	s4 =	smov.u32 s1  }
0xc9: {  	p1 =	sne.s32 s1, $0x8C00;
	s1 =	sadd.s32 $0xA00, s1;
	_ =	swait.ge [sflag:s21], $0x1800  }
0xca: {  	[sflag:s21] =	ssyncset.done $0x0  }
0xcb: {  	s4 =	sshra.s32 s4, $0x2;
	[sflag:s21] =	ssyncadd.s32 $0xFFFFE800  }
0xcc: {  	[spmem:s2] =	stream.indirect.scatter.add.f32 [tilespmem:s25], [sflag:$0x6], $0x30, s4, s24, $0xb8;
	[tilespmem:$0x1F400] =	vst v63  }
0xcd: {  	_ =	swait.ge [sflag:s16], $0x1800  }
0xce: {  	[sflag:s16] =	ssyncset.done $0x0  }
0xcf: {  	s5 =	sadd.s32 $0x2A80, s4;
	[sflag:s16] =	ssyncadd.s32 $0xFFFFE800  }
0xd0: {  	[tilespmem:s25], [sflag:$0x1] =	stream.indirect.gather [hbm4b:s13+s24], $0x30, s5, s24, $0xb8;
	[tilespmem:$0x1F400] =	vst v63  }
0xd1: {  	_ =	swait.ge [sflag:s22], $0x1800  }
0xd2: {  	[sflag:s22] =	ssyncset.done $0x0  }
0xd3: {  	s5 =	sadd.s32 $0x80, s4;
	[sflag:s22] =	ssyncadd.s32 $0xFFFFE800  }
0xd4: {  	[spmem:s2] =	stream.indirect.scatter.add.f32 [tilespmem:s28], [sflag:$0x6], $0x30, s5, s24, $0xb8;
	[tilespmem:$0x1F400] =	vst v63  }
0xd5: {  	_ =	swait.ge [sflag:s16], $0x1800  }
0xd6: {  	[sflag:s16] =	ssyncset.done $0x0  }
0xd7: {  	s5 =	sadd.s32 $0x2B00, s4;
	[sflag:s16] =	ssyncadd.s32 $0xFFFFE800  }
0xd8: {  	[tilespmem:s28], [sflag:$0x2] =	stream.indirect.gather [hbm4b:s13+s24], $0x30, s5, s24, $0xb8;
	[tilespmem:$0x1F400] =	vst v63  }
0xd9: {  	_ =	swait.ge [sflag:s23], $0x1800  }
0xda: {  	[sflag:s23] =	ssyncset.done $0x0  }
0xdb: {  	s5 =	sadd.s32 $0x100, s4;
	[sflag:s23] =	ssyncadd.s32 $0xFFFFE800  }
0xdc: {  	[spmem:s2] =	stream.indirect.scatter.add.f32 [tilespmem:s30], [sflag:$0x6], $0x30, s5, s24, $0xb8;
	[tilespmem:$0x1F400] =	vst v63  }
0xdd: {  	_ =	swait.ge [sflag:s16], $0x1800  }
0xde: {  	[sflag:s16] =	ssyncset.done $0x0  }
0xdf: {  	s5 =	sadd.s32 $0x2B80, s4;
	[sflag:s16] =	ssyncadd.s32 $0xFFFFE800  }
0xe0: {  	[tilespmem:s30], [sflag:$0x3] =	stream.indirect.gather [hbm4b:s13+s24], $0x30, s5, s24, $0xb8;
	[tilespmem:$0x1F400] =	vst v63  }
0xe1: {  	_ =	swait.ge [sflag:s29], $0x1800  }
0xe2: {  	[sflag:s29] =	ssyncset.done $0x0  }
0xe3: {  	s5 =	sadd.s32 $0x180, s4;
	[sflag:s29] =	ssyncadd.s32 $0xFFFFE800  }
0xe4: {  	[spmem:s2] =	stream.indirect.scatter.add.f32 [tilespmem:s0], [sflag:$0x6], $0x30, s5, s24, $0xb8;
	[tilespmem:$0x1F400] =	vst v63  }
0xe5: {  	_ =	swait.ge [sflag:s16], $0x1800  }
0xe6: {  	[sflag:s16] =	ssyncset.done $0x0  }
0xe7: {  	s5 =	sadd.s32 $0x2C00, s4;
	[sflag:s16] =	ssyncadd.s32 $0xFFFFE800  }
0xe8: {  	[tilespmem:s0], [sflag:$0x4] =	stream.indirect.gather [hbm4b:s13+s24], $0x30, s5, s24, $0xb8;
	[tilespmem:$0x1F400] =	vst v63  }
0xe9: {  	_ =	swait.ge [sflag:s31], $0x1800  }
0xea: {  	[sflag:s31] =	ssyncset.done $0x0  }
.Ltmp2:
0xeb: {  	s5 =	sadd.s32 $0x200, s4;
	[sflag:s31] =	ssyncadd.s32 $0xFFFFE800;
	(pc) =	sbr.rel @p1 .LBB2_6-.Ltmp2, $4  }
0xec: {  	[spmem:s2] =	stream.indirect.scatter.add.f32 [tilespmem:s26], [sflag:$0x6], $0x30, s5, s24, $0xb8;
	[tilespmem:$0x1F400] =	vst v63  }
0xed: {  	_ =	swait.ge [sflag:s16], $0x1800  }
0xee: {  	[sflag:s16] =	ssyncset.done $0x0  }
0xef: {  	s4 =	sadd.s32 $0x2C80, s4;
	[sflag:s16] =	ssyncadd.s32 $0xFFFFE800  }
0xf0: {  	[tilespmem:s26], [sflag:$0x5] =	stream.indirect.gather [hbm4b:s13+s24], $0x30, s4, s24, $0xb8;
	[tilespmem:$0x1F400] =	vst v63  }
0xf1: {  	_ =	swait.ge [sflag:s21], $0x1800  }
0xf2: {  	[sflag:s21] =	ssyncset.done $0x0  }
0xf3: {  	s1 =	simm.s32 $0x2580;
	[sflag:s21] =	ssyncadd.s32 $0xFFFFE800  }
0xf4: {  	[spmem:s2] =	stream.indirect.scatter.add.f32 [tilespmem:s25], [sflag:$0x6], $0x30, s1, s24, $0xb8;
	[tilespmem:$0x1F400] =	vst v63  }
0xf5: {  	_ =	swait.ge [sflag:s16], $0x1800  }
0xf6: {  	[sflag:s16] =	ssyncset.done $0x0  }
0xf7: {  	[sflag:s16] =	ssyncadd.s32 $0xFFFFE800  }
0xf8: {  	_ =	swait.ge [sflag:s22], $0x1800  }
0xf9: {  	[sflag:s22] =	ssyncset.done $0x0  }
0xfa: {  	s6 =	simm.s32 $0x2600;
	[sflag:s22] =	ssyncadd.s32 $0xFFFFE800  }
0xfb: {  	[spmem:s2] =	stream.indirect.scatter.add.f32 [tilespmem:s28], [sflag:$0x6], $0x30, s6, s24, $0xb8;
	[tilespmem:$0x1F400] =	vst v63  }
0xfc: {  	_ =	swait.ge [sflag:s16], $0x1800  }
0xfd: {  	[sflag:s16] =	ssyncset.done $0x0  }
0xfe: {  	[sflag:s16] =	ssyncadd.s32 $0xFFFFE800  }
0xff: {  	_ =	swait.ge [sflag:s23], $0x1800  }
0x100: {  	[sflag:s23] =	ssyncset.done $0x0  }
0x101: {  	s4 =	simm.s32 $0x2680;
	[sflag:s23] =	ssyncadd.s32 $0xFFFFE800  }
0x102: {  	[spmem:s2] =	stream.indirect.scatter.add.f32 [tilespmem:s30], [sflag:$0x6], $0x30, s4, s24, $0xb8;
	[tilespmem:$0x1F400] =	vst v63  }
0x103: {  	_ =	swait.ge [sflag:s16], $0x1800  }
0x104: {  	[sflag:s16] =	ssyncset.done $0x0  }
0x105: {  	[sflag:s16] =	ssyncadd.s32 $0xFFFFE800  }
0x106: {  	_ =	swait.ge [sflag:s29], $0x1800  }
0x107: {  	[sflag:s29] =	ssyncset.done $0x0  }
0x108: {  	s5 =	simm.s32 $0x2700;
	[sflag:s29] =	ssyncadd.s32 $0xFFFFE800  }
0x109: {  	[spmem:s2] =	stream.indirect.scatter.add.f32 [tilespmem:s0], [sflag:$0x6], $0x30, s5, s24, $0xb8;
	[tilespmem:$0x1F400] =	vst v63  }
0x10a: {  	_ =	swait.ge [sflag:s16], $0x1800  }
0x10b: {  	[sflag:s16] =	ssyncset.done $0x0  }
0x10c: {  	[sflag:s16] =	ssyncadd.s32 $0xFFFFE800  }
0x10d: {  	_ =	swait.ge [sflag:s31], $0x1800  }
0x10e: {  	[sflag:s31] =	ssyncset.done $0x0  }
0x10f: {  	s6 =	simm.s32 $0x2780;
	[sflag:s31] =	ssyncadd.s32 $0xFFFFE800  }
0x110: {  	[spmem:s2] =	stream.indirect.scatter.add.f32 [tilespmem:s26], [sflag:$0x6], $0x30, s6, s24, $0xb8;
	[tilespmem:$0x1F400] =	vst v63  }
0x111: {  	_ =	swait.ge [sflag:s16], $0x1800  }
0x112: {  	[sflag:s16] =	ssyncset.done $0x0  }
0x113: {  	[sflag:s16] =	ssyncadd.s32 $0xFFFFE800  }
0x114: {  	[bflag:$0x0] =	sbarrier.arrive $0xFFFF  }
0x115: {  	[tilespmem:s20], [sflag:$0x6] =	stream.linear.gather [spmem:s11], $0x7800, $0x38;
	[tilespmem:$0x1F400] =	vst v63  }
0x116: {  	_ =	swait.ge [sflag:s16], $0x7800  }
0x117: {  	[sflag:s16] =	ssyncset.done $0x0  }
0x118: {  	s1 =	simm.s32 $0x10420;
	[sflag:s16] =	ssyncadd.s32 $0xFFFF8800  }
0x119: {  	s4 =	simm.s32 $0x10420;
	s5 =	simm.s32 $0x40;
	s6 =	simm.s32 $0x0;
	v0 =	vld [tilespmem:s1+$0xFFFFFFE0]  }
.LBB2_8:
0x11a: {  	p1 =	sne.s32 s5, $0x9FC0;
	v1 =	vld [tilespmem:s6+$0xC800];
	_ =	sdelay $0x4  }
0x11b: {  	v0 =	vmul.f32 v1, v0;
	_ =	sdelay $0x1  }
0x11c: {  	[tilespmem:s1+$0xFFFFFFE0] =	vst v0;
	v0 =	vld [tilespmem:s1+$0xFFFFFFF0]  }
0x11d: {  	v1 =	vld [tilespmem:s6+$0xC800];
	_ =	sdelay $0x4  }
0x11e: {  	v0 =	vmul.f32 v1, v0;
	_ =	sdelay $0x1  }
0x11f: {  	[tilespmem:s1+$0xFFFFFFF0] =	vst v0;
	v0 =	vld [tilespmem:s1+$0x0]  }
0x120: {  	v1 =	vld [tilespmem:s6+$0xC800];
	_ =	sdelay $0x2  }
.Ltmp3:
0x121: {  	(pc) =	sbr.rel @p1 .LBB2_8-.Ltmp3, $4  }
0x122: {  	_ = 	snop  }
0x123: {  	v1 =	vmul.f32 v1, v0  }
0x124: {  	s1 =	sadd.s32 $0x30, s1  }
0x125: {  	s6 =	sshra.s32 s5, $0x2;
	s5 =	sadd.s32 $0x40, s5;
	v0 =	vld [tilespmem:s1+$0xFFFFFFE0];
	[tilespmem:s4+$0x0] =	vst v1;
	s4 =	smov.u32 s1  }
0x126: {  	v1 =	vld [tilespmem:s6+$0xC800];
	_ =	sdelay $0x4  }
0x127: {  	v0 =	vmul.f32 v1, v0;
	_ =	sdelay $0x1  }
0x128: {  	v60 =	vld [tilespmem:s1+$0xFFFFFFF0];
	[tilespmem:s1+$0xFFFFFFE0] =	vst v0  }
0x129: {  	v61 =	vld [tilespmem:s6+$0xC800];
	_ =	sdelay $0x4  }
0x12a: {  	v0 =	vmul.f32 v61, v60;
	_ =	sdelay $0x1  }
0x12b: {  	v62 =	vld [tilespmem:s1+$0x0];
	[tilespmem:s1+$0xFFFFFFF0] =	vst v0  }
0x12c: {  	v63 =	vld [tilespmem:s6+$0xC800];
	_ =	sdelay $0x4  }
0x12d: {  	s18 =	sadd.s32 $0x1, s18;
	v0 =	vmul.f32 v63, v62  }
0x12e: {  	p1 =	sne.s32 s18, s15  }
.Ltmp4:
0x12f: {  	[tilespmem:s4+$0x0] =	vst v0;
	(pc) =	sbr.rel @p1 .LBB2_1-.Ltmp4, $4  }
0x130: {  	[hbm4b:s14+s3] =	stream.linear.scatter [tilespmem:s20], [sflag:$0x6], $0x7800, $0x38;
	[tilespmem:$0x1F400] =	vst v63  }
0x131: {  	_ =	swait.ge [sflag:s16], $0x7800  }
0x132: {  	[sflag:s16] =	ssyncset.done $0x0  }
0x133: {  	[sflag:s16] =	ssyncadd.s32 $0xFFFF8800  }
0x134: {  	_ =	sfence.sel $0x180000  }
0x135: {  	[bflag:$0x0] =	sbarrier.arrive $0xFFFF  }
0x136: {  	_ =	strace $0x9000004A  }
0x137: {  	s0 =	stileid.u32;
	[bflag:$0x2] =	sbarrier.arrive $0xFFFF  }
0x138: {  	p0 =	sne.s32 s0, $0x0;
	s0 =	rddreg [dreg:$0x3]  }
0x139: {  	s0 =	sadd.s32 @!p0 $0x100000, s0  }
0x13a: {  	[sflag:s0] =	ssyncadd.tile.s32 @!p0 $0x1;
	_ =	shalt  }
.Lfunc_end2:
_tile_overlayer_lowered:
.L_overlay_start_2:
0x13b: {  	(tag) =	ssettag $0x2  }
0x13c: {  	s0 =	rddreg [dreg:$0x0];
	s2 =	stileid.u32  }
0x13d: {  	s1 =	rddreg [dreg:$0x1];
	p0 =	sne.s32 s2, $0x0  }
0x13e: {  	s3 =	rddreg [dreg:$0x2];
	[bflag:$0x3] =	sbarrier.arrive $0xFFFF;
	s2 =	simm.s32 @!p0 $0x1C06  }
0x13f: {  	[timem:s3], [sflag:s2] =	dma.local @!p0 [hbm:s0], s1  }
0x140: {  	s0 =	simm.s32 @!p0 $0x6  }
0x141: {  	_ =	swait.ge @!p0 [sflag:s0], s1  }
0x142: {  	s1 =	ssub.s32 @!p0 $0x0, s1;
	[sflag:s0] =	ssyncset.done @!p0 $0x0  }
0x143: {  	[sflag:s0] =	ssyncadd.s32 @!p0 s1  }
0x144: {  	[bflag:$0x3] =	sbarrier.arrive $0xFFFF  }
0x145: {  	_ =	shalt  }

// kernel: kernel.13.cloned.1.call-start
scs
__scs_entry_jumppad:
0x0: {  	(pc) =	sbr.rel $0x88, $3  }
0x1: {  	(tag) =	ssettag $0x0;
	lr =	simm.s32 $0x1  }
0x2: {  	[smem:$0x3F9D] =	sst lr;
	_ =	strace $0xD0000000  }
0x3: {  	_ = 	snop  }
0x4: {  	_ = 	snop  }
0x5: {  	_ = 	snop  }
0x6: {  	_ = 	snop  }
0x7: {  	_ = 	snop  }
__scs_overlays_trampoline_lowered:
0x8: {  	[smem:$0x3FAC] =	sst s0  }
0x9: {  	[smem:$0x3FAD] =	sst s1  }
0xa: {  	[smem:$0x3FAE] =	sst s2  }
0xb: {  	[smem:$0x3FAF] =	sst s3  }
0xc: {  	[smem:$0x3FB0] =	sst s4  }
0xd: {  	[smem:$0x3FB1] =	sst s5  }
0xe: {  	[smem:$0x3FB2] =	sst s6  }
0xf: {  	[smem:$0x3FB3] =	sst s7  }
0x10: {  	[smem:$0x3FB4] =	sst s8  }
0x11: {  	[smem:$0x3FB5] =	sst s9;
	s0 =	simm.s32 @!p0 $0x0  }
0x12: {  	s1 =	sld [smem:$0x3F9B];
	s0 =	simm.s32 @p0 $0x1  }
0x13: {  	[smem:$0x3FB6] =	sst s0;
	s0 =	simm.s32 @!p1 $0x0  }
0x14: {  	s2 =	sld [smem:$0x3F9A];
	s0 =	simm.s32 @p1 $0x1  }
0x15: {  	[smem:$0x3FB7] =	sst s0;
	s0 =	simm.s32 @!p2 $0x0  }
0x16: {  	s3 =	sld [smem:$0x3FDB];
	s0 =	simm.s32 @p2 $0x1  }
0x17: {  	s4 =	simm.s32 $0x1BF5;
	[smem:$0x3FB9] =	sst s0  }
0x18: {  	s0 =	sld [smem:$0x3F9C];
	_ =	swait.ge [sflag:s4], $0x0  }
0x19: {  	s7 =	sld [smem:$0x3F9D]  }
0x1a: {  	s8 =	sadd.s32 $0xFFFFE003, lr  }
0x1b: {  	s9 =	sadd.s32 $0xFFFFFEF7, lr;
	s5 =	simm.s32 $0xFFFFFFFF;
	p2 =	slt.u32 s8, $0xFFFFF086  }
0x1c: {  	p1 =	slt.u32 s9, $0xF7A;
	s5 =	simm.s32 @!p2 $0x0  }
0x1d: {  	s5 =	simm.s32 @p1 $0x1;
	p0 =	seq.s32 s7, s2  }
0x1e: {  	s7 =	smul.u32 @!p0 $0xF7A, s2;
	p2 =	seq.s32 @!p0 s5, $0x0  }
0x1f: {  	s9 =	smul.u32 $0xF7A, s1;
	s8 =	simm.s32 @!p0 $0x1BF5;
	p2 =	por !p2, p0  }
0x20: {  	[sflag:s8] =	ssyncset.s32 @!p0 $0xFFFFF086;
	s6 =	sadd.s32 @!p0 s3, s7;
	s7 =	simm.s32 @!p0 $0x108  }
0x21: {  	s3 =	sadd.s32 s3, s9;
	s6 =	sadd.s32 @!p0 $0x88, s6;
	s7 =	simm.s32 @p2 $0x1082  }
0x22: {  	[simem:s7], [sflag:s8] =	dma.local @!p0 [hbm:s6], $0xF7A  }
0x23: {  	s9 =	sor.u32 $0xD0000000, s2;
	s6 =	simm.s32 $0x108;
	_ =	swait.ge @!p0 [sflag:s8], $0x0  }
0x24: {  	s3 =	sadd.s32 $0x88, s3;
	s6 =	simm.s32 @!p1 $0x1082;
	[sflag:s4] =	ssyncset.s32 $0xFFFFF086  }
0x25: {  	[simem:s6], [sflag:s4] =	dma.local [hbm:s3], $0xF7A  }
0x26: {  	[smem:$0x3F9D] =	sst s1;
	(tag) =	ssettag s2;
	_ =	strace s9  }
0x27: {  	s1 =	sld [smem:$0x3FAD]  }
0x28: {  	s2 =	sld [smem:$0x3FAE]  }
0x29: {  	s4 =	sld [smem:$0x3FB0]  }
0x2a: {  	p0 =	seq.s32 s5, $0x0;
	s5 =	sld [smem:$0x3FB1]  }
0x2b: {  	s6 =	sld [smem:$0x3FB2]  }
0x2c: {  	s7 =	sld [smem:$0x3FB3]  }
0x2d: {  	s3 =	simm.s32 $0x108;
	s8 =	sld [smem:$0x3FB4]  }
0x2e: {  	s3 =	simm.s32 @!p0 $0x1082;
	s9 =	sld [smem:$0x3FB5]  }
0x2f: {  	lr =	sadd.s32 s0, s3;
	s0 =	sld [smem:$0x3FAC]  }
0x30: {  	s3 =	sld [smem:$0x3FAF]  }
0x31: {  	[smem:$0x3FB8] =	sst s10  }
0x32: {  	s10 =	sld [smem:$0x3FB6];
	_ =	sdelay $0x3  }
0x33: {  	p0 =	seq.s32 s10, $0x1;
	s10 =	sld [smem:$0x3FB8];
	_ =	sdelay $0x3  }
0x34: {  	[smem:$0x3FB8] =	sst s10  }
0x35: {  	s10 =	sld [smem:$0x3FB7];
	_ =	sdelay $0x3  }
0x36: {  	p1 =	seq.s32 s10, $0x1;
	s10 =	sld [smem:$0x3FB8];
	_ =	sdelay $0x3  }
0x37: {  	[smem:$0x3FB8] =	sst s10  }
0x38: {  	s10 =	sld [smem:$0x3FB9]  }
0x39: {  	_ = 	snop;
	(pc) =	sbr.ind lr, $3  }
0x3a: {  	_ = 	snop  }
0x3b: {  	_ = 	snop  }
0x3c: {  	p2 =	seq.s32 s10, $0x1;
	s10 =	sld [smem:$0x3FB8]  }
0x3d: {  	_ =	shalt  }
0x3e: {  	_ =	shalt  }
0x3f: {  	_ =	shalt  }
0x40: {  	_ =	shalt  }
0x41: {  	_ =	shalt  }
0x42: {  	_ =	shalt  }
0x43: {  	_ =	shalt  }
0x44: {  	_ =	shalt  }
0x45: {  	_ =	shalt  }
0x46: {  	_ =	shalt  }
0x47: {  	_ =	shalt  }
0x48: {  	_ =	shalt  }
0x49: {  	_ =	shalt  }
0x4a: {  	_ =	shalt  }
0x4b: {  	_ =	shalt  }
0x4c: {  	_ =	shalt  }
0x4d: {  	_ =	shalt  }
0x4e: {  	_ =	shalt  }
0x4f: {  	_ =	shalt  }
0x50: {  	_ =	shalt  }
0x51: {  	_ =	shalt  }
0x52: {  	_ =	shalt  }
0x53: {  	_ =	shalt  }
0x54: {  	_ =	shalt  }
0x55: {  	_ =	shalt  }
0x56: {  	_ =	shalt  }
0x57: {  	_ =	shalt  }
0x58: {  	_ =	shalt  }
0x59: {  	_ =	shalt  }
0x5a: {  	_ =	shalt  }
0x5b: {  	_ =	shalt  }
0x5c: {  	_ =	shalt  }
0x5d: {  	_ =	shalt  }
0x5e: {  	_ =	shalt  }
0x5f: {  	_ =	shalt  }
0x60: {  	_ =	shalt  }
0x61: {  	_ =	shalt  }
0x62: {  	_ =	shalt  }
0x63: {  	_ =	shalt  }
0x64: {  	_ =	shalt  }
0x65: {  	_ =	shalt  }
0x66: {  	_ =	shalt  }
0x67: {  	_ =	shalt  }
0x68: {  	_ =	shalt  }
0x69: {  	_ =	shalt  }
0x6a: {  	_ =	shalt  }
0x6b: {  	_ =	shalt  }
0x6c: {  	_ =	shalt  }
0x6d: {  	_ =	shalt  }
0x6e: {  	_ =	shalt  }
0x6f: {  	_ =	shalt  }
0x70: {  	_ =	shalt  }
0x71: {  	_ =	shalt  }
0x72: {  	_ =	shalt  }
0x73: {  	_ =	shalt  }
0x74: {  	_ =	shalt  }
0x75: {  	_ =	shalt  }
0x76: {  	_ =	shalt  }
0x77: {  	_ =	shalt  }
0x78: {  	_ =	shalt  }
0x79: {  	_ =	shalt  }
0x7a: {  	_ =	shalt  }
0x7b: {  	_ =	shalt  }
0x7c: {  	_ =	shalt  }
0x7d: {  	_ =	shalt  }
0x7e: {  	_ =	shalt  }
0x7f: {  	_ =	shalt  }
0x80: {  	_ =	shalt  }
0x81: {  	_ =	shalt  }
0x82: {  	_ =	shalt  }
0x83: {  	_ =	shalt  }
0x84: {  	_ =	shalt  }
0x85: {  	_ =	shalt  }
0x86: {  	_ =	shalt  }
0x87: {  	_ =	shalt  }
.Lfunc_end0:
.L_simem_size_0:
called_computation.2_lowered:
.L_overlay_start_0:
0x88: {  	s2 =	sld [smem:$0x3FD9]  }
0x89: {  	s3 =	sld [smem:$0x3FFE];
	_ =	sdelay $0x1  }
0x8a: {  	s1 =	srdreg.scid  }
0x8b: {  	s0 =	sand.u32 $0x1, s1  }
0x8c: {  	s17 =	sshll.u32 s0, $0xA;
	s2 =	sadd.s32 s3, s2  }
0x8d: {  	s2 =	sadd.s32 s2, s17  }
0x8e: {  	[smem:$0x3FC4] =	sst s2  }
0x8f: {  	_ = 	snop  }
0x90: {  	s2 =	sld [smem:$0x3FD0];
	(tm) =	ssettm $0x1  }
0x91: {  	s18 =	sld [smem:$0x3FFB];
	_ =	sdelay $0x3  }
0x92: {  	_ =	strace s18  }
0x93: {  	s3 =	sld [smem:$0x3FFC];
	_ =	sdelay $0x3  }
0x94: {  	_ =	strace s3  }
0x95: {  	s3 =	sld [smem:$0x3FFD];
	_ =	sdelay $0x3  }
0x96: {  	_ =	strace s3  }
0x97: {  	_ =	strace $0x8FFFFFFF  }
0x98: {  	s19 =	sld [smem:$0x3FDB];
	_ =	sdelay $0x1  }
0x99: {  	s4 =	simm.s32 $_scs_section_size  }
0x9a: {  	s5 =	simm.s32 $_size__tile_overlayer_lowered;
	s6 =	simm.s32 $_tile_overlayer_lowered  }
0x9b: {  	s22 =	simm.s32 $0x1BFF;
	s21 =	sshll.u32 s6, $0x1;
	s3 =	sadd.s32 s4, s19  }
0x9c: {  	s7 =	simm.s32 $0x0;
	s20 =	sshll.u32 s5, $0x1;
	s5 =	sadd.s32 s21, s3  }
0x9d: {  	[timem:s7], [sflag:s22] =	dma.local [hbm:s5], s20  }
0x9e: {  	_ =	swait.ge [sflag:s22], s20  }
0x9f: {  	s4 =	ssub.s32 $0x0, s20;
	[sflag:s22] =	ssyncset.done $0x0  }
0xa0: {  	[sflag:s22] =	ssyncadd.s32 s4;
	_ =	sdelay $0x1  }
0xa1: {  	s23 =	simm.s32 $0x1B8B  }
0xa2: {  	_ =	swait.ge [sflag:s23], $0x1  }
0xa3: {  	[sflag:s23] =	ssyncset.done $0x0  }
0xa4: {  	s25 =	simm.s32 $0x1B8E;
	s24 =	sld [smem:$0x3FFE];
	[sflag:s23] =	ssyncadd.s32 $0xFFFFFFFF  }
0xa5: {  	s26 =	simm.s32 $execute0_lowered;
	[smem:$0x3FD2] =	sst s25  }
0xa6: {  	s5 =	sshll.u32 s26, $0x1;
	_ =	strace $0x8000004C;
	[dreg:$0x1] =	wrdreg $0xFFFFFFFF  }
0xa7: {  	s28 =	simm.s32 $_size_execute0_lowered;
	s3 =	sadd.s32 s3, s5;
	[dreg:$0x0] =	wrdreg $0x0  }
0xa8: {  	s5 =	sshll.u32 s28, $0x1;
	[dreg:$0x2] =	wrdreg s3  }
0xa9: {  	[dreg:$0x3] =	wrdreg s5  }
0xaa: {  	[dreg:$0x4] =	wrdreg $0xC0  }
0xab: {  	_ =	task [dreg:s7], $0x5FFFF  }
0xac: {  	[dreg:$0x1] =	wrdreg $0xFFFFFFFF  }
0xad: {  	[dreg:$0x0] =	wrdreg $0x60  }
0xae: {  	[dreg:$0x2] =	wrdreg s24  }
0xaf: {  	[dreg:$0x3] =	wrdreg s2  }
0xb0: {  	[dreg:$0x4] =	wrdreg $0x17C000  }
0xb1: {  	[dreg:$0x5] =	wrdreg $0x9  }
0xb2: {  	_ =	task.clear_ibuf [dreg:s7], $0x6FFFF;
	_ =	strace $0x9000004C  }
0xb3: {  	s29 =	simm.s32 $0x9;
	_ =	strace $0x8000004E  }
0xb4: {  	_ =	swait.ge [sflag:s29], $0x1  }
0xb5: {  	[sflag:s29] =	ssyncadd.s32 $0xFFFFFFFF  }
0xb6: {  	_ =	strace $0x9000004E  }
0xb7: {  	_ =	sfence  }
0xb8: {  	s30 =	sld [smem:$0x0];
	_ =	sdelay $0x2  }
0xb9: {  	s31 =	sshll.u32 s1, $0xD;
	s1 =	sshrl.u32 s1, $0x2  }
0xba: {  	s3 =	sand.u32 $0x4000, s31;
	s1 =	sadd.s32 s1, s30  }
0xbb: {  	s0 =	sor.u32 s3, s0;
	s1 =	sshll.u32 s1, $0x11  }
0xbc: {  	s0 =	sor.u32 s1, s0  }
0xbd: {  	s0 =	sadd.s32 $0x8F2B, s0  }
0xbe: {  	[sflag:s0] =	ssyncadd.remote.s32 $0x1  }
0xbf: {  	_ =	sfence.sel $0xFFFF  }
0xc0: {  	[dreg:$0x0] =	wrdreg $0xFFFFFFFF;
	(pc) =	sbr.abs _section_cstart, $3  }
0xc1: {  	[dreg:$0x1] =	wrdreg $0xFFFFFFFF  }
0xc2: {  	_ =	task.clear_ibuf [dreg:s7], $0x2FFFF;
	_ =	strace $0x9FFFFFFF  }
0xc3: {  	(tm) =	ssettm $0x7FFFFFFF  }
tec
execute0_lowered:
.L_overlay_start_1:
0x0: {  	(tag) =	ssettag $0x1  }
0x1: {  	s0 =	rddreg [dreg:$0x0]  }
0x2: {  	s1 =	rddreg [dreg:$0x1];
	s3 =	srdreg.scid  }
0x3: {  	s2 =	rddreg [dreg:$0x2];
	s5 =	stileid.u32;
	s16 =	simm.s32 $0x2800  }
0x4: {  	s17 =	simm.s32 $0xC800;
	s18 =	simm.s32 $0x14000;
	s19 =	simm.s32 $0x1  }
0x5: {  	s20 =	simm.s32 $0x2;
	s21 =	simm.s32 $0x80;
	s22 =	simm.s32 $0x5000  }
0x6: {  	s29 =	simm.s32 $0x9800;
	s31 =	simm.s32 $0xB000;
	s23 =	simm.s32 $0x4  }
0x7: {  	s30 =	simm.s32 $0x0;
	s10 =	sand.u32 $0x1, s3;
	s11 =	smul.u32 $0x7800, s5  }
0x8: {  	s3 =	simm.s32 $0x0;
	s4 =	sshll.u32 s10, $0x4;
	s12 =	smul.u32 $0x78000, s10  }
0x9: {  	[smem:$0x7FF] =	sst s3;
	s26 =	ssub.s32 $0x2, s10;
	p0 =	seq.s32 s10, $0x1  }
0xa: {  	s4 =	sor.u32 s5, s4;
	s24 =	sshrl.u32 s11, $0x3;
	_ =	strace $0x8000004D  }
0xb: {  	s7 =	sshrl.u32 s26, $0x1;
	s10 =	sadd.s32 s11, s2;
	s4 =	smul.u32 $0x500, s4  }
0xc: {  	s13 =	sadd.s32 s24, s0;
	s25 =	sadd.s32 s11, s12;
	s15 =	ssub.s32 s26, s7  }
0xd: {  	s28 =	sshrl.u32 s12, $0x3;
	s24 =	simm.s32 $0x6800;
	s26 =	simm.s32 $0x8000  }
0xe: {  	s9 =	sshrl.u32 s25, $0x3;
	s7 =	sadd.s32 $0x65C00, s13;
	s8 =	sadd.s32 $0x66380, s13  }
0xf: {  	s11 =	sadd.s32 $0x29C00, s13;
	s25 =	simm.s32 $0x5;
	s6 =	sadd.s32 s4, s0  }
0x10: {  	s14 =	sadd.s32 s9, s0;
	s0 =	sadd.s32 $0x38C00, s0;
	s1 =	sadd.s32 s1, s4  }
0x11: {  	[dreg:$0x4] =	wrdreg s1;
	s5 =	sadd.s32 $0x1800, s6;
	s6 =	sadd.s32 $0x56C00, s13  }
0x12: {  	s9 =	sadd.s32 s0, s9;
	s12 =	sadd.s32 s0, s28;
	s13 =	sadd.s32 $0x74C00, s14  }
0x13: {  	s14 =	smax.u32 s15, $0x1;
	s15 =	simm.s32 $0x6;
	s0 =	simm.s32 $0x3  }
.LBB2_1:
0x14: {  	s1 =	rddreg [dreg:$0x4]  }
0x15: {  	[tilespmem:s3], [sflag:$0x6] =	stream.linear.gather [hbm4b:s1+s3], $0x2800, $0x38;
	[tilespmem:$0x1F400] =	vst v63  }
0x16: {  	_ =	swait.ge [sflag:s15], $0x2800  }
0x17: {  	[sflag:s15] =	ssyncset.done $0x0  }
0x18: {  	[sflag:s15] =	ssyncadd.s32 $0xFFFFD800  }
0x19: {  	[tilespmem:s16], [sflag:$0x6] =	stream.linear.gather [hbm4b:s5+s3], $0x2800, $0x38;
	[tilespmem:$0x1F400] =	vst v63  }
0x1a: {  	_ =	swait.ge [sflag:s15], $0x2800  }
0x1b: {  	[sflag:s15] =	ssyncset.done $0x0  }
0x1c: {  	[sflag:s15] =	ssyncadd.s32 $0xFFFFD800  }
0x1d: {  	[tilespmem:s17], [sflag:$0x1] =	stream.linear.gather [hbm4b:s6+s3], $0x7800, $0x38;
	[tilespmem:$0x1F400] =	vst v63  }
0x1e: {  	_ = 	snop  }
0x1f: {  	[tilespmem:s18], [sflag:$0x2] =	stream.linear.gather [hbm4b:s7+s3], $0x3C00, $0x38;
	[tilespmem:$0x1F400] =	vst v63  }
0x20: {  	_ =	swait.ge [sflag:s19], $0x7800  }
0x21: {  	[sflag:s19] =	ssyncset.done $0x0  }
0x22: {  	[sflag:s19] =	ssyncadd.s32 $0xFFFF8800  }
0x23: {  	_ =	swait.ge [sflag:s20], $0x3C00  }
0x24: {  	[sflag:s20] =	ssyncset.done $0x0  }
0x25: {  	s1 =	simm.s32 $0x0;
	[sflag:s20] =	ssyncadd.s32 $0xFFFFC400  }
0x26: {  	v1 =	vld [tilespmem:s1+$0x14000]  }
0x27: {  	v2 =	vld [tilespmem:s1+$0x14010]  }
0x28: {  	v0 =	vld [tilespmem:s1+$0x14020]  }
0x29: {  	v3 =	vld [tilespmem:s1+$0xC800]  }
0x2a: {  	s28 =	simm.s32 $0xC0;
	v4 =	vld [tilespmem:s1+$0xC810]  }
.LBB2_2:
0x2b: {  	p1 =	sne.s32 s28, $0xEF40;
	v5 =	vld [tilespmem:s1+$0xC820];
	_ =	sdelay $0x1  }
0x2c: {  	s4 =	sshra.s32 s28, $0x2  }
.Ltmp0:
0x2d: {  	v3 =	vadd.f32 v1, v3;
	v1 =	vld [tilespmem:s4+$0x14000];
	(pc) =	sbr.rel @p1 .LBB2_2-.Ltmp0, $4  }
0x2e: {  	v4 =	vadd.f32 v2, v4;
	v2 =	vld [tilespmem:s4+$0x14010]  }
0x2f: {  	[tilespmem:s1+$0xC800] =	vst v3;
	v5 =	vadd.f32 v0, v5;
	v0 =	vld [tilespmem:s4+$0x14020]  }
0x30: {  	v3 =	vld [tilespmem:s4+$0xC800];
	[tilespmem:s1+$0xC810] =	vst v4  }
0x31: {  	s28 =	sadd.s32 $0xC0, s28;
	v4 =	vld [tilespmem:s4+$0xC810];
	[tilespmem:s1+$0xC820] =	vst v5;
	s1 =	smov.u32 s4  }
0x32: {  	v5 =	vld [tilespmem:s1+$0xC820];
	_ =	sdelay $0x2  }
0x33: {  	v1 =	vadd.f32 v1, v3  }
0x34: {  	v2 =	vadd.f32 v2, v4  }
0x35: {  	[tilespmem:s1+$0xC800] =	vst v1;
	v0 =	vadd.f32 v0, v5  }
0x36: {  	[tilespmem:s1+$0xC810] =	vst v2  }
0x37: {  	s4 =	simm.s32 $0x0;
	[tilespmem:s1+$0xC820] =	vst v0  }
0x38: {  	[tilespmem:s18], [sflag:$0x6] =	stream.linear.gather [hbm4b:s8+s4], $0x3C00, $0x38;
	[tilespmem:$0x1F400] =	vst v63  }
0x39: {  	_ =	swait.ge [sflag:s15], $0x3C00  }
0x3a: {  	[sflag:s15] =	ssyncset.done $0x0  }
0x3b: {  	s1 =	simm.s32 $0x0;
	[sflag:s15] =	ssyncadd.s32 $0xFFFFC400  }
0x3c: {  	v1 =	vld [tilespmem:s1+$0x14000]  }
0x3d: {  	v2 =	vld [tilespmem:s1+$0x14010]  }
0x3e: {  	v0 =	vld [tilespmem:s1+$0x14020]  }
0x3f: {  	v3 =	vld [tilespmem:s1+$0x10400]  }
0x40: {  	s28 =	simm.s32 $0xC0;
	v4 =	vld [tilespmem:s1+$0x10410]  }
.LBB2_4:
0x41: {  	p1 =	sne.s32 s28, $0xEF40;
	v5 =	vld [tilespmem:s1+$0x10420];
	_ =	sdelay $0x1  }
0x42: {  	s4 =	sshra.s32 s28, $0x2  }
.Ltmp1:
0x43: {  	v3 =	vadd.f32 v1, v3;
	v1 =	vld [tilespmem:s4+$0x14000];
	(pc) =	sbr.rel @p1 .LBB2_4-.Ltmp1, $4  }
0x44: {  	v4 =	vadd.f32 v2, v4;
	v2 =	vld [tilespmem:s4+$0x14010]  }
0x45: {  	[tilespmem:s1+$0x10400] =	vst v3;
	v5 =	vadd.f32 v0, v5;
	v0 =	vld [tilespmem:s4+$0x14020]  }
0x46: {  	v3 =	vld [tilespmem:s4+$0x10400];
	[tilespmem:s1+$0x10410] =	vst v4  }
0x47: {  	s28 =	sadd.s32 $0xC0, s28;
	v4 =	vld [tilespmem:s4+$0x10410];
	[tilespmem:s1+$0x10420] =	vst v5;
	s1 =	smov.u32 s4  }
0x48: {  	v5 =	vld [tilespmem:s1+$0x10420];
	_ =	sdelay $0x2  }
0x49: {  	v1 =	vadd.f32 v1, v3  }
0x4a: {  	v2 =	vadd.f32 v2, v4  }
0x4b: {  	[tilespmem:s1+$0x10400] =	vst v1;
	v0 =	vadd.f32 v0, v5  }
0x4c: {  	[tilespmem:s1+$0x10410] =	vst v2  }
0x4d: {  	[tilespmem:s1+$0x10420] =	vst v0  }
0x4e: {  	[hbm4b:s9+s3] =	stream.linear.scatter [tilespmem:s17], [sflag:$0x6], $0x7800, $0x38;
	[tilespmem:$0x1F400] =	vst v63  }
0x4f: {  	s1 =	stileid.u32;
	_ =	swait.ge [sflag:s15], $0x7800  }
0x50: {  	s1 =	sshll.u32 @p0 s1, $0x6;
	[sflag:s15] =	ssyncset.done $0x0  }
0x51: {  	s4 =	sshrl.u32 @p0 s10, $0x3;
	s1 =	sor.u32 @p0 $0x1C06, s1;
	[sflag:s15] =	ssyncadd.s32 $0xFFFF8800  }
0x52: {  	[spmem:s4], [sflag:s1] =	dma.local @p0 [hbm:s11], $0xF00  }
0x53: {  	s1 =	simm.s32 @p0 $0x6  }
0x54: {  	_ =	swait.ge @p0 [sflag:s1], $0xF00  }
0x55: {  	[sflag:s1] =	ssyncset.done @p0 $0x0  }
0x56: {  	[sflag:s1] =	ssyncadd.s32 @p0 $0xFFFFF100;
	s1 =	simm.s32 @!p0 $0xC800  }
0x57: {  	[spmem:s10] =	stream.linear.scatter @!p0 [tilespmem:s1], [sflag:$0x6], $0x7800, $0x38;
	[tilespmem:$0x1F400] =	vst v63  }
0x58: {  	s1 =	simm.s32 @!p0 $0x6  }
0x59: {  	_ =	swait.ge @!p0 [sflag:s1], $0x7800  }
0x5a: {  	[sflag:s1] =	ssyncset.done @!p0 $0x0  }
0x5b: {  	[sflag:s1] =	ssyncadd.s32 @!p0 $0xFFFF8800  }
0x5c: {  	[bflag:$0x0] =	sbarrier.arrive $0xFFFF  }
0x5d: {  	[tilespmem:s22], [sflag:$0x1] =	stream.indirect.gather [hbm4b:s12+s21], $0x30, s16, s21, $0xb8;
	[tilespmem:$0x1F400] =	vst v63  }
0x5e: {  	s4 =	simm.s32 $0x2880  }
0x5f: {  	[tilespmem:s24], [sflag:$0x2] =	stream.indirect.gather [hbm4b:s12+s21], $0x30, s4, s21, $0xb8;
	[tilespmem:$0x1F400] =	vst v63  }
0x60: {  	s4 =	simm.s32 $0x2900  }
0x61: {  	[tilespmem:s26], [sflag:$0x3] =	stream.indirect.gather [hbm4b:s12+s21], $0x30, s4, s21, $0xb8;
	[tilespmem:$0x1F400] =	vst v63  }
0x62: {  	s4 =	simm.s32 $0x2980  }
0x63: {  	[tilespmem:s29], [sflag:$0x4] =	stream.indirect.gather [hbm4b:s12+s21], $0x30, s4, s21, $0xb8;
	[tilespmem:$0x1F400] =	vst v63  }
0x64: {  	s4 =	simm.s32 $0x2A00  }
0x65: {  	[tilespmem:s31], [sflag:$0x5] =	stream.indirect.gather [hbm4b:s12+s21], $0x30, s4, s21, $0xb8;
	[tilespmem:$0x1F400] =	vst v63  }
0x66: {  	_ =	swait.ge [sflag:s19], $0x1800  }
0x67: {  	[sflag:s19] =	ssyncset.done $0x0  }
0x68: {  	s4 =	simm.s32 $0x0;
	[sflag:s19] =	ssyncadd.s32 $0xFFFFE800  }
0x69: {  	[spmem:s2] =	stream.indirect.scatter.add.f32 [tilespmem:s22], [sflag:$0x6], $0x30, s4, s21, $0xb8;
	[tilespmem:$0x1F400] =	vst v63  }
0x6a: {  	_ =	swait.ge [sflag:s15], $0x1800  }
0x6b: {  	[sflag:s15] =	ssyncset.done $0x0  }
0x6c: {  	s4 =	simm.s32 $0x2A80;
	[sflag:s15] =	ssyncadd.s32 $0xFFFFE800  }
0x6d: {  	[tilespmem:s22], [sflag:$0x1] =	stream.indirect.gather [hbm4b:s12+s21], $0x30, s4, s21, $0xb8;
	[tilespmem:$0x1F400] =	vst v63  }
0x6e: {  	_ =	swait.ge [sflag:s20], $0x1800  }
0x6f: {  	[sflag:s20] =	ssyncset.done $0x0  }
0x70: {  	s4 =	simm.s32 $0x80;
	[sflag:s20] =	ssyncadd.s32 $0xFFFFE800  }
0x71: {  	[spmem:s2] =	stream.indirect.scatter.add.f32 [tilespmem:s24], [sflag:$0x6], $0x30, s4, s21, $0xb8;
	[tilespmem:$0x1F400] =	vst v63  }
0x72: {  	_ =	swait.ge [sflag:s15], $0x1800  }
0x73: {  	[sflag:s15] =	ssyncset.done $0x0  }
0x74: {  	s4 =	simm.s32 $0x2B00;
	[sflag:s15] =	ssyncadd.s32 $0xFFFFE800  }
0x75: {  	[tilespmem:s24], [sflag:$0x2] =	stream.indirect.gather [hbm4b:s12+s21], $0x30, s4, s21, $0xb8;
	[tilespmem:$0x1F400] =	vst v63  }
0x76: {  	_ =	swait.ge [sflag:s0], $0x1800  }
0x77: {  	[sflag:s0] =	ssyncset.done $0x0  }
0x78: {  	s4 =	simm.s32 $0x100;
	[sflag:s0] =	ssyncadd.s32 $0xFFFFE800  }
0x79: {  	[spmem:s2] =	stream.indirect.scatter.add.f32 [tilespmem:s26], [sflag:$0x6], $0x30, s4, s21, $0xb8;
	[tilespmem:$0x1F400] =	vst v63  }
0x7a: {  	_ =	swait.ge [sflag:s15], $0x1800  }
0x7b: {  	[sflag:s15] =	ssyncset.done $0x0  }
0x7c: {  	s4 =	simm.s32 $0x2B80;
	[sflag:s15] =	ssyncadd.s32 $0xFFFFE800  }
0x7d: {  	[tilespmem:s26], [sflag:$0x3] =	stream.indirect.gather [hbm4b:s12+s21], $0x30, s4, s21, $0xb8;
	[tilespmem:$0x1F400] =	vst v63  }
0x7e: {  	_ =	swait.ge [sflag:s23], $0x1800  }
0x7f: {  	[sflag:s23] =	ssyncset.done $0x0  }
0x80: {  	s4 =	simm.s32 $0x180;
	[sflag:s23] =	ssyncadd.s32 $0xFFFFE800  }
0x81: {  	[spmem:s2] =	stream.indirect.scatter.add.f32 [tilespmem:s29], [sflag:$0x6], $0x30, s4, s21, $0xb8;
	[tilespmem:$0x1F400] =	vst v63  }
0x82: {  	_ =	swait.ge [sflag:s15], $0x1800  }
0x83: {  	[sflag:s15] =	ssyncset.done $0x0  }
0x84: {  	s4 =	simm.s32 $0x2C00;
	[sflag:s15] =	ssyncadd.s32 $0xFFFFE800  }
0x85: {  	[tilespmem:s29], [sflag:$0x4] =	stream.indirect.gather [hbm4b:s12+s21], $0x30, s4, s21, $0xb8;
	[tilespmem:$0x1F400] =	vst v63  }
0x86: {  	_ =	swait.ge [sflag:s25], $0x1800  }
0x87: {  	[sflag:s25] =	ssyncset.done $0x0  }
0x88: {  	s4 =	simm.s32 $0x200;
	[sflag:s25] =	ssyncadd.s32 $0xFFFFE800  }
0x89: {  	[spmem:s2] =	stream.indirect.scatter.add.f32 [tilespmem:s31], [sflag:$0x6], $0x30, s4, s21, $0xb8;
	[tilespmem:$0x1F400] =	vst v63  }
0x8a: {  	_ =	swait.ge [sflag:s15], $0x1800  }
0x8b: {  	[sflag:s15] =	ssyncset.done $0x0  }
0x8c: {  	s28 =	simm.s32 $0xA00;
	s1 =	simm.s32 $0x2C80;
	[sflag:s15] =	ssyncadd.s32 $0xFFFFE800  }
.LBB2_6:
0x8d: {  	[tilespmem:s31], [sflag:$0x5] =	stream.indirect.gather [hbm4b:s12+s21], $0x30, s1, s21, $0xb8;
	[tilespmem:$0x1F400] =	vst v63  }
0x8e: {  	s1 =	smov.u32 s28  }
0x8f: {  	p1 =	sne.s32 s28, $0x8C00;
	s28 =	sadd.s32 $0xA00, s28;
	_ =	swait.ge [sflag:s19], $0x1800  }
0x90: {  	[sflag:s19] =	ssyncset.done $0x0  }
0x91: {  	s1 =	sshra.s32 s1, $0x2;
	[sflag:s19] =	ssyncadd.s32 $0xFFFFE800  }
0x92: {  	[spmem:s2] =	stream.indirect.scatter.add.f32 [tilespmem:s22], [sflag:$0x6], $0x30, s1, s21, $0xb8;
	[tilespmem:$0x1F400] =	vst v63  }
0x93: {  	_ =	swait.ge [sflag:s15], $0x1800  }
0x94: {  	[sflag:s15] =	ssyncset.done $0x0  }
0x95: {  	s4 =	sadd.s32 $0x2A80, s1;
	[sflag:s15] =	ssyncadd.s32 $0xFFFFE800  }
0x96: {  	[tilespmem:s22], [sflag:$0x1] =	stream.indirect.gather [hbm4b:s12+s21], $0x30, s4, s21, $0xb8;
	[tilespmem:$0x1F400] =	vst v63  }
0x97: {  	_ =	swait.ge [sflag:s20], $0x1800  }
0x98: {  	[sflag:s20] =	ssyncset.done $0x0  }
0x99: {  	s4 =	sadd.s32 $0x80, s1;
	[sflag:s20] =	ssyncadd.s32 $0xFFFFE800  }
0x9a: {  	[spmem:s2] =	stream.indirect.scatter.add.f32 [tilespmem:s24], [sflag:$0x6], $0x30, s4, s21, $0xb8;
	[tilespmem:$0x1F400] =	vst v63  }
0x9b: {  	_ =	swait.ge [sflag:s15], $0x1800  }
0x9c: {  	[sflag:s15] =	ssyncset.done $0x0  }
0x9d: {  	s4 =	sadd.s32 $0x2B00, s1;
	[sflag:s15] =	ssyncadd.s32 $0xFFFFE800  }
0x9e: {  	[tilespmem:s24], [sflag:$0x2] =	stream.indirect.gather [hbm4b:s12+s21], $0x30, s4, s21, $0xb8;
	[tilespmem:$0x1F400] =	vst v63  }
0x9f: {  	_ =	swait.ge [sflag:s0], $0x1800  }
0xa0: {  	[sflag:s0] =	ssyncset.done $0x0  }
0xa1: {  	s4 =	sadd.s32 $0x100, s1;
	[sflag:s0] =	ssyncadd.s32 $0xFFFFE800  }
0xa2: {  	[spmem:s2] =	stream.indirect.scatter.add.f32 [tilespmem:s26], [sflag:$0x6], $0x30, s4, s21, $0xb8;
	[tilespmem:$0x1F400] =	vst v63  }
0xa3: {  	_ =	swait.ge [sflag:s15], $0x1800  }
0xa4: {  	[sflag:s15] =	ssyncset.done $0x0  }
0xa5: {  	s4 =	sadd.s32 $0x2B80, s1;
	[sflag:s15] =	ssyncadd.s32 $0xFFFFE800  }
0xa6: {  	[tilespmem:s26], [sflag:$0x3] =	stream.indirect.gather [hbm4b:s12+s21], $0x30, s4, s21, $0xb8;
	[tilespmem:$0x1F400] =	vst v63  }
0xa7: {  	_ =	swait.ge [sflag:s23], $0x1800  }
0xa8: {  	[sflag:s23] =	ssyncset.done $0x0  }
0xa9: {  	s4 =	sadd.s32 $0x180, s1;
	[sflag:s23] =	ssyncadd.s32 $0xFFFFE800  }
0xaa: {  	[spmem:s2] =	stream.indirect.scatter.add.f32 [tilespmem:s29], [sflag:$0x6], $0x30, s4, s21, $0xb8;
	[tilespmem:$0x1F400] =	vst v63  }
0xab: {  	_ =	swait.ge [sflag:s15], $0x1800  }
0xac: {  	[sflag:s15] =	ssyncset.done $0x0  }
0xad: {  	s4 =	sadd.s32 $0x2C00, s1;
	[sflag:s15] =	ssyncadd.s32 $0xFFFFE800  }
0xae: {  	[tilespmem:s29], [sflag:$0x4] =	stream.indirect.gather [hbm4b:s12+s21], $0x30, s4, s21, $0xb8;
	[tilespmem:$0x1F400] =	vst v63  }
0xaf: {  	_ =	swait.ge [sflag:s25], $0x1800  }
0xb0: {  	[sflag:s25] =	ssyncset.done $0x0  }
.Ltmp2:
0xb1: {  	s4 =	sadd.s32 $0x200, s1;
	[sflag:s25] =	ssyncadd.s32 $0xFFFFE800;
	(pc) =	sbr.rel @p1 .LBB2_6-.Ltmp2, $4  }
0xb2: {  	[spmem:s2] =	stream.indirect.scatter.add.f32 [tilespmem:s31], [sflag:$0x6], $0x30, s4, s21, $0xb8;
	[tilespmem:$0x1F400] =	vst v63  }
0xb3: {  	_ =	swait.ge [sflag:s15], $0x1800  }
0xb4: {  	[sflag:s15] =	ssyncset.done $0x0  }
0xb5: {  	s1 =	sadd.s32 $0x2C80, s1;
	[sflag:s15] =	ssyncadd.s32 $0xFFFFE800  }
0xb6: {  	[tilespmem:s31], [sflag:$0x5] =	stream.indirect.gather [hbm4b:s12+s21], $0x30, s1, s21, $0xb8;
	[tilespmem:$0x1F400] =	vst v63  }
0xb7: {  	_ =	swait.ge [sflag:s19], $0x1800  }
0xb8: {  	[sflag:s19] =	ssyncset.done $0x0  }
0xb9: {  	s4 =	simm.s32 $0x2580;
	[sflag:s19] =	ssyncadd.s32 $0xFFFFE800  }
0xba: {  	[spmem:s2] =	stream.indirect.scatter.add.f32 [tilespmem:s22], [sflag:$0x6], $0x30, s4, s21, $0xb8;
	[tilespmem:$0x1F400] =	vst v63  }
0xbb: {  	_ =	swait.ge [sflag:s15], $0x1800  }
0xbc: {  	[sflag:s15] =	ssyncset.done $0x0  }
0xbd: {  	[sflag:s15] =	ssyncadd.s32 $0xFFFFE800  }
0xbe: {  	_ =	swait.ge [sflag:s20], $0x1800  }
0xbf: {  	[sflag:s20] =	ssyncset.done $0x0  }
0xc0: {  	s28 =	simm.s32 $0x2600;
	[sflag:s20] =	ssyncadd.s32 $0xFFFFE800  }
0xc1: {  	[spmem:s2] =	stream.indirect.scatter.add.f32 [tilespmem:s24], [sflag:$0x6], $0x30, s28, s21, $0xb8;
	[tilespmem:$0x1F400] =	vst v63  }
0xc2: {  	_ =	swait.ge [sflag:s15], $0x1800  }
0xc3: {  	[sflag:s15] =	ssyncset.done $0x0  }
0xc4: {  	[sflag:s15] =	ssyncadd.s32 $0xFFFFE800  }
0xc5: {  	_ =	swait.ge [sflag:s0], $0x1800  }
0xc6: {  	[sflag:s0] =	ssyncset.done $0x0  }
0xc7: {  	s4 =	simm.s32 $0x2680;
	[sflag:s0] =	ssyncadd.s32 $0xFFFFE800  }
0xc8: {  	[spmem:s2] =	stream.indirect.scatter.add.f32 [tilespmem:s26], [sflag:$0x6], $0x30, s4, s21, $0xb8;
	[tilespmem:$0x1F400] =	vst v63  }
0xc9: {  	_ =	swait.ge [sflag:s15], $0x1800  }
0xca: {  	[sflag:s15] =	ssyncset.done $0x0  }
0xcb: {  	[sflag:s15] =	ssyncadd.s32 $0xFFFFE800  }
0xcc: {  	_ =	swait.ge [sflag:s23], $0x1800  }
0xcd: {  	[sflag:s23] =	ssyncset.done $0x0  }
0xce: {  	s28 =	simm.s32 $0x2700;
	[sflag:s23] =	ssyncadd.s32 $0xFFFFE800  }
0xcf: {  	[spmem:s2] =	stream.indirect.scatter.add.f32 [tilespmem:s29], [sflag:$0x6], $0x30, s28, s21, $0xb8;
	[tilespmem:$0x1F400] =	vst v63  }
0xd0: {  	_ =	swait.ge [sflag:s15], $0x1800  }
0xd1: {  	[sflag:s15] =	ssyncset.done $0x0  }
0xd2: {  	[sflag:s15] =	ssyncadd.s32 $0xFFFFE800  }
0xd3: {  	_ =	swait.ge [sflag:s25], $0x1800  }
0xd4: {  	[sflag:s25] =	ssyncset.done $0x0  }
0xd5: {  	s4 =	simm.s32 $0x2780;
	[sflag:s25] =	ssyncadd.s32 $0xFFFFE800  }
0xd6: {  	[spmem:s2] =	stream.indirect.scatter.add.f32 [tilespmem:s31], [sflag:$0x6], $0x30, s4, s21, $0xb8;
	[tilespmem:$0x1F400] =	vst v63  }
0xd7: {  	s28 =	stileid.u32;
	_ =	swait.ge [sflag:s15], $0x1800  }
0xd8: {  	s30 =	sadd.s32 $0x1, s30;
	s1 =	sshll.u32 s28, $0x6;
	[sflag:s15] =	ssyncset.done $0x0  }
0xd9: {  	p1 =	sne.s32 s30, s14;
	s1 =	sor.u32 $0x1C06, s1;
	[sflag:s15] =	ssyncadd.s32 $0xFFFFE800  }
.Ltmp3:
0xda: {  	s4 =	sshrl.u32 s10, $0x3;
	[bflag:$0x0] =	sbarrier.arrive $0xFFFF;
	(pc) =	sbr.rel @p1 .LBB2_1-.Ltmp3, $4  }
0xdb: {  	[hbm:s13], [sflag:s1] =	dma.local [spmem:s4], $0xF00  }
0xdc: {  	_ =	swait.ge [sflag:s15], $0xF00  }
0xdd: {  	[sflag:s15] =	ssyncset.done $0x0  }
0xde: {  	[sflag:s15] =	ssyncadd.s32 $0xFFFFF100  }
0xdf: {  	_ =	sfence.sel $0x180000  }
0xe0: {  	[bflag:$0x0] =	sbarrier.arrive $0xFFFF  }
0xe1: {  	_ =	strace $0x9000004D  }
0xe2: {  	s0 =	stileid.u32;
	[bflag:$0x2] =	sbarrier.arrive $0xFFFF  }
0xe3: {  	p0 =	sne.s32 s0, $0x0;
	s0 =	rddreg [dreg:$0x3]  }
0xe4: {  	s0 =	sadd.s32 @!p0 $0x100000, s0  }
0xe5: {  	[sflag:s0] =	ssyncadd.tile.s32 @!p0 $0x1;
	_ =	shalt  }
.Lfunc_end2:
_tile_overlayer_lowered:
.L_overlay_start_2:
0xe6: {  	(tag) =	ssettag $0x2  }
0xe7: {  	s0 =	rddreg [dreg:$0x0];
	s2 =	stileid.u32  }
0xe8: {  	s1 =	rddreg [dreg:$0x1];
	p0 =	sne.s32 s2, $0x0  }
0xe9: {  	s3 =	rddreg [dreg:$0x2];
	[bflag:$0x3] =	sbarrier.arrive $0xFFFF;
	s2 =	simm.s32 @!p0 $0x1C06  }
0xea: {  	[timem:s3], [sflag:s2] =	dma.local @!p0 [hbm:s0], s1  }
0xeb: {  	s0 =	simm.s32 @!p0 $0x6  }
0xec: {  	_ =	swait.ge @!p0 [sflag:s0], s1  }
0xed: {  	s1 =	ssub.s32 @!p0 $0x0, s1;
	[sflag:s0] =	ssyncset.done @!p0 $0x0  }
0xee: {  	[sflag:s0] =	ssyncadd.s32 @!p0 s1  }
0xef: {  	[bflag:$0x3] =	sbarrier.arrive $0xFFFF  }
0xf0: {  	_ =	shalt  }

// kernel: kernel.16.cloned.1.call-start
scs
__scs_entry_jumppad:
0x0: {  	(pc) =	sbr.rel $0x88, $3  }
0x1: {  	(tag) =	ssettag $0x0;
	lr =	simm.s32 $0x1  }
0x2: {  	[smem:$0x3F9D] =	sst lr;
	_ =	strace $0xD0000000  }
0x3: {  	_ = 	snop  }
0x4: {  	_ = 	snop  }
0x5: {  	_ = 	snop  }
0x6: {  	_ = 	snop  }
0x7: {  	_ = 	snop  }
__scs_overlays_trampoline_lowered:
0x8: {  	[smem:$0x3FAC] =	sst s0  }
0x9: {  	[smem:$0x3FAD] =	sst s1  }
0xa: {  	[smem:$0x3FAE] =	sst s2  }
0xb: {  	[smem:$0x3FAF] =	sst s3  }
0xc: {  	[smem:$0x3FB0] =	sst s4  }
0xd: {  	[smem:$0x3FB1] =	sst s5  }
0xe: {  	[smem:$0x3FB2] =	sst s6  }
0xf: {  	[smem:$0x3FB3] =	sst s7  }
0x10: {  	[smem:$0x3FB4] =	sst s8  }
0x11: {  	[smem:$0x3FB5] =	sst s9;
	s0 =	simm.s32 @!p0 $0x0  }
0x12: {  	s1 =	sld [smem:$0x3F9B];
	s0 =	simm.s32 @p0 $0x1  }
0x13: {  	[smem:$0x3FB6] =	sst s0;
	s0 =	simm.s32 @!p1 $0x0  }
0x14: {  	s2 =	sld [smem:$0x3F9A];
	s0 =	simm.s32 @p1 $0x1  }
0x15: {  	[smem:$0x3FB7] =	sst s0;
	s0 =	simm.s32 @!p2 $0x0  }
0x16: {  	s3 =	sld [smem:$0x3FDB];
	s0 =	simm.s32 @p2 $0x1  }
0x17: {  	s4 =	simm.s32 $0x1BF5;
	[smem:$0x3FB9] =	sst s0  }
0x18: {  	s0 =	sld [smem:$0x3F9C];
	_ =	swait.ge [sflag:s4], $0x0  }
0x19: {  	s7 =	sld [smem:$0x3F9D]  }
0x1a: {  	s8 =	sadd.s32 $0xFFFFE003, lr  }
0x1b: {  	s9 =	sadd.s32 $0xFFFFFEF7, lr;
	s5 =	simm.s32 $0xFFFFFFFF;
	p2 =	slt.u32 s8, $0xFFFFF086  }
0x1c: {  	p1 =	slt.u32 s9, $0xF7A;
	s5 =	simm.s32 @!p2 $0x0  }
0x1d: {  	s5 =	simm.s32 @p1 $0x1;
	p0 =	seq.s32 s7, s2  }
0x1e: {  	s7 =	smul.u32 @!p0 $0xF7A, s2;
	p2 =	seq.s32 @!p0 s5, $0x0  }
0x1f: {  	s9 =	smul.u32 $0xF7A, s1;
	s8 =	simm.s32 @!p0 $0x1BF5;
	p2 =	por !p2, p0  }
0x20: {  	[sflag:s8] =	ssyncset.s32 @!p0 $0xFFFFF086;
	s6 =	sadd.s32 @!p0 s3, s7;
	s7 =	simm.s32 @!p0 $0x108  }
0x21: {  	s3 =	sadd.s32 s3, s9;
	s6 =	sadd.s32 @!p0 $0x88, s6;
	s7 =	simm.s32 @p2 $0x1082  }
0x22: {  	[simem:s7], [sflag:s8] =	dma.local @!p0 [hbm:s6], $0xF7A  }
0x23: {  	s9 =	sor.u32 $0xD0000000, s2;
	s6 =	simm.s32 $0x108;
	_ =	swait.ge @!p0 [sflag:s8], $0x0  }
0x24: {  	s3 =	sadd.s32 $0x88, s3;
	s6 =	simm.s32 @!p1 $0x1082;
	[sflag:s4] =	ssyncset.s32 $0xFFFFF086  }
0x25: {  	[simem:s6], [sflag:s4] =	dma.local [hbm:s3], $0xF7A  }
0x26: {  	[smem:$0x3F9D] =	sst s1;
	(tag) =	ssettag s2;
	_ =	strace s9  }
0x27: {  	s1 =	sld [smem:$0x3FAD]  }
0x28: {  	s2 =	sld [smem:$0x3FAE]  }
0x29: {  	s4 =	sld [smem:$0x3FB0]  }
0x2a: {  	p0 =	seq.s32 s5, $0x0;
	s5 =	sld [smem:$0x3FB1]  }
0x2b: {  	s6 =	sld [smem:$0x3FB2]  }
0x2c: {  	s7 =	sld [smem:$0x3FB3]  }
0x2d: {  	s3 =	simm.s32 $0x108;
	s8 =	sld [smem:$0x3FB4]  }
0x2e: {  	s3 =	simm.s32 @!p0 $0x1082;
	s9 =	sld [smem:$0x3FB5]  }
0x2f: {  	lr =	sadd.s32 s0, s3;
	s0 =	sld [smem:$0x3FAC]  }
0x30: {  	s3 =	sld [smem:$0x3FAF]  }
0x31: {  	[smem:$0x3FB8] =	sst s10  }
0x32: {  	s10 =	sld [smem:$0x3FB6];
	_ =	sdelay $0x3  }
0x33: {  	p0 =	seq.s32 s10, $0x1;
	s10 =	sld [smem:$0x3FB8];
	_ =	sdelay $0x3  }
0x34: {  	[smem:$0x3FB8] =	sst s10  }
0x35: {  	s10 =	sld [smem:$0x3FB7];
	_ =	sdelay $0x3  }
0x36: {  	p1 =	seq.s32 s10, $0x1;
	s10 =	sld [smem:$0x3FB8];
	_ =	sdelay $0x3  }
0x37: {  	[smem:$0x3FB8] =	sst s10  }
0x38: {  	s10 =	sld [smem:$0x3FB9]  }
0x39: {  	_ = 	snop;
	(pc) =	sbr.ind lr, $3  }
0x3a: {  	_ = 	snop  }
0x3b: {  	_ = 	snop  }
0x3c: {  	p2 =	seq.s32 s10, $0x1;
	s10 =	sld [smem:$0x3FB8]  }
0x3d: {  	_ =	shalt  }
0x3e: {  	_ =	shalt  }
0x3f: {  	_ =	shalt  }
0x40: {  	_ =	shalt  }
0x41: {  	_ =	shalt  }
0x42: {  	_ =	shalt  }
0x43: {  	_ =	shalt  }
0x44: {  	_ =	shalt  }
0x45: {  	_ =	shalt  }
0x46: {  	_ =	shalt  }
0x47: {  	_ =	shalt  }
0x48: {  	_ =	shalt  }
0x49: {  	_ =	shalt  }
0x4a: {  	_ =	shalt  }
0x4b: {  	_ =	shalt  }
0x4c: {  	_ =	shalt  }
0x4d: {  	_ =	shalt  }
0x4e: {  	_ =	shalt  }
0x4f: {  	_ =	shalt  }
0x50: {  	_ =	shalt  }
0x51: {  	_ =	shalt  }
0x52: {  	_ =	shalt  }
0x53: {  	_ =	shalt  }
0x54: {  	_ =	shalt  }
0x55: {  	_ =	shalt  }
0x56: {  	_ =	shalt  }
0x57: {  	_ =	shalt  }
0x58: {  	_ =	shalt  }
0x59: {  	_ =	shalt  }
0x5a: {  	_ =	shalt  }
0x5b: {  	_ =	shalt  }
0x5c: {  	_ =	shalt  }
0x5d: {  	_ =	shalt  }
0x5e: {  	_ =	shalt  }
0x5f: {  	_ =	shalt  }
0x60: {  	_ =	shalt  }
0x61: {  	_ =	shalt  }
0x62: {  	_ =	shalt  }
0x63: {  	_ =	shalt  }
0x64: {  	_ =	shalt  }
0x65: {  	_ =	shalt  }
0x66: {  	_ =	shalt  }
0x67: {  	_ =	shalt  }
0x68: {  	_ =	shalt  }
0x69: {  	_ =	shalt  }
0x6a: {  	_ =	shalt  }
0x6b: {  	_ =	shalt  }
0x6c: {  	_ =	shalt  }
0x6d: {  	_ =	shalt  }
0x6e: {  	_ =	shalt  }
0x6f: {  	_ =	shalt  }
0x70: {  	_ =	shalt  }
0x71: {  	_ =	shalt  }
0x72: {  	_ =	shalt  }
0x73: {  	_ =	shalt  }
0x74: {  	_ =	shalt  }
0x75: {  	_ =	shalt  }
0x76: {  	_ =	shalt  }
0x77: {  	_ =	shalt  }
0x78: {  	_ =	shalt  }
0x79: {  	_ =	shalt  }
0x7a: {  	_ =	shalt  }
0x7b: {  	_ =	shalt  }
0x7c: {  	_ =	shalt  }
0x7d: {  	_ =	shalt  }
0x7e: {  	_ =	shalt  }
0x7f: {  	_ =	shalt  }
0x80: {  	_ =	shalt  }
0x81: {  	_ =	shalt  }
0x82: {  	_ =	shalt  }
0x83: {  	_ =	shalt  }
0x84: {  	_ =	shalt  }
0x85: {  	_ =	shalt  }
0x86: {  	_ =	shalt  }
0x87: {  	_ =	shalt  }
.Lfunc_end0:
.L_simem_size_0:
called_computation.3_lowered:
.L_overlay_start_0:
0x88: {  	s2 =	sld [smem:$0x3FD9]  }
0x89: {  	s3 =	sld [smem:$0x3FFE];
	_ =	sdelay $0x1  }
0x8a: {  	s1 =	srdreg.scid  }
0x8b: {  	s0 =	sand.u32 $0x1, s1  }
0x8c: {  	s17 =	sshll.u32 s0, $0xA;
	s2 =	sadd.s32 s3, s2  }
0x8d: {  	s2 =	sadd.s32 s2, s17  }
0x8e: {  	[smem:$0x3FC4] =	sst s2  }
0x8f: {  	_ = 	snop  }
0x90: {  	s2 =	sld [smem:$0x3FD0];
	(tm) =	ssettm $0x1  }
0x91: {  	s18 =	sld [smem:$0x3FFB];
	_ =	sdelay $0x3  }
0x92: {  	_ =	strace s18  }
0x93: {  	s3 =	sld [smem:$0x3FFC];
	_ =	sdelay $0x3  }
0x94: {  	_ =	strace s3  }
0x95: {  	s3 =	sld [smem:$0x3FFD];
	_ =	sdelay $0x3  }
0x96: {  	_ =	strace s3  }
0x97: {  	_ =	strace $0x8FFFFFFF  }
0x98: {  	s19 =	sld [smem:$0x3FDB];
	_ =	sdelay $0x1  }
0x99: {  	s4 =	simm.s32 $_scs_section_size  }
0x9a: {  	s5 =	simm.s32 $_size__tile_overlayer_lowered;
	s6 =	simm.s32 $_tile_overlayer_lowered  }
0x9b: {  	s22 =	simm.s32 $0x1BFF;
	s21 =	sshll.u32 s6, $0x1;
	s3 =	sadd.s32 s4, s19  }
0x9c: {  	s7 =	simm.s32 $0x0;
	s20 =	sshll.u32 s5, $0x1;
	s5 =	sadd.s32 s21, s3  }
0x9d: {  	[timem:s7], [sflag:s22] =	dma.local [hbm:s5], s20  }
0x9e: {  	_ =	swait.ge [sflag:s22], s20  }
0x9f: {  	s4 =	ssub.s32 $0x0, s20;
	[sflag:s22] =	ssyncset.done $0x0  }
0xa0: {  	[sflag:s22] =	ssyncadd.s32 s4;
	_ =	sdelay $0x1  }
0xa1: {  	s23 =	simm.s32 $0x1B8B  }
0xa2: {  	_ =	swait.ge [sflag:s23], $0x1  }
0xa3: {  	[sflag:s23] =	ssyncset.done $0x0  }
0xa4: {  	s25 =	simm.s32 $0x1B8E;
	s24 =	sld [smem:$0x3FFE];
	[sflag:s23] =	ssyncadd.s32 $0xFFFFFFFF  }
0xa5: {  	s26 =	simm.s32 $execute0_lowered;
	[smem:$0x3FD2] =	sst s25  }
0xa6: {  	s5 =	sshll.u32 s26, $0x1;
	_ =	strace $0x8000004F;
	[dreg:$0x1] =	wrdreg $0xFFFFFFFF  }
0xa7: {  	s28 =	simm.s32 $_size_execute0_lowered;
	s3 =	sadd.s32 s3, s5;
	[dreg:$0x0] =	wrdreg $0x0  }
0xa8: {  	s5 =	sshll.u32 s28, $0x1;
	[dreg:$0x2] =	wrdreg s3  }
0xa9: {  	[dreg:$0x3] =	wrdreg s5  }
0xaa: {  	[dreg:$0x4] =	wrdreg $0xC0  }
0xab: {  	_ =	task [dreg:s7], $0x5FFFF  }
0xac: {  	[dreg:$0x1] =	wrdreg $0xFFFFFFFF  }
0xad: {  	[dreg:$0x0] =	wrdreg $0x60  }
0xae: {  	[dreg:$0x2] =	wrdreg s24  }
0xaf: {  	[dreg:$0x3] =	wrdreg s2  }
0xb0: {  	[dreg:$0x4] =	wrdreg $0x9  }
0xb1: {  	_ =	task.clear_ibuf [dreg:s7], $0x5FFFF;
	_ =	strace $0x9000004F  }
0xb2: {  	s29 =	simm.s32 $0x9;
	_ =	strace $0x80000051  }
0xb3: {  	_ =	swait.ge [sflag:s29], $0x1  }
0xb4: {  	[sflag:s29] =	ssyncadd.s32 $0xFFFFFFFF  }
0xb5: {  	_ =	strace $0x90000051  }
0xb6: {  	_ =	sfence  }
0xb7: {  	s30 =	sld [smem:$0x0];
	_ =	sdelay $0x2  }
0xb8: {  	s31 =	sshll.u32 s1, $0xD;
	s1 =	sshrl.u32 s1, $0x2  }
0xb9: {  	s3 =	sand.u32 $0x4000, s31;
	s1 =	sadd.s32 s1, s30  }
0xba: {  	s0 =	sor.u32 s3, s0;
	s1 =	sshll.u32 s1, $0x11  }
0xbb: {  	s0 =	sor.u32 s1, s0  }
0xbc: {  	s0 =	sadd.s32 $0x8F2B, s0  }
0xbd: {  	[sflag:s0] =	ssyncadd.remote.s32 $0x1  }
0xbe: {  	_ =	sfence.sel $0xFFFF  }
0xbf: {  	[dreg:$0x0] =	wrdreg $0xFFFFFFFF;
	(pc) =	sbr.abs _section_cstart, $3  }
0xc0: {  	[dreg:$0x1] =	wrdreg $0xFFFFFFFF  }
0xc1: {  	_ =	task.clear_ibuf [dreg:s7], $0x2FFFF;
	_ =	strace $0x9FFFFFFF  }
0xc2: {  	(tm) =	ssettm $0x7FFFFFFF  }
0xc3: {  	_ =	shalt  }
tec
execute0_lowered:
.L_overlay_start_1:
0x0: {  	(tag) =	ssettag $0x1  }
0x1: {  	s4 =	rddreg [dreg:$0x0]  }
0x2: {  	s0 =	srdreg.scid;
	s9 =	rddreg [dreg:$0x1]  }
0x3: {  	s2 =	simm.s32 $0x0;
	s11 =	simm.s32 $0xDC00;
	s3 =	sand.u32 $0x1, s0  }
0x4: {  	s12 =	simm.s32 $0x1;
	s0 =	stileid.u32;
	s1 =	sshll.u32 s3, $0x4  }
0x5: {  	s13 =	simm.s32 $0x2800;
	s14 =	simm.s32 $0x6400;
	s15 =	sor.u32 s0, s1  }
0x6: {  	[smem:$0x7FF] =	sst s2;
	s30 =	ssub.s32 $0x2, s3;
	s5 =	smul.u32 $0x3C00, s15  }
0x7: {  	s3 =	sadd.s32 $0xB800, s4;
	s1 =	rddreg [dreg:$0x2];
	s6 =	smul.u32 $0x1400, s15  }
0x8: {  	_ =	strace $0x80000050;
	s31 =	sshrl.u32 s30, $0x1;
	s8 =	smul.u32 $0x640, s15  }
.Ltmp0:
0x9: {  	s10 =	ssub.s32 s30, s31;
	p0 =	seq.s32 s15, $0x1F;
	(pc) =	sbr.rel .LBB2_1-.Ltmp0, $4  }
0xa: {  	s15 =	simm.s32 $0x0;
	s5 =	sshrl.u32 s5, $0x3;
	s29 =	sshrl.u32 s6, $0x3  }
0xb: {  	s10 =	smax.u32 s10, $0x1;
	s7 =	sadd.s32 s5, s4;
	s5 =	sadd.s32 s29, s4  }
0xc: {  	s8 =	sadd.s32 s9, s8;
	s9 =	sadd.s32 $0xC1C0, s9;
	s4 =	sadd.s32 $0x10A00, s5  }
0xd: {  	s5 =	sadd.s32 $0x15A00, s5;
	s6 =	sadd.s32 $0x74C00, s7;
	s7 =	sadd.s32 $0x83C00, s7  }
.LBB2_6:
0xe: {  	[hbm4b:s19+s2] =	stream.linear.scatter [tilespmem:s16], [sflag:$0x1], $0x28, $0x38;
	[tilespmem:$0xDC30] =	vst v63  }
0xf: {  	_ =	swait.ge [sflag:s12], $0x3200  }
0x10: {  	[sflag:s12] =	ssyncset.done $0x0  }
0x11: {  	[sflag:s12] =	ssyncadd.s32 $0xFFFFCE00  }
.LBB2_10:
0x12: {  	s15 =	sadd.s32 $0x1, s15  }
0x13: {  	p1 =	sne.s32 s15, s10  }
.Ltmp1:
0x14: {  	_ = 	snop;
	(pc) =	sbr.rel @!p1 .LBB2_11-.Ltmp1, $1  }
0x15: {  	_ =	sdelay $0x3  }
.LBB2_1:
0x16: {  	[tilespmem:s11], [sflag:$0x1] =	stream.linear.gather [hbm4b:s3+s2], $0x30, $0x38;
	[tilespmem:$0xDC30] =	vst v63  }
0x17: {  	_ =	swait.ge [sflag:s12], $0x30  }
0x18: {  	[sflag:s12] =	ssyncset.done $0x0  }
0x19: {  	[sflag:s12] =	ssyncadd.s32 $0xFFFFFFD0  }
0x1a: {  	[tilespmem:s2], [sflag:$0x1] =	stream.linear.gather [hbm4b:s4+s2], $0x1400, $0x38;
	[tilespmem:$0xDC30] =	vst v63  }
0x1b: {  	_ =	swait.ge [sflag:s12], $0x1400  }
0x1c: {  	[sflag:s12] =	ssyncset.done $0x0  }
0x1d: {  	s16 =	simm.s32 $0x1400;
	[sflag:s12] =	ssyncadd.s32 $0xFFFFEC00  }
0x1e: {  	[tilespmem:s16], [sflag:$0x1] =	stream.linear.gather [hbm4b:s5+s2], $0x1400, $0x38;
	[tilespmem:$0xDC30] =	vst v63  }
0x1f: {  	_ =	swait.ge [sflag:s12], $0x1400  }
0x20: {  	[sflag:s12] =	ssyncset.done $0x0  }
0x21: {  	[sflag:s12] =	ssyncadd.s32 $0xFFFFEC00  }
0x22: {  	[tilespmem:s13], [sflag:$0x1] =	stream.linear.gather [hbm4b:s6+s2], $0x3C00, $0x38;
	[tilespmem:$0xDC30] =	vst v63  }
0x23: {  	_ =	swait.ge [sflag:s12], $0x3C00  }
0x24: {  	[sflag:s12] =	ssyncset.done $0x0  }
0x25: {  	[sflag:s12] =	ssyncadd.s32 $0xFFFFC400  }
0x26: {  	[tilespmem:s14], [sflag:$0x1] =	stream.linear.gather [hbm4b:s7+s2], $0x3C00, $0x38;
	[tilespmem:$0xDC30] =	vst v63  }
0x27: {  	_ =	swait.ge [sflag:s12], $0x3C00  }
0x28: {  	[sflag:s12] =	ssyncset.done $0x0  }
0x29: {  	[sflag:s12] =	ssyncadd.s32 $0xFFFFC400  }
0x2a: {  	v0 =	vld [tilespmem:s2+$0x0];
	_ =	sdelay $0x1  }
0x2b: {  	v1 =	vld [tilespmem:s16+$0x0];
	_ =	sdelay $0x2  }
0x2c: {  	v0 =	vadd.f32 $1.000000000e+00, v0;
	_ =	sdelay $0x1  }
0x2d: {  	v0 =	vadd.f32 v1, v0;
	_ =	sdelay $0x1  }
0x2e: {  	v1 =	vshra.s32 v0, $0x1;
	v0 =	vmul.f32 $5.000000000e-01, v0  }
0x2f: {  	v1 =	vsub.s32 $0x5F3759DF, v1  }
0x30: {  	v2 =	vmul.f32 v1, v0;
	_ =	sdelay $0x1  }
0x31: {  	v2 =	vmul.f32 v1, v2;
	_ =	sdelay $0x1  }
0x32: {  	v2 =	vsub.f32 $1.500000000e+00, v2;
	_ =	sdelay $0x1  }
0x33: {  	v1 =	vmul.f32 v1, v2  }
0x34: {  	s19 =	simm.s32 $0x0  }
0x35: {  	v3 =	vld [tilespmem:s19+$0x6400];
	v0 =	vmul.f32 v1, v0  }
0x36: {  	v2 =	vld [tilespmem:s19+$0x2800]  }
0x37: {  	v0 =	vmul.f32 v0, v1;
	_ =	sdelay $0x1  }
0x38: {  	v0 =	vsub.f32 $1.500000000e+00, v0  }
0x39: {  	v4 =	vld [tilespmem:$0xDC00]  }
0x3a: {  	v0 =	vmul.f32 v0, v1;
	v1 =	vadd.f32 v3, v2;
	_ =	sdelay $0x1  }
0x3b: {  	v2 =	vld [tilespmem:s19+$0x2810];
	v1 =	vmul.f32 v0, v1  }
0x3c: {  	v3 =	vld [tilespmem:s19+$0x6410]  }
0x3d: {  	v1 =	vadd.f32 v1, v4;
	_ =	sdelay $0x1  }
0x3e: {  	[tilespmem:s19+$0xA000] =	vst v1  }
0x3f: {  	v1 =	vld [tilespmem:$0xDC10]  }
0x40: {  	v2 =	vadd.f32 v3, v2;
	_ =	sdelay $0x1  }
0x41: {  	v5 =	vld [tilespmem:s19+$0x2820];
	v2 =	vmul.f32 v0, v2  }
0x42: {  	v63 =	vld [tilespmem:s19+$0x6420]  }
0x43: {  	v1 =	vadd.f32 v2, v1;
	_ =	sdelay $0x1  }
0x44: {  	[tilespmem:s19+$0xA010] =	vst v1  }
0x45: {  	v1 =	vld [tilespmem:$0xDC20]  }
0x46: {  	v2 =	vadd.f32 v63, v5;
	_ =	sdelay $0x1  }
0x47: {  	v0 =	vmul.f32 v0, v2;
	_ =	sdelay $0x1  }
0x48: {  	s17 =	simm.s32 $0xC0;
	s18 =	simm.s32 $0x0;
	v0 =	vadd.f32 v0, v1  }
.LBB2_2:
0x49: {  	p1 =	sne.s32 s17, $0xEF40;
	s16 =	sadd.s32 $0x10, s16;
	s18 =	sadd.s32 $0x10, s18  }
0x4a: {  	[tilespmem:s19+$0xA020] =	vst v0;
	s19 =	smov.u32 s17;
	s17 =	sadd.s32 $0xC0, s17  }
0x4b: {  	v0 =	vld [tilespmem:s18+$0x0]  }
0x4c: {  	v1 =	vld [tilespmem:s16+$0x0];
	_ =	sdelay $0x3  }
0x4d: {  	v0 =	vadd.f32 $1.000000000e+00, v0;
	_ =	sdelay $0x1  }
0x4e: {  	v0 =	vadd.f32 v1, v0;
	_ =	sdelay $0x1  }
0x4f: {  	v1 =	vshra.s32 v0, $0x1;
	v0 =	vmul.f32 $5.000000000e-01, v0  }
0x50: {  	v1 =	vsub.s32 $0x5F3759DF, v1  }
0x51: {  	v2 =	vmul.f32 v1, v0;
	_ =	sdelay $0x1  }
0x52: {  	v2 =	vmul.f32 v1, v2;
	_ =	sdelay $0x1  }
0x53: {  	v2 =	vsub.f32 $1.500000000e+00, v2;
	_ =	sdelay $0x1  }
0x54: {  	v1 =	vmul.f32 v1, v2  }
0x55: {  	s19 =	sshra.s32 s19, $0x2;
	v2 =	vld [tilespmem:$0xDC00]  }
0x56: {  	v0 =	vmul.f32 v1, v0;
	v3 =	vld [tilespmem:s19+$0x2800]  }
0x57: {  	v4 =	vld [tilespmem:s19+$0x6400]  }
0x58: {  	v0 =	vmul.f32 v0, v1;
	v5 =	vld [tilespmem:s19+$0x2810]  }
0x59: {  	v6 =	vld [tilespmem:s19+$0x6410]  }
0x5a: {  	v0 =	vsub.f32 $1.500000000e+00, v0;
	v7 =	vld [tilespmem:s19+$0x2820]  }
0x5b: {  	v8 =	vld [tilespmem:s19+$0x6420]  }
0x5c: {  	v0 =	vmul.f32 v0, v1;
	v1 =	vadd.f32 v4, v3;
	_ =	sdelay $0x1  }
0x5d: {  	v1 =	vmul.f32 v0, v1;
	v3 =	vadd.f32 v6, v5;
	_ =	sdelay $0x1  }
0x5e: {  	v1 =	vadd.f32 v1, v2;
	v2 =	vadd.f32 v8, v7;
	_ =	sdelay $0x1  }
0x5f: {  	[tilespmem:s19+$0xA000] =	vst v1  }
0x60: {  	v1 =	vld [tilespmem:$0xDC10];
	_ =	sdelay $0x1  }
0x61: {  	v3 =	vmul.f32 v0, v3;
	_ =	sdelay $0x2  }
0x62: {  	v1 =	vadd.f32 v3, v1;
	_ =	sdelay $0x1  }
0x63: {  	[tilespmem:s19+$0xA010] =	vst v1  }
0x64: {  	v1 =	vld [tilespmem:$0xDC20]  }
.Ltmp2:
0x65: {  	(pc) =	sbr.rel @p1 .LBB2_2-.Ltmp2, $2  }
0x66: {  	v0 =	vmul.f32 v0, v2;
	_ =	sdelay $0x2  }
0x67: {  	v0 =	vadd.f32 v0, v1  }
.Ltmp3:
0x68: {  	(pc) =	sbr.rel @!p0 .LBB2_4-.Ltmp3, $2  }
0x69: {  	_ =	sdelay $0x2  }
0x6a: {  	s16 =	simm.s32 $0xA000;
	s17 =	simm.s32 $0x5;
	[tilespmem:s19+$0xA020] =	vst v0  }
0x6b: {  	s19 =	sadd.s32 $0x0, s9;
	s18 =	simm.s32 $0xA030  }
.LBB2_8:
0x6c: {  	[hbm4b:s19+s2] =	stream.linear.scatter [tilespmem:s16], [sflag:$0x1], $0x28, $0x38;
	[tilespmem:$0xDC30] =	vst v63  }
0x6d: {  	s19 =	smov.u32 s17;
	s16 =	smov.u32 s18;
	p1 =	sne.s32 s17, $0x18B  }
.Ltmp4:
0x6e: {  	s17 =	sadd.s32 $0x5, s17;
	(pc) =	sbr.rel @p1 .LBB2_8-.Ltmp4, $2  }
0x6f: {  	_ =	sdelay $0x2  }
0x70: {  	s18 =	sadd.s32 $0x30, s18;
	s19 =	sadd.s32 s19, s9  }
.Ltmp5:
0x71: {  	(pc) =	sbr.rel .LBB2_10-.Ltmp5, $4  }
0x72: {  	[hbm4b:s19+s2] =	stream.linear.scatter [tilespmem:s16], [sflag:$0x1], $0x28, $0x38;
	[tilespmem:$0xDC30] =	vst v63  }
0x73: {  	_ =	swait.ge [sflag:s12], $0xC80  }
0x74: {  	[sflag:s12] =	ssyncset.done $0x0  }
0x75: {  	[sflag:s12] =	ssyncadd.s32 $0xFFFFF380  }
.LBB2_4:
0x76: {  	s19 =	sadd.s32 $0x0, s8;
	s18 =	simm.s32 $0xA030  }
.LBB2_5:
0x77: {  	[hbm4b:s19+s2] =	stream.linear.scatter [tilespmem:s16], [sflag:$0x1], $0x28, $0x38;
	[tilespmem:$0xDC30] =	vst v63  }
0x78: {  	s19 =	smov.u32 s17;
	s16 =	smov.u32 s18;
	p1 =	sne.s32 s17, $0x63B  }
.Ltmp6:
0x79: {  	s17 =	sadd.s32 $0x5, s17;
	(pc) =	sbr.rel @p1 .LBB2_5-.Ltmp6, $2  }
0x7a: {  	_ =	sdelay $0x2  }
0x7b: {  	s18 =	sadd.s32 $0x30, s18;
	s19 =	sadd.s32 s19, s8  }
.Ltmp7:
0x7c: {  	_ = 	snop;
	(pc) =	sbr.rel .LBB2_6-.Ltmp7, $1  }
0x7d: {  	_ =	sdelay $0x3  }
.LBB2_11:
0x7e: {  	_ =	sfence.sel $0x180000  }
0x7f: {  	[bflag:$0x0] =	sbarrier.arrive $0xFFFF  }
0x80: {  	p0 =	sne.s32 s0, $0x0;
	_ =	strace $0x90000050  }
0x81: {  	s0 =	sadd.s32 @!p0 $0x100000, s1;
	[bflag:$0x2] =	sbarrier.arrive $0xFFFF  }
0x82: {  	[sflag:s0] =	ssyncadd.tile.s32 @!p0 $0x1;
	_ =	shalt  }
.Lfunc_end2:
_tile_overlayer_lowered:
.L_overlay_start_2:
0x83: {  	(tag) =	ssettag $0x2  }
0x84: {  	s0 =	rddreg [dreg:$0x0];
	s2 =	stileid.u32  }
0x85: {  	s1 =	rddreg [dreg:$0x1];
	p0 =	sne.s32 s2, $0x0  }
0x86: {  	s3 =	rddreg [dreg:$0x2];
	[bflag:$0x3] =	sbarrier.arrive $0xFFFF;
	s2 =	simm.s32 @!p0 $0x1C01  }
0x87: {  	[timem:s3], [sflag:s2] =	dma.local @!p0 [hbm:s0], s1  }
0x88: {  	s0 =	simm.s32 @!p0 $0x1  }
0x89: {  	_ =	swait.ge @!p0 [sflag:s0], s1  }
0x8a: {  	s1 =	ssub.s32 @!p0 $0x0, s1;
	[sflag:s0] =	ssyncset.done @!p0 $0x0  }
0x8b: {  	[sflag:s0] =	ssyncadd.s32 @!p0 s1  }
0x8c: {  	[bflag:$0x3] =	sbarrier.arrive $0xFFFF  }
0x8d: {  	_ =	shalt  }

// kernel: kernel.7.cloned.1.call-start
scs
__scs_entry_jumppad:
0x0: {  	(pc) =	sbr.rel $0x88, $3  }
0x1: {  	(tag) =	ssettag $0x0;
	lr =	simm.s32 $0x1  }
0x2: {  	[smem:$0x3F9D] =	sst lr;
	_ =	strace $0xD0000000  }
0x3: {  	_ = 	snop  }
0x4: {  	_ = 	snop  }
0x5: {  	_ = 	snop  }
0x6: {  	_ = 	snop  }
0x7: {  	_ = 	snop  }
__scs_overlays_trampoline_lowered:
0x8: {  	[smem:$0x3FAC] =	sst s0  }
0x9: {  	[smem:$0x3FAD] =	sst s1  }
0xa: {  	[smem:$0x3FAE] =	sst s2  }
0xb: {  	[smem:$0x3FAF] =	sst s3  }
0xc: {  	[smem:$0x3FB0] =	sst s4  }
0xd: {  	[smem:$0x3FB1] =	sst s5  }
0xe: {  	[smem:$0x3FB2] =	sst s6  }
0xf: {  	[smem:$0x3FB3] =	sst s7  }
0x10: {  	[smem:$0x3FB4] =	sst s8  }
0x11: {  	[smem:$0x3FB5] =	sst s9;
	s0 =	simm.s32 @!p0 $0x0  }
0x12: {  	s1 =	sld [smem:$0x3F9B];
	s0 =	simm.s32 @p0 $0x1  }
0x13: {  	[smem:$0x3FB6] =	sst s0;
	s0 =	simm.s32 @!p1 $0x0  }
0x14: {  	s2 =	sld [smem:$0x3F9A];
	s0 =	simm.s32 @p1 $0x1  }
0x15: {  	[smem:$0x3FB7] =	sst s0;
	s0 =	simm.s32 @!p2 $0x0  }
0x16: {  	s3 =	sld [smem:$0x3FDB];
	s0 =	simm.s32 @p2 $0x1  }
0x17: {  	s4 =	simm.s32 $0x1BF5;
	[smem:$0x3FB9] =	sst s0  }
0x18: {  	s0 =	sld [smem:$0x3F9C];
	_ =	swait.ge [sflag:s4], $0x0  }
0x19: {  	s7 =	sld [smem:$0x3F9D]  }
0x1a: {  	s8 =	sadd.s32 $0xFFFFE003, lr  }
0x1b: {  	s9 =	sadd.s32 $0xFFFFFEF7, lr;
	s5 =	simm.s32 $0xFFFFFFFF;
	p2 =	slt.u32 s8, $0xFFFFF086  }
0x1c: {  	p1 =	slt.u32 s9, $0xF7A;
	s5 =	simm.s32 @!p2 $0x0  }
0x1d: {  	s5 =	simm.s32 @p1 $0x1;
	p0 =	seq.s32 s7, s2  }
0x1e: {  	s7 =	smul.u32 @!p0 $0xF7A, s2;
	p2 =	seq.s32 @!p0 s5, $0x0  }
0x1f: {  	s9 =	smul.u32 $0xF7A, s1;
	s8 =	simm.s32 @!p0 $0x1BF5;
	p2 =	por !p2, p0  }
0x20: {  	[sflag:s8] =	ssyncset.s32 @!p0 $0xFFFFF086;
	s6 =	sadd.s32 @!p0 s3, s7;
	s7 =	simm.s32 @!p0 $0x108  }
0x21: {  	s3 =	sadd.s32 s3, s9;
	s6 =	sadd.s32 @!p0 $0x88, s6;
	s7 =	simm.s32 @p2 $0x1082  }
0x22: {  	[simem:s7], [sflag:s8] =	dma.local @!p0 [hbm:s6], $0xF7A  }
0x23: {  	s9 =	sor.u32 $0xD0000000, s2;
	s6 =	simm.s32 $0x108;
	_ =	swait.ge @!p0 [sflag:s8], $0x0  }
0x24: {  	s3 =	sadd.s32 $0x88, s3;
	s6 =	simm.s32 @!p1 $0x1082;
	[sflag:s4] =	ssyncset.s32 $0xFFFFF086  }
0x25: {  	[simem:s6], [sflag:s4] =	dma.local [hbm:s3], $0xF7A  }
0x26: {  	[smem:$0x3F9D] =	sst s1;
	(tag) =	ssettag s2;
	_ =	strace s9  }
0x27: {  	s1 =	sld [smem:$0x3FAD]  }
0x28: {  	s2 =	sld [smem:$0x3FAE]  }
0x29: {  	s4 =	sld [smem:$0x3FB0]  }
0x2a: {  	p0 =	seq.s32 s5, $0x0;
	s5 =	sld [smem:$0x3FB1]  }
0x2b: {  	s6 =	sld [smem:$0x3FB2]  }
0x2c: {  	s7 =	sld [smem:$0x3FB3]  }
0x2d: {  	s3 =	simm.s32 $0x108;
	s8 =	sld [smem:$0x3FB4]  }
0x2e: {  	s3 =	simm.s32 @!p0 $0x1082;
	s9 =	sld [smem:$0x3FB5]  }
0x2f: {  	lr =	sadd.s32 s0, s3;
	s0 =	sld [smem:$0x3FAC]  }
0x30: {  	s3 =	sld [smem:$0x3FAF]  }
0x31: {  	[smem:$0x3FB8] =	sst s10  }
0x32: {  	s10 =	sld [smem:$0x3FB6];
	_ =	sdelay $0x3  }
0x33: {  	p0 =	seq.s32 s10, $0x1;
	s10 =	sld [smem:$0x3FB8];
	_ =	sdelay $0x3  }
0x34: {  	[smem:$0x3FB8] =	sst s10  }
0x35: {  	s10 =	sld [smem:$0x3FB7];
	_ =	sdelay $0x3  }
0x36: {  	p1 =	seq.s32 s10, $0x1;
	s10 =	sld [smem:$0x3FB8];
	_ =	sdelay $0x3  }
0x37: {  	[smem:$0x3FB8] =	sst s10  }
0x38: {  	s10 =	sld [smem:$0x3FB9]  }
0x39: {  	_ = 	snop;
	(pc) =	sbr.ind lr, $3  }
0x3a: {  	_ = 	snop  }
0x3b: {  	_ = 	snop  }
0x3c: {  	p2 =	seq.s32 s10, $0x1;
	s10 =	sld [smem:$0x3FB8]  }
0x3d: {  	_ =	shalt  }
0x3e: {  	_ =	shalt  }
0x3f: {  	_ =	shalt  }
0x40: {  	_ =	shalt  }
0x41: {  	_ =	shalt  }
0x42: {  	_ =	shalt  }
0x43: {  	_ =	shalt  }
0x44: {  	_ =	shalt  }
0x45: {  	_ =	shalt  }
0x46: {  	_ =	shalt  }
0x47: {  	_ =	shalt  }
0x48: {  	_ =	shalt  }
0x49: {  	_ =	shalt  }
0x4a: {  	_ =	shalt  }
0x4b: {  	_ =	shalt  }
0x4c: {  	_ =	shalt  }
0x4d: {  	_ =	shalt  }
0x4e: {  	_ =	shalt  }
0x4f: {  	_ =	shalt  }
0x50: {  	_ =	shalt  }
0x51: {  	_ =	shalt  }
0x52: {  	_ =	shalt  }
0x53: {  	_ =	shalt  }
0x54: {  	_ =	shalt  }
0x55: {  	_ =	shalt  }
0x56: {  	_ =	shalt  }
0x57: {  	_ =	shalt  }
0x58: {  	_ =	shalt  }
0x59: {  	_ =	shalt  }
0x5a: {  	_ =	shalt  }
0x5b: {  	_ =	shalt  }
0x5c: {  	_ =	shalt  }
0x5d: {  	_ =	shalt  }
0x5e: {  	_ =	shalt  }
0x5f: {  	_ =	shalt  }
0x60: {  	_ =	shalt  }
0x61: {  	_ =	shalt  }
0x62: {  	_ =	shalt  }
0x63: {  	_ =	shalt  }
0x64: {  	_ =	shalt  }
0x65: {  	_ =	shalt  }
0x66: {  	_ =	shalt  }
0x67: {  	_ =	shalt  }
0x68: {  	_ =	shalt  }
0x69: {  	_ =	shalt  }
0x6a: {  	_ =	shalt  }
0x6b: {  	_ =	shalt  }
0x6c: {  	_ =	shalt  }
0x6d: {  	_ =	shalt  }
0x6e: {  	_ =	shalt  }
0x6f: {  	_ =	shalt  }
0x70: {  	_ =	shalt  }
0x71: {  	_ =	shalt  }
0x72: {  	_ =	shalt  }
0x73: {  	_ =	shalt  }
0x74: {  	_ =	shalt  }
0x75: {  	_ =	shalt  }
0x76: {  	_ =	shalt  }
0x77: {  	_ =	shalt  }
0x78: {  	_ =	shalt  }
0x79: {  	_ =	shalt  }
0x7a: {  	_ =	shalt  }
0x7b: {  	_ =	shalt  }
0x7c: {  	_ =	shalt  }
0x7d: {  	_ =	shalt  }
0x7e: {  	_ =	shalt  }
0x7f: {  	_ =	shalt  }
0x80: {  	_ =	shalt  }
0x81: {  	_ =	shalt  }
0x82: {  	_ =	shalt  }
0x83: {  	_ =	shalt  }
0x84: {  	_ =	shalt  }
0x85: {  	_ =	shalt  }
0x86: {  	_ =	shalt  }
0x87: {  	_ =	shalt  }
.Lfunc_end0:
.L_simem_size_0:
called_computation_lowered:
.L_overlay_start_0:
0x88: {  	s2 =	sld [smem:$0x3FD9]  }
0x89: {  	s3 =	sld [smem:$0x3FFE];
	_ =	sdelay $0x1  }
0x8a: {  	s1 =	srdreg.scid  }
0x8b: {  	s0 =	sand.u32 $0x1, s1  }
0x8c: {  	s17 =	sshll.u32 s0, $0xA;
	s2 =	sadd.s32 s3, s2  }
0x8d: {  	s2 =	sadd.s32 s2, s17  }
0x8e: {  	[smem:$0x3FC4] =	sst s2  }
0x8f: {  	_ = 	snop  }
0x90: {  	s2 =	sld [smem:$0x3FD0];
	(tm) =	ssettm $0x1  }
0x91: {  	s18 =	sld [smem:$0x3FFB];
	_ =	sdelay $0x3  }
0x92: {  	_ =	strace s18  }
0x93: {  	s3 =	sld [smem:$0x3FFC];
	_ =	sdelay $0x3  }
0x94: {  	_ =	strace s3  }
0x95: {  	s3 =	sld [smem:$0x3FFD];
	_ =	sdelay $0x3  }
0x96: {  	_ =	strace s3  }
0x97: {  	_ =	strace $0x8FFFFFFF  }
0x98: {  	s19 =	sld [smem:$0x3FDB];
	_ =	sdelay $0x1  }
0x99: {  	s4 =	simm.s32 $_scs_section_size  }
0x9a: {  	s5 =	simm.s32 $_size__tile_overlayer_lowered;
	s6 =	simm.s32 $_tile_overlayer_lowered  }
0x9b: {  	s22 =	simm.s32 $0x1BFF;
	s21 =	sshll.u32 s6, $0x1;
	s3 =	sadd.s32 s4, s19  }
0x9c: {  	s7 =	simm.s32 $0x0;
	s20 =	sshll.u32 s5, $0x1;
	s5 =	sadd.s32 s21, s3  }
0x9d: {  	[timem:s7], [sflag:s22] =	dma.local [hbm:s5], s20  }
0x9e: {  	_ =	swait.ge [sflag:s22], s20  }
0x9f: {  	s4 =	ssub.s32 $0x0, s20;
	[sflag:s22] =	ssyncset.done $0x0  }
0xa0: {  	[sflag:s22] =	ssyncadd.s32 s4;
	_ =	sdelay $0x1  }
0xa1: {  	s23 =	simm.s32 $0x1B8B  }
0xa2: {  	_ =	swait.ge [sflag:s23], $0x1  }
0xa3: {  	[sflag:s23] =	ssyncset.done $0x0  }
0xa4: {  	s25 =	simm.s32 $0x1B8E;
	s24 =	sld [smem:$0x3FFE];
	[sflag:s23] =	ssyncadd.s32 $0xFFFFFFFF  }
0xa5: {  	s26 =	simm.s32 $execute0_lowered;
	[smem:$0x3FD2] =	sst s25  }
0xa6: {  	s5 =	sshll.u32 s26, $0x1;
	_ =	strace $0x80000046;
	[dreg:$0x1] =	wrdreg $0xFFFFFFFF  }
0xa7: {  	s28 =	simm.s32 $_size_execute0_lowered;
	s3 =	sadd.s32 s3, s5;
	[dreg:$0x0] =	wrdreg $0x0  }
0xa8: {  	s5 =	sshll.u32 s28, $0x1;
	[dreg:$0x2] =	wrdreg s3  }
0xa9: {  	[dreg:$0x3] =	wrdreg s5  }
0xaa: {  	[dreg:$0x4] =	wrdreg $0xC0  }
0xab: {  	_ =	task [dreg:s7], $0x5FFFF  }
0xac: {  	[dreg:$0x1] =	wrdreg $0xFFFFFFFF  }
0xad: {  	[dreg:$0x0] =	wrdreg $0x60  }
0xae: {  	[dreg:$0x2] =	wrdreg s2  }
0xaf: {  	[dreg:$0x3] =	wrdreg s24  }
0xb0: {  	[dreg:$0x4] =	wrdreg $0x30000  }
0xb1: {  	[dreg:$0x5] =	wrdreg $0x9  }
0xb2: {  	_ =	task.clear_ibuf [dreg:s7], $0x6FFFF;
	_ =	strace $0x90000046  }
0xb3: {  	s29 =	simm.s32 $0x9;
	_ =	strace $0x80000048  }
0xb4: {  	_ =	swait.ge [sflag:s29], $0x1  }
0xb5: {  	[sflag:s29] =	ssyncadd.s32 $0xFFFFFFFF  }
0xb6: {  	_ =	strace $0x90000048  }
0xb7: {  	_ =	sfence  }
0xb8: {  	s30 =	sld [smem:$0x0];
	_ =	sdelay $0x2  }
0xb9: {  	s31 =	sshll.u32 s1, $0xD;
	s1 =	sshrl.u32 s1, $0x2  }
0xba: {  	s3 =	sand.u32 $0x4000, s31;
	s1 =	sadd.s32 s1, s30  }
0xbb: {  	s0 =	sor.u32 s3, s0;
	s1 =	sshll.u32 s1, $0x11  }
0xbc: {  	s0 =	sor.u32 s1, s0  }
0xbd: {  	s0 =	sadd.s32 $0x8F2B, s0  }
0xbe: {  	[sflag:s0] =	ssyncadd.remote.s32 $0x1  }
0xbf: {  	_ =	sfence.sel $0xFFFF  }
0xc0: {  	[dreg:$0x0] =	wrdreg $0xFFFFFFFF;
	(pc) =	sbr.abs _section_cstart, $3  }
0xc1: {  	[dreg:$0x1] =	wrdreg $0xFFFFFFFF  }
0xc2: {  	_ =	task.clear_ibuf [dreg:s7], $0x2FFFF;
	_ =	strace $0x9FFFFFFF  }
0xc3: {  	(tm) =	ssettm $0x7FFFFFFF  }
tec
execute0_lowered:
.L_overlay_start_1:
0x0: {  	(tag) =	ssettag $0x1  }
0x1: {  	s5 =	rddreg [dreg:$0x0]  }
0x2: {  	s6 =	rddreg [dreg:$0x1]  }
0x3: {  	s2 =	rddreg [dreg:$0x2];
	s0 =	stileid.u32  }
0x4: {  	s4 =	srdreg.scid;
	s1 =	rddreg [dreg:$0x3]  }
0x5: {  	s3 =	simm.s32 $0x0;
	s13 =	simm.s32 $0x80;
	s14 =	simm.s32 $0x0  }
0x6: {  	s7 =	smul.u32 $0x2800, s0;
	s4 =	sand.u32 $0x1, s4;
	[smem:$0x7FF] =	sst s3  }
0x7: {  	s31 =	sshll.u32 s0, $0x6;
	s9 =	smul.u32 $0x28000, s4;
	_ =	strace $0x80000047  }
0x8: {  	s10 =	sshll.u32 s4, $0x4;
	s11 =	ssub.s32 $0x2, s4;
	s4 =	sadd.s32 $0xB800, s6  }
0x9: {  	s8 =	sshrl.u32 s7, $0x3;
	s28 =	sor.u32 s0, s10;
	s29 =	sshrl.u32 s11, $0x1  }
0xa: {  	s30 =	sadd.s32 s7, s2;
	s9 =	sadd.s32 s7, s9;
	s12 =	smul.u32 $0x500, s28  }
0xb: {  	s8 =	sadd.s32 s8, s6;
	s10 =	ssub.s32 s11, s29;
	s9 =	sshrl.u32 s9, $0x3  }
0xc: {  	s11 =	sor.u32 $0x1C01, s31;
	s9 =	sadd.s32 s9, s6;
	s5 =	sadd.s32 s5, s12  }
0xd: {  	s6 =	sadd.s32 $0xBA00, s8;
	s8 =	smax.u32 s10, $0x1;
	s10 =	simm.s32 $0x2800  }
0xe: {  	s12 =	sshrl.u32 s30, $0x3;
	s7 =	sadd.s32 $0x10A00, s9;
	s9 =	simm.s32 $0x1  }
.LBB2_1:
0xf: {  	[tilespmem:s3], [sflag:$0x1] =	stream.linear.gather [hbm4b:s5+s3], $0x2800, $0x38;
	[tilespmem:$0x5800] =	vst v63  }
0x10: {  	_ =	swait.ge [sflag:s9], $0x2800  }
0x11: {  	[sflag:s9] =	ssyncset.done $0x0  }
0x12: {  	[sflag:s9] =	ssyncadd.s32 $0xFFFFD800  }
0x13: {  	[tilespmem:s10], [sflag:$0x1] =	stream.linear.gather [hbm4b:s4+s3], $0x800, $0x38;
	[tilespmem:$0x5800] =	vst v63  }
0x14: {  	_ =	swait.ge [sflag:s9], $0x800  }
0x15: {  	[sflag:s9] =	ssyncset.done $0x0  }
0x16: {  	[sflag:s9] =	ssyncadd.s32 $0xFFFFF800  }
0x17: {  	[spmem:s12], [sflag:s11] =	dma.local [hbm:s6], $0x500  }
0x18: {  	_ =	swait.ge [sflag:s9], $0x500  }
0x19: {  	[sflag:s9] =	ssyncset.done $0x0  }
0x1a: {  	[sflag:s9] =	ssyncadd.s32 $0xFFFFFB00  }
0x1b: {  	s15 =	simm.s32 $0x0;
	[bflag:$0x0] =	sbarrier.arrive $0xFFFF  }
0x1c: {  	[spmem:s2] =	stream.indirect.scatter.add.f32 [tilespmem:s10], [sflag:$0x1], $0x10, s15, s13, $0xb8;
	[tilespmem:$0x5800] =	vst v63  }
0x1d: {  	_ =	swait.ge [sflag:s9], $0x800  }
0x1e: {  	s15 =	simm.s32 $0x200;
	[sflag:s9] =	ssyncset.done $0x0  }
.LBB2_2:
0x1f: {  	s16 =	sshra.s32 s15, $0x2;
	[sflag:s9] =	ssyncadd.s32 $0xFFFFF800;
	p0 =	sne.s32 s15, $0x9E00  }
0x20: {  	[spmem:s2] =	stream.indirect.scatter.add.f32 [tilespmem:s10], [sflag:$0x1], $0x10, s16, s13, $0xb8;
	[tilespmem:$0x5800] =	vst v63  }
.Ltmp0:
0x21: {  	_ = 	snop;
	(pc) =	sbr.rel @p0 .LBB2_2-.Ltmp0, $4  }
0x22: {  	_ = 	snop  }
0x23: {  	s15 =	sadd.s32 $0x200, s15  }
0x24: {  	_ =	swait.ge [sflag:s9], $0x800  }
0x25: {  	[sflag:s9] =	ssyncset.done $0x0  }
0x26: {  	s14 =	sadd.s32 $0x1, s14  }
0x27: {  	[sflag:s9] =	ssyncadd.s32 $0xFFFFF800;
	p0 =	sne.s32 s14, s8  }
.Ltmp1:
0x28: {  	[bflag:$0x0] =	sbarrier.arrive $0xFFFF;
	(pc) =	sbr.rel @p0 .LBB2_1-.Ltmp1, $4  }
0x29: {  	[hbm:s7], [sflag:s11] =	dma.local [spmem:s12], $0x500  }
0x2a: {  	_ =	swait.ge [sflag:s9], $0x500  }
0x2b: {  	[sflag:s9] =	ssyncset.done $0x0  }
0x2c: {  	[sflag:s9] =	ssyncadd.s32 $0xFFFFFB00  }
0x2d: {  	_ =	sfence.sel $0x180000  }
0x2e: {  	[bflag:$0x0] =	sbarrier.arrive $0xFFFF  }
0x2f: {  	p0 =	sne.s32 s0, $0x0;
	_ =	strace $0x90000047  }
0x30: {  	s0 =	sadd.s32 @!p0 $0x100000, s1;
	[bflag:$0x2] =	sbarrier.arrive $0xFFFF  }
0x31: {  	[sflag:s0] =	ssyncadd.tile.s32 @!p0 $0x1;
	_ =	shalt  }
.Lfunc_end2:
_tile_overlayer_lowered:
.L_overlay_start_2:
0x32: {  	(tag) =	ssettag $0x2  }
0x33: {  	s0 =	rddreg [dreg:$0x0];
	s2 =	stileid.u32  }
0x34: {  	s1 =	rddreg [dreg:$0x1];
	p0 =	sne.s32 s2, $0x0  }
0x35: {  	s3 =	rddreg [dreg:$0x2];
	[bflag:$0x3] =	sbarrier.arrive $0xFFFF;
	s2 =	simm.s32 @!p0 $0x1C01  }
0x36: {  	[timem:s3], [sflag:s2] =	dma.local @!p0 [hbm:s0], s1  }
0x37: {  	s0 =	simm.s32 @!p0 $0x1  }
0x38: {  	_ =	swait.ge @!p0 [sflag:s0], s1  }
0x39: {  	s1 =	ssub.s32 @!p0 $0x0, s1;
	[sflag:s0] =	ssyncset.done @!p0 $0x0  }
0x3a: {  	[sflag:s0] =	ssyncadd.s32 @!p0 s1  }
0x3b: {  	[bflag:$0x3] =	sbarrier.arrive $0xFFFF  }
0x3c: {  	_ =	shalt  }

</sc_bundles>
